<compile_context>
chip_gen: v7x
topology: tpu7x:2x2x1
jax: 0.10.2.dev20260603
libtpu: 0.0.44.dev20260713+nightly
codegen_flags: <defaults>
</compile_context>

<pallas_src>
import functools
import jax
import jax.numpy as jnp
from jax import lax
from jax.experimental import pallas as pl
from jax.experimental.pallas import tpu as pltpu
from jax.experimental.pallas import tpu_sc as plsc

N = 10000
E = 320000
F_IN = 128
HID = 8
HEADS = 8
NCLS = 7

NC = 2
NS = 16
NW = NC * NS
C = 125
EPT = E // NW
NCH = EPT // C
ZCH = 125
STRIPE = 625
NACC = N
TW = 72
NBUF_B = 2
NBUF_D = 4

_mesh = plsc.VectorSubcoreMesh(
    core_axis_name="c", subcore_axis_name="s", num_cores=NC, num_subcores=NS)

_sc_params = pltpu.CompilerParams(
    use_tc_tiling_on_sc=False, needs_layout_passes=False)


def _mm_tables_body(x_ref, w_ref, tbl_ref, adt_ref):
  y = jnp.dot(x_ref[...], w_ref[...], preferred_element_type=jnp.float32)
  tbl_ref[...] = y[:, :TW]
  adt_ref[...] = y[:, TW:]


def _build_tables1(x, wcat):
  blk = 2000
  return pl.pallas_call(
      _mm_tables_body,
      grid=(N // blk,),
      in_specs=[
          pl.BlockSpec((blk, F_IN), lambda i: (i, 0)),
          pl.BlockSpec((F_IN, TW + 16), lambda i: (0, 0)),
      ],
      out_specs=[
          pl.BlockSpec((blk, TW), lambda i: (i, 0)),
          pl.BlockSpec((blk, 16), lambda i: (i, 0)),
      ],
      out_shape=[
          jax.ShapeDtypeStruct((N, TW), jnp.float32),
          jax.ShapeDtypeStruct((N, 16), jnp.float32),
      ],
  )(x, wcat)


def _edge_pass1(tbl1, adt1, src2d, dst2d):
  @functools.partial(
      pl.kernel,
      out_type=jax.ShapeDtypeStruct((NC, NACC, TW), jnp.float32),
      mesh=_mesh,
      compiler_params=_sc_params,
      scratch_types=[
          pltpu.VMEM((NCH, C), jnp.int32),
          pltpu.VMEM((NCH, C), jnp.int32),
          *([pltpu.VMEM((C, TW), jnp.float32)] * NBUF_B),
          *([pltpu.VMEM((C, 16), jnp.float32)] * NBUF_B),
          *([pltpu.VMEM((C, TW), jnp.float32)] * NBUF_B),
          pltpu.VMEM((ZCH, TW), jnp.float32),
          pltpu.VMEM_SHARED((NACC, TW), jnp.float32),
          *([pltpu.SemaphoreType.DMA] * (3 * NBUF_B)),
      ],
  )
  def k(tbl_hbm, adt_hbm, src_hbm, dst_hbm, out_hbm,
        *refs):
    src_v, dst_v = refs[0], refs[1]
    rows = refs[2:2 + NBUF_B]
    ads = refs[2 + NBUF_B:2 + 2 * NBUF_B]
    msgs = refs[2 + 2 * NBUF_B:2 + 3 * NBUF_B]
    exp_v = refs[2 + 3 * NBUF_B]
    acc_sh = refs[3 + 3 * NBUF_B]
    sgr = refs[4 + 3 * NBUF_B:4 + 4 * NBUF_B]
    sga = refs[4 + 4 * NBUF_B:4 + 5 * NBUF_B]
    ss = refs[4 + 5 * NBUF_B:4 + 6 * NBUF_B]
    cid = lax.axis_index("c")
    sid = lax.axis_index("s")
    wid = sid * NC + cid
    lanes = lax.iota(jnp.int32, 16)
    idx_j = [(lanes >> 3) + 2 * j for j in range(4)]

    def zbody(i, carry):
      for off in (0, 16, 32, 48, 56):
        exp_v[i, pl.ds(off, 16)] = jnp.zeros((16,), jnp.float32)
      return carry
    lax.fori_loop(0, ZCH, zbody, 0)
    for kk in range(STRIPE // ZCH):
      pltpu.sync_copy(exp_v, acc_sh.at[pl.ds(sid * STRIPE + kk * ZCH, ZCH)])
    plsc.subcore_barrier()

    pltpu.sync_copy(src_hbm.at[wid], src_v)
    pltpu.sync_copy(dst_hbm.at[wid], dst_v)

    def issue_gather(ch, b):
      pltpu.async_copy(tbl_hbm.at[src_v.at[ch]], rows[b], sgr[b])
      pltpu.async_copy(adt_hbm.at[dst_v.at[ch]], ads[b], sga[b])

    def wait_gather(b):
      pltpu.make_async_copy(tbl_hbm.at[src_v.at[0]], rows[b], sgr[b]).wait()
      pltpu.make_async_copy(adt_hbm.at[dst_v.at[0]], ads[b], sga[b]).wait()

    def wait_scatter(b):
      pltpu.make_async_copy(msgs[b], acc_sh.at[dst_v.at[0]], ss[b]).wait()

    def compute_chunk(b):
      @plsc.parallel_loop(0, C, 1, unroll=5)
      def ebody(i):
        e = rows[b][i, pl.ds(0, 16)] + ads[b][i, :]
        ex = jnp.exp(jnp.maximum(e, 0.2 * e))
        msgs[b][i, pl.ds(0, 16)] = ex
        row16 = lanes * 0 + i
        for j in range(4):
          exj = plsc.load_gather(msgs[b], [row16, idx_j[j]])
          msgs[b][i, pl.ds(8 + 16 * j, 16)] = (
              rows[b][i, pl.ds(8 + 16 * j, 16)] * exj)

    for b in range(NBUF_B):
      issue_gather(b, b)
    ngrp = NCH // NBUF_B

    def grp_body(g, carry):
      base = g * NBUF_B
      for b in range(NBUF_B):
        wait_gather(b)

        @pl.when(g > 0)
        def _():
          wait_scatter(b)

        compute_chunk(b)
        pltpu.async_copy(msgs[b], acc_sh.at[dst_v.at[base + b]], ss[b],
                         add=True)

        @pl.when(base + b + NBUF_B < NCH)
        def _():
          issue_gather(base + b + NBUF_B, b)
      return carry
    lax.fori_loop(0, ngrp, grp_body, 0)
    for b in range(NBUF_B):
      wait_scatter(b)

    plsc.subcore_barrier()

    for kk in range(STRIPE // ZCH):
      base = sid * STRIPE + kk * ZCH
      pltpu.sync_copy(acc_sh.at[pl.ds(base, ZCH)], exp_v)
      pltpu.sync_copy(exp_v, out_hbm.at[cid].at[pl.ds(base, ZCH)])

  return k(tbl1, adt1, src2d, dst2d)


def _layer1_finish_body(acc_ref, tbl_ref, adt_ref, w2e_ref, b1_ref, r_ref,
                        tbl2_ref, adt2_ref):
  a = acc_ref[0] + acc_ref[1]
  as8 = tbl_ref[:, :8]
  h = tbl_ref[:, 8:]
  e = as8 + adt_ref[:, :8]
  ex8 = jnp.exp(jnp.maximum(e, 0.2 * e))
  den8 = a[:, :8] + ex8
  rmat = r_ref[...]
  exb = jnp.dot(ex8, rmat, preferred_element_type=jnp.float32)
  denb = jnp.dot(den8, rmat, preferred_element_type=jnp.float32)
  num = a[:, 8:] + h * exb
  out1 = num / (denb + 1e-16) + b1_ref[...]
  h2 = jnp.where(out1 > 0, out1, jnp.exp(out1) - 1.0)
  zc = jnp.dot(h2, w2e_ref[...], preferred_element_type=jnp.float32)
  z = zc[:, :NCLS]
  as2 = zc[:, NCLS:NCLS + 1]
  ad2 = zc[:, NCLS + 1:NCLS + 2]
  one = jnp.ones_like(as2)
  zero7 = jnp.zeros_like(z)
  tbl2_ref[...] = jnp.concatenate([one, z, as2, zero7], axis=1)
  adt2_ref[...] = ad2 * jnp.ones((1, 16), jnp.float32)


def _layer1_finish(acc1, tbl1, adt1, w2e, b1, rmat):
  blk = 2000
  return pl.pallas_call(
      _layer1_finish_body,
      grid=(N // blk,),
      in_specs=[
          pl.BlockSpec((NC, blk, TW), lambda i: (0, i, 0)),
          pl.BlockSpec((blk, TW), lambda i: (i, 0)),
          pl.BlockSpec((blk, 16), lambda i: (i, 0)),
          pl.BlockSpec((64, NCLS + 2), lambda i: (0, 0)),
          pl.BlockSpec((1, 64), lambda i: (0, 0)),
          pl.BlockSpec((8, 64), lambda i: (0, 0)),
      ],
      out_specs=[
          pl.BlockSpec((blk, 16), lambda i: (i, 0)),
          pl.BlockSpec((blk, 16), lambda i: (i, 0)),
      ],
      out_shape=[
          jax.ShapeDtypeStruct((N, 16), jnp.float32),
          jax.ShapeDtypeStruct((N, 16), jnp.float32),
      ],
  )(acc1, tbl1, adt1, w2e, b1, rmat)


def _edge_pass2(tbl2, adt2, src2d, dst2d):
  @functools.partial(
      pl.kernel,
      out_type=jax.ShapeDtypeStruct((NC, NACC, 16), jnp.float32),
      mesh=_mesh,
      compiler_params=_sc_params,
      scratch_types=[
          pltpu.VMEM((NCH, C), jnp.int32),
          pltpu.VMEM((NCH, C), jnp.int32),
          *([pltpu.VMEM((C, 16), jnp.float32)] * (3 * NBUF_D)),
          pltpu.VMEM((ZCH, 16), jnp.float32),
          pltpu.VMEM_SHARED((NACC, 16), jnp.float32),
          *([pltpu.SemaphoreType.DMA] * (3 * NBUF_D)),
      ],
  )
  def k(tbl_hbm, adt_hbm, src_hbm, dst_hbm, out_hbm,
        *refs):
    src_v, dst_v = refs[0], refs[1]
    rows = refs[2:2 + NBUF_D]
    ads = refs[2 + NBUF_D:2 + 2 * NBUF_D]
    msgs = refs[2 + 2 * NBUF_D:2 + 3 * NBUF_D]
    exp_v = refs[2 + 3 * NBUF_D]
    acc_sh = refs[3 + 3 * NBUF_D]
    sgr = refs[4 + 3 * NBUF_D:4 + 4 * NBUF_D]
    sga = refs[4 + 4 * NBUF_D:4 + 5 * NBUF_D]
    ss = refs[4 + 5 * NBUF_D:4 + 6 * NBUF_D]
    cid = lax.axis_index("c")
    sid = lax.axis_index("s")
    wid = sid * NC + cid
    lanes = lax.iota(jnp.int32, 16)
    idx8 = lanes * 0 + 8

    def zbody(i, carry):
      exp_v[i, :] = jnp.zeros((16,), jnp.float32)
      return carry
    lax.fori_loop(0, ZCH, zbody, 0)
    for kk in range(STRIPE // ZCH):
      pltpu.sync_copy(exp_v, acc_sh.at[pl.ds(sid * STRIPE + kk * ZCH, ZCH)])
    plsc.subcore_barrier()

    pltpu.sync_copy(src_hbm.at[wid], src_v)
    pltpu.sync_copy(dst_hbm.at[wid], dst_v)

    def issue_gather(ch, b):
      pltpu.async_copy(tbl_hbm.at[src_v.at[ch]], rows[b], sgr[b])
      pltpu.async_copy(adt_hbm.at[dst_v.at[ch]], ads[b], sga[b])

    def wait_gather(b):
      pltpu.make_async_copy(tbl_hbm.at[src_v.at[0]], rows[b], sgr[b]).wait()
      pltpu.make_async_copy(adt_hbm.at[dst_v.at[0]], ads[b], sga[b]).wait()

    def wait_scatter(b):
      pltpu.make_async_copy(msgs[b], acc_sh.at[dst_v.at[0]], ss[b]).wait()

    def compute_chunk(b):
      @plsc.parallel_loop(0, C, 1, unroll=5)
      def ebody(i):
        u = rows[b][i, :]
        as2 = plsc.load_gather(rows[b], [lanes * 0 + i, idx8])
        e = as2 + ads[b][i, :]
        ex = jnp.exp(jnp.maximum(e, 0.2 * e))
        msgs[b][i, :] = ex * u

    for b in range(NBUF_D):
      issue_gather(b, b)
    ngrp = NCH // NBUF_D

    def grp_body(g, carry):
      base = g * NBUF_D
      for b in range(NBUF_D):
        wait_gather(b)

        @pl.when(g > 0)
        def _():
          wait_scatter(b)

        compute_chunk(b)
        pltpu.async_copy(msgs[b], acc_sh.at[dst_v.at[base + b]], ss[b],
                         add=True)

        @pl.when(base + b + NBUF_D < NCH)
        def _():
          issue_gather(base + b + NBUF_D, b)
      return carry
    lax.fori_loop(0, ngrp, grp_body, 0)
    for b in range(NBUF_D):
      wait_scatter(b)

    plsc.subcore_barrier()

    for kk in range(STRIPE // ZCH):
      base = sid * STRIPE + kk * ZCH
      pltpu.sync_copy(acc_sh.at[pl.ds(base, ZCH)], exp_v)
      pltpu.sync_copy(exp_v, out_hbm.at[cid].at[pl.ds(base, ZCH)])

  return k(tbl2, adt2, src2d, dst2d)


def _final_body(acc_ref, tbl2_ref, adt2_ref, b2_ref, out_ref):
  a = acc_ref[0] + acc_ref[1]
  e = tbl2_ref[:, 8:9] + adt2_ref[:, 0:1]
  ex = jnp.exp(jnp.maximum(e, 0.2 * e))
  a = a + ex * tbl2_ref[:, :16]
  den = a[:, 0:1]
  num = a[:, 1:8]
  out2 = num / (den + 1e-16) + b2_ref[...]
  m = jnp.max(out2, axis=1, keepdims=True)
  lse = jnp.log(jnp.sum(jnp.exp(out2 - m), axis=1, keepdims=True)) + m
  out_ref[...] = out2 - lse


def _final(acc2, tbl2, adt2, b2):
  blk = 2000
  return pl.pallas_call(
      _final_body,
      grid=(N // blk,),
      in_specs=[
          pl.BlockSpec((NC, blk, 16), lambda i: (0, i, 0)),
          pl.BlockSpec((blk, 16), lambda i: (i, 0)),
          pl.BlockSpec((blk, 16), lambda i: (i, 0)),
          pl.BlockSpec((1, NCLS), lambda i: (0, 0)),
      ],
      out_specs=pl.BlockSpec((blk, NCLS), lambda i: (i, 0)),
      out_shape=jax.ShapeDtypeStruct((N, NCLS), jnp.float32),
  )(acc2, tbl2, adt2, b2)


def kernel(x, edge_index, W1, a1_src, a1_dst, b1, W2, a2_src, a2_dst, b2):
  eyeh = jnp.eye(HEADS, dtype=jnp.float32)
  a_src = (a1_src[:, :, None] * eyeh[:, None, :]).reshape(64, 8)
  a_dst = (a1_dst[:, :, None] * eyeh[:, None, :]).reshape(64, 8)
  zpad = jnp.zeros((F_IN, 8), jnp.float32)
  wcat = jnp.concatenate(
      [W1 @ a_src, W1, W1 @ a_dst, zpad], axis=1)
  rmat = jnp.kron(eyeh, jnp.ones((1, HID), jnp.float32))
  w2e = jnp.concatenate([W2, W2 @ a2_src.T, W2 @ a2_dst.T], axis=1)

  src2d = edge_index[0].astype(jnp.int32).reshape(NW, NCH, C)
  dst2d = edge_index[1].astype(jnp.int32).reshape(NW, NCH, C)
  src2d, dst2d = lax.optimization_barrier((src2d, dst2d))

  tbl1, adt1 = _build_tables1(x, wcat)
  acc1 = _edge_pass1(tbl1, adt1, src2d, dst2d)
  tbl2, adt2 = _layer1_finish(acc1, tbl1, adt1, w2e, b1.reshape(1, 64), rmat)
  acc2 = _edge_pass2(tbl2, adt2, src2d, dst2d)
  return _final(acc2, tbl2, adt2, b2.reshape(1, NCLS))

# --- scband reference (transcript-rebuilt; emitter-appended) ---
"""Pipeline reference for scband-gat-8177617731651 (READ-ONLY COPY).

The authoritative reference and input builder live on the scoring server;
editing this copy changes nothing except your own understanding.
"""

import jax, jax.numpy as jnp
import numpy as np

N = 10000
E = 320000
F_IN = 128
HID = 8
HEADS = 8
NCLS = 7


def setup_inputs(seed: int = 0) -> dict:
    key = jax.random.key(seed)
    ks = jax.random.split(key, 10)
    x = jax.random.normal(ks[0], (N, F_IN), dtype=jnp.float32)
    edge_index = jax.random.randint(ks[1], (2, E), 0, N)
    W1 = jax.random.normal(ks[2], (F_IN, HEADS * HID), dtype=jnp.float32) * (1.0 / np.sqrt(F_IN))
    a1_src = jax.random.normal(ks[3], (HEADS, HID), dtype=jnp.float32) * (1.0 / np.sqrt(HID))
    a1_dst = jax.random.normal(ks[4], (HEADS, HID), dtype=jnp.float32) * (1.0 / np.sqrt(HID))
    b1 = jnp.zeros((HEADS * HID,), dtype=jnp.float32)
    W2 = jax.random.normal(ks[5], (HEADS * HID, NCLS), dtype=jnp.float32) * (1.0 / np.sqrt(HEADS * HID))
    a2_src = jax.random.normal(ks[6], (1, NCLS), dtype=jnp.float32) * (1.0 / np.sqrt(NCLS))
    a2_dst = jax.random.normal(ks[7], (1, NCLS), dtype=jnp.float32) * (1.0 / np.sqrt(NCLS))
    b2 = jnp.zeros((NCLS,), dtype=jnp.float32)
    return {"x": x, "edge_index": edge_index, "W1": W1, "a1_src": a1_src, "a1_dst": a1_dst, "b1": b1, "W2": W2, "a2_src": a2_src, "a2_dst": a2_dst, "b2": b2}


def _gat_layer(x, edge_index, W, a_src, a_dst, b, heads, out_ch, concat):
    n = x.shape[0]
    src = edge_index[0]
    dst = edge_index[1]
    h = (x @ W).reshape(n, heads, out_ch)
    alpha_s = jnp.sum(h * a_src[None, :, :], axis=-1)  # [n, heads]
    alpha_d = jnp.sum(h * a_dst[None, :, :], axis=-1)  # [n, heads]
    e = alpha_s[src] + alpha_d[dst]                    # [E, heads]
    e = jax.nn.leaky_relu(e, negative_slope=0.2)
    m = jax.ops.segment_max(e, dst, num_segments=n)
    m = jnp.where(jnp.isfinite(m), m, 0.0)
    m = jax.lax.stop_gradient(m)
    ex = jnp.exp(e - m[dst])
    den = jax.ops.segment_sum(ex, dst, num_segments=n)
    alpha = ex / (den[dst] + 1e-16)                    # softmax over incoming edges
    msg = h[src] * alpha[:, :, None]
    out = jax.ops.segment_sum(msg, dst, num_segments=n)  # [n, heads, out_ch]
    if concat:
        out = out.reshape(n, heads * out_ch)
    else:
        out = out.mean(axis=1)
    return out + b


def reference(x, edge_index, W1, a1_src, a1_dst, b1, W2, a2_src, a2_dst, b2):
    n = x.shape[0]
    loops = jnp.arange(n, dtype=edge_index.dtype)
    ei = jnp.concatenate([edge_index, jnp.stack([loops, loops])], axis=1)  # add self loops (PyG default)
    # eval mode: dropout is identity
    h = _gat_layer(x, ei, W1, a1_src, a1_dst, b1, HEADS, HID, True)
    h = jax.nn.elu(h)
    h = _gat_layer(h, ei, W2, a2_src, a2_dst, b2, 1, NCLS, False)
    return jax.nn.log_softmax(h, axis=1)

if __name__ == "__main__":
    import jax
    _d = setup_inputs()
    print(jax.jit(kernel)(*tuple(_d.values())))

</pallas_src>

<mosaic_0001>
#map = affine_map<(d0, d1) -> (0, 0)>
#map1 = affine_map<(d0, d1) -> (0, 0, 0)>
module attributes {stable_mosaic.version = 14 : i64} {
  func.func @k(%arg0: i32, %arg1: i32, %arg2: memref<10000x72xf32, #tpu.memory_space<hbm>>, %arg3: memref<10000x16xf32, #tpu.memory_space<hbm>>, %arg4: memref<32x80x125xi32, #tpu.memory_space<hbm>>, %arg5: memref<32x80x125xi32, #tpu.memory_space<hbm>>, %arg6: memref<2x10000x72xf32, #tpu.memory_space<hbm>>, %arg7: memref<80x125xi32, #tpu.memory_space<vmem>>, %arg8: memref<80x125xi32, #tpu.memory_space<vmem>>, %arg9: memref<125x72xf32, #tpu.memory_space<vmem>>, %arg10: memref<125x72xf32, #tpu.memory_space<vmem>>, %arg11: memref<125x16xf32, #tpu.memory_space<vmem>>, %arg12: memref<125x16xf32, #tpu.memory_space<vmem>>, %arg13: memref<125x72xf32, #tpu.memory_space<vmem>>, %arg14: memref<125x72xf32, #tpu.memory_space<vmem>>, %arg15: memref<125x72xf32, #tpu.memory_space<vmem>>, %arg16: memref<10000x72xf32, #tpu.memory_space<vmem_shared>>, %arg17: memref<!tpu.dma_semaphore, #tpu.memory_space<semaphore_mem>>, %arg18: memref<!tpu.dma_semaphore, #tpu.memory_space<semaphore_mem>>, %arg19: memref<!tpu.dma_semaphore, #tpu.memory_space<semaphore_mem>>, %arg20: memref<!tpu.dma_semaphore, #tpu.memory_space<semaphore_mem>>, %arg21: memref<!tpu.dma_semaphore, #tpu.memory_space<semaphore_mem>>, %arg22: memref<!tpu.dma_semaphore, #tpu.memory_space<semaphore_mem>>) attributes {dimension_semantics = [#tpu.dimension_semantics<core_parallel>, #tpu.dimension_semantics<subcore_parallel>], iteration_bounds = array<i64: 2, 16>, scalar_prefetch = 0 : i64, scratch_operands = 16 : i64, tpu.core_type = #tpu.core_type<sc_vector_subcore>, window_params = [{transform_indices = #map}, {transform_indices = #map}, {transform_indices = #map1}, {transform_indices = #map1}, {transform_indices = #map1}]} {
    %mul3A = arith.constant 2 : i32
    %mul3A_0 = arith.muli %arg1, %mul3A : i32
    %add3A = arith.addi %mul3A_0, %arg0 : i32
    %iota3A = tpu.iota {dimensions = array<i32: 0>} : vector<16xi32>
    %shift_right_arithmetic3A = arith.constant 3 : i32
    %shift_right_arithmetic3A_1 = vector.broadcast %shift_right_arithmetic3A : i32 to vector<16xi32>
    %shift_right_arithmetic3A_2 = arith.shrsi %iota3A, %shift_right_arithmetic3A_1 : vector<16xi32>
    %add3A_3 = arith.constant 0 : i32
    %add3A_4 = vector.broadcast %add3A_3 : i32 to vector<16xi32>
    %add3A_5 = arith.addi %shift_right_arithmetic3A_2, %add3A_4 : vector<16xi32>
    %shift_right_arithmetic3A_6 = arith.constant 3 : i32
    %shift_right_arithmetic3A_7 = vector.broadcast %shift_right_arithmetic3A_6 : i32 to vector<16xi32>
    %shift_right_arithmetic3A_8 = arith.shrsi %iota3A, %shift_right_arithmetic3A_7 : vector<16xi32>
    %add3A_9 = arith.constant 2 : i32
    %add3A_10 = vector.broadcast %add3A_9 : i32 to vector<16xi32>
    %add3A_11 = arith.addi %shift_right_arithmetic3A_8, %add3A_10 : vector<16xi32>
    %shift_right_arithmetic3A_12 = arith.constant 3 : i32
    %shift_right_arithmetic3A_13 = vector.broadcast %shift_right_arithmetic3A_12 : i32 to vector<16xi32>
    %shift_right_arithmetic3A_14 = arith.shrsi %iota3A, %shift_right_arithmetic3A_13 : vector<16xi32>
    %add3A_15 = arith.constant 4 : i32
    %add3A_16 = vector.broadcast %add3A_15 : i32 to vector<16xi32>
    %add3A_17 = arith.addi %shift_right_arithmetic3A_14, %add3A_16 : vector<16xi32>
    %shift_right_arithmetic3A_18 = arith.constant 3 : i32
    %shift_right_arithmetic3A_19 = vector.broadcast %shift_right_arithmetic3A_18 : i32 to vector<16xi32>
    %shift_right_arithmetic3A_20 = arith.shrsi %iota3A, %shift_right_arithmetic3A_19 : vector<16xi32>
    %add3A_21 = arith.constant 6 : i32
    %add3A_22 = vector.broadcast %add3A_21 : i32 to vector<16xi32>
    %add3A_23 = arith.addi %shift_right_arithmetic3A_20, %add3A_22 : vector<16xi32>
    %scan3A = arith.constant 0 : i32
    %scan3A_24 = arith.constant 0 : i32
    %scan3A_25 = arith.constant 125 : i32
    %scan3A_26 = arith.addi %scan3A_24, %scan3A_25 : i32
    %scan3A_27 = arith.constant 1 : i32
    scf.for %scan3A_116 = %scan3A_24 to %scan3A_26 step %scan3A_27  : i32 {
      %broadcast_in_dim3A = arith.constant 0.000000e+00 : f32
      %broadcast_in_dim3A_117 = vector.broadcast %broadcast_in_dim3A : f32 to vector<16xf32>
      %swap3A = arith.index_cast %scan3A_116 : i32 to index
      %swap3A_118 = arith.constant 0 : index
      %swap3A_119 = tpu.vector_load %arg15[%swap3A, %swap3A_118] {strides = array<i32>} : memref<125x72xf32, #tpu.memory_space<vmem>>, vector<16xf32>,
      tpu.vector_store %arg15[%swap3A, %swap3A_118], %broadcast_in_dim3A_117 {strides = array<i32>} : memref<125x72xf32, #tpu.memory_space<vmem>>, vector<16xf32>,
      %broadcast_in_dim3A_120 = arith.constant 0.000000e+00 : f32
      %broadcast_in_dim3A_121 = vector.broadcast %broadcast_in_dim3A_120 : f32 to vector<16xf32>
      %swap3A_122 = arith.index_cast %scan3A_116 : i32 to index
      %swap3A_123 = arith.constant 16 : index
      %swap3A_124 = tpu.vector_load %arg15[%swap3A_122, %swap3A_123] {strides = array<i32>} : memref<125x72xf32, #tpu.memory_space<vmem>>, vector<16xf32>,
      tpu.vector_store %arg15[%swap3A_122, %swap3A_123], %broadcast_in_dim3A_121 {strides = array<i32>} : memref<125x72xf32, #tpu.memory_space<vmem>>, vector<16xf32>,
      %broadcast_in_dim3A_125 = arith.constant 0.000000e+00 : f32
      %broadcast_in_dim3A_126 = vector.broadcast %broadcast_in_dim3A_125 : f32 to vector<16xf32>
      %swap3A_127 = arith.index_cast %scan3A_116 : i32 to index
      %swap3A_128 = arith.constant 32 : index
      %swap3A_129 = tpu.vector_load %arg15[%swap3A_127, %swap3A_128] {strides = array<i32>} : memref<125x72xf32, #tpu.memory_space<vmem>>, vector<16xf32>,
      tpu.vector_store %arg15[%swap3A_127, %swap3A_128], %broadcast_in_dim3A_126 {strides = array<i32>} : memref<125x72xf32, #tpu.memory_space<vmem>>, vector<16xf32>,
      %broadcast_in_dim3A_130 = arith.constant 0.000000e+00 : f32
      %broadcast_in_dim3A_131 = vector.broadcast %broadcast_in_dim3A_130 : f32 to vector<16xf32>
      %swap3A_132 = arith.index_cast %scan3A_116 : i32 to index
      %swap3A_133 = arith.constant 48 : index
      %swap3A_134 = tpu.vector_load %arg15[%swap3A_132, %swap3A_133] {strides = array<i32>} : memref<125x72xf32, #tpu.memory_space<vmem>>, vector<16xf32>,
      tpu.vector_store %arg15[%swap3A_132, %swap3A_133], %broadcast_in_dim3A_131 {strides = array<i32>} : memref<125x72xf32, #tpu.memory_space<vmem>>, vector<16xf32>,
      %broadcast_in_dim3A_135 = arith.constant 0.000000e+00 : f32
      %broadcast_in_dim3A_136 = vector.broadcast %broadcast_in_dim3A_135 : f32 to vector<16xf32>
      %swap3A_137 = arith.index_cast %scan3A_116 : i32 to index
      %swap3A_138 = arith.constant 56 : index
      %swap3A_139 = tpu.vector_load %arg15[%swap3A_137, %swap3A_138] {strides = array<i32>} : memref<125x72xf32, #tpu.memory_space<vmem>>, vector<16xf32>,
      tpu.vector_store %arg15[%swap3A_137, %swap3A_138], %broadcast_in_dim3A_136 {strides = array<i32>} : memref<125x72xf32, #tpu.memory_space<vmem>>, vector<16xf32>,
    }
    %scan3A_28 = arith.constant 125 : i32
    %mul3A_29 = arith.constant 625 : i32
    %mul3A_30 = arith.muli %arg1, %mul3A_29 : i32
    %add3A_31 = arith.constant 0 : i32
    %add3A_32 = arith.addi %mul3A_30, %add3A_31 : i32
    "tpu.region"() ({
      %run_scoped3A = tpu.sem_alloc : memref<!tpu.dma_semaphore, #tpu.memory_space<semaphore_mem>>
      %dma_start3A_116 = arith.constant 0 : i32
      %dma_start3A_117 = tpu.memref_slice %arg16[%add3A_32, %dma_start3A_116] : memref<10000x72xf32, #tpu.memory_space<vmem_shared>> -> memref<125x72xf32, #tpu.memory_space<vmem_shared>>
      %dma_start3A_118 = arith.constant 0 : i32
      %dma_start3A_119 = tpu.memref_slice %arg16[%add3A_32, %dma_start3A_118] : memref<10000x72xf32, #tpu.memory_space<vmem_shared>> -> memref<125x72xf32, #tpu.memory_space<vmem_shared>>
      tpu.enqueue_dma source(%arg15 : memref<125x72xf32, #tpu.memory_space<vmem>>) target(%dma_start3A_119 : memref<125x72xf32, #tpu.memory_space<vmem_shared>>) target_semaphore(%run_scoped3A : memref<!tpu.dma_semaphore, #tpu.memory_space<semaphore_mem>>)
      %dma_wait3A_120 = arith.constant 0 : i32
      %dma_wait3A_121 = tpu.memref_slice %arg16[%add3A_32, %dma_wait3A_120] : memref<10000x72xf32, #tpu.memory_space<vmem_shared>> -> memref<125x72xf32, #tpu.memory_space<vmem_shared>>
      %dma_wait3A_122 = arith.constant 0 : i32
      %dma_wait3A_123 = tpu.memref_slice %arg16[%add3A_32, %dma_wait3A_122] : memref<10000x72xf32, #tpu.memory_space<vmem_shared>> -> memref<125x72xf32, #tpu.memory_space<vmem_shared>>
      tpu.wait_dma2 semaphore(%run_scoped3A : memref<!tpu.dma_semaphore, #tpu.memory_space<semaphore_mem>>) src(%arg15 : memref<125x72xf32, #tpu.memory_space<vmem>>) dst(%dma_wait3A_123 : memref<125x72xf32, #tpu.memory_space<vmem_shared>>)
      tpu.yield
    }) : () -> ()
    %mul3A_33 = arith.constant 625 : i32
    %mul3A_34 = arith.muli %arg1, %mul3A_33 : i32
    %add3A_35 = arith.constant 125 : i32
    %add3A_36 = arith.addi %mul3A_34, %add3A_35 : i32
    "tpu.region"() ({
      %run_scoped3A = tpu.sem_alloc : memref<!tpu.dma_semaphore, #tpu.memory_space<semaphore_mem>>
      %dma_start3A_116 = arith.constant 0 : i32
      %dma_start3A_117 = tpu.memref_slice %arg16[%add3A_36, %dma_start3A_116] : memref<10000x72xf32, #tpu.memory_space<vmem_shared>> -> memref<125x72xf32, #tpu.memory_space<vmem_shared>>
      %dma_start3A_118 = arith.constant 0 : i32
      %dma_start3A_119 = tpu.memref_slice %arg16[%add3A_36, %dma_start3A_118] : memref<10000x72xf32, #tpu.memory_space<vmem_shared>> -> memref<125x72xf32, #tpu.memory_space<vmem_shared>>
      tpu.enqueue_dma source(%arg15 : memref<125x72xf32, #tpu.memory_space<vmem>>) target(%dma_start3A_119 : memref<125x72xf32, #tpu.memory_space<vmem_shared>>) target_semaphore(%run_scoped3A : memref<!tpu.dma_semaphore, #tpu.memory_space<semaphore_mem>>)
      %dma_wait3A_120 = arith.constant 0 : i32
      %dma_wait3A_121 = tpu.memref_slice %arg16[%add3A_36, %dma_wait3A_120] : memref<10000x72xf32, #tpu.memory_space<vmem_shared>> -> memref<125x72xf32, #tpu.memory_space<vmem_shared>>
      %dma_wait3A_122 = arith.constant 0 : i32
      %dma_wait3A_123 = tpu.memref_slice %arg16[%add3A_36, %dma_wait3A_122] : memref<10000x72xf32, #tpu.memory_space<vmem_shared>> -> memref<125x72xf32, #tpu.memory_space<vmem_shared>>
      tpu.wait_dma2 semaphore(%run_scoped3A : memref<!tpu.dma_semaphore, #tpu.memory_space<semaphore_mem>>) src(%arg15 : memref<125x72xf32, #tpu.memory_space<vmem>>) dst(%dma_wait3A_123 : memref<125x72xf32, #tpu.memory_space<vmem_shared>>)
      tpu.yield
    }) : () -> ()
    %mul3A_37 = arith.constant 625 : i32
    %mul3A_38 = arith.muli %arg1, %mul3A_37 : i32
    %add3A_39 = arith.constant 250 : i32
    %add3A_40 = arith.addi %mul3A_38, %add3A_39 : i32
    "tpu.region"() ({
      %run_scoped3A = tpu.sem_alloc : memref<!tpu.dma_semaphore, #tpu.memory_space<semaphore_mem>>
      %dma_start3A_116 = arith.constant 0 : i32
      %dma_start3A_117 = tpu.memref_slice %arg16[%add3A_40, %dma_start3A_116] : memref<10000x72xf32, #tpu.memory_space<vmem_shared>> -> memref<125x72xf32, #tpu.memory_space<vmem_shared>>
      %dma_start3A_118 = arith.constant 0 : i32
      %dma_start3A_119 = tpu.memref_slice %arg16[%add3A_40, %dma_start3A_118] : memref<10000x72xf32, #tpu.memory_space<vmem_shared>> -> memref<125x72xf32, #tpu.memory_space<vmem_shared>>
      tpu.enqueue_dma source(%arg15 : memref<125x72xf32, #tpu.memory_space<vmem>>) target(%dma_start3A_119 : memref<125x72xf32, #tpu.memory_space<vmem_shared>>) target_semaphore(%run_scoped3A : memref<!tpu.dma_semaphore, #tpu.memory_space<semaphore_mem>>)
      %dma_wait3A_120 = arith.constant 0 : i32
      %dma_wait3A_121 = tpu.memref_slice %arg16[%add3A_40, %dma_wait3A_120] : memref<10000x72xf32, #tpu.memory_space<vmem_shared>> -> memref<125x72xf32, #tpu.memory_space<vmem_shared>>
      %dma_wait3A_122 = arith.constant 0 : i32
      %dma_wait3A_123 = tpu.memref_slice %arg16[%add3A_40, %dma_wait3A_122] : memref<10000x72xf32, #tpu.memory_space<vmem_shared>> -> memref<125x72xf32, #tpu.memory_space<vmem_shared>>
      tpu.wait_dma2 semaphore(%run_scoped3A : memref<!tpu.dma_semaphore, #tpu.memory_space<semaphore_mem>>) src(%arg15 : memref<125x72xf32, #tpu.memory_space<vmem>>) dst(%dma_wait3A_123 : memref<125x72xf32, #tpu.memory_space<vmem_shared>>)
      tpu.yield
    }) : () -> ()
    %mul3A_41 = arith.constant 625 : i32
    %mul3A_42 = arith.muli %arg1, %mul3A_41 : i32
    %add3A_43 = arith.constant 375 : i32
    %add3A_44 = arith.addi %mul3A_42, %add3A_43 : i32
    "tpu.region"() ({
      %run_scoped3A = tpu.sem_alloc : memref<!tpu.dma_semaphore, #tpu.memory_space<semaphore_mem>>
      %dma_start3A_116 = arith.constant 0 : i32
      %dma_start3A_117 = tpu.memref_slice %arg16[%add3A_44, %dma_start3A_116] : memref<10000x72xf32, #tpu.memory_space<vmem_shared>> -> memref<125x72xf32, #tpu.memory_space<vmem_shared>>
      %dma_start3A_118 = arith.constant 0 : i32
      %dma_start3A_119 = tpu.memref_slice %arg16[%add3A_44, %dma_start3A_118] : memref<10000x72xf32, #tpu.memory_space<vmem_shared>> -> memref<125x72xf32, #tpu.memory_space<vmem_shared>>
      tpu.enqueue_dma source(%arg15 : memref<125x72xf32, #tpu.memory_space<vmem>>) target(%dma_start3A_119 : memref<125x72xf32, #tpu.memory_space<vmem_shared>>) target_semaphore(%run_scoped3A : memref<!tpu.dma_semaphore, #tpu.memory_space<semaphore_mem>>)
      %dma_wait3A_120 = arith.constant 0 : i32
      %dma_wait3A_121 = tpu.memref_slice %arg16[%add3A_44, %dma_wait3A_120] : memref<10000x72xf32, #tpu.memory_space<vmem_shared>> -> memref<125x72xf32, #tpu.memory_space<vmem_shared>>
      %dma_wait3A_122 = arith.constant 0 : i32
      %dma_wait3A_123 = tpu.memref_slice %arg16[%add3A_44, %dma_wait3A_122] : memref<10000x72xf32, #tpu.memory_space<vmem_shared>> -> memref<125x72xf32, #tpu.memory_space<vmem_shared>>
      tpu.wait_dma2 semaphore(%run_scoped3A : memref<!tpu.dma_semaphore, #tpu.memory_space<semaphore_mem>>) src(%arg15 : memref<125x72xf32, #tpu.memory_space<vmem>>) dst(%dma_wait3A_123 : memref<125x72xf32, #tpu.memory_space<vmem_shared>>)
      tpu.yield
    }) : () -> ()
    %mul3A_45 = arith.constant 625 : i32
    %mul3A_46 = arith.muli %arg1, %mul3A_45 : i32
    %add3A_47 = arith.constant 500 : i32
    %add3A_48 = arith.addi %mul3A_46, %add3A_47 : i32
    "tpu.region"() ({
      %run_scoped3A = tpu.sem_alloc : memref<!tpu.dma_semaphore, #tpu.memory_space<semaphore_mem>>
      %dma_start3A_116 = arith.constant 0 : i32
      %dma_start3A_117 = tpu.memref_slice %arg16[%add3A_48, %dma_start3A_116] : memref<10000x72xf32, #tpu.memory_space<vmem_shared>> -> memref<125x72xf32, #tpu.memory_space<vmem_shared>>
      %dma_start3A_118 = arith.constant 0 : i32
      %dma_start3A_119 = tpu.memref_slice %arg16[%add3A_48, %dma_start3A_118] : memref<10000x72xf32, #tpu.memory_space<vmem_shared>> -> memref<125x72xf32, #tpu.memory_space<vmem_shared>>
      tpu.enqueue_dma source(%arg15 : memref<125x72xf32, #tpu.memory_space<vmem>>) target(%dma_start3A_119 : memref<125x72xf32, #tpu.memory_space<vmem_shared>>) target_semaphore(%run_scoped3A : memref<!tpu.dma_semaphore, #tpu.memory_space<semaphore_mem>>)
      %dma_wait3A_120 = arith.constant 0 : i32
      %dma_wait3A_121 = tpu.memref_slice %arg16[%add3A_48, %dma_wait3A_120] : memref<10000x72xf32, #tpu.memory_space<vmem_shared>> -> memref<125x72xf32, #tpu.memory_space<vmem_shared>>
      %dma_wait3A_122 = arith.constant 0 : i32
      %dma_wait3A_123 = tpu.memref_slice %arg16[%add3A_48, %dma_wait3A_122] : memref<10000x72xf32, #tpu.memory_space<vmem_shared>> -> memref<125x72xf32, #tpu.memory_space<vmem_shared>>
      tpu.wait_dma2 semaphore(%run_scoped3A : memref<!tpu.dma_semaphore, #tpu.memory_space<semaphore_mem>>) src(%arg15 : memref<125x72xf32, #tpu.memory_space<vmem>>) dst(%dma_wait3A_123 : memref<125x72xf32, #tpu.memory_space<vmem_shared>>)
      tpu.yield
    }) : () -> ()
    %barrier3A = arith.constant 0 : index
    tpu.barrier barrier_id(%barrier3A)
    "tpu.region"() ({
      %run_scoped3A = tpu.sem_alloc : memref<!tpu.dma_semaphore, #tpu.memory_space<semaphore_mem>>
      %dma_start3A_116 = arith.constant 0 : i32
      %dma_start3A_117 = arith.constant 0 : i32
      %dma_start3A_118 = tpu.memref_slice %arg4[%add3A, %dma_start3A_116, %dma_start3A_117] : memref<32x80x125xi32, #tpu.memory_space<hbm>> -> memref<1x80x125xi32, #tpu.memory_space<hbm>>
      %dma_start3A_119 = tpu.memref_squeeze %dma_start3A_118 : memref<1x80x125xi32, #tpu.memory_space<hbm>> -> memref<80x125xi32, #tpu.memory_space<hbm>>
      %dma_start3A_120 = arith.constant 0 : i32
      %dma_start3A_121 = arith.constant 0 : i32
      %dma_start3A_122 = tpu.memref_slice %arg4[%add3A, %dma_start3A_120, %dma_start3A_121] : memref<32x80x125xi32, #tpu.memory_space<hbm>> -> memref<1x80x125xi32, #tpu.memory_space<hbm>>
      %dma_start3A_123 = tpu.memref_squeeze %dma_start3A_122 : memref<1x80x125xi32, #tpu.memory_space<hbm>> -> memref<80x125xi32, #tpu.memory_space<hbm>>
      tpu.enqueue_dma source(%dma_start3A_123 : memref<80x125xi32, #tpu.memory_space<hbm>>) target(%arg7 : memref<80x125xi32, #tpu.memory_space<vmem>>) target_semaphore(%run_scoped3A : memref<!tpu.dma_semaphore, #tpu.memory_space<semaphore_mem>>)
      %dma_wait3A_124 = arith.constant 0 : i32
      %dma_wait3A_125 = arith.constant 0 : i32
      %dma_wait3A_126 = tpu.memref_slice %arg4[%add3A, %dma_wait3A_124, %dma_wait3A_125] : memref<32x80x125xi32, #tpu.memory_space<hbm>> -> memref<1x80x125xi32, #tpu.memory_space<hbm>>
      %dma_wait3A_127 = tpu.memref_squeeze %dma_wait3A_126 : memref<1x80x125xi32, #tpu.memory_space<hbm>> -> memref<80x125xi32, #tpu.memory_space<hbm>>
      %dma_wait3A_128 = arith.constant 0 : i32
      %dma_wait3A_129 = arith.constant 0 : i32
      %dma_wait3A_130 = tpu.memref_slice %arg4[%add3A, %dma_wait3A_128, %dma_wait3A_129] : memref<32x80x125xi32, #tpu.memory_space<hbm>> -> memref<1x80x125xi32, #tpu.memory_space<hbm>>
      %dma_wait3A_131 = tpu.memref_squeeze %dma_wait3A_130 : memref<1x80x125xi32, #tpu.memory_space<hbm>> -> memref<80x125xi32, #tpu.memory_space<hbm>>
      tpu.wait_dma2 semaphore(%run_scoped3A : memref<!tpu.dma_semaphore, #tpu.memory_space<semaphore_mem>>) src(%dma_wait3A_131 : memref<80x125xi32, #tpu.memory_space<hbm>>) dst(%arg7 : memref<80x125xi32, #tpu.memory_space<vmem>>)
      tpu.yield
    }) : () -> ()
    "tpu.region"() ({
      %run_scoped3A = tpu.sem_alloc : memref<!tpu.dma_semaphore, #tpu.memory_space<semaphore_mem>>
      %dma_start3A_116 = arith.constant 0 : i32
      %dma_start3A_117 = arith.constant 0 : i32
      %dma_start3A_118 = tpu.memref_slice %arg5[%add3A, %dma_start3A_116, %dma_start3A_117] : memref<32x80x125xi32, #tpu.memory_space<hbm>> -> memref<1x80x125xi32, #tpu.memory_space<hbm>>
      %dma_start3A_119 = tpu.memref_squeeze %dma_start3A_118 : memref<1x80x125xi32, #tpu.memory_space<hbm>> -> memref<80x125xi32, #tpu.memory_space<hbm>>
      %dma_start3A_120 = arith.constant 0 : i32
      %dma_start3A_121 = arith.constant 0 : i32
      %dma_start3A_122 = tpu.memref_slice %arg5[%add3A, %dma_start3A_120, %dma_start3A_121] : memref<32x80x125xi32, #tpu.memory_space<hbm>> -> memref<1x80x125xi32, #tpu.memory_space<hbm>>
      %dma_start3A_123 = tpu.memref_squeeze %dma_start3A_122 : memref<1x80x125xi32, #tpu.memory_space<hbm>> -> memref<80x125xi32, #tpu.memory_space<hbm>>
      tpu.enqueue_dma source(%dma_start3A_123 : memref<80x125xi32, #tpu.memory_space<hbm>>) target(%arg8 : memref<80x125xi32, #tpu.memory_space<vmem>>) target_semaphore(%run_scoped3A : memref<!tpu.dma_semaphore, #tpu.memory_space<semaphore_mem>>)
      %dma_wait3A_124 = arith.constant 0 : i32
      %dma_wait3A_125 = arith.constant 0 : i32
      %dma_wait3A_126 = tpu.memref_slice %arg5[%add3A, %dma_wait3A_124, %dma_wait3A_125] : memref<32x80x125xi32, #tpu.memory_space<hbm>> -> memref<1x80x125xi32, #tpu.memory_space<hbm>>
      %dma_wait3A_127 = tpu.memref_squeeze %dma_wait3A_126 : memref<1x80x125xi32, #tpu.memory_space<hbm>> -> memref<80x125xi32, #tpu.memory_space<hbm>>
      %dma_wait3A_128 = arith.constant 0 : i32
      %dma_wait3A_129 = arith.constant 0 : i32
      %dma_wait3A_130 = tpu.memref_slice %arg5[%add3A, %dma_wait3A_128, %dma_wait3A_129] : memref<32x80x125xi32, #tpu.memory_space<hbm>> -> memref<1x80x125xi32, #tpu.memory_space<hbm>>
      %dma_wait3A_131 = tpu.memref_squeeze %dma_wait3A_130 : memref<1x80x125xi32, #tpu.memory_space<hbm>> -> memref<80x125xi32, #tpu.memory_space<hbm>>
      tpu.wait_dma2 semaphore(%run_scoped3A : memref<!tpu.dma_semaphore, #tpu.memory_space<semaphore_mem>>) src(%dma_wait3A_131 : memref<80x125xi32, #tpu.memory_space<hbm>>) dst(%arg8 : memref<80x125xi32, #tpu.memory_space<vmem>>)
      tpu.yield
    }) : () -> ()
    %dma_start3A = arith.constant 0 : i32
    %dma_start3A_49 = arith.constant 0 : i32
    %dma_start3A_50 = tpu.memref_slice %arg7[%dma_start3A, %dma_start3A_49] : memref<80x125xi32, #tpu.memory_space<vmem>> -> memref<1x125xi32, #tpu.memory_space<vmem>>
    %dma_start3A_51 = tpu.memref_squeeze %dma_start3A_50 : memref<1x125xi32, #tpu.memory_space<vmem>> -> memref<125xi32, #tpu.memory_space<vmem>>
    %dma_start3A_52 = arith.constant 0 : i32
    %dma_start3A_53 = arith.constant 0 : i32
    %dma_start3A_54 = tpu.memref_slice %arg2[%dma_start3A_52, %dma_start3A_53] : memref<10000x72xf32, #tpu.memory_space<hbm>> -> memref<10000x72xf32, #tpu.memory_space<hbm>>
    tpu.enqueue_indirect_dma source(%dma_start3A_54 : memref<10000x72xf32, #tpu.memory_space<hbm>>) target(%arg9 : memref<125x72xf32, #tpu.memory_space<vmem>>) offsets(%dma_start3A_51 : memref<125xi32, #tpu.memory_space<vmem>>) semaphore(%arg17 : memref<!tpu.dma_semaphore, #tpu.memory_space<semaphore_mem>>)
    %dma_start3A_55 = arith.constant 0 : i32
    %dma_start3A_56 = arith.constant 0 : i32
    %dma_start3A_57 = tpu.memref_slice %arg8[%dma_start3A_55, %dma_start3A_56] : memref<80x125xi32, #tpu.memory_space<vmem>> -> memref<1x125xi32, #tpu.memory_space<vmem>>
    %dma_start3A_58 = tpu.memref_squeeze %dma_start3A_57 : memref<1x125xi32, #tpu.memory_space<vmem>> -> memref<125xi32, #tpu.memory_space<vmem>>
    %dma_start3A_59 = arith.constant 0 : i32
    %dma_start3A_60 = arith.constant 0 : i32
    %dma_start3A_61 = tpu.memref_slice %arg3[%dma_start3A_59, %dma_start3A_60] : memref<10000x16xf32, #tpu.memory_space<hbm>> -> memref<10000x16xf32, #tpu.memory_space<hbm>>
    tpu.enqueue_indirect_dma source(%dma_start3A_61 : memref<10000x16xf32, #tpu.memory_space<hbm>>) target(%arg11 : memref<125x16xf32, #tpu.memory_space<vmem>>) offsets(%dma_start3A_58 : memref<125xi32, #tpu.memory_space<vmem>>) semaphore(%arg19 : memref<!tpu.dma_semaphore, #tpu.memory_space<semaphore_mem>>)
    %dma_start3A_62 = arith.constant 1 : i32
    %dma_start3A_63 = arith.constant 0 : i32
    %dma_start3A_64 = tpu.memref_slice %arg7[%dma_start3A_62, %dma_start3A_63] : memref<80x125xi32, #tpu.memory_space<vmem>> -> memref<1x125xi32, #tpu.memory_space<vmem>>
    %dma_start3A_65 = tpu.memref_squeeze %dma_start3A_64 : memref<1x125xi32, #tpu.memory_space<vmem>> -> memref<125xi32, #tpu.memory_space<vmem>>
    %dma_start3A_66 = arith.constant 0 : i32
    %dma_start3A_67 = arith.constant 0 : i32
    %dma_start3A_68 = tpu.memref_slice %arg2[%dma_start3A_66, %dma_start3A_67] : memref<10000x72xf32, #tpu.memory_space<hbm>> -> memref<10000x72xf32, #tpu.memory_space<hbm>>
    tpu.enqueue_indirect_dma source(%dma_start3A_68 : memref<10000x72xf32, #tpu.memory_space<hbm>>) target(%arg10 : memref<125x72xf32, #tpu.memory_space<vmem>>) offsets(%dma_start3A_65 : memref<125xi32, #tpu.memory_space<vmem>>) semaphore(%arg18 : memref<!tpu.dma_semaphore, #tpu.memory_space<semaphore_mem>>)
    %dma_start3A_69 = arith.constant 1 : i32
    %dma_start3A_70 = arith.constant 0 : i32
    %dma_start3A_71 = tpu.memref_slice %arg8[%dma_start3A_69, %dma_start3A_70] : memref<80x125xi32, #tpu.memory_space<vmem>> -> memref<1x125xi32, #tpu.memory_space<vmem>>
    %dma_start3A_72 = tpu.memref_squeeze %dma_start3A_71 : memref<1x125xi32, #tpu.memory_space<vmem>> -> memref<125xi32, #tpu.memory_space<vmem>>
    %dma_start3A_73 = arith.constant 0 : i32
    %dma_start3A_74 = arith.constant 0 : i32
    %dma_start3A_75 = tpu.memref_slice %arg3[%dma_start3A_73, %dma_start3A_74] : memref<10000x16xf32, #tpu.memory_space<hbm>> -> memref<10000x16xf32, #tpu.memory_space<hbm>>
    tpu.enqueue_indirect_dma source(%dma_start3A_75 : memref<10000x16xf32, #tpu.memory_space<hbm>>) target(%arg12 : memref<125x16xf32, #tpu.memory_space<vmem>>) offsets(%dma_start3A_72 : memref<125xi32, #tpu.memory_space<vmem>>) semaphore(%arg20 : memref<!tpu.dma_semaphore, #tpu.memory_space<semaphore_mem>>)
    %scan3A_76 = arith.constant 0 : i32
    %scan3A_77 = arith.constant 0 : i32
    %scan3A_78 = arith.constant 40 : i32
    %scan3A_79 = arith.addi %scan3A_77, %scan3A_78 : i32
    %scan3A_80 = arith.constant 1 : i32
    scf.for %scan3A_116 = %scan3A_77 to %scan3A_79 step %scan3A_80  : i32 {
      %mul3A_117 = arith.constant 2 : i32
      %mul3A_118 = arith.muli %scan3A_116, %mul3A_117 : i32
      %dma_wait3A_119 = arith.constant 0 : i32
      %dma_wait3A_120 = arith.constant 0 : i32
      %dma_wait3A_121 = tpu.memref_slice %arg7[%dma_wait3A_119, %dma_wait3A_120] : memref<80x125xi32, #tpu.memory_space<vmem>> -> memref<1x125xi32, #tpu.memory_space<vmem>>
      %dma_wait3A_122 = tpu.memref_squeeze %dma_wait3A_121 : memref<1x125xi32, #tpu.memory_space<vmem>> -> memref<125xi32, #tpu.memory_space<vmem>>
      %dma_wait3A_123 = arith.constant 0 : i32
      %dma_wait3A_124 = arith.constant 0 : i32
      %dma_wait3A_125 = tpu.memref_slice %arg2[%dma_wait3A_123, %dma_wait3A_124] : memref<10000x72xf32, #tpu.memory_space<hbm>> -> memref<10000x72xf32, #tpu.memory_space<hbm>>
      tpu.wait_indirect_dma semaphore(%arg17 : memref<!tpu.dma_semaphore, #tpu.memory_space<semaphore_mem>>) src(%dma_wait3A_125 : memref<10000x72xf32, #tpu.memory_space<hbm>>) dst(%arg9 : memref<125x72xf32, #tpu.memory_space<vmem>>)
      %dma_wait3A_126 = arith.constant 0 : i32
      %dma_wait3A_127 = arith.constant 0 : i32
      %dma_wait3A_128 = tpu.memref_slice %arg8[%dma_wait3A_126, %dma_wait3A_127] : memref<80x125xi32, #tpu.memory_space<vmem>> -> memref<1x125xi32, #tpu.memory_space<vmem>>
      %dma_wait3A_129 = tpu.memref_squeeze %dma_wait3A_128 : memref<1x125xi32, #tpu.memory_space<vmem>> -> memref<125xi32, #tpu.memory_space<vmem>>
      %dma_wait3A_130 = arith.constant 0 : i32
      %dma_wait3A_131 = arith.constant 0 : i32
      %dma_wait3A_132 = tpu.memref_slice %arg3[%dma_wait3A_130, %dma_wait3A_131] : memref<10000x16xf32, #tpu.memory_space<hbm>> -> memref<10000x16xf32, #tpu.memory_space<hbm>>
      tpu.wait_indirect_dma semaphore(%arg19 : memref<!tpu.dma_semaphore, #tpu.memory_space<semaphore_mem>>) src(%dma_wait3A_132 : memref<10000x16xf32, #tpu.memory_space<hbm>>) dst(%arg11 : memref<125x16xf32, #tpu.memory_space<vmem>>)
      %gt3A = arith.constant 0 : i32
      %gt3A_133 = arith.cmpi sgt, %scan3A_116, %gt3A : i32
      %convert_element_type3A = arith.extui %gt3A_133 : i1 to i32
      %cond3A = arith.constant 0 : i32
      %cond3A_134 = arith.cmpi ne, %convert_element_type3A, %cond3A : i32
      scf.if %cond3A_134 {
        %dma_wait3A_192 = arith.constant 0 : i32
        %dma_wait3A_193 = arith.constant 0 : i32
        %dma_wait3A_194 = tpu.memref_slice %arg8[%dma_wait3A_192, %dma_wait3A_193] : memref<80x125xi32, #tpu.memory_space<vmem>> -> memref<1x125xi32, #tpu.memory_space<vmem>>
        %dma_wait3A_195 = tpu.memref_squeeze %dma_wait3A_194 : memref<1x125xi32, #tpu.memory_space<vmem>> -> memref<125xi32, #tpu.memory_space<vmem>>
        %dma_wait3A_196 = arith.constant 0 : i32
        %dma_wait3A_197 = arith.constant 0 : i32
        %dma_wait3A_198 = tpu.memref_slice %arg16[%dma_wait3A_196, %dma_wait3A_197] : memref<10000x72xf32, #tpu.memory_space<vmem_shared>> -> memref<10000x72xf32, #tpu.memory_space<vmem_shared>>
        tpu.wait_indirect_dma semaphore(%arg21 : memref<!tpu.dma_semaphore, #tpu.memory_space<semaphore_mem>>) src(%arg13 : memref<125x72xf32, #tpu.memory_space<vmem>>) dst(%dma_wait3A_198 : memref<10000x72xf32, #tpu.memory_space<vmem_shared>>)
      } else {
      }
      %parallel_loop3A = arith.constant 0 : i32
      %parallel_loop3A_135 = arith.constant 125 : i32
      %parallel_loop3A_136 = arith.constant 1 : i32
      scf.for %parallel_loop3A_192 = %parallel_loop3A to %parallel_loop3A_135 step %parallel_loop3A_136  : i32 {
        %parallel_loop3A_193 = arith.index_cast %parallel_loop3A_192 : i32 to index
        %parallel_loop3A_194 = arith.constant 0 : index
        %parallel_loop3A_195 = tpu.vector_load %arg9[%parallel_loop3A_193, %parallel_loop3A_194] {strides = array<i32>} : memref<125x72xf32, #tpu.memory_space<vmem>>, vector<16xf32>,
        %parallel_loop3A_196 = arith.index_cast %parallel_loop3A_192 : i32 to index
        %parallel_loop3A_197 = arith.constant 0 : index
        %parallel_loop3A_198 = tpu.vector_load %arg11[%parallel_loop3A_196, %parallel_loop3A_197] {strides = array<i32>} : memref<125x16xf32, #tpu.memory_space<vmem>>, vector<16xf32>,
        %parallel_loop3A_199 = arith.addf %parallel_loop3A_195, %parallel_loop3A_198 : vector<16xf32>
        %parallel_loop3A_200 = arith.constant 2.000000e-01 : f32
        %parallel_loop3A_201 = vector.broadcast %parallel_loop3A_200 : f32 to vector<16xf32>
        %parallel_loop3A_202 = arith.mulf %parallel_loop3A_201, %parallel_loop3A_199 : vector<16xf32>
        %parallel_loop3A_203 = arith.maximumf %parallel_loop3A_199, %parallel_loop3A_202 : vector<16xf32>
        %parallel_loop3A_204 = math.exp %parallel_loop3A_203 : vector<16xf32>
        %parallel_loop3A_205 = arith.index_cast %parallel_loop3A_192 : i32 to index
        %parallel_loop3A_206 = arith.constant 0 : index
        %parallel_loop3A_207 = tpu.vector_load %arg13[%parallel_loop3A_205, %parallel_loop3A_206] {strides = array<i32>} : memref<125x72xf32, #tpu.memory_space<vmem>>, vector<16xf32>,
        tpu.vector_store %arg13[%parallel_loop3A_205, %parallel_loop3A_206], %parallel_loop3A_204 {strides = array<i32>} : memref<125x72xf32, #tpu.memory_space<vmem>>, vector<16xf32>,
        %parallel_loop3A_208 = arith.constant 0 : i32
        %parallel_loop3A_209 = vector.broadcast %parallel_loop3A_208 : i32 to vector<16xi32>
        %parallel_loop3A_210 = arith.muli %iota3A, %parallel_loop3A_209 : vector<16xi32>
        %parallel_loop3A_211 = vector.broadcast %parallel_loop3A_192 : i32 to vector<16xi32>
        %parallel_loop3A_212 = arith.addi %parallel_loop3A_210, %parallel_loop3A_211 : vector<16xi32>
        %parallel_loop3A_213 = tpu.vector_load_idx %arg13[%parallel_loop3A_212, %add3A_5] : memref<125x72xf32, #tpu.memory_space<vmem>>[vector<16xi32>, vector<16xi32>], vector<16xf32>,
        %parallel_loop3A_214 = arith.index_cast %parallel_loop3A_192 : i32 to index
        %parallel_loop3A_215 = arith.constant 8 : index
        %parallel_loop3A_216 = tpu.vector_load %arg9[%parallel_loop3A_214, %parallel_loop3A_215] {strides = array<i32>} : memref<125x72xf32, #tpu.memory_space<vmem>>, vector<16xf32>,
        %parallel_loop3A_217 = arith.mulf %parallel_loop3A_216, %parallel_loop3A_213 : vector<16xf32>
        %parallel_loop3A_218 = arith.index_cast %parallel_loop3A_192 : i32 to index
        %parallel_loop3A_219 = arith.constant 8 : index
        %parallel_loop3A_220 = tpu.vector_load %arg13[%parallel_loop3A_218, %parallel_loop3A_219] {strides = array<i32>} : memref<125x72xf32, #tpu.memory_space<vmem>>, vector<16xf32>,
        tpu.vector_store %arg13[%parallel_loop3A_218, %parallel_loop3A_219], %parallel_loop3A_217 {strides = array<i32>} : memref<125x72xf32, #tpu.memory_space<vmem>>, vector<16xf32>,
        %parallel_loop3A_221 = tpu.vector_load_idx %arg13[%parallel_loop3A_212, %add3A_11] : memref<125x72xf32, #tpu.memory_space<vmem>>[vector<16xi32>, vector<16xi32>], vector<16xf32>,
        %parallel_loop3A_222 = arith.index_cast %parallel_loop3A_192 : i32 to index
        %parallel_loop3A_223 = arith.constant 24 : index
        %parallel_loop3A_224 = tpu.vector_load %arg9[%parallel_loop3A_222, %parallel_loop3A_223] {strides = array<i32>} : memref<125x72xf32, #tpu.memory_space<vmem>>, vector<16xf32>,
        %parallel_loop3A_225 = arith.mulf %parallel_loop3A_224, %parallel_loop3A_221 : vector<16xf32>
        %parallel_loop3A_226 = arith.index_cast %parallel_loop3A_192 : i32 to index
        %parallel_loop3A_227 = arith.constant 24 : index
        %parallel_loop3A_228 = tpu.vector_load %arg13[%parallel_loop3A_226, %parallel_loop3A_227] {strides = array<i32>} : memref<125x72xf32, #tpu.memory_space<vmem>>, vector<16xf32>,
        tpu.vector_store %arg13[%parallel_loop3A_226, %parallel_loop3A_227], %parallel_loop3A_225 {strides = array<i32>} : memref<125x72xf32, #tpu.memory_space<vmem>>, vector<16xf32>,
        %parallel_loop3A_229 = tpu.vector_load_idx %arg13[%parallel_loop3A_212, %add3A_17] : memref<125x72xf32, #tpu.memory_space<vmem>>[vector<16xi32>, vector<16xi32>], vector<16xf32>,
        %parallel_loop3A_230 = arith.index_cast %parallel_loop3A_192 : i32 to index
        %parallel_loop3A_231 = arith.constant 40 : index
        %parallel_loop3A_232 = tpu.vector_load %arg9[%parallel_loop3A_230, %parallel_loop3A_231] {strides = array<i32>} : memref<125x72xf32, #tpu.memory_space<vmem>>, vector<16xf32>,
        %parallel_loop3A_233 = arith.mulf %parallel_loop3A_232, %parallel_loop3A_229 : vector<16xf32>
        %parallel_loop3A_234 = arith.index_cast %parallel_loop3A_192 : i32 to index
        %parallel_loop3A_235 = arith.constant 40 : index
        %parallel_loop3A_236 = tpu.vector_load %arg13[%parallel_loop3A_234, %parallel_loop3A_235] {strides = array<i32>} : memref<125x72xf32, #tpu.memory_space<vmem>>, vector<16xf32>,
        tpu.vector_store %arg13[%parallel_loop3A_234, %parallel_loop3A_235], %parallel_loop3A_233 {strides = array<i32>} : memref<125x72xf32, #tpu.memory_space<vmem>>, vector<16xf32>,
        %parallel_loop3A_237 = tpu.vector_load_idx %arg13[%parallel_loop3A_212, %add3A_23] : memref<125x72xf32, #tpu.memory_space<vmem>>[vector<16xi32>, vector<16xi32>], vector<16xf32>,
        %parallel_loop3A_238 = arith.index_cast %parallel_loop3A_192 : i32 to index
        %parallel_loop3A_239 = arith.constant 56 : index
        %parallel_loop3A_240 = tpu.vector_load %arg9[%parallel_loop3A_238, %parallel_loop3A_239] {strides = array<i32>} : memref<125x72xf32, #tpu.memory_space<vmem>>, vector<16xf32>,
        %parallel_loop3A_241 = arith.mulf %parallel_loop3A_240, %parallel_loop3A_237 : vector<16xf32>
        %parallel_loop3A_242 = arith.index_cast %parallel_loop3A_192 : i32 to index
        %parallel_loop3A_243 = arith.constant 56 : index
        %parallel_loop3A_244 = tpu.vector_load %arg13[%parallel_loop3A_242, %parallel_loop3A_243] {strides = array<i32>} : memref<125x72xf32, #tpu.memory_space<vmem>>, vector<16xf32>,
        tpu.vector_store %arg13[%parallel_loop3A_242, %parallel_loop3A_243], %parallel_loop3A_241 {strides = array<i32>} : memref<125x72xf32, #tpu.memory_space<vmem>>, vector<16xf32>,
      } {sc.loop_unroll_factor = 5 : i64, sc.parallel_access}
      %add3A_137 = arith.constant 0 : i32
      %add3A_138 = arith.addi %mul3A_118, %add3A_137 : i32
      %dma_start3A_139 = arith.constant 0 : i32
      %dma_start3A_140 = tpu.memref_slice %arg8[%add3A_138, %dma_start3A_139] : memref<80x125xi32, #tpu.memory_space<vmem>> -> memref<1x125xi32, #tpu.memory_space<vmem>>
      %dma_start3A_141 = tpu.memref_squeeze %dma_start3A_140 : memref<1x125xi32, #tpu.memory_space<vmem>> -> memref<125xi32, #tpu.memory_space<vmem>>
      %dma_start3A_142 = arith.constant 0 : i32
      %dma_start3A_143 = arith.constant 0 : i32
      %dma_start3A_144 = tpu.memref_slice %arg16[%dma_start3A_142, %dma_start3A_143] : memref<10000x72xf32, #tpu.memory_space<vmem_shared>> -> memref<10000x72xf32, #tpu.memory_space<vmem_shared>>
      tpu.enqueue_indirect_dma source(%arg13 : memref<125x72xf32, #tpu.memory_space<vmem>>) target(%dma_start3A_144 : memref<10000x72xf32, #tpu.memory_space<vmem_shared>>) offsets(%dma_start3A_141 : memref<125xi32, #tpu.memory_space<vmem>>) semaphore(%arg21 : memref<!tpu.dma_semaphore, #tpu.memory_space<semaphore_mem>>) {add = true}
      %add3A_145 = arith.constant 0 : i32
      %add3A_146 = arith.addi %mul3A_118, %add3A_145 : i32
      %add3A_147 = arith.constant 2 : i32
      %add3A_148 = arith.addi %add3A_146, %add3A_147 : i32
      %lt3A = arith.constant 80 : i32
      %lt3A_149 = arith.cmpi slt, %add3A_148, %lt3A : i32
      %convert_element_type3A_150 = arith.extui %lt3A_149 : i1 to i32
      %cond3A_151 = arith.constant 0 : i32
      %cond3A_152 = arith.cmpi ne, %convert_element_type3A_150, %cond3A_151 : i32
      scf.if %cond3A_152 {
        %add3A_192 = arith.constant 0 : i32
        %add3A_193 = arith.addi %mul3A_118, %add3A_192 : i32
        %add3A_194 = arith.constant 2 : i32
        %add3A_195 = arith.addi %add3A_193, %add3A_194 : i32
        %dma_start3A_196 = arith.constant 0 : i32
        %dma_start3A_197 = tpu.memref_slice %arg7[%add3A_195, %dma_start3A_196] : memref<80x125xi32, #tpu.memory_space<vmem>> -> memref<1x125xi32, #tpu.memory_space<vmem>>
        %dma_start3A_198 = tpu.memref_squeeze %dma_start3A_197 : memref<1x125xi32, #tpu.memory_space<vmem>> -> memref<125xi32, #tpu.memory_space<vmem>>
        %dma_start3A_199 = arith.constant 0 : i32
        %dma_start3A_200 = arith.constant 0 : i32
        %dma_start3A_201 = tpu.memref_slice %arg2[%dma_start3A_199, %dma_start3A_200] : memref<10000x72xf32, #tpu.memory_space<hbm>> -> memref<10000x72xf32, #tpu.memory_space<hbm>>
        tpu.enqueue_indirect_dma source(%dma_start3A_201 : memref<10000x72xf32, #tpu.memory_space<hbm>>) target(%arg9 : memref<125x72xf32, #tpu.memory_space<vmem>>) offsets(%dma_start3A_198 : memref<125xi32, #tpu.memory_space<vmem>>) semaphore(%arg17 : memref<!tpu.dma_semaphore, #tpu.memory_space<semaphore_mem>>)
        %dma_start3A_202 = arith.constant 0 : i32
        %dma_start3A_203 = tpu.memref_slice %arg8[%add3A_195, %dma_start3A_202] : memref<80x125xi32, #tpu.memory_space<vmem>> -> memref<1x125xi32, #tpu.memory_space<vmem>>
        %dma_start3A_204 = tpu.memref_squeeze %dma_start3A_203 : memref<1x125xi32, #tpu.memory_space<vmem>> -> memref<125xi32, #tpu.memory_space<vmem>>
        %dma_start3A_205 = arith.constant 0 : i32
        %dma_start3A_206 = arith.constant 0 : i32
        %dma_start3A_207 = tpu.memref_slice %arg3[%dma_start3A_205, %dma_start3A_206] : memref<10000x16xf32, #tpu.memory_space<hbm>> -> memref<10000x16xf32, #tpu.memory_space<hbm>>
        tpu.enqueue_indirect_dma source(%dma_start3A_207 : memref<10000x16xf32, #tpu.memory_space<hbm>>) target(%arg11 : memref<125x16xf32, #tpu.memory_space<vmem>>) offsets(%dma_start3A_204 : memref<125xi32, #tpu.memory_space<vmem>>) semaphore(%arg19 : memref<!tpu.dma_semaphore, #tpu.memory_space<semaphore_mem>>)
      } else {
      }
      %dma_wait3A_153 = arith.constant 0 : i32
      %dma_wait3A_154 = arith.constant 0 : i32
      %dma_wait3A_155 = tpu.memref_slice %arg7[%dma_wait3A_153, %dma_wait3A_154] : memref<80x125xi32, #tpu.memory_space<vmem>> -> memref<1x125xi32, #tpu.memory_space<vmem>>
      %dma_wait3A_156 = tpu.memref_squeeze %dma_wait3A_155 : memref<1x125xi32, #tpu.memory_space<vmem>> -> memref<125xi32, #tpu.memory_space<vmem>>
      %dma_wait3A_157 = arith.constant 0 : i32
      %dma_wait3A_158 = arith.constant 0 : i32
      %dma_wait3A_159 = tpu.memref_slice %arg2[%dma_wait3A_157, %dma_wait3A_158] : memref<10000x72xf32, #tpu.memory_space<hbm>> -> memref<10000x72xf32, #tpu.memory_space<hbm>>
      tpu.wait_indirect_dma semaphore(%arg18 : memref<!tpu.dma_semaphore, #tpu.memory_space<semaphore_mem>>) src(%dma_wait3A_159 : memref<10000x72xf32, #tpu.memory_space<hbm>>) dst(%arg10 : memref<125x72xf32, #tpu.memory_space<vmem>>)
      %dma_wait3A_160 = arith.constant 0 : i32
      %dma_wait3A_161 = arith.constant 0 : i32
      %dma_wait3A_162 = tpu.memref_slice %arg8[%dma_wait3A_160, %dma_wait3A_161] : memref<80x125xi32, #tpu.memory_space<vmem>> -> memref<1x125xi32, #tpu.memory_space<vmem>>
      %dma_wait3A_163 = tpu.memref_squeeze %dma_wait3A_162 : memref<1x125xi32, #tpu.memory_space<vmem>> -> memref<125xi32, #tpu.memory_space<vmem>>
      %dma_wait3A_164 = arith.constant 0 : i32
      %dma_wait3A_165 = arith.constant 0 : i32
      %dma_wait3A_166 = tpu.memref_slice %arg3[%dma_wait3A_164, %dma_wait3A_165] : memref<10000x16xf32, #tpu.memory_space<hbm>> -> memref<10000x16xf32, #tpu.memory_space<hbm>>
      tpu.wait_indirect_dma semaphore(%arg20 : memref<!tpu.dma_semaphore, #tpu.memory_space<semaphore_mem>>) src(%dma_wait3A_166 : memref<10000x16xf32, #tpu.memory_space<hbm>>) dst(%arg12 : memref<125x16xf32, #tpu.memory_space<vmem>>)
      %gt3A_167 = arith.constant 0 : i32
      %gt3A_168 = arith.cmpi sgt, %scan3A_116, %gt3A_167 : i32
      %convert_element_type3A_169 = arith.extui %gt3A_168 : i1 to i32
      %cond3A_170 = arith.constant 0 : i32
      %cond3A_171 = arith.cmpi ne, %convert_element_type3A_169, %cond3A_170 : i32
      scf.if %cond3A_171 {
        %dma_wait3A_192 = arith.constant 0 : i32
        %dma_wait3A_193 = arith.constant 0 : i32
        %dma_wait3A_194 = tpu.memref_slice %arg8[%dma_wait3A_192, %dma_wait3A_193] : memref<80x125xi32, #tpu.memory_space<vmem>> -> memref<1x125xi32, #tpu.memory_space<vmem>>
        %dma_wait3A_195 = tpu.memref_squeeze %dma_wait3A_194 : memref<1x125xi32, #tpu.memory_space<vmem>> -> memref<125xi32, #tpu.memory_space<vmem>>
        %dma_wait3A_196 = arith.constant 0 : i32
        %dma_wait3A_197 = arith.constant 0 : i32
        %dma_wait3A_198 = tpu.memref_slice %arg16[%dma_wait3A_196, %dma_wait3A_197] : memref<10000x72xf32, #tpu.memory_space<vmem_shared>> -> memref<10000x72xf32, #tpu.memory_space<vmem_shared>>
        tpu.wait_indirect_dma semaphore(%arg22 : memref<!tpu.dma_semaphore, #tpu.memory_space<semaphore_mem>>) src(%arg14 : memref<125x72xf32, #tpu.memory_space<vmem>>) dst(%dma_wait3A_198 : memref<10000x72xf32, #tpu.memory_space<vmem_shared>>)
      } else {
      }
      %parallel_loop3A_172 = arith.constant 0 : i32
      %parallel_loop3A_173 = arith.constant 125 : i32
      %parallel_loop3A_174 = arith.constant 1 : i32
      scf.for %parallel_loop3A_192 = %parallel_loop3A_172 to %parallel_loop3A_173 step %parallel_loop3A_174  : i32 {
        %parallel_loop3A_193 = arith.index_cast %parallel_loop3A_192 : i32 to index
        %parallel_loop3A_194 = arith.constant 0 : index
        %parallel_loop3A_195 = tpu.vector_load %arg10[%parallel_loop3A_193, %parallel_loop3A_194] {strides = array<i32>} : memref<125x72xf32, #tpu.memory_space<vmem>>, vector<16xf32>,
        %parallel_loop3A_196 = arith.index_cast %parallel_loop3A_192 : i32 to index
        %parallel_loop3A_197 = arith.constant 0 : index
        %parallel_loop3A_198 = tpu.vector_load %arg12[%parallel_loop3A_196, %parallel_loop3A_197] {strides = array<i32>} : memref<125x16xf32, #tpu.memory_space<vmem>>, vector<16xf32>,
        %parallel_loop3A_199 = arith.addf %parallel_loop3A_195, %parallel_loop3A_198 : vector<16xf32>
        %parallel_loop3A_200 = arith.constant 2.000000e-01 : f32
        %parallel_loop3A_201 = vector.broadcast %parallel_loop3A_200 : f32 to vector<16xf32>
        %parallel_loop3A_202 = arith.mulf %parallel_loop3A_201, %parallel_loop3A_199 : vector<16xf32>
        %parallel_loop3A_203 = arith.maximumf %parallel_loop3A_199, %parallel_loop3A_202 : vector<16xf32>
        %parallel_loop3A_204 = math.exp %parallel_loop3A_203 : vector<16xf32>
        %parallel_loop3A_205 = arith.index_cast %parallel_loop3A_192 : i32 to index
        %parallel_loop3A_206 = arith.constant 0 : index
        %parallel_loop3A_207 = tpu.vector_load %arg14[%parallel_loop3A_205, %parallel_loop3A_206] {strides = array<i32>} : memref<125x72xf32, #tpu.memory_space<vmem>>, vector<16xf32>,
        tpu.vector_store %arg14[%parallel_loop3A_205, %parallel_loop3A_206], %parallel_loop3A_204 {strides = array<i32>} : memref<125x72xf32, #tpu.memory_space<vmem>>, vector<16xf32>,
        %parallel_loop3A_208 = arith.constant 0 : i32
        %parallel_loop3A_209 = vector.broadcast %parallel_loop3A_208 : i32 to vector<16xi32>
        %parallel_loop3A_210 = arith.muli %iota3A, %parallel_loop3A_209 : vector<16xi32>
        %parallel_loop3A_211 = vector.broadcast %parallel_loop3A_192 : i32 to vector<16xi32>
        %parallel_loop3A_212 = arith.addi %parallel_loop3A_210, %parallel_loop3A_211 : vector<16xi32>
        %parallel_loop3A_213 = tpu.vector_load_idx %arg14[%parallel_loop3A_212, %add3A_5] : memref<125x72xf32, #tpu.memory_space<vmem>>[vector<16xi32>, vector<16xi32>], vector<16xf32>,
        %parallel_loop3A_214 = arith.index_cast %parallel_loop3A_192 : i32 to index
        %parallel_loop3A_215 = arith.constant 8 : index
        %parallel_loop3A_216 = tpu.vector_load %arg10[%parallel_loop3A_214, %parallel_loop3A_215] {strides = array<i32>} : memref<125x72xf32, #tpu.memory_space<vmem>>, vector<16xf32>,
        %parallel_loop3A_217 = arith.mulf %parallel_loop3A_216, %parallel_loop3A_213 : vector<16xf32>
        %parallel_loop3A_218 = arith.index_cast %parallel_loop3A_192 : i32 to index
        %parallel_loop3A_219 = arith.constant 8 : index
        %parallel_loop3A_220 = tpu.vector_load %arg14[%parallel_loop3A_218, %parallel_loop3A_219] {strides = array<i32>} : memref<125x72xf32, #tpu.memory_space<vmem>>, vector<16xf32>,
        tpu.vector_store %arg14[%parallel_loop3A_218, %parallel_loop3A_219], %parallel_loop3A_217 {strides = array<i32>} : memref<125x72xf32, #tpu.memory_space<vmem>>, vector<16xf32>,
        %parallel_loop3A_221 = tpu.vector_load_idx %arg14[%parallel_loop3A_212, %add3A_11] : memref<125x72xf32, #tpu.memory_space<vmem>>[vector<16xi32>, vector<16xi32>], vector<16xf32>,
        %parallel_loop3A_222 = arith.index_cast %parallel_loop3A_192 : i32 to index
        %parallel_loop3A_223 = arith.constant 24 : index
        %parallel_loop3A_224 = tpu.vector_load %arg10[%parallel_loop3A_222, %parallel_loop3A_223] {strides = array<i32>} : memref<125x72xf32, #tpu.memory_space<vmem>>, vector<16xf32>,
        %parallel_loop3A_225 = arith.mulf %parallel_loop3A_224, %parallel_loop3A_221 : vector<16xf32>
        %parallel_loop3A_226 = arith.index_cast %parallel_loop3A_192 : i32 to index
        %parallel_loop3A_227 = arith.constant 24 : index
        %parallel_loop3A_228 = tpu.vector_load %arg14[%parallel_loop3A_226, %parallel_loop3A_227] {strides = array<i32>} : memref<125x72xf32, #tpu.memory_space<vmem>>, vector<16xf32>,
        tpu.vector_store %arg14[%parallel_loop3A_226, %parallel_loop3A_227], %parallel_loop3A_225 {strides = array<i32>} : memref<125x72xf32, #tpu.memory_space<vmem>>, vector<16xf32>,
        %parallel_loop3A_229 = tpu.vector_load_idx %arg14[%parallel_loop3A_212, %add3A_17] : memref<125x72xf32, #tpu.memory_space<vmem>>[vector<16xi32>, vector<16xi32>], vector<16xf32>,
        %parallel_loop3A_230 = arith.index_cast %parallel_loop3A_192 : i32 to index
        %parallel_loop3A_231 = arith.constant 40 : index
        %parallel_loop3A_232 = tpu.vector_load %arg10[%parallel_loop3A_230, %parallel_loop3A_231] {strides = array<i32>} : memref<125x72xf32, #tpu.memory_space<vmem>>, vector<16xf32>,
        %parallel_loop3A_233 = arith.mulf %parallel_loop3A_232, %parallel_loop3A_229 : vector<16xf32>
        %parallel_loop3A_234 = arith.index_cast %parallel_loop3A_192 : i32 to index
        %parallel_loop3A_235 = arith.constant 40 : index
        %parallel_loop3A_236 = tpu.vector_load %arg14[%parallel_loop3A_234, %parallel_loop3A_235] {strides = array<i32>} : memref<125x72xf32, #tpu.memory_space<vmem>>, vector<16xf32>,
        tpu.vector_store %arg14[%parallel_loop3A_234, %parallel_loop3A_235], %parallel_loop3A_233 {strides = array<i32>} : memref<125x72xf32, #tpu.memory_space<vmem>>, vector<16xf32>,
        %parallel_loop3A_237 = tpu.vector_load_idx %arg14[%parallel_loop3A_212, %add3A_23] : memref<125x72xf32, #tpu.memory_space<vmem>>[vector<16xi32>, vector<16xi32>], vector<16xf32>,
        %parallel_loop3A_238 = arith.index_cast %parallel_loop3A_192 : i32 to index
        %parallel_loop3A_239 = arith.constant 56 : index
        %parallel_loop3A_240 = tpu.vector_load %arg10[%parallel_loop3A_238, %parallel_loop3A_239] {strides = array<i32>} : memref<125x72xf32, #tpu.memory_space<vmem>>, vector<16xf32>,
        %parallel_loop3A_241 = arith.mulf %parallel_loop3A_240, %parallel_loop3A_237 : vector<16xf32>
        %parallel_loop3A_242 = arith.index_cast %parallel_loop3A_192 : i32 to index
        %parallel_loop3A_243 = arith.constant 56 : index
        %parallel_loop3A_244 = tpu.vector_load %arg14[%parallel_loop3A_242, %parallel_loop3A_243] {strides = array<i32>} : memref<125x72xf32, #tpu.memory_space<vmem>>, vector<16xf32>,
        tpu.vector_store %arg14[%parallel_loop3A_242, %parallel_loop3A_243], %parallel_loop3A_241 {strides = array<i32>} : memref<125x72xf32, #tpu.memory_space<vmem>>, vector<16xf32>,
      } {sc.loop_unroll_factor = 5 : i64, sc.parallel_access}
      %add3A_175 = arith.constant 1 : i32
      %add3A_176 = arith.addi %mul3A_118, %add3A_175 : i32
      %dma_start3A_177 = arith.constant 0 : i32
      %dma_start3A_178 = tpu.memref_slice %arg8[%add3A_176, %dma_start3A_177] : memref<80x125xi32, #tpu.memory_space<vmem>> -> memref<1x125xi32, #tpu.memory_space<vmem>>
      %dma_start3A_179 = tpu.memref_squeeze %dma_start3A_178 : memref<1x125xi32, #tpu.memory_space<vmem>> -> memref<125xi32, #tpu.memory_space<vmem>>
      %dma_start3A_180 = arith.constant 0 : i32
      %dma_start3A_181 = arith.constant 0 : i32
      %dma_start3A_182 = tpu.memref_slice %arg16[%dma_start3A_180, %dma_start3A_181] : memref<10000x72xf32, #tpu.memory_space<vmem_shared>> -> memref<10000x72xf32, #tpu.memory_space<vmem_shared>>
      tpu.enqueue_indirect_dma source(%arg14 : memref<125x72xf32, #tpu.memory_space<vmem>>) target(%dma_start3A_182 : memref<10000x72xf32, #tpu.memory_space<vmem_shared>>) offsets(%dma_start3A_179 : memref<125xi32, #tpu.memory_space<vmem>>) semaphore(%arg22 : memref<!tpu.dma_semaphore, #tpu.memory_space<semaphore_mem>>) {add = true}
      %add3A_183 = arith.constant 1 : i32
      %add3A_184 = arith.addi %mul3A_118, %add3A_183 : i32
      %add3A_185 = arith.constant 2 : i32
      %add3A_186 = arith.addi %add3A_184, %add3A_185 : i32
      %lt3A_187 = arith.constant 80 : i32
      %lt3A_188 = arith.cmpi slt, %add3A_186, %lt3A_187 : i32
      %convert_element_type3A_189 = arith.extui %lt3A_188 : i1 to i32
      %cond3A_190 = arith.constant 0 : i32
      %cond3A_191 = arith.cmpi ne, %convert_element_type3A_189, %cond3A_190 : i32
      scf.if %cond3A_191 {
        %add3A_192 = arith.constant 1 : i32
        %add3A_193 = arith.addi %mul3A_118, %add3A_192 : i32
        %add3A_194 = arith.constant 2 : i32
        %add3A_195 = arith.addi %add3A_193, %add3A_194 : i32
        %dma_start3A_196 = arith.constant 0 : i32
        %dma_start3A_197 = tpu.memref_slice %arg7[%add3A_195, %dma_start3A_196] : memref<80x125xi32, #tpu.memory_space<vmem>> -> memref<1x125xi32, #tpu.memory_space<vmem>>
        %dma_start3A_198 = tpu.memref_squeeze %dma_start3A_197 : memref<1x125xi32, #tpu.memory_space<vmem>> -> memref<125xi32, #tpu.memory_space<vmem>>
        %dma_start3A_199 = arith.constant 0 : i32
        %dma_start3A_200 = arith.constant 0 : i32
        %dma_start3A_201 = tpu.memref_slice %arg2[%dma_start3A_199, %dma_start3A_200] : memref<10000x72xf32, #tpu.memory_space<hbm>> -> memref<10000x72xf32, #tpu.memory_space<hbm>>
        tpu.enqueue_indirect_dma source(%dma_start3A_201 : memref<10000x72xf32, #tpu.memory_space<hbm>>) target(%arg10 : memref<125x72xf32, #tpu.memory_space<vmem>>) offsets(%dma_start3A_198 : memref<125xi32, #tpu.memory_space<vmem>>) semaphore(%arg18 : memref<!tpu.dma_semaphore, #tpu.memory_space<semaphore_mem>>)
        %dma_start3A_202 = arith.constant 0 : i32
        %dma_start3A_203 = tpu.memref_slice %arg8[%add3A_195, %dma_start3A_202] : memref<80x125xi32, #tpu.memory_space<vmem>> -> memref<1x125xi32, #tpu.memory_space<vmem>>
        %dma_start3A_204 = tpu.memref_squeeze %dma_start3A_203 : memref<1x125xi32, #tpu.memory_space<vmem>> -> memref<125xi32, #tpu.memory_space<vmem>>
        %dma_start3A_205 = arith.constant 0 : i32
        %dma_start3A_206 = arith.constant 0 : i32
        %dma_start3A_207 = tpu.memref_slice %arg3[%dma_start3A_205, %dma_start3A_206] : memref<10000x16xf32, #tpu.memory_space<hbm>> -> memref<10000x16xf32, #tpu.memory_space<hbm>>
        tpu.enqueue_indirect_dma source(%dma_start3A_207 : memref<10000x16xf32, #tpu.memory_space<hbm>>) target(%arg12 : memref<125x16xf32, #tpu.memory_space<vmem>>) offsets(%dma_start3A_204 : memref<125xi32, #tpu.memory_space<vmem>>) semaphore(%arg20 : memref<!tpu.dma_semaphore, #tpu.memory_space<semaphore_mem>>)
      } else {
      }
    }
    %scan3A_81 = arith.constant 40 : i32
    %dma_wait3A = arith.constant 0 : i32
    %dma_wait3A_82 = arith.constant 0 : i32
    %dma_wait3A_83 = tpu.memref_slice %arg8[%dma_wait3A, %dma_wait3A_82] : memref<80x125xi32, #tpu.memory_space<vmem>> -> memref<1x125xi32, #tpu.memory_space<vmem>>
    %dma_wait3A_84 = tpu.memref_squeeze %dma_wait3A_83 : memref<1x125xi32, #tpu.memory_space<vmem>> -> memref<125xi32, #tpu.memory_space<vmem>>
    %dma_wait3A_85 = arith.constant 0 : i32
    %dma_wait3A_86 = arith.constant 0 : i32
    %dma_wait3A_87 = tpu.memref_slice %arg16[%dma_wait3A_85, %dma_wait3A_86] : memref<10000x72xf32, #tpu.memory_space<vmem_shared>> -> memref<10000x72xf32, #tpu.memory_space<vmem_shared>>
    tpu.wait_indirect_dma semaphore(%arg21 : memref<!tpu.dma_semaphore, #tpu.memory_space<semaphore_mem>>) src(%arg13 : memref<125x72xf32, #tpu.memory_space<vmem>>) dst(%dma_wait3A_87 : memref<10000x72xf32, #tpu.memory_space<vmem_shared>>)
    %dma_wait3A_88 = arith.constant 0 : i32
    %dma_wait3A_89 = arith.constant 0 : i32
    %dma_wait3A_90 = tpu.memref_slice %arg8[%dma_wait3A_88, %dma_wait3A_89] : memref<80x125xi32, #tpu.memory_space<vmem>> -> memref<1x125xi32, #tpu.memory_space<vmem>>
    %dma_wait3A_91 = tpu.memref_squeeze %dma_wait3A_90 : memref<1x125xi32, #tpu.memory_space<vmem>> -> memref<125xi32, #tpu.memory_space<vmem>>
    %dma_wait3A_92 = arith.constant 0 : i32
    %dma_wait3A_93 = arith.constant 0 : i32
    %dma_wait3A_94 = tpu.memref_slice %arg16[%dma_wait3A_92, %dma_wait3A_93] : memref<10000x72xf32, #tpu.memory_space<vmem_shared>> -> memref<10000x72xf32, #tpu.memory_space<vmem_shared>>
    tpu.wait_indirect_dma semaphore(%arg22 : memref<!tpu.dma_semaphore, #tpu.memory_space<semaphore_mem>>) src(%arg14 : memref<125x72xf32, #tpu.memory_space<vmem>>) dst(%dma_wait3A_94 : memref<10000x72xf32, #tpu.memory_space<vmem_shared>>)
    %barrier3A_95 = arith.constant 0 : index
    tpu.barrier barrier_id(%barrier3A_95)
    %mul3A_96 = arith.constant 625 : i32
    %mul3A_97 = arith.muli %arg1, %mul3A_96 : i32
    %add3A_98 = arith.constant 0 : i32
    %add3A_99 = arith.addi %mul3A_97, %add3A_98 : i32
    "tpu.region"() ({
      %run_scoped3A = tpu.sem_alloc : memref<!tpu.dma_semaphore, #tpu.memory_space<semaphore_mem>>
      %dma_start3A_116 = arith.constant 0 : i32
      %dma_start3A_117 = tpu.memref_slice %arg16[%add3A_99, %dma_start3A_116] : memref<10000x72xf32, #tpu.memory_space<vmem_shared>> -> memref<125x72xf32, #tpu.memory_space<vmem_shared>>
      %dma_start3A_118 = arith.constant 0 : i32
      %dma_start3A_119 = tpu.memref_slice %arg16[%add3A_99, %dma_start3A_118] : memref<10000x72xf32, #tpu.memory_space<vmem_shared>> -> memref<125x72xf32, #tpu.memory_space<vmem_shared>>
      tpu.enqueue_dma source(%dma_start3A_119 : memref<125x72xf32, #tpu.memory_space<vmem_shared>>) target(%arg15 : memref<125x72xf32, #tpu.memory_space<vmem>>) target_semaphore(%run_scoped3A : memref<!tpu.dma_semaphore, #tpu.memory_space<semaphore_mem>>)
      %dma_wait3A_120 = arith.constant 0 : i32
      %dma_wait3A_121 = tpu.memref_slice %arg16[%add3A_99, %dma_wait3A_120] : memref<10000x72xf32, #tpu.memory_space<vmem_shared>> -> memref<125x72xf32, #tpu.memory_space<vmem_shared>>
      %dma_wait3A_122 = arith.constant 0 : i32
      %dma_wait3A_123 = tpu.memref_slice %arg16[%add3A_99, %dma_wait3A_122] : memref<10000x72xf32, #tpu.memory_space<vmem_shared>> -> memref<125x72xf32, #tpu.memory_space<vmem_shared>>
      tpu.wait_dma2 semaphore(%run_scoped3A : memref<!tpu.dma_semaphore, #tpu.memory_space<semaphore_mem>>) src(%dma_wait3A_123 : memref<125x72xf32, #tpu.memory_space<vmem_shared>>) dst(%arg15 : memref<125x72xf32, #tpu.memory_space<vmem>>)
      tpu.yield
    }) : () -> ()
    "tpu.region"() ({
      %run_scoped3A = tpu.sem_alloc : memref<!tpu.dma_semaphore, #tpu.memory_space<semaphore_mem>>
      %dma_start3A_116 = arith.constant 0 : i32
      %dma_start3A_117 = arith.constant 0 : i32
      %dma_start3A_118 = tpu.memref_slice %arg6[%arg0, %dma_start3A_116, %dma_start3A_117] : memref<2x10000x72xf32, #tpu.memory_space<hbm>> -> memref<1x10000x72xf32, #tpu.memory_space<hbm>>
      %dma_start3A_119 = tpu.memref_squeeze %dma_start3A_118 : memref<1x10000x72xf32, #tpu.memory_space<hbm>> -> memref<10000x72xf32, #tpu.memory_space<hbm>>
      %dma_start3A_120 = arith.constant 0 : i32
      %dma_start3A_121 = tpu.memref_slice %dma_start3A_119[%add3A_99, %dma_start3A_120] : memref<10000x72xf32, #tpu.memory_space<hbm>> -> memref<125x72xf32, #tpu.memory_space<hbm>>
      %dma_start3A_122 = arith.constant 0 : i32
      %dma_start3A_123 = arith.constant 0 : i32
      %dma_start3A_124 = tpu.memref_slice %arg6[%arg0, %dma_start3A_122, %dma_start3A_123] : memref<2x10000x72xf32, #tpu.memory_space<hbm>> -> memref<1x10000x72xf32, #tpu.memory_space<hbm>>
      %dma_start3A_125 = tpu.memref_squeeze %dma_start3A_124 : memref<1x10000x72xf32, #tpu.memory_space<hbm>> -> memref<10000x72xf32, #tpu.memory_space<hbm>>
      %dma_start3A_126 = arith.constant 0 : i32
      %dma_start3A_127 = tpu.memref_slice %dma_start3A_125[%add3A_99, %dma_start3A_126] : memref<10000x72xf32, #tpu.memory_space<hbm>> -> memref<125x72xf32, #tpu.memory_space<hbm>>
      tpu.enqueue_dma source(%arg15 : memref<125x72xf32, #tpu.memory_space<vmem>>) target(%dma_start3A_127 : memref<125x72xf32, #tpu.memory_space<hbm>>) target_semaphore(%run_scoped3A : memref<!tpu.dma_semaphore, #tpu.memory_space<semaphore_mem>>)
      %dma_wait3A_128 = arith.constant 0 : i32
      %dma_wait3A_129 = arith.constant 0 : i32
      %dma_wait3A_130 = tpu.memref_slice %arg6[%arg0, %dma_wait3A_128, %dma_wait3A_129] : memref<2x10000x72xf32, #tpu.memory_space<hbm>> -> memref<1x10000x72xf32, #tpu.memory_space<hbm>>
      %dma_wait3A_131 = tpu.memref_squeeze %dma_wait3A_130 : memref<1x10000x72xf32, #tpu.memory_space<hbm>> -> memref<10000x72xf32, #tpu.memory_space<hbm>>
      %dma_wait3A_132 = arith.constant 0 : i32
      %dma_wait3A_133 = tpu.memref_slice %dma_wait3A_131[%add3A_99, %dma_wait3A_132] : memref<10000x72xf32, #tpu.memory_space<hbm>> -> memref<125x72xf32, #tpu.memory_space<hbm>>
      %dma_wait3A_134 = arith.constant 0 : i32
      %dma_wait3A_135 = arith.constant 0 : i32
      %dma_wait3A_136 = tpu.memref_slice %arg6[%arg0, %dma_wait3A_134, %dma_wait3A_135] : memref<2x10000x72xf32, #tpu.memory_space<hbm>> -> memref<1x10000x72xf32, #tpu.memory_space<hbm>>
      %dma_wait3A_137 = tpu.memref_squeeze %dma_wait3A_136 : memref<1x10000x72xf32, #tpu.memory_space<hbm>> -> memref<10000x72xf32, #tpu.memory_space<hbm>>
      %dma_wait3A_138 = arith.constant 0 : i32
      %dma_wait3A_139 = tpu.memref_slice %dma_wait3A_137[%add3A_99, %dma_wait3A_138] : memref<10000x72xf32, #tpu.memory_space<hbm>> -> memref<125x72xf32, #tpu.memory_space<hbm>>
      tpu.wait_dma2 semaphore(%run_scoped3A : memref<!tpu.dma_semaphore, #tpu.memory_space<semaphore_mem>>) src(%arg15 : memref<125x72xf32, #tpu.memory_space<vmem>>) dst(%dma_wait3A_139 : memref<125x72xf32, #tpu.memory_space<hbm>>)
      tpu.yield
    }) : () -> ()
    %mul3A_100 = arith.constant 625 : i32
    %mul3A_101 = arith.muli %arg1, %mul3A_100 : i32
    %add3A_102 = arith.constant 125 : i32
    %add3A_103 = arith.addi %mul3A_101, %add3A_102 : i32
    "tpu.region"() ({
      %run_scoped3A = tpu.sem_alloc : memref<!tpu.dma_semaphore, #tpu.memory_space<semaphore_mem>>
      %dma_start3A_116 = arith.constant 0 : i32
      %dma_start3A_117 = tpu.memref_slice %arg16[%add3A_103, %dma_start3A_116] : memref<10000x72xf32, #tpu.memory_space<vmem_shared>> -> memref<125x72xf32, #tpu.memory_space<vmem_shared>>
      %dma_start3A_118 = arith.constant 0 : i32
      %dma_start3A_119 = tpu.memref_slice %arg16[%add3A_103, %dma_start3A_118] : memref<10000x72xf32, #tpu.memory_space<vmem_shared>> -> memref<125x72xf32, #tpu.memory_space<vmem_shared>>
      tpu.enqueue_dma source(%dma_start3A_119 : memref<125x72xf32, #tpu.memory_space<vmem_shared>>) target(%arg15 : memref<125x72xf32, #tpu.memory_space<vmem>>) target_semaphore(%run_scoped3A : memref<!tpu.dma_semaphore, #tpu.memory_space<semaphore_mem>>)
      %dma_wait3A_120 = arith.constant 0 : i32
      %dma_wait3A_121 = tpu.memref_slice %arg16[%add3A_103, %dma_wait3A_120] : memref<10000x72xf32, #tpu.memory_space<vmem_shared>> -> memref<125x72xf32, #tpu.memory_space<vmem_shared>>
      %dma_wait3A_122 = arith.constant 0 : i32
      %dma_wait3A_123 = tpu.memref_slice %arg16[%add3A_103, %dma_wait3A_122] : memref<10000x72xf32, #tpu.memory_space<vmem_shared>> -> memref<125x72xf32, #tpu.memory_space<vmem_shared>>
      tpu.wait_dma2 semaphore(%run_scoped3A : memref<!tpu.dma_semaphore, #tpu.memory_space<semaphore_mem>>) src(%dma_wait3A_123 : memref<125x72xf32, #tpu.memory_space<vmem_shared>>) dst(%arg15 : memref<125x72xf32, #tpu.memory_space<vmem>>)
      tpu.yield
    }) : () -> ()
    "tpu.region"() ({
      %run_scoped3A = tpu.sem_alloc : memref<!tpu.dma_semaphore, #tpu.memory_space<semaphore_mem>>
      %dma_start3A_116 = arith.constant 0 : i32
      %dma_start3A_117 = arith.constant 0 : i32
      %dma_start3A_118 = tpu.memref_slice %arg6[%arg0, %dma_start3A_116, %dma_start3A_117] : memref<2x10000x72xf32, #tpu.memory_space<hbm>> -> memref<1x10000x72xf32, #tpu.memory_space<hbm>>
      %dma_start3A_119 = tpu.memref_squeeze %dma_start3A_118 : memref<1x10000x72xf32, #tpu.memory_space<hbm>> -> memref<10000x72xf32, #tpu.memory_space<hbm>>
      %dma_start3A_120 = arith.constant 0 : i32
      %dma_start3A_121 = tpu.memref_slice %dma_start3A_119[%add3A_103, %dma_start3A_120] : memref<10000x72xf32, #tpu.memory_space<hbm>> -> memref<125x72xf32, #tpu.memory_space<hbm>>
      %dma_start3A_122 = arith.constant 0 : i32
      %dma_start3A_123 = arith.constant 0 : i32
      %dma_start3A_124 = tpu.memref_slice %arg6[%arg0, %dma_start3A_122, %dma_start3A_123] : memref<2x10000x72xf32, #tpu.memory_space<hbm>> -> memref<1x10000x72xf32, #tpu.memory_space<hbm>>
      %dma_start3A_125 = tpu.memref_squeeze %dma_start3A_124 : memref<1x10000x72xf32, #tpu.memory_space<hbm>> -> memref<10000x72xf32, #tpu.memory_space<hbm>>
      %dma_start3A_126 = arith.constant 0 : i32
      %dma_start3A_127 = tpu.memref_slice %dma_start3A_125[%add3A_103, %dma_start3A_126] : memref<10000x72xf32, #tpu.memory_space<hbm>> -> memref<125x72xf32, #tpu.memory_space<hbm>>
      tpu.enqueue_dma source(%arg15 : memref<125x72xf32, #tpu.memory_space<vmem>>) target(%dma_start3A_127 : memref<125x72xf32, #tpu.memory_space<hbm>>) target_semaphore(%run_scoped3A : memref<!tpu.dma_semaphore, #tpu.memory_space<semaphore_mem>>)
      %dma_wait3A_128 = arith.constant 0 : i32
      %dma_wait3A_129 = arith.constant 0 : i32
      %dma_wait3A_130 = tpu.memref_slice %arg6[%arg0, %dma_wait3A_128, %dma_wait3A_129] : memref<2x10000x72xf32, #tpu.memory_space<hbm>> -> memref<1x10000x72xf32, #tpu.memory_space<hbm>>
      %dma_wait3A_131 = tpu.memref_squeeze %dma_wait3A_130 : memref<1x10000x72xf32, #tpu.memory_space<hbm>> -> memref<10000x72xf32, #tpu.memory_space<hbm>>
      %dma_wait3A_132 = arith.constant 0 : i32
      %dma_wait3A_133 = tpu.memref_slice %dma_wait3A_131[%add3A_103, %dma_wait3A_132] : memref<10000x72xf32, #tpu.memory_space<hbm>> -> memref<125x72xf32, #tpu.memory_space<hbm>>
      %dma_wait3A_134 = arith.constant 0 : i32
      %dma_wait3A_135 = arith.constant 0 : i32
      %dma_wait3A_136 = tpu.memref_slice %arg6[%arg0, %dma_wait3A_134, %dma_wait3A_135] : memref<2x10000x72xf32, #tpu.memory_space<hbm>> -> memref<1x10000x72xf32, #tpu.memory_space<hbm>>
      %dma_wait3A_137 = tpu.memref_squeeze %dma_wait3A_136 : memref<1x10000x72xf32, #tpu.memory_space<hbm>> -> memref<10000x72xf32, #tpu.memory_space<hbm>>
      %dma_wait3A_138 = arith.constant 0 : i32
      %dma_wait3A_139 = tpu.memref_slice %dma_wait3A_137[%add3A_103, %dma_wait3A_138] : memref<10000x72xf32, #tpu.memory_space<hbm>> -> memref<125x72xf32, #tpu.memory_space<hbm>>
      tpu.wait_dma2 semaphore(%run_scoped3A : memref<!tpu.dma_semaphore, #tpu.memory_space<semaphore_mem>>) src(%arg15 : memref<125x72xf32, #tpu.memory_space<vmem>>) dst(%dma_wait3A_139 : memref<125x72xf32, #tpu.memory_space<hbm>>)
      tpu.yield
    }) : () -> ()
    %mul3A_104 = arith.constant 625 : i32
    %mul3A_105 = arith.muli %arg1, %mul3A_104 : i32
    %add3A_106 = arith.constant 250 : i32
    %add3A_107 = arith.addi %mul3A_105, %add3A_106 : i32
    "tpu.region"() ({
      %run_scoped3A = tpu.sem_alloc : memref<!tpu.dma_semaphore, #tpu.memory_space<semaphore_mem>>
      %dma_start3A_116 = arith.constant 0 : i32
      %dma_start3A_117 = tpu.memref_slice %arg16[%add3A_107, %dma_start3A_116] : memref<10000x72xf32, #tpu.memory_space<vmem_shared>> -> memref<125x72xf32, #tpu.memory_space<vmem_shared>>
      %dma_start3A_118 = arith.constant 0 : i32
      %dma_start3A_119 = tpu.memref_slice %arg16[%add3A_107, %dma_start3A_118] : memref<10000x72xf32, #tpu.memory_space<vmem_shared>> -> memref<125x72xf32, #tpu.memory_space<vmem_shared>>
      tpu.enqueue_dma source(%dma_start3A_119 : memref<125x72xf32, #tpu.memory_space<vmem_shared>>) target(%arg15 : memref<125x72xf32, #tpu.memory_space<vmem>>) target_semaphore(%run_scoped3A : memref<!tpu.dma_semaphore, #tpu.memory_space<semaphore_mem>>)
      %dma_wait3A_120 = arith.constant 0 : i32
      %dma_wait3A_121 = tpu.memref_slice %arg16[%add3A_107, %dma_wait3A_120] : memref<10000x72xf32, #tpu.memory_space<vmem_shared>> -> memref<125x72xf32, #tpu.memory_space<vmem_shared>>
      %dma_wait3A_122 = arith.constant 0 : i32
      %dma_wait3A_123 = tpu.memref_slice %arg16[%add3A_107, %dma_wait3A_122] : memref<10000x72xf32, #tpu.memory_space<vmem_shared>> -> memref<125x72xf32, #tpu.memory_space<vmem_shared>>
      tpu.wait_dma2 semaphore(%run_scoped3A : memref<!tpu.dma_semaphore, #tpu.memory_space<semaphore_mem>>) src(%dma_wait3A_123 : memref<125x72xf32, #tpu.memory_space<vmem_shared>>) dst(%arg15 : memref<125x72xf32, #tpu.memory_space<vmem>>)
      tpu.yield
    }) : () -> ()
    "tpu.region"() ({
      %run_scoped3A = tpu.sem_alloc : memref<!tpu.dma_semaphore, #tpu.memory_space<semaphore_mem>>
      %dma_start3A_116 = arith.constant 0 : i32
      %dma_start3A_117 = arith.constant 0 : i32
      %dma_start3A_118 = tpu.memref_slice %arg6[%arg0, %dma_start3A_116, %dma_start3A_117] : memref<2x10000x72xf32, #tpu.memory_space<hbm>> -> memref<1x10000x72xf32, #tpu.memory_space<hbm>>
      %dma_start3A_119 = tpu.memref_squeeze %dma_start3A_118 : memref<1x10000x72xf32, #tpu.memory_space<hbm>> -> memref<10000x72xf32, #tpu.memory_space<hbm>>
      %dma_start3A_120 = arith.constant 0 : i32
      %dma_start3A_121 = tpu.memref_slice %dma_start3A_119[%add3A_107, %dma_start3A_120] : memref<10000x72xf32, #tpu.memory_space<hbm>> -> memref<125x72xf32, #tpu.memory_space<hbm>>
      %dma_start3A_122 = arith.constant 0 : i32
      %dma_start3A_123 = arith.constant 0 : i32
      %dma_start3A_124 = tpu.memref_slice %arg6[%arg0, %dma_start3A_122, %dma_start3A_123] : memref<2x10000x72xf32, #tpu.memory_space<hbm>> -> memref<1x10000x72xf32, #tpu.memory_space<hbm>>
      %dma_start3A_125 = tpu.memref_squeeze %dma_start3A_124 : memref<1x10000x72xf32, #tpu.memory_space<hbm>> -> memref<10000x72xf32, #tpu.memory_space<hbm>>
      %dma_start3A_126 = arith.constant 0 : i32
      %dma_start3A_127 = tpu.memref_slice %dma_start3A_125[%add3A_107, %dma_start3A_126] : memref<10000x72xf32, #tpu.memory_space<hbm>> -> memref<125x72xf32, #tpu.memory_space<hbm>>
      tpu.enqueue_dma source(%arg15 : memref<125x72xf32, #tpu.memory_space<vmem>>) target(%dma_start3A_127 : memref<125x72xf32, #tpu.memory_space<hbm>>) target_semaphore(%run_scoped3A : memref<!tpu.dma_semaphore, #tpu.memory_space<semaphore_mem>>)
      %dma_wait3A_128 = arith.constant 0 : i32
      %dma_wait3A_129 = arith.constant 0 : i32
      %dma_wait3A_130 = tpu.memref_slice %arg6[%arg0, %dma_wait3A_128, %dma_wait3A_129] : memref<2x10000x72xf32, #tpu.memory_space<hbm>> -> memref<1x10000x72xf32, #tpu.memory_space<hbm>>
      %dma_wait3A_131 = tpu.memref_squeeze %dma_wait3A_130 : memref<1x10000x72xf32, #tpu.memory_space<hbm>> -> memref<10000x72xf32, #tpu.memory_space<hbm>>
      %dma_wait3A_132 = arith.constant 0 : i32
      %dma_wait3A_133 = tpu.memref_slice %dma_wait3A_131[%add3A_107, %dma_wait3A_132] : memref<10000x72xf32, #tpu.memory_space<hbm>> -> memref<125x72xf32, #tpu.memory_space<hbm>>
      %dma_wait3A_134 = arith.constant 0 : i32
      %dma_wait3A_135 = arith.constant 0 : i32
      %dma_wait3A_136 = tpu.memref_slice %arg6[%arg0, %dma_wait3A_134, %dma_wait3A_135] : memref<2x10000x72xf32, #tpu.memory_space<hbm>> -> memref<1x10000x72xf32, #tpu.memory_space<hbm>>
      %dma_wait3A_137 = tpu.memref_squeeze %dma_wait3A_136 : memref<1x10000x72xf32, #tpu.memory_space<hbm>> -> memref<10000x72xf32, #tpu.memory_space<hbm>>
      %dma_wait3A_138 = arith.constant 0 : i32
      %dma_wait3A_139 = tpu.memref_slice %dma_wait3A_137[%add3A_107, %dma_wait3A_138] : memref<10000x72xf32, #tpu.memory_space<hbm>> -> memref<125x72xf32, #tpu.memory_space<hbm>>
      tpu.wait_dma2 semaphore(%run_scoped3A : memref<!tpu.dma_semaphore, #tpu.memory_space<semaphore_mem>>) src(%arg15 : memref<125x72xf32, #tpu.memory_space<vmem>>) dst(%dma_wait3A_139 : memref<125x72xf32, #tpu.memory_space<hbm>>)
      tpu.yield
    }) : () -> ()
    %mul3A_108 = arith.constant 625 : i32
    %mul3A_109 = arith.muli %arg1, %mul3A_108 : i32
    %add3A_110 = arith.constant 375 : i32
    %add3A_111 = arith.addi %mul3A_109, %add3A_110 : i32
    "tpu.region"() ({
      %run_scoped3A = tpu.sem_alloc : memref<!tpu.dma_semaphore, #tpu.memory_space<semaphore_mem>>
      %dma_start3A_116 = arith.constant 0 : i32
      %dma_start3A_117 = tpu.memref_slice %arg16[%add3A_111, %dma_start3A_116] : memref<10000x72xf32, #tpu.memory_space<vmem_shared>> -> memref<125x72xf32, #tpu.memory_space<vmem_shared>>
      %dma_start3A_118 = arith.constant 0 : i32
      %dma_start3A_119 = tpu.memref_slice %arg16[%add3A_111, %dma_start3A_118] : memref<10000x72xf32, #tpu.memory_space<vmem_shared>> -> memref<125x72xf32, #tpu.memory_space<vmem_shared>>
      tpu.enqueue_dma source(%dma_start3A_119 : memref<125x72xf32, #tpu.memory_space<vmem_shared>>) target(%arg15 : memref<125x72xf32, #tpu.memory_space<vmem>>) target_semaphore(%run_scoped3A : memref<!tpu.dma_semaphore, #tpu.memory_space<semaphore_mem>>)
      %dma_wait3A_120 = arith.constant 0 : i32
      %dma_wait3A_121 = tpu.memref_slice %arg16[%add3A_111, %dma_wait3A_120] : memref<10000x72xf32, #tpu.memory_space<vmem_shared>> -> memref<125x72xf32, #tpu.memory_space<vmem_shared>>
      %dma_wait3A_122 = arith.constant 0 : i32
      %dma_wait3A_123 = tpu.memref_slice %arg16[%add3A_111, %dma_wait3A_122] : memref<10000x72xf32, #tpu.memory_space<vmem_shared>> -> memref<125x72xf32, #tpu.memory_space<vmem_shared>>
      tpu.wait_dma2 semaphore(%run_scoped3A : memref<!tpu.dma_semaphore, #tpu.memory_space<semaphore_mem>>) src(%dma_wait3A_123 : memref<125x72xf32, #tpu.memory_space<vmem_shared>>) dst(%arg15 : memref<125x72xf32, #tpu.memory_space<vmem>>)
      tpu.yield
    }) : () -> ()
    "tpu.region"() ({
      %run_scoped3A = tpu.sem_alloc : memref<!tpu.dma_semaphore, #tpu.memory_space<semaphore_mem>>
      %dma_start3A_116 = arith.constant 0 : i32
      %dma_start3A_117 = arith.constant 0 : i32
      %dma_start3A_118 = tpu.memref_slice %arg6[%arg0, %dma_start3A_116, %dma_start3A_117] : memref<2x10000x72xf32, #tpu.memory_space<hbm>> -> memref<1x10000x72xf32, #tpu.memory_space<hbm>>
      %dma_start3A_119 = tpu.memref_squeeze %dma_start3A_118 : memref<1x10000x72xf32, #tpu.memory_space<hbm>> -> memref<10000x72xf32, #tpu.memory_space<hbm>>
      %dma_start3A_120 = arith.constant 0 : i32
      %dma_start3A_121 = tpu.memref_slice %dma_start3A_119[%add3A_111, %dma_start3A_120] : memref<10000x72xf32, #tpu.memory_space<hbm>> -> memref<125x72xf32, #tpu.memory_space<hbm>>
      %dma_start3A_122 = arith.constant 0 : i32
      %dma_start3A_123 = arith.constant 0 : i32
      %dma_start3A_124 = tpu.memref_slice %arg6[%arg0, %dma_start3A_122, %dma_start3A_123] : memref<2x10000x72xf32, #tpu.memory_space<hbm>> -> memref<1x10000x72xf32, #tpu.memory_space<hbm>>
      %dma_start3A_125 = tpu.memref_squeeze %dma_start3A_124 : memref<1x10000x72xf32, #tpu.memory_space<hbm>> -> memref<10000x72xf32, #tpu.memory_space<hbm>>
      %dma_start3A_126 = arith.constant 0 : i32
      %dma_start3A_127 = tpu.memref_slice %dma_start3A_125[%add3A_111, %dma_start3A_126] : memref<10000x72xf32, #tpu.memory_space<hbm>> -> memref<125x72xf32, #tpu.memory_space<hbm>>
      tpu.enqueue_dma source(%arg15 : memref<125x72xf32, #tpu.memory_space<vmem>>) target(%dma_start3A_127 : memref<125x72xf32, #tpu.memory_space<hbm>>) target_semaphore(%run_scoped3A : memref<!tpu.dma_semaphore, #tpu.memory_space<semaphore_mem>>)
      %dma_wait3A_128 = arith.constant 0 : i32
      %dma_wait3A_129 = arith.constant 0 : i32
      %dma_wait3A_130 = tpu.memref_slice %arg6[%arg0, %dma_wait3A_128, %dma_wait3A_129] : memref<2x10000x72xf32, #tpu.memory_space<hbm>> -> memref<1x10000x72xf32, #tpu.memory_space<hbm>>
      %dma_wait3A_131 = tpu.memref_squeeze %dma_wait3A_130 : memref<1x10000x72xf32, #tpu.memory_space<hbm>> -> memref<10000x72xf32, #tpu.memory_space<hbm>>
      %dma_wait3A_132 = arith.constant 0 : i32
      %dma_wait3A_133 = tpu.memref_slice %dma_wait3A_131[%add3A_111, %dma_wait3A_132] : memref<10000x72xf32, #tpu.memory_space<hbm>> -> memref<125x72xf32, #tpu.memory_space<hbm>>
      %dma_wait3A_134 = arith.constant 0 : i32
      %dma_wait3A_135 = arith.constant 0 : i32
      %dma_wait3A_136 = tpu.memref_slice %arg6[%arg0, %dma_wait3A_134, %dma_wait3A_135] : memref<2x10000x72xf32, #tpu.memory_space<hbm>> -> memref<1x10000x72xf32, #tpu.memory_space<hbm>>
      %dma_wait3A_137 = tpu.memref_squeeze %dma_wait3A_136 : memref<1x10000x72xf32, #tpu.memory_space<hbm>> -> memref<10000x72xf32, #tpu.memory_space<hbm>>
      %dma_wait3A_138 = arith.constant 0 : i32
      %dma_wait3A_139 = tpu.memref_slice %dma_wait3A_137[%add3A_111, %dma_wait3A_138] : memref<10000x72xf32, #tpu.memory_space<hbm>> -> memref<125x72xf32, #tpu.memory_space<hbm>>
      tpu.wait_dma2 semaphore(%run_scoped3A : memref<!tpu.dma_semaphore, #tpu.memory_space<semaphore_mem>>) src(%arg15 : memref<125x72xf32, #tpu.memory_space<vmem>>) dst(%dma_wait3A_139 : memref<125x72xf32, #tpu.memory_space<hbm>>)
      tpu.yield
    }) : () -> ()
    %mul3A_112 = arith.constant 625 : i32
    %mul3A_113 = arith.muli %arg1, %mul3A_112 : i32
    %add3A_114 = arith.constant 500 : i32
    %add3A_115 = arith.addi %mul3A_113, %add3A_114 : i32
    "tpu.region"() ({
      %run_scoped3A = tpu.sem_alloc : memref<!tpu.dma_semaphore, #tpu.memory_space<semaphore_mem>>
      %dma_start3A_116 = arith.constant 0 : i32
      %dma_start3A_117 = tpu.memref_slice %arg16[%add3A_115, %dma_start3A_116] : memref<10000x72xf32, #tpu.memory_space<vmem_shared>> -> memref<125x72xf32, #tpu.memory_space<vmem_shared>>
      %dma_start3A_118 = arith.constant 0 : i32
      %dma_start3A_119 = tpu.memref_slice %arg16[%add3A_115, %dma_start3A_118] : memref<10000x72xf32, #tpu.memory_space<vmem_shared>> -> memref<125x72xf32, #tpu.memory_space<vmem_shared>>
      tpu.enqueue_dma source(%dma_start3A_119 : memref<125x72xf32, #tpu.memory_space<vmem_shared>>) target(%arg15 : memref<125x72xf32, #tpu.memory_space<vmem>>) target_semaphore(%run_scoped3A : memref<!tpu.dma_semaphore, #tpu.memory_space<semaphore_mem>>)
      %dma_wait3A_120 = arith.constant 0 : i32
      %dma_wait3A_121 = tpu.memref_slice %arg16[%add3A_115, %dma_wait3A_120] : memref<10000x72xf32, #tpu.memory_space<vmem_shared>> -> memref<125x72xf32, #tpu.memory_space<vmem_shared>>
      %dma_wait3A_122 = arith.constant 0 : i32
      %dma_wait3A_123 = tpu.memref_slice %arg16[%add3A_115, %dma_wait3A_122] : memref<10000x72xf32, #tpu.memory_space<vmem_shared>> -> memref<125x72xf32, #tpu.memory_space<vmem_shared>>
      tpu.wait_dma2 semaphore(%run_scoped3A : memref<!tpu.dma_semaphore, #tpu.memory_space<semaphore_mem>>) src(%dma_wait3A_123 : memref<125x72xf32, #tpu.memory_space<vmem_shared>>) dst(%arg15 : memref<125x72xf32, #tpu.memory_space<vmem>>)
      tpu.yield
    }) : () -> ()
    "tpu.region"() ({
      %run_scoped3A = tpu.sem_alloc : memref<!tpu.dma_semaphore, #tpu.memory_space<semaphore_mem>>
      %dma_start3A_116 = arith.constant 0 : i32
      %dma_start3A_117 = arith.constant 0 : i32
      %dma_start3A_118 = tpu.memref_slice %arg6[%arg0, %dma_start3A_116, %dma_start3A_117] : memref<2x10000x72xf32, #tpu.memory_space<hbm>> -> memref<1x10000x72xf32, #tpu.memory_space<hbm>>
      %dma_start3A_119 = tpu.memref_squeeze %dma_start3A_118 : memref<1x10000x72xf32, #tpu.memory_space<hbm>> -> memref<10000x72xf32, #tpu.memory_space<hbm>>
      %dma_start3A_120 = arith.constant 0 : i32
      %dma_start3A_121 = tpu.memref_slice %dma_start3A_119[%add3A_115, %dma_start3A_120] : memref<10000x72xf32, #tpu.memory_space<hbm>> -> memref<125x72xf32, #tpu.memory_space<hbm>>
      %dma_start3A_122 = arith.constant 0 : i32
      %dma_start3A_123 = arith.constant 0 : i32
      %dma_start3A_124 = tpu.memref_slice %arg6[%arg0, %dma_start3A_122, %dma_start3A_123] : memref<2x10000x72xf32, #tpu.memory_space<hbm>> -> memref<1x10000x72xf32, #tpu.memory_space<hbm>>
      %dma_start3A_125 = tpu.memref_squeeze %dma_start3A_124 : memref<1x10000x72xf32, #tpu.memory_space<hbm>> -> memref<10000x72xf32, #tpu.memory_space<hbm>>
      %dma_start3A_126 = arith.constant 0 : i32
      %dma_start3A_127 = tpu.memref_slice %dma_start3A_125[%add3A_115, %dma_start3A_126] : memref<10000x72xf32, #tpu.memory_space<hbm>> -> memref<125x72xf32, #tpu.memory_space<hbm>>
      tpu.enqueue_dma source(%arg15 : memref<125x72xf32, #tpu.memory_space<vmem>>) target(%dma_start3A_127 : memref<125x72xf32, #tpu.memory_space<hbm>>) target_semaphore(%run_scoped3A : memref<!tpu.dma_semaphore, #tpu.memory_space<semaphore_mem>>)
      %dma_wait3A_128 = arith.constant 0 : i32
      %dma_wait3A_129 = arith.constant 0 : i32
      %dma_wait3A_130 = tpu.memref_slice %arg6[%arg0, %dma_wait3A_128, %dma_wait3A_129] : memref<2x10000x72xf32, #tpu.memory_space<hbm>> -> memref<1x10000x72xf32, #tpu.memory_space<hbm>>
      %dma_wait3A_131 = tpu.memref_squeeze %dma_wait3A_130 : memref<1x10000x72xf32, #tpu.memory_space<hbm>> -> memref<10000x72xf32, #tpu.memory_space<hbm>>
      %dma_wait3A_132 = arith.constant 0 : i32
      %dma_wait3A_133 = tpu.memref_slice %dma_wait3A_131[%add3A_115, %dma_wait3A_132] : memref<10000x72xf32, #tpu.memory_space<hbm>> -> memref<125x72xf32, #tpu.memory_space<hbm>>
      %dma_wait3A_134 = arith.constant 0 : i32
      %dma_wait3A_135 = arith.constant 0 : i32
      %dma_wait3A_136 = tpu.memref_slice %arg6[%arg0, %dma_wait3A_134, %dma_wait3A_135] : memref<2x10000x72xf32, #tpu.memory_space<hbm>> -> memref<1x10000x72xf32, #tpu.memory_space<hbm>>
      %dma_wait3A_137 = tpu.memref_squeeze %dma_wait3A_136 : memref<1x10000x72xf32, #tpu.memory_space<hbm>> -> memref<10000x72xf32, #tpu.memory_space<hbm>>
      %dma_wait3A_138 = arith.constant 0 : i32
      %dma_wait3A_139 = tpu.memref_slice %dma_wait3A_137[%add3A_115, %dma_wait3A_138] : memref<10000x72xf32, #tpu.memory_space<hbm>> -> memref<125x72xf32, #tpu.memory_space<hbm>>
      tpu.wait_dma2 semaphore(%run_scoped3A : memref<!tpu.dma_semaphore, #tpu.memory_space<semaphore_mem>>) src(%arg15 : memref<125x72xf32, #tpu.memory_space<vmem>>) dst(%dma_wait3A_139 : memref<125x72xf32, #tpu.memory_space<hbm>>)
      tpu.yield
    }) : () -> ()
    return
  }
}

#map = affine_map<(d0, d1) -> (0, 0)>
#map1 = affine_map<(d0, d1) -> (0, 0, 0)>
module attributes {stable_mosaic.version = 14 : i64} {
  func.func @k(%arg0: i32, %arg1: i32, %arg2: memref<10000x16xf32, #tpu.memory_space<hbm>>, %arg3: memref<10000x16xf32, #tpu.memory_space<hbm>>, %arg4: memref<32x80x125xi32, #tpu.memory_space<hbm>>, %arg5: memref<32x80x125xi32, #tpu.memory_space<hbm>>, %arg6: memref<2x10000x16xf32, #tpu.memory_space<hbm>>, %arg7: memref<80x125xi32, #tpu.memory_space<vmem>>, %arg8: memref<80x125xi32, #tpu.memory_space<vmem>>, %arg9: memref<125x16xf32, #tpu.memory_space<vmem>>, %arg10: memref<125x16xf32, #tpu.memory_space<vmem>>, %arg11: memref<125x16xf32, #tpu.memory_space<vmem>>, %arg12: memref<125x16xf32, #tpu.memory_space<vmem>>, %arg13: memref<125x16xf32, #tpu.memory_space<vmem>>, %arg14: memref<125x16xf32, #tpu.memory_space<vmem>>, %arg15: memref<125x16xf32, #tpu.memory_space<vmem>>, %arg16: memref<125x16xf32, #tpu.memory_space<vmem>>, %arg17: memref<125x16xf32, #tpu.memory_space<vmem>>, %arg18: memref<125x16xf32, #tpu.memory_space<vmem>>, %arg19: memref<125x16xf32, #tpu.memory_space<vmem>>, %arg20: memref<125x16xf32, #tpu.memory_space<vmem>>, %arg21: memref<125x16xf32, #tpu.memory_space<vmem>>, %arg22: memref<10000x16xf32, #tpu.memory_space<vmem_shared>>, %arg23: memref<!tpu.dma_semaphore, #tpu.memory_space<semaphore_mem>>, %arg24: memref<!tpu.dma_semaphore, #tpu.memory_space<semaphore_mem>>, %arg25: memref<!tpu.dma_semaphore, #tpu.memory_space<semaphore_mem>>, %arg26: memref<!tpu.dma_semaphore, #tpu.memory_space<semaphore_mem>>, %arg27: memref<!tpu.dma_semaphore, #tpu.memory_space<semaphore_mem>>, %arg28: memref<!tpu.dma_semaphore, #tpu.memory_space<semaphore_mem>>, %arg29: memref<!tpu.dma_semaphore, #tpu.memory_space<semaphore_mem>>, %arg30: memref<!tpu.dma_semaphore, #tpu.memory_space<semaphore_mem>>, %arg31: memref<!tpu.dma_semaphore, #tpu.memory_space<semaphore_mem>>, %arg32: memref<!tpu.dma_semaphore, #tpu.memory_space<semaphore_mem>>, %arg33: memref<!tpu.dma_semaphore, #tpu.memory_space<semaphore_mem>>, %arg34: memref<!tpu.dma_semaphore, #tpu.memory_space<semaphore_mem>>) attributes {dimension_semantics = [#tpu.dimension_semantics<core_parallel>, #tpu.dimension_semantics<subcore_parallel>], iteration_bounds = array<i64: 2, 16>, scalar_prefetch = 0 : i64, scratch_operands = 28 : i64, tpu.core_type = #tpu.core_type<sc_vector_subcore>, window_params = [{transform_indices = #map}, {transform_indices = #map}, {transform_indices = #map1}, {transform_indices = #map1}, {transform_indices = #map1}]} {
    %mul3A = arith.constant 2 : i32
    %mul3A_0 = arith.muli %arg1, %mul3A : i32
    %add3A = arith.addi %mul3A_0, %arg0 : i32
    %iota3A = tpu.iota {dimensions = array<i32: 0>} : vector<16xi32>
    %mul3A_1 = arith.constant 0 : i32
    %mul3A_2 = vector.broadcast %mul3A_1 : i32 to vector<16xi32>
    %mul3A_3 = arith.muli %iota3A, %mul3A_2 : vector<16xi32>
    %add3A_4 = arith.constant 8 : i32
    %add3A_5 = vector.broadcast %add3A_4 : i32 to vector<16xi32>
    %add3A_6 = arith.addi %mul3A_3, %add3A_5 : vector<16xi32>
    %scan3A = arith.constant 0 : i32
    %scan3A_7 = arith.constant 0 : i32
    %scan3A_8 = arith.constant 125 : i32
    %scan3A_9 = arith.addi %scan3A_7, %scan3A_8 : i32
    %scan3A_10 = arith.constant 1 : i32
    scf.for %scan3A_141 = %scan3A_7 to %scan3A_9 step %scan3A_10  : i32 {
      %broadcast_in_dim3A = arith.constant 0.000000e+00 : f32
      %broadcast_in_dim3A_142 = vector.broadcast %broadcast_in_dim3A : f32 to vector<16xf32>
      %swap3A = arith.index_cast %scan3A_141 : i32 to index
      %swap3A_143 = arith.constant 0 : index
      %swap3A_144 = tpu.vector_load %arg21[%swap3A, %swap3A_143] {strides = array<i32>} : memref<125x16xf32, #tpu.memory_space<vmem>>, vector<16xf32>,
      tpu.vector_store %arg21[%swap3A, %swap3A_143], %broadcast_in_dim3A_142 {strides = array<i32>} : memref<125x16xf32, #tpu.memory_space<vmem>>, vector<16xf32>,
    }
    %scan3A_11 = arith.constant 125 : i32
    %mul3A_12 = arith.constant 625 : i32
    %mul3A_13 = arith.muli %arg1, %mul3A_12 : i32
    %add3A_14 = arith.constant 0 : i32
    %add3A_15 = arith.addi %mul3A_13, %add3A_14 : i32
    "tpu.region"() ({
      %run_scoped3A = tpu.sem_alloc : memref<!tpu.dma_semaphore, #tpu.memory_space<semaphore_mem>>
      %dma_start3A_141 = arith.constant 0 : i32
      %dma_start3A_142 = tpu.memref_slice %arg22[%add3A_15, %dma_start3A_141] : memref<10000x16xf32, #tpu.memory_space<vmem_shared>> -> memref<125x16xf32, #tpu.memory_space<vmem_shared>>
      %dma_start3A_143 = arith.constant 0 : i32
      %dma_start3A_144 = tpu.memref_slice %arg22[%add3A_15, %dma_start3A_143] : memref<10000x16xf32, #tpu.memory_space<vmem_shared>> -> memref<125x16xf32, #tpu.memory_space<vmem_shared>>
      tpu.enqueue_dma source(%arg21 : memref<125x16xf32, #tpu.memory_space<vmem>>) target(%dma_start3A_144 : memref<125x16xf32, #tpu.memory_space<vmem_shared>>) target_semaphore(%run_scoped3A : memref<!tpu.dma_semaphore, #tpu.memory_space<semaphore_mem>>)
      %dma_wait3A_145 = arith.constant 0 : i32
      %dma_wait3A_146 = tpu.memref_slice %arg22[%add3A_15, %dma_wait3A_145] : memref<10000x16xf32, #tpu.memory_space<vmem_shared>> -> memref<125x16xf32, #tpu.memory_space<vmem_shared>>
      %dma_wait3A_147 = arith.constant 0 : i32
      %dma_wait3A_148 = tpu.memref_slice %arg22[%add3A_15, %dma_wait3A_147] : memref<10000x16xf32, #tpu.memory_space<vmem_shared>> -> memref<125x16xf32, #tpu.memory_space<vmem_shared>>
      tpu.wait_dma2 semaphore(%run_scoped3A : memref<!tpu.dma_semaphore, #tpu.memory_space<semaphore_mem>>) src(%arg21 : memref<125x16xf32, #tpu.memory_space<vmem>>) dst(%dma_wait3A_148 : memref<125x16xf32, #tpu.memory_space<vmem_shared>>)
      tpu.yield
    }) : () -> ()
    %mul3A_16 = arith.constant 625 : i32
    %mul3A_17 = arith.muli %arg1, %mul3A_16 : i32
    %add3A_18 = arith.constant 125 : i32
    %add3A_19 = arith.addi %mul3A_17, %add3A_18 : i32
    "tpu.region"() ({
      %run_scoped3A = tpu.sem_alloc : memref<!tpu.dma_semaphore, #tpu.memory_space<semaphore_mem>>
      %dma_start3A_141 = arith.constant 0 : i32
      %dma_start3A_142 = tpu.memref_slice %arg22[%add3A_19, %dma_start3A_141] : memref<10000x16xf32, #tpu.memory_space<vmem_shared>> -> memref<125x16xf32, #tpu.memory_space<vmem_shared>>
      %dma_start3A_143 = arith.constant 0 : i32
      %dma_start3A_144 = tpu.memref_slice %arg22[%add3A_19, %dma_start3A_143] : memref<10000x16xf32, #tpu.memory_space<vmem_shared>> -> memref<125x16xf32, #tpu.memory_space<vmem_shared>>
      tpu.enqueue_dma source(%arg21 : memref<125x16xf32, #tpu.memory_space<vmem>>) target(%dma_start3A_144 : memref<125x16xf32, #tpu.memory_space<vmem_shared>>) target_semaphore(%run_scoped3A : memref<!tpu.dma_semaphore, #tpu.memory_space<semaphore_mem>>)
      %dma_wait3A_145 = arith.constant 0 : i32
      %dma_wait3A_146 = tpu.memref_slice %arg22[%add3A_19, %dma_wait3A_145] : memref<10000x16xf32, #tpu.memory_space<vmem_shared>> -> memref<125x16xf32, #tpu.memory_space<vmem_shared>>
      %dma_wait3A_147 = arith.constant 0 : i32
      %dma_wait3A_148 = tpu.memref_slice %arg22[%add3A_19, %dma_wait3A_147] : memref<10000x16xf32, #tpu.memory_space<vmem_shared>> -> memref<125x16xf32, #tpu.memory_space<vmem_shared>>
      tpu.wait_dma2 semaphore(%run_scoped3A : memref<!tpu.dma_semaphore, #tpu.memory_space<semaphore_mem>>) src(%arg21 : memref<125x16xf32, #tpu.memory_space<vmem>>) dst(%dma_wait3A_148 : memref<125x16xf32, #tpu.memory_space<vmem_shared>>)
      tpu.yield
    }) : () -> ()
    %mul3A_20 = arith.constant 625 : i32
    %mul3A_21 = arith.muli %arg1, %mul3A_20 : i32
    %add3A_22 = arith.constant 250 : i32
    %add3A_23 = arith.addi %mul3A_21, %add3A_22 : i32
    "tpu.region"() ({
      %run_scoped3A = tpu.sem_alloc : memref<!tpu.dma_semaphore, #tpu.memory_space<semaphore_mem>>
      %dma_start3A_141 = arith.constant 0 : i32
      %dma_start3A_142 = tpu.memref_slice %arg22[%add3A_23, %dma_start3A_141] : memref<10000x16xf32, #tpu.memory_space<vmem_shared>> -> memref<125x16xf32, #tpu.memory_space<vmem_shared>>
      %dma_start3A_143 = arith.constant 0 : i32
      %dma_start3A_144 = tpu.memref_slice %arg22[%add3A_23, %dma_start3A_143] : memref<10000x16xf32, #tpu.memory_space<vmem_shared>> -> memref<125x16xf32, #tpu.memory_space<vmem_shared>>
      tpu.enqueue_dma source(%arg21 : memref<125x16xf32, #tpu.memory_space<vmem>>) target(%dma_start3A_144 : memref<125x16xf32, #tpu.memory_space<vmem_shared>>) target_semaphore(%run_scoped3A : memref<!tpu.dma_semaphore, #tpu.memory_space<semaphore_mem>>)
      %dma_wait3A_145 = arith.constant 0 : i32
      %dma_wait3A_146 = tpu.memref_slice %arg22[%add3A_23, %dma_wait3A_145] : memref<10000x16xf32, #tpu.memory_space<vmem_shared>> -> memref<125x16xf32, #tpu.memory_space<vmem_shared>>
      %dma_wait3A_147 = arith.constant 0 : i32
      %dma_wait3A_148 = tpu.memref_slice %arg22[%add3A_23, %dma_wait3A_147] : memref<10000x16xf32, #tpu.memory_space<vmem_shared>> -> memref<125x16xf32, #tpu.memory_space<vmem_shared>>
      tpu.wait_dma2 semaphore(%run_scoped3A : memref<!tpu.dma_semaphore, #tpu.memory_space<semaphore_mem>>) src(%arg21 : memref<125x16xf32, #tpu.memory_space<vmem>>) dst(%dma_wait3A_148 : memref<125x16xf32, #tpu.memory_space<vmem_shared>>)
      tpu.yield
    }) : () -> ()
    %mul3A_24 = arith.constant 625 : i32
    %mul3A_25 = arith.muli %arg1, %mul3A_24 : i32
    %add3A_26 = arith.constant 375 : i32
    %add3A_27 = arith.addi %mul3A_25, %add3A_26 : i32
    "tpu.region"() ({
      %run_scoped3A = tpu.sem_alloc : memref<!tpu.dma_semaphore, #tpu.memory_space<semaphore_mem>>
      %dma_start3A_141 = arith.constant 0 : i32
      %dma_start3A_142 = tpu.memref_slice %arg22[%add3A_27, %dma_start3A_141] : memref<10000x16xf32, #tpu.memory_space<vmem_shared>> -> memref<125x16xf32, #tpu.memory_space<vmem_shared>>
      %dma_start3A_143 = arith.constant 0 : i32
      %dma_start3A_144 = tpu.memref_slice %arg22[%add3A_27, %dma_start3A_143] : memref<10000x16xf32, #tpu.memory_space<vmem_shared>> -> memref<125x16xf32, #tpu.memory_space<vmem_shared>>
      tpu.enqueue_dma source(%arg21 : memref<125x16xf32, #tpu.memory_space<vmem>>) target(%dma_start3A_144 : memref<125x16xf32, #tpu.memory_space<vmem_shared>>) target_semaphore(%run_scoped3A : memref<!tpu.dma_semaphore, #tpu.memory_space<semaphore_mem>>)
      %dma_wait3A_145 = arith.constant 0 : i32
      %dma_wait3A_146 = tpu.memref_slice %arg22[%add3A_27, %dma_wait3A_145] : memref<10000x16xf32, #tpu.memory_space<vmem_shared>> -> memref<125x16xf32, #tpu.memory_space<vmem_shared>>
      %dma_wait3A_147 = arith.constant 0 : i32
      %dma_wait3A_148 = tpu.memref_slice %arg22[%add3A_27, %dma_wait3A_147] : memref<10000x16xf32, #tpu.memory_space<vmem_shared>> -> memref<125x16xf32, #tpu.memory_space<vmem_shared>>
      tpu.wait_dma2 semaphore(%run_scoped3A : memref<!tpu.dma_semaphore, #tpu.memory_space<semaphore_mem>>) src(%arg21 : memref<125x16xf32, #tpu.memory_space<vmem>>) dst(%dma_wait3A_148 : memref<125x16xf32, #tpu.memory_space<vmem_shared>>)
      tpu.yield
    }) : () -> ()
    %mul3A_28 = arith.constant 625 : i32
    %mul3A_29 = arith.muli %arg1, %mul3A_28 : i32
    %add3A_30 = arith.constant 500 : i32
    %add3A_31 = arith.addi %mul3A_29, %add3A_30 : i32
    "tpu.region"() ({
      %run_scoped3A = tpu.sem_alloc : memref<!tpu.dma_semaphore, #tpu.memory_space<semaphore_mem>>
      %dma_start3A_141 = arith.constant 0 : i32
      %dma_start3A_142 = tpu.memref_slice %arg22[%add3A_31, %dma_start3A_141] : memref<10000x16xf32, #tpu.memory_space<vmem_shared>> -> memref<125x16xf32, #tpu.memory_space<vmem_shared>>
      %dma_start3A_143 = arith.constant 0 : i32
      %dma_start3A_144 = tpu.memref_slice %arg22[%add3A_31, %dma_start3A_143] : memref<10000x16xf32, #tpu.memory_space<vmem_shared>> -> memref<125x16xf32, #tpu.memory_space<vmem_shared>>
      tpu.enqueue_dma source(%arg21 : memref<125x16xf32, #tpu.memory_space<vmem>>) target(%dma_start3A_144 : memref<125x16xf32, #tpu.memory_space<vmem_shared>>) target_semaphore(%run_scoped3A : memref<!tpu.dma_semaphore, #tpu.memory_space<semaphore_mem>>)
      %dma_wait3A_145 = arith.constant 0 : i32
      %dma_wait3A_146 = tpu.memref_slice %arg22[%add3A_31, %dma_wait3A_145] : memref<10000x16xf32, #tpu.memory_space<vmem_shared>> -> memref<125x16xf32, #tpu.memory_space<vmem_shared>>
      %dma_wait3A_147 = arith.constant 0 : i32
      %dma_wait3A_148 = tpu.memref_slice %arg22[%add3A_31, %dma_wait3A_147] : memref<10000x16xf32, #tpu.memory_space<vmem_shared>> -> memref<125x16xf32, #tpu.memory_space<vmem_shared>>
      tpu.wait_dma2 semaphore(%run_scoped3A : memref<!tpu.dma_semaphore, #tpu.memory_space<semaphore_mem>>) src(%arg21 : memref<125x16xf32, #tpu.memory_space<vmem>>) dst(%dma_wait3A_148 : memref<125x16xf32, #tpu.memory_space<vmem_shared>>)
      tpu.yield
    }) : () -> ()
    %barrier3A = arith.constant 0 : index
    tpu.barrier barrier_id(%barrier3A)
    "tpu.region"() ({
      %run_scoped3A = tpu.sem_alloc : memref<!tpu.dma_semaphore, #tpu.memory_space<semaphore_mem>>
      %dma_start3A_141 = arith.constant 0 : i32
      %dma_start3A_142 = arith.constant 0 : i32
      %dma_start3A_143 = tpu.memref_slice %arg4[%add3A, %dma_start3A_141, %dma_start3A_142] : memref<32x80x125xi32, #tpu.memory_space<hbm>> -> memref<1x80x125xi32, #tpu.memory_space<hbm>>
      %dma_start3A_144 = tpu.memref_squeeze %dma_start3A_143 : memref<1x80x125xi32, #tpu.memory_space<hbm>> -> memref<80x125xi32, #tpu.memory_space<hbm>>
      %dma_start3A_145 = arith.constant 0 : i32
      %dma_start3A_146 = arith.constant 0 : i32
      %dma_start3A_147 = tpu.memref_slice %arg4[%add3A, %dma_start3A_145, %dma_start3A_146] : memref<32x80x125xi32, #tpu.memory_space<hbm>> -> memref<1x80x125xi32, #tpu.memory_space<hbm>>
      %dma_start3A_148 = tpu.memref_squeeze %dma_start3A_147 : memref<1x80x125xi32, #tpu.memory_space<hbm>> -> memref<80x125xi32, #tpu.memory_space<hbm>>
      tpu.enqueue_dma source(%dma_start3A_148 : memref<80x125xi32, #tpu.memory_space<hbm>>) target(%arg7 : memref<80x125xi32, #tpu.memory_space<vmem>>) target_semaphore(%run_scoped3A : memref<!tpu.dma_semaphore, #tpu.memory_space<semaphore_mem>>)
      %dma_wait3A_149 = arith.constant 0 : i32
      %dma_wait3A_150 = arith.constant 0 : i32
      %dma_wait3A_151 = tpu.memref_slice %arg4[%add3A, %dma_wait3A_149, %dma_wait3A_150] : memref<32x80x125xi32, #tpu.memory_space<hbm>> -> memref<1x80x125xi32, #tpu.memory_space<hbm>>
      %dma_wait3A_152 = tpu.memref_squeeze %dma_wait3A_151 : memref<1x80x125xi32, #tpu.memory_space<hbm>> -> memref<80x125xi32, #tpu.memory_space<hbm>>
      %dma_wait3A_153 = arith.constant 0 : i32
      %dma_wait3A_154 = arith.constant 0 : i32
      %dma_wait3A_155 = tpu.memref_slice %arg4[%add3A, %dma_wait3A_153, %dma_wait3A_154] : memref<32x80x125xi32, #tpu.memory_space<hbm>> -> memref<1x80x125xi32, #tpu.memory_space<hbm>>
      %dma_wait3A_156 = tpu.memref_squeeze %dma_wait3A_155 : memref<1x80x125xi32, #tpu.memory_space<hbm>> -> memref<80x125xi32, #tpu.memory_space<hbm>>
      tpu.wait_dma2 semaphore(%run_scoped3A : memref<!tpu.dma_semaphore, #tpu.memory_space<semaphore_mem>>) src(%dma_wait3A_156 : memref<80x125xi32, #tpu.memory_space<hbm>>) dst(%arg7 : memref<80x125xi32, #tpu.memory_space<vmem>>)
      tpu.yield
    }) : () -> ()
    "tpu.region"() ({
      %run_scoped3A = tpu.sem_alloc : memref<!tpu.dma_semaphore, #tpu.memory_space<semaphore_mem>>
      %dma_start3A_141 = arith.constant 0 : i32
      %dma_start3A_142 = arith.constant 0 : i32
      %dma_start3A_143 = tpu.memref_slice %arg5[%add3A, %dma_start3A_141, %dma_start3A_142] : memref<32x80x125xi32, #tpu.memory_space<hbm>> -> memref<1x80x125xi32, #tpu.memory_space<hbm>>
      %dma_start3A_144 = tpu.memref_squeeze %dma_start3A_143 : memref<1x80x125xi32, #tpu.memory_space<hbm>> -> memref<80x125xi32, #tpu.memory_space<hbm>>
      %dma_start3A_145 = arith.constant 0 : i32
      %dma_start3A_146 = arith.constant 0 : i32
      %dma_start3A_147 = tpu.memref_slice %arg5[%add3A, %dma_start3A_145, %dma_start3A_146] : memref<32x80x125xi32, #tpu.memory_space<hbm>> -> memref<1x80x125xi32, #tpu.memory_space<hbm>>
      %dma_start3A_148 = tpu.memref_squeeze %dma_start3A_147 : memref<1x80x125xi32, #tpu.memory_space<hbm>> -> memref<80x125xi32, #tpu.memory_space<hbm>>
      tpu.enqueue_dma source(%dma_start3A_148 : memref<80x125xi32, #tpu.memory_space<hbm>>) target(%arg8 : memref<80x125xi32, #tpu.memory_space<vmem>>) target_semaphore(%run_scoped3A : memref<!tpu.dma_semaphore, #tpu.memory_space<semaphore_mem>>)
      %dma_wait3A_149 = arith.constant 0 : i32
      %dma_wait3A_150 = arith.constant 0 : i32
      %dma_wait3A_151 = tpu.memref_slice %arg5[%add3A, %dma_wait3A_149, %dma_wait3A_150] : memref<32x80x125xi32, #tpu.memory_space<hbm>> -> memref<1x80x125xi32, #tpu.memory_space<hbm>>
      %dma_wait3A_152 = tpu.memref_squeeze %dma_wait3A_151 : memref<1x80x125xi32, #tpu.memory_space<hbm>> -> memref<80x125xi32, #tpu.memory_space<hbm>>
      %dma_wait3A_153 = arith.constant 0 : i32
      %dma_wait3A_154 = arith.constant 0 : i32
      %dma_wait3A_155 = tpu.memref_slice %arg5[%add3A, %dma_wait3A_153, %dma_wait3A_154] : memref<32x80x125xi32, #tpu.memory_space<hbm>> -> memref<1x80x125xi32, #tpu.memory_space<hbm>>
      %dma_wait3A_156 = tpu.memref_squeeze %dma_wait3A_155 : memref<1x80x125xi32, #tpu.memory_space<hbm>> -> memref<80x125xi32, #tpu.memory_space<hbm>>
      tpu.wait_dma2 semaphore(%run_scoped3A : memref<!tpu.dma_semaphore, #tpu.memory_space<semaphore_mem>>) src(%dma_wait3A_156 : memref<80x125xi32, #tpu.memory_space<hbm>>) dst(%arg8 : memref<80x125xi32, #tpu.memory_space<vmem>>)
      tpu.yield
    }) : () -> ()
    %dma_start3A = arith.constant 0 : i32
    %dma_start3A_32 = arith.constant 0 : i32
    %dma_start3A_33 = tpu.memref_slice %arg7[%dma_start3A, %dma_start3A_32] : memref<80x125xi32, #tpu.memory_space<vmem>> -> memref<1x125xi32, #tpu.memory_space<vmem>>
    %dma_start3A_34 = tpu.memref_squeeze %dma_start3A_33 : memref<1x125xi32, #tpu.memory_space<vmem>> -> memref<125xi32, #tpu.memory_space<vmem>>
    %dma_start3A_35 = arith.constant 0 : i32
    %dma_start3A_36 = arith.constant 0 : i32
    %dma_start3A_37 = tpu.memref_slice %arg2[%dma_start3A_35, %dma_start3A_36] : memref<10000x16xf32, #tpu.memory_space<hbm>> -> memref<10000x16xf32, #tpu.memory_space<hbm>>
    tpu.enqueue_indirect_dma source(%dma_start3A_37 : memref<10000x16xf32, #tpu.memory_space<hbm>>) target(%arg9 : memref<125x16xf32, #tpu.memory_space<vmem>>) offsets(%dma_start3A_34 : memref<125xi32, #tpu.memory_space<vmem>>) semaphore(%arg23 : memref<!tpu.dma_semaphore, #tpu.memory_space<semaphore_mem>>)
    %dma_start3A_38 = arith.constant 0 : i32
    %dma_start3A_39 = arith.constant 0 : i32
    %dma_start3A_40 = tpu.memref_slice %arg8[%dma_start3A_38, %dma_start3A_39] : memref<80x125xi32, #tpu.memory_space<vmem>> -> memref<1x125xi32, #tpu.memory_space<vmem>>
    %dma_start3A_41 = tpu.memref_squeeze %dma_start3A_40 : memref<1x125xi32, #tpu.memory_space<vmem>> -> memref<125xi32, #tpu.memory_space<vmem>>
    %dma_start3A_42 = arith.constant 0 : i32
    %dma_start3A_43 = arith.constant 0 : i32
    %dma_start3A_44 = tpu.memref_slice %arg3[%dma_start3A_42, %dma_start3A_43] : memref<10000x16xf32, #tpu.memory_space<hbm>> -> memref<10000x16xf32, #tpu.memory_space<hbm>>
    tpu.enqueue_indirect_dma source(%dma_start3A_44 : memref<10000x16xf32, #tpu.memory_space<hbm>>) target(%arg13 : memref<125x16xf32, #tpu.memory_space<vmem>>) offsets(%dma_start3A_41 : memref<125xi32, #tpu.memory_space<vmem>>) semaphore(%arg27 : memref<!tpu.dma_semaphore, #tpu.memory_space<semaphore_mem>>)
    %dma_start3A_45 = arith.constant 1 : i32
    %dma_start3A_46 = arith.constant 0 : i32
    %dma_start3A_47 = tpu.memref_slice %arg7[%dma_start3A_45, %dma_start3A_46] : memref<80x125xi32, #tpu.memory_space<vmem>> -> memref<1x125xi32, #tpu.memory_space<vmem>>
    %dma_start3A_48 = tpu.memref_squeeze %dma_start3A_47 : memref<1x125xi32, #tpu.memory_space<vmem>> -> memref<125xi32, #tpu.memory_space<vmem>>
    %dma_start3A_49 = arith.constant 0 : i32
    %dma_start3A_50 = arith.constant 0 : i32
    %dma_start3A_51 = tpu.memref_slice %arg2[%dma_start3A_49, %dma_start3A_50] : memref<10000x16xf32, #tpu.memory_space<hbm>> -> memref<10000x16xf32, #tpu.memory_space<hbm>>
    tpu.enqueue_indirect_dma source(%dma_start3A_51 : memref<10000x16xf32, #tpu.memory_space<hbm>>) target(%arg10 : memref<125x16xf32, #tpu.memory_space<vmem>>) offsets(%dma_start3A_48 : memref<125xi32, #tpu.memory_space<vmem>>) semaphore(%arg24 : memref<!tpu.dma_semaphore, #tpu.memory_space<semaphore_mem>>)
    %dma_start3A_52 = arith.constant 1 : i32
    %dma_start3A_53 = arith.constant 0 : i32
    %dma_start3A_54 = tpu.memref_slice %arg8[%dma_start3A_52, %dma_start3A_53] : memref<80x125xi32, #tpu.memory_space<vmem>> -> memref<1x125xi32, #tpu.memory_space<vmem>>
    %dma_start3A_55 = tpu.memref_squeeze %dma_start3A_54 : memref<1x125xi32, #tpu.memory_space<vmem>> -> memref<125xi32, #tpu.memory_space<vmem>>
    %dma_start3A_56 = arith.constant 0 : i32
    %dma_start3A_57 = arith.constant 0 : i32
    %dma_start3A_58 = tpu.memref_slice %arg3[%dma_start3A_56, %dma_start3A_57] : memref<10000x16xf32, #tpu.memory_space<hbm>> -> memref<10000x16xf32, #tpu.memory_space<hbm>>
    tpu.enqueue_indirect_dma source(%dma_start3A_58 : memref<10000x16xf32, #tpu.memory_space<hbm>>) target(%arg14 : memref<125x16xf32, #tpu.memory_space<vmem>>) offsets(%dma_start3A_55 : memref<125xi32, #tpu.memory_space<vmem>>) semaphore(%arg28 : memref<!tpu.dma_semaphore, #tpu.memory_space<semaphore_mem>>)
    %dma_start3A_59 = arith.constant 2 : i32
    %dma_start3A_60 = arith.constant 0 : i32
    %dma_start3A_61 = tpu.memref_slice %arg7[%dma_start3A_59, %dma_start3A_60] : memref<80x125xi32, #tpu.memory_space<vmem>> -> memref<1x125xi32, #tpu.memory_space<vmem>>
    %dma_start3A_62 = tpu.memref_squeeze %dma_start3A_61 : memref<1x125xi32, #tpu.memory_space<vmem>> -> memref<125xi32, #tpu.memory_space<vmem>>
    %dma_start3A_63 = arith.constant 0 : i32
    %dma_start3A_64 = arith.constant 0 : i32
    %dma_start3A_65 = tpu.memref_slice %arg2[%dma_start3A_63, %dma_start3A_64] : memref<10000x16xf32, #tpu.memory_space<hbm>> -> memref<10000x16xf32, #tpu.memory_space<hbm>>
    tpu.enqueue_indirect_dma source(%dma_start3A_65 : memref<10000x16xf32, #tpu.memory_space<hbm>>) target(%arg11 : memref<125x16xf32, #tpu.memory_space<vmem>>) offsets(%dma_start3A_62 : memref<125xi32, #tpu.memory_space<vmem>>) semaphore(%arg25 : memref<!tpu.dma_semaphore, #tpu.memory_space<semaphore_mem>>)
    %dma_start3A_66 = arith.constant 2 : i32
    %dma_start3A_67 = arith.constant 0 : i32
    %dma_start3A_68 = tpu.memref_slice %arg8[%dma_start3A_66, %dma_start3A_67] : memref<80x125xi32, #tpu.memory_space<vmem>> -> memref<1x125xi32, #tpu.memory_space<vmem>>
    %dma_start3A_69 = tpu.memref_squeeze %dma_start3A_68 : memref<1x125xi32, #tpu.memory_space<vmem>> -> memref<125xi32, #tpu.memory_space<vmem>>
    %dma_start3A_70 = arith.constant 0 : i32
    %dma_start3A_71 = arith.constant 0 : i32
    %dma_start3A_72 = tpu.memref_slice %arg3[%dma_start3A_70, %dma_start3A_71] : memref<10000x16xf32, #tpu.memory_space<hbm>> -> memref<10000x16xf32, #tpu.memory_space<hbm>>
    tpu.enqueue_indirect_dma source(%dma_start3A_72 : memref<10000x16xf32, #tpu.memory_space<hbm>>) target(%arg15 : memref<125x16xf32, #tpu.memory_space<vmem>>) offsets(%dma_start3A_69 : memref<125xi32, #tpu.memory_space<vmem>>) semaphore(%arg29 : memref<!tpu.dma_semaphore, #tpu.memory_space<semaphore_mem>>)
    %dma_start3A_73 = arith.constant 3 : i32
    %dma_start3A_74 = arith.constant 0 : i32
    %dma_start3A_75 = tpu.memref_slice %arg7[%dma_start3A_73, %dma_start3A_74] : memref<80x125xi32, #tpu.memory_space<vmem>> -> memref<1x125xi32, #tpu.memory_space<vmem>>
    %dma_start3A_76 = tpu.memref_squeeze %dma_start3A_75 : memref<1x125xi32, #tpu.memory_space<vmem>> -> memref<125xi32, #tpu.memory_space<vmem>>
    %dma_start3A_77 = arith.constant 0 : i32
    %dma_start3A_78 = arith.constant 0 : i32
    %dma_start3A_79 = tpu.memref_slice %arg2[%dma_start3A_77, %dma_start3A_78] : memref<10000x16xf32, #tpu.memory_space<hbm>> -> memref<10000x16xf32, #tpu.memory_space<hbm>>
    tpu.enqueue_indirect_dma source(%dma_start3A_79 : memref<10000x16xf32, #tpu.memory_space<hbm>>) target(%arg12 : memref<125x16xf32, #tpu.memory_space<vmem>>) offsets(%dma_start3A_76 : memref<125xi32, #tpu.memory_space<vmem>>) semaphore(%arg26 : memref<!tpu.dma_semaphore, #tpu.memory_space<semaphore_mem>>)
    %dma_start3A_80 = arith.constant 3 : i32
    %dma_start3A_81 = arith.constant 0 : i32
    %dma_start3A_82 = tpu.memref_slice %arg8[%dma_start3A_80, %dma_start3A_81] : memref<80x125xi32, #tpu.memory_space<vmem>> -> memref<1x125xi32, #tpu.memory_space<vmem>>
    %dma_start3A_83 = tpu.memref_squeeze %dma_start3A_82 : memref<1x125xi32, #tpu.memory_space<vmem>> -> memref<125xi32, #tpu.memory_space<vmem>>
    %dma_start3A_84 = arith.constant 0 : i32
    %dma_start3A_85 = arith.constant 0 : i32
    %dma_start3A_86 = tpu.memref_slice %arg3[%dma_start3A_84, %dma_start3A_85] : memref<10000x16xf32, #tpu.memory_space<hbm>> -> memref<10000x16xf32, #tpu.memory_space<hbm>>
    tpu.enqueue_indirect_dma source(%dma_start3A_86 : memref<10000x16xf32, #tpu.memory_space<hbm>>) target(%arg16 : memref<125x16xf32, #tpu.memory_space<vmem>>) offsets(%dma_start3A_83 : memref<125xi32, #tpu.memory_space<vmem>>) semaphore(%arg30 : memref<!tpu.dma_semaphore, #tpu.memory_space<semaphore_mem>>)
    %scan3A_87 = arith.constant 0 : i32
    %scan3A_88 = arith.constant 0 : i32
    %scan3A_89 = arith.constant 20 : i32
    %scan3A_90 = arith.addi %scan3A_88, %scan3A_89 : i32
    %scan3A_91 = arith.constant 1 : i32
    scf.for %scan3A_141 = %scan3A_88 to %scan3A_90 step %scan3A_91  : i32 {
      %mul3A_142 = arith.constant 4 : i32
      %mul3A_143 = arith.muli %scan3A_141, %mul3A_142 : i32
      %dma_wait3A_144 = arith.constant 0 : i32
      %dma_wait3A_145 = arith.constant 0 : i32
      %dma_wait3A_146 = tpu.memref_slice %arg7[%dma_wait3A_144, %dma_wait3A_145] : memref<80x125xi32, #tpu.memory_space<vmem>> -> memref<1x125xi32, #tpu.memory_space<vmem>>
      %dma_wait3A_147 = tpu.memref_squeeze %dma_wait3A_146 : memref<1x125xi32, #tpu.memory_space<vmem>> -> memref<125xi32, #tpu.memory_space<vmem>>
      %dma_wait3A_148 = arith.constant 0 : i32
      %dma_wait3A_149 = arith.constant 0 : i32
      %dma_wait3A_150 = tpu.memref_slice %arg2[%dma_wait3A_148, %dma_wait3A_149] : memref<10000x16xf32, #tpu.memory_space<hbm>> -> memref<10000x16xf32, #tpu.memory_space<hbm>>
      tpu.wait_indirect_dma semaphore(%arg23 : memref<!tpu.dma_semaphore, #tpu.memory_space<semaphore_mem>>) src(%dma_wait3A_150 : memref<10000x16xf32, #tpu.memory_space<hbm>>) dst(%arg9 : memref<125x16xf32, #tpu.memory_space<vmem>>)
      %dma_wait3A_151 = arith.constant 0 : i32
      %dma_wait3A_152 = arith.constant 0 : i32
      %dma_wait3A_153 = tpu.memref_slice %arg8[%dma_wait3A_151, %dma_wait3A_152] : memref<80x125xi32, #tpu.memory_space<vmem>> -> memref<1x125xi32, #tpu.memory_space<vmem>>
      %dma_wait3A_154 = tpu.memref_squeeze %dma_wait3A_153 : memref<1x125xi32, #tpu.memory_space<vmem>> -> memref<125xi32, #tpu.memory_space<vmem>>
      %dma_wait3A_155 = arith.constant 0 : i32
      %dma_wait3A_156 = arith.constant 0 : i32
      %dma_wait3A_157 = tpu.memref_slice %arg3[%dma_wait3A_155, %dma_wait3A_156] : memref<10000x16xf32, #tpu.memory_space<hbm>> -> memref<10000x16xf32, #tpu.memory_space<hbm>>
      tpu.wait_indirect_dma semaphore(%arg27 : memref<!tpu.dma_semaphore, #tpu.memory_space<semaphore_mem>>) src(%dma_wait3A_157 : memref<10000x16xf32, #tpu.memory_space<hbm>>) dst(%arg13 : memref<125x16xf32, #tpu.memory_space<vmem>>)
      %gt3A = arith.constant 0 : i32
      %gt3A_158 = arith.cmpi sgt, %scan3A_141, %gt3A : i32
      %convert_element_type3A = arith.extui %gt3A_158 : i1 to i32
      %cond3A = arith.constant 0 : i32
      %cond3A_159 = arith.cmpi ne, %convert_element_type3A, %cond3A : i32
      scf.if %cond3A_159 {
        %dma_wait3A_295 = arith.constant 0 : i32
        %dma_wait3A_296 = arith.constant 0 : i32
        %dma_wait3A_297 = tpu.memref_slice %arg8[%dma_wait3A_295, %dma_wait3A_296] : memref<80x125xi32, #tpu.memory_space<vmem>> -> memref<1x125xi32, #tpu.memory_space<vmem>>
        %dma_wait3A_298 = tpu.memref_squeeze %dma_wait3A_297 : memref<1x125xi32, #tpu.memory_space<vmem>> -> memref<125xi32, #tpu.memory_space<vmem>>
        %dma_wait3A_299 = arith.constant 0 : i32
        %dma_wait3A_300 = arith.constant 0 : i32
        %dma_wait3A_301 = tpu.memref_slice %arg22[%dma_wait3A_299, %dma_wait3A_300] : memref<10000x16xf32, #tpu.memory_space<vmem_shared>> -> memref<10000x16xf32, #tpu.memory_space<vmem_shared>>
        tpu.wait_indirect_dma semaphore(%arg31 : memref<!tpu.dma_semaphore, #tpu.memory_space<semaphore_mem>>) src(%arg17 : memref<125x16xf32, #tpu.memory_space<vmem>>) dst(%dma_wait3A_301 : memref<10000x16xf32, #tpu.memory_space<vmem_shared>>)
      } else {
      }
      %parallel_loop3A = arith.constant 0 : i32
      %parallel_loop3A_160 = arith.constant 125 : i32
      %parallel_loop3A_161 = arith.constant 1 : i32
      scf.for %parallel_loop3A_295 = %parallel_loop3A to %parallel_loop3A_160 step %parallel_loop3A_161  : i32 {
        %parallel_loop3A_296 = arith.index_cast %parallel_loop3A_295 : i32 to index
        %parallel_loop3A_297 = arith.constant 0 : index
        %parallel_loop3A_298 = tpu.vector_load %arg9[%parallel_loop3A_296, %parallel_loop3A_297] {strides = array<i32>} : memref<125x16xf32, #tpu.memory_space<vmem>>, vector<16xf32>,
        %parallel_loop3A_299 = arith.constant 0 : i32
        %parallel_loop3A_300 = vector.broadcast %parallel_loop3A_299 : i32 to vector<16xi32>
        %parallel_loop3A_301 = arith.muli %iota3A, %parallel_loop3A_300 : vector<16xi32>
        %parallel_loop3A_302 = vector.broadcast %parallel_loop3A_295 : i32 to vector<16xi32>
        %parallel_loop3A_303 = arith.addi %parallel_loop3A_301, %parallel_loop3A_302 : vector<16xi32>
        %parallel_loop3A_304 = tpu.vector_load_idx %arg9[%parallel_loop3A_303, %add3A_6] : memref<125x16xf32, #tpu.memory_space<vmem>>[vector<16xi32>, vector<16xi32>], vector<16xf32>,
        %parallel_loop3A_305 = arith.index_cast %parallel_loop3A_295 : i32 to index
        %parallel_loop3A_306 = arith.constant 0 : index
        %parallel_loop3A_307 = tpu.vector_load %arg13[%parallel_loop3A_305, %parallel_loop3A_306] {strides = array<i32>} : memref<125x16xf32, #tpu.memory_space<vmem>>, vector<16xf32>,
        %parallel_loop3A_308 = arith.addf %parallel_loop3A_304, %parallel_loop3A_307 : vector<16xf32>
        %parallel_loop3A_309 = arith.constant 2.000000e-01 : f32
        %parallel_loop3A_310 = vector.broadcast %parallel_loop3A_309 : f32 to vector<16xf32>
        %parallel_loop3A_311 = arith.mulf %parallel_loop3A_310, %parallel_loop3A_308 : vector<16xf32>
        %parallel_loop3A_312 = arith.maximumf %parallel_loop3A_308, %parallel_loop3A_311 : vector<16xf32>
        %parallel_loop3A_313 = math.exp %parallel_loop3A_312 : vector<16xf32>
        %parallel_loop3A_314 = arith.mulf %parallel_loop3A_313, %parallel_loop3A_298 : vector<16xf32>
        %parallel_loop3A_315 = arith.index_cast %parallel_loop3A_295 : i32 to index
        %parallel_loop3A_316 = arith.constant 0 : index
        %parallel_loop3A_317 = tpu.vector_load %arg17[%parallel_loop3A_315, %parallel_loop3A_316] {strides = array<i32>} : memref<125x16xf32, #tpu.memory_space<vmem>>, vector<16xf32>,
        tpu.vector_store %arg17[%parallel_loop3A_315, %parallel_loop3A_316], %parallel_loop3A_314 {strides = array<i32>} : memref<125x16xf32, #tpu.memory_space<vmem>>, vector<16xf32>,
      } {sc.loop_unroll_factor = 5 : i64, sc.parallel_access}
      %add3A_162 = arith.constant 0 : i32
      %add3A_163 = arith.addi %mul3A_143, %add3A_162 : i32
      %dma_start3A_164 = arith.constant 0 : i32
      %dma_start3A_165 = tpu.memref_slice %arg8[%add3A_163, %dma_start3A_164] : memref<80x125xi32, #tpu.memory_space<vmem>> -> memref<1x125xi32, #tpu.memory_space<vmem>>
      %dma_start3A_166 = tpu.memref_squeeze %dma_start3A_165 : memref<1x125xi32, #tpu.memory_space<vmem>> -> memref<125xi32, #tpu.memory_space<vmem>>
      %dma_start3A_167 = arith.constant 0 : i32
      %dma_start3A_168 = arith.constant 0 : i32
      %dma_start3A_169 = tpu.memref_slice %arg22[%dma_start3A_167, %dma_start3A_168] : memref<10000x16xf32, #tpu.memory_space<vmem_shared>> -> memref<10000x16xf32, #tpu.memory_space<vmem_shared>>
      tpu.enqueue_indirect_dma source(%arg17 : memref<125x16xf32, #tpu.memory_space<vmem>>) target(%dma_start3A_169 : memref<10000x16xf32, #tpu.memory_space<vmem_shared>>) offsets(%dma_start3A_166 : memref<125xi32, #tpu.memory_space<vmem>>) semaphore(%arg31 : memref<!tpu.dma_semaphore, #tpu.memory_space<semaphore_mem>>) {add = true}
      %add3A_170 = arith.constant 0 : i32
      %add3A_171 = arith.addi %mul3A_143, %add3A_170 : i32
      %add3A_172 = arith.constant 4 : i32
      %add3A_173 = arith.addi %add3A_171, %add3A_172 : i32
      %lt3A = arith.constant 80 : i32
      %lt3A_174 = arith.cmpi slt, %add3A_173, %lt3A : i32
      %convert_element_type3A_175 = arith.extui %lt3A_174 : i1 to i32
      %cond3A_176 = arith.constant 0 : i32
      %cond3A_177 = arith.cmpi ne, %convert_element_type3A_175, %cond3A_176 : i32
      scf.if %cond3A_177 {
        %add3A_295 = arith.constant 0 : i32
        %add3A_296 = arith.addi %mul3A_143, %add3A_295 : i32
        %add3A_297 = arith.constant 4 : i32
        %add3A_298 = arith.addi %add3A_296, %add3A_297 : i32
        %dma_start3A_299 = arith.constant 0 : i32
        %dma_start3A_300 = tpu.memref_slice %arg7[%add3A_298, %dma_start3A_299] : memref<80x125xi32, #tpu.memory_space<vmem>> -> memref<1x125xi32, #tpu.memory_space<vmem>>
        %dma_start3A_301 = tpu.memref_squeeze %dma_start3A_300 : memref<1x125xi32, #tpu.memory_space<vmem>> -> memref<125xi32, #tpu.memory_space<vmem>>
        %dma_start3A_302 = arith.constant 0 : i32
        %dma_start3A_303 = arith.constant 0 : i32
        %dma_start3A_304 = tpu.memref_slice %arg2[%dma_start3A_302, %dma_start3A_303] : memref<10000x16xf32, #tpu.memory_space<hbm>> -> memref<10000x16xf32, #tpu.memory_space<hbm>>
        tpu.enqueue_indirect_dma source(%dma_start3A_304 : memref<10000x16xf32, #tpu.memory_space<hbm>>) target(%arg9 : memref<125x16xf32, #tpu.memory_space<vmem>>) offsets(%dma_start3A_301 : memref<125xi32, #tpu.memory_space<vmem>>) semaphore(%arg23 : memref<!tpu.dma_semaphore, #tpu.memory_space<semaphore_mem>>)
        %dma_start3A_305 = arith.constant 0 : i32
        %dma_start3A_306 = tpu.memref_slice %arg8[%add3A_298, %dma_start3A_305] : memref<80x125xi32, #tpu.memory_space<vmem>> -> memref<1x125xi32, #tpu.memory_space<vmem>>
        %dma_start3A_307 = tpu.memref_squeeze %dma_start3A_306 : memref<1x125xi32, #tpu.memory_space<vmem>> -> memref<125xi32, #tpu.memory_space<vmem>>
        %dma_start3A_308 = arith.constant 0 : i32
        %dma_start3A_309 = arith.constant 0 : i32
        %dma_start3A_310 = tpu.memref_slice %arg3[%dma_start3A_308, %dma_start3A_309] : memref<10000x16xf32, #tpu.memory_space<hbm>> -> memref<10000x16xf32, #tpu.memory_space<hbm>>
        tpu.enqueue_indirect_dma source(%dma_start3A_310 : memref<10000x16xf32, #tpu.memory_space<hbm>>) target(%arg13 : memref<125x16xf32, #tpu.memory_space<vmem>>) offsets(%dma_start3A_307 : memref<125xi32, #tpu.memory_space<vmem>>) semaphore(%arg27 : memref<!tpu.dma_semaphore, #tpu.memory_space<semaphore_mem>>)
      } else {
      }
      %dma_wait3A_178 = arith.constant 0 : i32
      %dma_wait3A_179 = arith.constant 0 : i32
      %dma_wait3A_180 = tpu.memref_slice %arg7[%dma_wait3A_178, %dma_wait3A_179] : memref<80x125xi32, #tpu.memory_space<vmem>> -> memref<1x125xi32, #tpu.memory_space<vmem>>
      %dma_wait3A_181 = tpu.memref_squeeze %dma_wait3A_180 : memref<1x125xi32, #tpu.memory_space<vmem>> -> memref<125xi32, #tpu.memory_space<vmem>>
      %dma_wait3A_182 = arith.constant 0 : i32
      %dma_wait3A_183 = arith.constant 0 : i32
      %dma_wait3A_184 = tpu.memref_slice %arg2[%dma_wait3A_182, %dma_wait3A_183] : memref<10000x16xf32, #tpu.memory_space<hbm>> -> memref<10000x16xf32, #tpu.memory_space<hbm>>
      tpu.wait_indirect_dma semaphore(%arg24 : memref<!tpu.dma_semaphore, #tpu.memory_space<semaphore_mem>>) src(%dma_wait3A_184 : memref<10000x16xf32, #tpu.memory_space<hbm>>) dst(%arg10 : memref<125x16xf32, #tpu.memory_space<vmem>>)
      %dma_wait3A_185 = arith.constant 0 : i32
      %dma_wait3A_186 = arith.constant 0 : i32
      %dma_wait3A_187 = tpu.memref_slice %arg8[%dma_wait3A_185, %dma_wait3A_186] : memref<80x125xi32, #tpu.memory_space<vmem>> -> memref<1x125xi32, #tpu.memory_space<vmem>>
      %dma_wait3A_188 = tpu.memref_squeeze %dma_wait3A_187 : memref<1x125xi32, #tpu.memory_space<vmem>> -> memref<125xi32, #tpu.memory_space<vmem>>
      %dma_wait3A_189 = arith.constant 0 : i32
      %dma_wait3A_190 = arith.constant 0 : i32
      %dma_wait3A_191 = tpu.memref_slice %arg3[%dma_wait3A_189, %dma_wait3A_190] : memref<10000x16xf32, #tpu.memory_space<hbm>> -> memref<10000x16xf32, #tpu.memory_space<hbm>>
      tpu.wait_indirect_dma semaphore(%arg28 : memref<!tpu.dma_semaphore, #tpu.memory_space<semaphore_mem>>) src(%dma_wait3A_191 : memref<10000x16xf32, #tpu.memory_space<hbm>>) dst(%arg14 : memref<125x16xf32, #tpu.memory_space<vmem>>)
      %gt3A_192 = arith.constant 0 : i32
      %gt3A_193 = arith.cmpi sgt, %scan3A_141, %gt3A_192 : i32
      %convert_element_type3A_194 = arith.extui %gt3A_193 : i1 to i32
      %cond3A_195 = arith.constant 0 : i32
      %cond3A_196 = arith.cmpi ne, %convert_element_type3A_194, %cond3A_195 : i32
      scf.if %cond3A_196 {
        %dma_wait3A_295 = arith.constant 0 : i32
        %dma_wait3A_296 = arith.constant 0 : i32
        %dma_wait3A_297 = tpu.memref_slice %arg8[%dma_wait3A_295, %dma_wait3A_296] : memref<80x125xi32, #tpu.memory_space<vmem>> -> memref<1x125xi32, #tpu.memory_space<vmem>>
        %dma_wait3A_298 = tpu.memref_squeeze %dma_wait3A_297 : memref<1x125xi32, #tpu.memory_space<vmem>> -> memref<125xi32, #tpu.memory_space<vmem>>
        %dma_wait3A_299 = arith.constant 0 : i32
        %dma_wait3A_300 = arith.constant 0 : i32
        %dma_wait3A_301 = tpu.memref_slice %arg22[%dma_wait3A_299, %dma_wait3A_300] : memref<10000x16xf32, #tpu.memory_space<vmem_shared>> -> memref<10000x16xf32, #tpu.memory_space<vmem_shared>>
        tpu.wait_indirect_dma semaphore(%arg32 : memref<!tpu.dma_semaphore, #tpu.memory_space<semaphore_mem>>) src(%arg18 : memref<125x16xf32, #tpu.memory_space<vmem>>) dst(%dma_wait3A_301 : memref<10000x16xf32, #tpu.memory_space<vmem_shared>>)
      } else {
      }
      %parallel_loop3A_197 = arith.constant 0 : i32
      %parallel_loop3A_198 = arith.constant 125 : i32
      %parallel_loop3A_199 = arith.constant 1 : i32
      scf.for %parallel_loop3A_295 = %parallel_loop3A_197 to %parallel_loop3A_198 step %parallel_loop3A_199  : i32 {
        %parallel_loop3A_296 = arith.index_cast %parallel_loop3A_295 : i32 to index
        %parallel_loop3A_297 = arith.constant 0 : index
        %parallel_loop3A_298 = tpu.vector_load %arg10[%parallel_loop3A_296, %parallel_loop3A_297] {strides = array<i32>} : memref<125x16xf32, #tpu.memory_space<vmem>>, vector<16xf32>,
        %parallel_loop3A_299 = arith.constant 0 : i32
        %parallel_loop3A_300 = vector.broadcast %parallel_loop3A_299 : i32 to vector<16xi32>
        %parallel_loop3A_301 = arith.muli %iota3A, %parallel_loop3A_300 : vector<16xi32>
        %parallel_loop3A_302 = vector.broadcast %parallel_loop3A_295 : i32 to vector<16xi32>
        %parallel_loop3A_303 = arith.addi %parallel_loop3A_301, %parallel_loop3A_302 : vector<16xi32>
        %parallel_loop3A_304 = tpu.vector_load_idx %arg10[%parallel_loop3A_303, %add3A_6] : memref<125x16xf32, #tpu.memory_space<vmem>>[vector<16xi32>, vector<16xi32>], vector<16xf32>,
        %parallel_loop3A_305 = arith.index_cast %parallel_loop3A_295 : i32 to index
        %parallel_loop3A_306 = arith.constant 0 : index
        %parallel_loop3A_307 = tpu.vector_load %arg14[%parallel_loop3A_305, %parallel_loop3A_306] {strides = array<i32>} : memref<125x16xf32, #tpu.memory_space<vmem>>, vector<16xf32>,
        %parallel_loop3A_308 = arith.addf %parallel_loop3A_304, %parallel_loop3A_307 : vector<16xf32>
        %parallel_loop3A_309 = arith.constant 2.000000e-01 : f32
        %parallel_loop3A_310 = vector.broadcast %parallel_loop3A_309 : f32 to vector<16xf32>
        %parallel_loop3A_311 = arith.mulf %parallel_loop3A_310, %parallel_loop3A_308 : vector<16xf32>
        %parallel_loop3A_312 = arith.maximumf %parallel_loop3A_308, %parallel_loop3A_311 : vector<16xf32>
        %parallel_loop3A_313 = math.exp %parallel_loop3A_312 : vector<16xf32>
        %parallel_loop3A_314 = arith.mulf %parallel_loop3A_313, %parallel_loop3A_298 : vector<16xf32>
        %parallel_loop3A_315 = arith.index_cast %parallel_loop3A_295 : i32 to index
        %parallel_loop3A_316 = arith.constant 0 : index
        %parallel_loop3A_317 = tpu.vector_load %arg18[%parallel_loop3A_315, %parallel_loop3A_316] {strides = array<i32>} : memref<125x16xf32, #tpu.memory_space<vmem>>, vector<16xf32>,
        tpu.vector_store %arg18[%parallel_loop3A_315, %parallel_loop3A_316], %parallel_loop3A_314 {strides = array<i32>} : memref<125x16xf32, #tpu.memory_space<vmem>>, vector<16xf32>,
      } {sc.loop_unroll_factor = 5 : i64, sc.parallel_access}
      %add3A_200 = arith.constant 1 : i32
      %add3A_201 = arith.addi %mul3A_143, %add3A_200 : i32
      %dma_start3A_202 = arith.constant 0 : i32
      %dma_start3A_203 = tpu.memref_slice %arg8[%add3A_201, %dma_start3A_202] : memref<80x125xi32, #tpu.memory_space<vmem>> -> memref<1x125xi32, #tpu.memory_space<vmem>>
      %dma_start3A_204 = tpu.memref_squeeze %dma_start3A_203 : memref<1x125xi32, #tpu.memory_space<vmem>> -> memref<125xi32, #tpu.memory_space<vmem>>
      %dma_start3A_205 = arith.constant 0 : i32
      %dma_start3A_206 = arith.constant 0 : i32
      %dma_start3A_207 = tpu.memref_slice %arg22[%dma_start3A_205, %dma_start3A_206] : memref<10000x16xf32, #tpu.memory_space<vmem_shared>> -> memref<10000x16xf32, #tpu.memory_space<vmem_shared>>
      tpu.enqueue_indirect_dma source(%arg18 : memref<125x16xf32, #tpu.memory_space<vmem>>) target(%dma_start3A_207 : memref<10000x16xf32, #tpu.memory_space<vmem_shared>>) offsets(%dma_start3A_204 : memref<125xi32, #tpu.memory_space<vmem>>) semaphore(%arg32 : memref<!tpu.dma_semaphore, #tpu.memory_space<semaphore_mem>>) {add = true}
      %add3A_208 = arith.constant 1 : i32
      %add3A_209 = arith.addi %mul3A_143, %add3A_208 : i32
      %add3A_210 = arith.constant 4 : i32
      %add3A_211 = arith.addi %add3A_209, %add3A_210 : i32
      %lt3A_212 = arith.constant 80 : i32
      %lt3A_213 = arith.cmpi slt, %add3A_211, %lt3A_212 : i32
      %convert_element_type3A_214 = arith.extui %lt3A_213 : i1 to i32
      %cond3A_215 = arith.constant 0 : i32
      %cond3A_216 = arith.cmpi ne, %convert_element_type3A_214, %cond3A_215 : i32
      scf.if %cond3A_216 {
        %add3A_295 = arith.constant 1 : i32
        %add3A_296 = arith.addi %mul3A_143, %add3A_295 : i32
        %add3A_297 = arith.constant 4 : i32
        %add3A_298 = arith.addi %add3A_296, %add3A_297 : i32
        %dma_start3A_299 = arith.constant 0 : i32
        %dma_start3A_300 = tpu.memref_slice %arg7[%add3A_298, %dma_start3A_299] : memref<80x125xi32, #tpu.memory_space<vmem>> -> memref<1x125xi32, #tpu.memory_space<vmem>>
        %dma_start3A_301 = tpu.memref_squeeze %dma_start3A_300 : memref<1x125xi32, #tpu.memory_space<vmem>> -> memref<125xi32, #tpu.memory_space<vmem>>
        %dma_start3A_302 = arith.constant 0 : i32
        %dma_start3A_303 = arith.constant 0 : i32
        %dma_start3A_304 = tpu.memref_slice %arg2[%dma_start3A_302, %dma_start3A_303] : memref<10000x16xf32, #tpu.memory_space<hbm>> -> memref<10000x16xf32, #tpu.memory_space<hbm>>
        tpu.enqueue_indirect_dma source(%dma_start3A_304 : memref<10000x16xf32, #tpu.memory_space<hbm>>) target(%arg10 : memref<125x16xf32, #tpu.memory_space<vmem>>) offsets(%dma_start3A_301 : memref<125xi32, #tpu.memory_space<vmem>>) semaphore(%arg24 : memref<!tpu.dma_semaphore, #tpu.memory_space<semaphore_mem>>)
        %dma_start3A_305 = arith.constant 0 : i32
        %dma_start3A_306 = tpu.memref_slice %arg8[%add3A_298, %dma_start3A_305] : memref<80x125xi32, #tpu.memory_space<vmem>> -> memref<1x125xi32, #tpu.memory_space<vmem>>
        %dma_start3A_307 = tpu.memref_squeeze %dma_start3A_306 : memref<1x125xi32, #tpu.memory_space<vmem>> -> memref<125xi32, #tpu.memory_space<vmem>>
        %dma_start3A_308 = arith.constant 0 : i32
        %dma_start3A_309 = arith.constant 0 : i32
        %dma_start3A_310 = tpu.memref_slice %arg3[%dma_start3A_308, %dma_start3A_309] : memref<10000x16xf32, #tpu.memory_space<hbm>> -> memref<10000x16xf32, #tpu.memory_space<hbm>>
        tpu.enqueue_indirect_dma source(%dma_start3A_310 : memref<10000x16xf32, #tpu.memory_space<hbm>>) target(%arg14 : memref<125x16xf32, #tpu.memory_space<vmem>>) offsets(%dma_start3A_307 : memref<125xi32, #tpu.memory_space<vmem>>) semaphore(%arg28 : memref<!tpu.dma_semaphore, #tpu.memory_space<semaphore_mem>>)
      } else {
      }
      %dma_wait3A_217 = arith.constant 0 : i32
      %dma_wait3A_218 = arith.constant 0 : i32
      %dma_wait3A_219 = tpu.memref_slice %arg7[%dma_wait3A_217, %dma_wait3A_218] : memref<80x125xi32, #tpu.memory_space<vmem>> -> memref<1x125xi32, #tpu.memory_space<vmem>>
      %dma_wait3A_220 = tpu.memref_squeeze %dma_wait3A_219 : memref<1x125xi32, #tpu.memory_space<vmem>> -> memref<125xi32, #tpu.memory_space<vmem>>
      %dma_wait3A_221 = arith.constant 0 : i32
      %dma_wait3A_222 = arith.constant 0 : i32
      %dma_wait3A_223 = tpu.memref_slice %arg2[%dma_wait3A_221, %dma_wait3A_222] : memref<10000x16xf32, #tpu.memory_space<hbm>> -> memref<10000x16xf32, #tpu.memory_space<hbm>>
      tpu.wait_indirect_dma semaphore(%arg25 : memref<!tpu.dma_semaphore, #tpu.memory_space<semaphore_mem>>) src(%dma_wait3A_223 : memref<10000x16xf32, #tpu.memory_space<hbm>>) dst(%arg11 : memref<125x16xf32, #tpu.memory_space<vmem>>)
      %dma_wait3A_224 = arith.constant 0 : i32
      %dma_wait3A_225 = arith.constant 0 : i32
      %dma_wait3A_226 = tpu.memref_slice %arg8[%dma_wait3A_224, %dma_wait3A_225] : memref<80x125xi32, #tpu.memory_space<vmem>> -> memref<1x125xi32, #tpu.memory_space<vmem>>
      %dma_wait3A_227 = tpu.memref_squeeze %dma_wait3A_226 : memref<1x125xi32, #tpu.memory_space<vmem>> -> memref<125xi32, #tpu.memory_space<vmem>>
      %dma_wait3A_228 = arith.constant 0 : i32
      %dma_wait3A_229 = arith.constant 0 : i32
      %dma_wait3A_230 = tpu.memref_slice %arg3[%dma_wait3A_228, %dma_wait3A_229] : memref<10000x16xf32, #tpu.memory_space<hbm>> -> memref<10000x16xf32, #tpu.memory_space<hbm>>
      tpu.wait_indirect_dma semaphore(%arg29 : memref<!tpu.dma_semaphore, #tpu.memory_space<semaphore_mem>>) src(%dma_wait3A_230 : memref<10000x16xf32, #tpu.memory_space<hbm>>) dst(%arg15 : memref<125x16xf32, #tpu.memory_space<vmem>>)
      %gt3A_231 = arith.constant 0 : i32
      %gt3A_232 = arith.cmpi sgt, %scan3A_141, %gt3A_231 : i32
      %convert_element_type3A_233 = arith.extui %gt3A_232 : i1 to i32
      %cond3A_234 = arith.constant 0 : i32
      %cond3A_235 = arith.cmpi ne, %convert_element_type3A_233, %cond3A_234 : i32
      scf.if %cond3A_235 {
        %dma_wait3A_295 = arith.constant 0 : i32
        %dma_wait3A_296 = arith.constant 0 : i32
        %dma_wait3A_297 = tpu.memref_slice %arg8[%dma_wait3A_295, %dma_wait3A_296] : memref<80x125xi32, #tpu.memory_space<vmem>> -> memref<1x125xi32, #tpu.memory_space<vmem>>
        %dma_wait3A_298 = tpu.memref_squeeze %dma_wait3A_297 : memref<1x125xi32, #tpu.memory_space<vmem>> -> memref<125xi32, #tpu.memory_space<vmem>>
        %dma_wait3A_299 = arith.constant 0 : i32
        %dma_wait3A_300 = arith.constant 0 : i32
        %dma_wait3A_301 = tpu.memref_slice %arg22[%dma_wait3A_299, %dma_wait3A_300] : memref<10000x16xf32, #tpu.memory_space<vmem_shared>> -> memref<10000x16xf32, #tpu.memory_space<vmem_shared>>
        tpu.wait_indirect_dma semaphore(%arg33 : memref<!tpu.dma_semaphore, #tpu.memory_space<semaphore_mem>>) src(%arg19 : memref<125x16xf32, #tpu.memory_space<vmem>>) dst(%dma_wait3A_301 : memref<10000x16xf32, #tpu.memory_space<vmem_shared>>)
      } else {
      }
      %parallel_loop3A_236 = arith.constant 0 : i32
      %parallel_loop3A_237 = arith.constant 125 : i32
      %parallel_loop3A_238 = arith.constant 1 : i32
      scf.for %parallel_loop3A_295 = %parallel_loop3A_236 to %parallel_loop3A_237 step %parallel_loop3A_238  : i32 {
        %parallel_loop3A_296 = arith.index_cast %parallel_loop3A_295 : i32 to index
        %parallel_loop3A_297 = arith.constant 0 : index
        %parallel_loop3A_298 = tpu.vector_load %arg11[%parallel_loop3A_296, %parallel_loop3A_297] {strides = array<i32>} : memref<125x16xf32, #tpu.memory_space<vmem>>, vector<16xf32>,
        %parallel_loop3A_299 = arith.constant 0 : i32
        %parallel_loop3A_300 = vector.broadcast %parallel_loop3A_299 : i32 to vector<16xi32>
        %parallel_loop3A_301 = arith.muli %iota3A, %parallel_loop3A_300 : vector<16xi32>
        %parallel_loop3A_302 = vector.broadcast %parallel_loop3A_295 : i32 to vector<16xi32>
        %parallel_loop3A_303 = arith.addi %parallel_loop3A_301, %parallel_loop3A_302 : vector<16xi32>
        %parallel_loop3A_304 = tpu.vector_load_idx %arg11[%parallel_loop3A_303, %add3A_6] : memref<125x16xf32, #tpu.memory_space<vmem>>[vector<16xi32>, vector<16xi32>], vector<16xf32>,
        %parallel_loop3A_305 = arith.index_cast %parallel_loop3A_295 : i32 to index
        %parallel_loop3A_306 = arith.constant 0 : index
        %parallel_loop3A_307 = tpu.vector_load %arg15[%parallel_loop3A_305, %parallel_loop3A_306] {strides = array<i32>} : memref<125x16xf32, #tpu.memory_space<vmem>>, vector<16xf32>,
        %parallel_loop3A_308 = arith.addf %parallel_loop3A_304, %parallel_loop3A_307 : vector<16xf32>
        %parallel_loop3A_309 = arith.constant 2.000000e-01 : f32
        %parallel_loop3A_310 = vector.broadcast %parallel_loop3A_309 : f32 to vector<16xf32>
        %parallel_loop3A_311 = arith.mulf %parallel_loop3A_310, %parallel_loop3A_308 : vector<16xf32>
        %parallel_loop3A_312 = arith.maximumf %parallel_loop3A_308, %parallel_loop3A_311 : vector<16xf32>
        %parallel_loop3A_313 = math.exp %parallel_loop3A_312 : vector<16xf32>
        %parallel_loop3A_314 = arith.mulf %parallel_loop3A_313, %parallel_loop3A_298 : vector<16xf32>
        %parallel_loop3A_315 = arith.index_cast %parallel_loop3A_295 : i32 to index
        %parallel_loop3A_316 = arith.constant 0 : index
        %parallel_loop3A_317 = tpu.vector_load %arg19[%parallel_loop3A_315, %parallel_loop3A_316] {strides = array<i32>} : memref<125x16xf32, #tpu.memory_space<vmem>>, vector<16xf32>,
        tpu.vector_store %arg19[%parallel_loop3A_315, %parallel_loop3A_316], %parallel_loop3A_314 {strides = array<i32>} : memref<125x16xf32, #tpu.memory_space<vmem>>, vector<16xf32>,
      } {sc.loop_unroll_factor = 5 : i64, sc.parallel_access}
      %add3A_239 = arith.constant 2 : i32
      %add3A_240 = arith.addi %mul3A_143, %add3A_239 : i32
      %dma_start3A_241 = arith.constant 0 : i32
      %dma_start3A_242 = tpu.memref_slice %arg8[%add3A_240, %dma_start3A_241] : memref<80x125xi32, #tpu.memory_space<vmem>> -> memref<1x125xi32, #tpu.memory_space<vmem>>
      %dma_start3A_243 = tpu.memref_squeeze %dma_start3A_242 : memref<1x125xi32, #tpu.memory_space<vmem>> -> memref<125xi32, #tpu.memory_space<vmem>>
      %dma_start3A_244 = arith.constant 0 : i32
      %dma_start3A_245 = arith.constant 0 : i32
      %dma_start3A_246 = tpu.memref_slice %arg22[%dma_start3A_244, %dma_start3A_245] : memref<10000x16xf32, #tpu.memory_space<vmem_shared>> -> memref<10000x16xf32, #tpu.memory_space<vmem_shared>>
      tpu.enqueue_indirect_dma source(%arg19 : memref<125x16xf32, #tpu.memory_space<vmem>>) target(%dma_start3A_246 : memref<10000x16xf32, #tpu.memory_space<vmem_shared>>) offsets(%dma_start3A_243 : memref<125xi32, #tpu.memory_space<vmem>>) semaphore(%arg33 : memref<!tpu.dma_semaphore, #tpu.memory_space<semaphore_mem>>) {add = true}
      %add3A_247 = arith.constant 2 : i32
      %add3A_248 = arith.addi %mul3A_143, %add3A_247 : i32
      %add3A_249 = arith.constant 4 : i32
      %add3A_250 = arith.addi %add3A_248, %add3A_249 : i32
      %lt3A_251 = arith.constant 80 : i32
      %lt3A_252 = arith.cmpi slt, %add3A_250, %lt3A_251 : i32
      %convert_element_type3A_253 = arith.extui %lt3A_252 : i1 to i32
      %cond3A_254 = arith.constant 0 : i32
      %cond3A_255 = arith.cmpi ne, %convert_element_type3A_253, %cond3A_254 : i32
      scf.if %cond3A_255 {
        %add3A_295 = arith.constant 2 : i32
        %add3A_296 = arith.addi %mul3A_143, %add3A_295 : i32
        %add3A_297 = arith.constant 4 : i32
        %add3A_298 = arith.addi %add3A_296, %add3A_297 : i32
        %dma_start3A_299 = arith.constant 0 : i32
        %dma_start3A_300 = tpu.memref_slice %arg7[%add3A_298, %dma_start3A_299] : memref<80x125xi32, #tpu.memory_space<vmem>> -> memref<1x125xi32, #tpu.memory_space<vmem>>
        %dma_start3A_301 = tpu.memref_squeeze %dma_start3A_300 : memref<1x125xi32, #tpu.memory_space<vmem>> -> memref<125xi32, #tpu.memory_space<vmem>>
        %dma_start3A_302 = arith.constant 0 : i32
        %dma_start3A_303 = arith.constant 0 : i32
        %dma_start3A_304 = tpu.memref_slice %arg2[%dma_start3A_302, %dma_start3A_303] : memref<10000x16xf32, #tpu.memory_space<hbm>> -> memref<10000x16xf32, #tpu.memory_space<hbm>>
        tpu.enqueue_indirect_dma source(%dma_start3A_304 : memref<10000x16xf32, #tpu.memory_space<hbm>>) target(%arg11 : memref<125x16xf32, #tpu.memory_space<vmem>>) offsets(%dma_start3A_301 : memref<125xi32, #tpu.memory_space<vmem>>) semaphore(%arg25 : memref<!tpu.dma_semaphore, #tpu.memory_space<semaphore_mem>>)
        %dma_start3A_305 = arith.constant 0 : i32
        %dma_start3A_306 = tpu.memref_slice %arg8[%add3A_298, %dma_start3A_305] : memref<80x125xi32, #tpu.memory_space<vmem>> -> memref<1x125xi32, #tpu.memory_space<vmem>>
        %dma_start3A_307 = tpu.memref_squeeze %dma_start3A_306 : memref<1x125xi32, #tpu.memory_space<vmem>> -> memref<125xi32, #tpu.memory_space<vmem>>
        %dma_start3A_308 = arith.constant 0 : i32
        %dma_start3A_309 = arith.constant 0 : i32
        %dma_start3A_310 = tpu.memref_slice %arg3[%dma_start3A_308, %dma_start3A_309] : memref<10000x16xf32, #tpu.memory_space<hbm>> -> memref<10000x16xf32, #tpu.memory_space<hbm>>
        tpu.enqueue_indirect_dma source(%dma_start3A_310 : memref<10000x16xf32, #tpu.memory_space<hbm>>) target(%arg15 : memref<125x16xf32, #tpu.memory_space<vmem>>) offsets(%dma_start3A_307 : memref<125xi32, #tpu.memory_space<vmem>>) semaphore(%arg29 : memref<!tpu.dma_semaphore, #tpu.memory_space<semaphore_mem>>)
      } else {
      }
      %dma_wait3A_256 = arith.constant 0 : i32
      %dma_wait3A_257 = arith.constant 0 : i32
      %dma_wait3A_258 = tpu.memref_slice %arg7[%dma_wait3A_256, %dma_wait3A_257] : memref<80x125xi32, #tpu.memory_space<vmem>> -> memref<1x125xi32, #tpu.memory_space<vmem>>
      %dma_wait3A_259 = tpu.memref_squeeze %dma_wait3A_258 : memref<1x125xi32, #tpu.memory_space<vmem>> -> memref<125xi32, #tpu.memory_space<vmem>>
      %dma_wait3A_260 = arith.constant 0 : i32
      %dma_wait3A_261 = arith.constant 0 : i32
      %dma_wait3A_262 = tpu.memref_slice %arg2[%dma_wait3A_260, %dma_wait3A_261] : memref<10000x16xf32, #tpu.memory_space<hbm>> -> memref<10000x16xf32, #tpu.memory_space<hbm>>
      tpu.wait_indirect_dma semaphore(%arg26 : memref<!tpu.dma_semaphore, #tpu.memory_space<semaphore_mem>>) src(%dma_wait3A_262 : memref<10000x16xf32, #tpu.memory_space<hbm>>) dst(%arg12 : memref<125x16xf32, #tpu.memory_space<vmem>>)
      %dma_wait3A_263 = arith.constant 0 : i32
      %dma_wait3A_264 = arith.constant 0 : i32
      %dma_wait3A_265 = tpu.memref_slice %arg8[%dma_wait3A_263, %dma_wait3A_264] : memref<80x125xi32, #tpu.memory_space<vmem>> -> memref<1x125xi32, #tpu.memory_space<vmem>>
      %dma_wait3A_266 = tpu.memref_squeeze %dma_wait3A_265 : memref<1x125xi32, #tpu.memory_space<vmem>> -> memref<125xi32, #tpu.memory_space<vmem>>
      %dma_wait3A_267 = arith.constant 0 : i32
      %dma_wait3A_268 = arith.constant 0 : i32
      %dma_wait3A_269 = tpu.memref_slice %arg3[%dma_wait3A_267, %dma_wait3A_268] : memref<10000x16xf32, #tpu.memory_space<hbm>> -> memref<10000x16xf32, #tpu.memory_space<hbm>>
      tpu.wait_indirect_dma semaphore(%arg30 : memref<!tpu.dma_semaphore, #tpu.memory_space<semaphore_mem>>) src(%dma_wait3A_269 : memref<10000x16xf32, #tpu.memory_space<hbm>>) dst(%arg16 : memref<125x16xf32, #tpu.memory_space<vmem>>)
      %gt3A_270 = arith.constant 0 : i32
      %gt3A_271 = arith.cmpi sgt, %scan3A_141, %gt3A_270 : i32
      %convert_element_type3A_272 = arith.extui %gt3A_271 : i1 to i32
      %cond3A_273 = arith.constant 0 : i32
      %cond3A_274 = arith.cmpi ne, %convert_element_type3A_272, %cond3A_273 : i32
      scf.if %cond3A_274 {
        %dma_wait3A_295 = arith.constant 0 : i32
        %dma_wait3A_296 = arith.constant 0 : i32
        %dma_wait3A_297 = tpu.memref_slice %arg8[%dma_wait3A_295, %dma_wait3A_296] : memref<80x125xi32, #tpu.memory_space<vmem>> -> memref<1x125xi32, #tpu.memory_space<vmem>>
        %dma_wait3A_298 = tpu.memref_squeeze %dma_wait3A_297 : memref<1x125xi32, #tpu.memory_space<vmem>> -> memref<125xi32, #tpu.memory_space<vmem>>
        %dma_wait3A_299 = arith.constant 0 : i32
        %dma_wait3A_300 = arith.constant 0 : i32
        %dma_wait3A_301 = tpu.memref_slice %arg22[%dma_wait3A_299, %dma_wait3A_300] : memref<10000x16xf32, #tpu.memory_space<vmem_shared>> -> memref<10000x16xf32, #tpu.memory_space<vmem_shared>>
        tpu.wait_indirect_dma semaphore(%arg34 : memref<!tpu.dma_semaphore, #tpu.memory_space<semaphore_mem>>) src(%arg20 : memref<125x16xf32, #tpu.memory_space<vmem>>) dst(%dma_wait3A_301 : memref<10000x16xf32, #tpu.memory_space<vmem_shared>>)
      } else {
      }
      %parallel_loop3A_275 = arith.constant 0 : i32
      %parallel_loop3A_276 = arith.constant 125 : i32
      %parallel_loop3A_277 = arith.constant 1 : i32
      scf.for %parallel_loop3A_295 = %parallel_loop3A_275 to %parallel_loop3A_276 step %parallel_loop3A_277  : i32 {
        %parallel_loop3A_296 = arith.index_cast %parallel_loop3A_295 : i32 to index
        %parallel_loop3A_297 = arith.constant 0 : index
        %parallel_loop3A_298 = tpu.vector_load %arg12[%parallel_loop3A_296, %parallel_loop3A_297] {strides = array<i32>} : memref<125x16xf32, #tpu.memory_space<vmem>>, vector<16xf32>,
        %parallel_loop3A_299 = arith.constant 0 : i32
        %parallel_loop3A_300 = vector.broadcast %parallel_loop3A_299 : i32 to vector<16xi32>
        %parallel_loop3A_301 = arith.muli %iota3A, %parallel_loop3A_300 : vector<16xi32>
        %parallel_loop3A_302 = vector.broadcast %parallel_loop3A_295 : i32 to vector<16xi32>
        %parallel_loop3A_303 = arith.addi %parallel_loop3A_301, %parallel_loop3A_302 : vector<16xi32>
        %parallel_loop3A_304 = tpu.vector_load_idx %arg12[%parallel_loop3A_303, %add3A_6] : memref<125x16xf32, #tpu.memory_space<vmem>>[vector<16xi32>, vector<16xi32>], vector<16xf32>,
        %parallel_loop3A_305 = arith.index_cast %parallel_loop3A_295 : i32 to index
        %parallel_loop3A_306 = arith.constant 0 : index
        %parallel_loop3A_307 = tpu.vector_load %arg16[%parallel_loop3A_305, %parallel_loop3A_306] {strides = array<i32>} : memref<125x16xf32, #tpu.memory_space<vmem>>, vector<16xf32>,
        %parallel_loop3A_308 = arith.addf %parallel_loop3A_304, %parallel_loop3A_307 : vector<16xf32>
        %parallel_loop3A_309 = arith.constant 2.000000e-01 : f32
        %parallel_loop3A_310 = vector.broadcast %parallel_loop3A_309 : f32 to vector<16xf32>
        %parallel_loop3A_311 = arith.mulf %parallel_loop3A_310, %parallel_loop3A_308 : vector<16xf32>
        %parallel_loop3A_312 = arith.maximumf %parallel_loop3A_308, %parallel_loop3A_311 : vector<16xf32>
        %parallel_loop3A_313 = math.exp %parallel_loop3A_312 : vector<16xf32>
        %parallel_loop3A_314 = arith.mulf %parallel_loop3A_313, %parallel_loop3A_298 : vector<16xf32>
        %parallel_loop3A_315 = arith.index_cast %parallel_loop3A_295 : i32 to index
        %parallel_loop3A_316 = arith.constant 0 : index
        %parallel_loop3A_317 = tpu.vector_load %arg20[%parallel_loop3A_315, %parallel_loop3A_316] {strides = array<i32>} : memref<125x16xf32, #tpu.memory_space<vmem>>, vector<16xf32>,
        tpu.vector_store %arg20[%parallel_loop3A_315, %parallel_loop3A_316], %parallel_loop3A_314 {strides = array<i32>} : memref<125x16xf32, #tpu.memory_space<vmem>>, vector<16xf32>,
      } {sc.loop_unroll_factor = 5 : i64, sc.parallel_access}
      %add3A_278 = arith.constant 3 : i32
      %add3A_279 = arith.addi %mul3A_143, %add3A_278 : i32
      %dma_start3A_280 = arith.constant 0 : i32
      %dma_start3A_281 = tpu.memref_slice %arg8[%add3A_279, %dma_start3A_280] : memref<80x125xi32, #tpu.memory_space<vmem>> -> memref<1x125xi32, #tpu.memory_space<vmem>>
      %dma_start3A_282 = tpu.memref_squeeze %dma_start3A_281 : memref<1x125xi32, #tpu.memory_space<vmem>> -> memref<125xi32, #tpu.memory_space<vmem>>
      %dma_start3A_283 = arith.constant 0 : i32
      %dma_start3A_284 = arith.constant 0 : i32
      %dma_start3A_285 = tpu.memref_slice %arg22[%dma_start3A_283, %dma_start3A_284] : memref<10000x16xf32, #tpu.memory_space<vmem_shared>> -> memref<10000x16xf32, #tpu.memory_space<vmem_shared>>
      tpu.enqueue_indirect_dma source(%arg20 : memref<125x16xf32, #tpu.memory_space<vmem>>) target(%dma_start3A_285 : memref<10000x16xf32, #tpu.memory_space<vmem_shared>>) offsets(%dma_start3A_282 : memref<125xi32, #tpu.memory_space<vmem>>) semaphore(%arg34 : memref<!tpu.dma_semaphore, #tpu.memory_space<semaphore_mem>>) {add = true}
      %add3A_286 = arith.constant 3 : i32
      %add3A_287 = arith.addi %mul3A_143, %add3A_286 : i32
      %add3A_288 = arith.constant 4 : i32
      %add3A_289 = arith.addi %add3A_287, %add3A_288 : i32
      %lt3A_290 = arith.constant 80 : i32
      %lt3A_291 = arith.cmpi slt, %add3A_289, %lt3A_290 : i32
      %convert_element_type3A_292 = arith.extui %lt3A_291 : i1 to i32
      %cond3A_293 = arith.constant 0 : i32
      %cond3A_294 = arith.cmpi ne, %convert_element_type3A_292, %cond3A_293 : i32
      scf.if %cond3A_294 {
        %add3A_295 = arith.constant 3 : i32
        %add3A_296 = arith.addi %mul3A_143, %add3A_295 : i32
        %add3A_297 = arith.constant 4 : i32
        %add3A_298 = arith.addi %add3A_296, %add3A_297 : i32
        %dma_start3A_299 = arith.constant 0 : i32
        %dma_start3A_300 = tpu.memref_slice %arg7[%add3A_298, %dma_start3A_299] : memref<80x125xi32, #tpu.memory_space<vmem>> -> memref<1x125xi32, #tpu.memory_space<vmem>>
        %dma_start3A_301 = tpu.memref_squeeze %dma_start3A_300 : memref<1x125xi32, #tpu.memory_space<vmem>> -> memref<125xi32, #tpu.memory_space<vmem>>
        %dma_start3A_302 = arith.constant 0 : i32
        %dma_start3A_303 = arith.constant 0 : i32
        %dma_start3A_304 = tpu.memref_slice %arg2[%dma_start3A_302, %dma_start3A_303] : memref<10000x16xf32, #tpu.memory_space<hbm>> -> memref<10000x16xf32, #tpu.memory_space<hbm>>
        tpu.enqueue_indirect_dma source(%dma_start3A_304 : memref<10000x16xf32, #tpu.memory_space<hbm>>) target(%arg12 : memref<125x16xf32, #tpu.memory_space<vmem>>) offsets(%dma_start3A_301 : memref<125xi32, #tpu.memory_space<vmem>>) semaphore(%arg26 : memref<!tpu.dma_semaphore, #tpu.memory_space<semaphore_mem>>)
        %dma_start3A_305 = arith.constant 0 : i32
        %dma_start3A_306 = tpu.memref_slice %arg8[%add3A_298, %dma_start3A_305] : memref<80x125xi32, #tpu.memory_space<vmem>> -> memref<1x125xi32, #tpu.memory_space<vmem>>
        %dma_start3A_307 = tpu.memref_squeeze %dma_start3A_306 : memref<1x125xi32, #tpu.memory_space<vmem>> -> memref<125xi32, #tpu.memory_space<vmem>>
        %dma_start3A_308 = arith.constant 0 : i32
        %dma_start3A_309 = arith.constant 0 : i32
        %dma_start3A_310 = tpu.memref_slice %arg3[%dma_start3A_308, %dma_start3A_309] : memref<10000x16xf32, #tpu.memory_space<hbm>> -> memref<10000x16xf32, #tpu.memory_space<hbm>>
        tpu.enqueue_indirect_dma source(%dma_start3A_310 : memref<10000x16xf32, #tpu.memory_space<hbm>>) target(%arg16 : memref<125x16xf32, #tpu.memory_space<vmem>>) offsets(%dma_start3A_307 : memref<125xi32, #tpu.memory_space<vmem>>) semaphore(%arg30 : memref<!tpu.dma_semaphore, #tpu.memory_space<semaphore_mem>>)
      } else {
      }
    }
    %scan3A_92 = arith.constant 20 : i32
    %dma_wait3A = arith.constant 0 : i32
    %dma_wait3A_93 = arith.constant 0 : i32
    %dma_wait3A_94 = tpu.memref_slice %arg8[%dma_wait3A, %dma_wait3A_93] : memref<80x125xi32, #tpu.memory_space<vmem>> -> memref<1x125xi32, #tpu.memory_space<vmem>>
    %dma_wait3A_95 = tpu.memref_squeeze %dma_wait3A_94 : memref<1x125xi32, #tpu.memory_space<vmem>> -> memref<125xi32, #tpu.memory_space<vmem>>
    %dma_wait3A_96 = arith.constant 0 : i32
    %dma_wait3A_97 = arith.constant 0 : i32
    %dma_wait3A_98 = tpu.memref_slice %arg22[%dma_wait3A_96, %dma_wait3A_97] : memref<10000x16xf32, #tpu.memory_space<vmem_shared>> -> memref<10000x16xf32, #tpu.memory_space<vmem_shared>>
    tpu.wait_indirect_dma semaphore(%arg31 : memref<!tpu.dma_semaphore, #tpu.memory_space<semaphore_mem>>) src(%arg17 : memref<125x16xf32, #tpu.memory_space<vmem>>) dst(%dma_wait3A_98 : memref<10000x16xf32, #tpu.memory_space<vmem_shared>>)
    %dma_wait3A_99 = arith.constant 0 : i32
    %dma_wait3A_100 = arith.constant 0 : i32
    %dma_wait3A_101 = tpu.memref_slice %arg8[%dma_wait3A_99, %dma_wait3A_100] : memref<80x125xi32, #tpu.memory_space<vmem>> -> memref<1x125xi32, #tpu.memory_space<vmem>>
    %dma_wait3A_102 = tpu.memref_squeeze %dma_wait3A_101 : memref<1x125xi32, #tpu.memory_space<vmem>> -> memref<125xi32, #tpu.memory_space<vmem>>
    %dma_wait3A_103 = arith.constant 0 : i32
    %dma_wait3A_104 = arith.constant 0 : i32
    %dma_wait3A_105 = tpu.memref_slice %arg22[%dma_wait3A_103, %dma_wait3A_104] : memref<10000x16xf32, #tpu.memory_space<vmem_shared>> -> memref<10000x16xf32, #tpu.memory_space<vmem_shared>>
    tpu.wait_indirect_dma semaphore(%arg32 : memref<!tpu.dma_semaphore, #tpu.memory_space<semaphore_mem>>) src(%arg18 : memref<125x16xf32, #tpu.memory_space<vmem>>) dst(%dma_wait3A_105 : memref<10000x16xf32, #tpu.memory_space<vmem_shared>>)
    %dma_wait3A_106 = arith.constant 0 : i32
    %dma_wait3A_107 = arith.constant 0 : i32
    %dma_wait3A_108 = tpu.memref_slice %arg8[%dma_wait3A_106, %dma_wait3A_107] : memref<80x125xi32, #tpu.memory_space<vmem>> -> memref<1x125xi32, #tpu.memory_space<vmem>>
    %dma_wait3A_109 = tpu.memref_squeeze %dma_wait3A_108 : memref<1x125xi32, #tpu.memory_space<vmem>> -> memref<125xi32, #tpu.memory_space<vmem>>
    %dma_wait3A_110 = arith.constant 0 : i32
    %dma_wait3A_111 = arith.constant 0 : i32
    %dma_wait3A_112 = tpu.memref_slice %arg22[%dma_wait3A_110, %dma_wait3A_111] : memref<10000x16xf32, #tpu.memory_space<vmem_shared>> -> memref<10000x16xf32, #tpu.memory_space<vmem_shared>>
    tpu.wait_indirect_dma semaphore(%arg33 : memref<!tpu.dma_semaphore, #tpu.memory_space<semaphore_mem>>) src(%arg19 : memref<125x16xf32, #tpu.memory_space<vmem>>) dst(%dma_wait3A_112 : memref<10000x16xf32, #tpu.memory_space<vmem_shared>>)
    %dma_wait3A_113 = arith.constant 0 : i32
    %dma_wait3A_114 = arith.constant 0 : i32
    %dma_wait3A_115 = tpu.memref_slice %arg8[%dma_wait3A_113, %dma_wait3A_114] : memref<80x125xi32, #tpu.memory_space<vmem>> -> memref<1x125xi32, #tpu.memory_space<vmem>>
    %dma_wait3A_116 = tpu.memref_squeeze %dma_wait3A_115 : memref<1x125xi32, #tpu.memory_space<vmem>> -> memref<125xi32, #tpu.memory_space<vmem>>
    %dma_wait3A_117 = arith.constant 0 : i32
    %dma_wait3A_118 = arith.constant 0 : i32
    %dma_wait3A_119 = tpu.memref_slice %arg22[%dma_wait3A_117, %dma_wait3A_118] : memref<10000x16xf32, #tpu.memory_space<vmem_shared>> -> memref<10000x16xf32, #tpu.memory_space<vmem_shared>>
    tpu.wait_indirect_dma semaphore(%arg34 : memref<!tpu.dma_semaphore, #tpu.memory_space<semaphore_mem>>) src(%arg20 : memref<125x16xf32, #tpu.memory_space<vmem>>) dst(%dma_wait3A_119 : memref<10000x16xf32, #tpu.memory_space<vmem_shared>>)
    %barrier3A_120 = arith.constant 0 : index
    tpu.barrier barrier_id(%barrier3A_120)
    %mul3A_121 = arith.constant 625 : i32
    %mul3A_122 = arith.muli %arg1, %mul3A_121 : i32
    %add3A_123 = arith.constant 0 : i32
    %add3A_124 = arith.addi %mul3A_122, %add3A_123 : i32
    "tpu.region"() ({
      %run_scoped3A = tpu.sem_alloc : memref<!tpu.dma_semaphore, #tpu.memory_space<semaphore_mem>>
      %dma_start3A_141 = arith.constant 0 : i32
      %dma_start3A_142 = tpu.memref_slice %arg22[%add3A_124, %dma_start3A_141] : memref<10000x16xf32, #tpu.memory_space<vmem_shared>> -> memref<125x16xf32, #tpu.memory_space<vmem_shared>>
      %dma_start3A_143 = arith.constant 0 : i32
      %dma_start3A_144 = tpu.memref_slice %arg22[%add3A_124, %dma_start3A_143] : memref<10000x16xf32, #tpu.memory_space<vmem_shared>> -> memref<125x16xf32, #tpu.memory_space<vmem_shared>>
      tpu.enqueue_dma source(%dma_start3A_144 : memref<125x16xf32, #tpu.memory_space<vmem_shared>>) target(%arg21 : memref<125x16xf32, #tpu.memory_space<vmem>>) target_semaphore(%run_scoped3A : memref<!tpu.dma_semaphore, #tpu.memory_space<semaphore_mem>>)
      %dma_wait3A_145 = arith.constant 0 : i32
      %dma_wait3A_146 = tpu.memref_slice %arg22[%add3A_124, %dma_wait3A_145] : memref<10000x16xf32, #tpu.memory_space<vmem_shared>> -> memref<125x16xf32, #tpu.memory_space<vmem_shared>>
      %dma_wait3A_147 = arith.constant 0 : i32
      %dma_wait3A_148 = tpu.memref_slice %arg22[%add3A_124, %dma_wait3A_147] : memref<10000x16xf32, #tpu.memory_space<vmem_shared>> -> memref<125x16xf32, #tpu.memory_space<vmem_shared>>
      tpu.wait_dma2 semaphore(%run_scoped3A : memref<!tpu.dma_semaphore, #tpu.memory_space<semaphore_mem>>) src(%dma_wait3A_148 : memref<125x16xf32, #tpu.memory_space<vmem_shared>>) dst(%arg21 : memref<125x16xf32, #tpu.memory_space<vmem>>)
      tpu.yield
    }) : () -> ()
    "tpu.region"() ({
      %run_scoped3A = tpu.sem_alloc : memref<!tpu.dma_semaphore, #tpu.memory_space<semaphore_mem>>
      %dma_start3A_141 = arith.constant 0 : i32
      %dma_start3A_142 = arith.constant 0 : i32
      %dma_start3A_143 = tpu.memref_slice %arg6[%arg0, %dma_start3A_141, %dma_start3A_142] : memref<2x10000x16xf32, #tpu.memory_space<hbm>> -> memref<1x10000x16xf32, #tpu.memory_space<hbm>>
      %dma_start3A_144 = tpu.memref_squeeze %dma_start3A_143 : memref<1x10000x16xf32, #tpu.memory_space<hbm>> -> memref<10000x16xf32, #tpu.memory_space<hbm>>
      %dma_start3A_145 = arith.constant 0 : i32
      %dma_start3A_146 = tpu.memref_slice %dma_start3A_144[%add3A_124, %dma_start3A_145] : memref<10000x16xf32, #tpu.memory_space<hbm>> -> memref<125x16xf32, #tpu.memory_space<hbm>>
      %dma_start3A_147 = arith.constant 0 : i32
      %dma_start3A_148 = arith.constant 0 : i32
      %dma_start3A_149 = tpu.memref_slice %arg6[%arg0, %dma_start3A_147, %dma_start3A_148] : memref<2x10000x16xf32, #tpu.memory_space<hbm>> -> memref<1x10000x16xf32, #tpu.memory_space<hbm>>
      %dma_start3A_150 = tpu.memref_squeeze %dma_start3A_149 : memref<1x10000x16xf32, #tpu.memory_space<hbm>> -> memref<10000x16xf32, #tpu.memory_space<hbm>>
      %dma_start3A_151 = arith.constant 0 : i32
      %dma_start3A_152 = tpu.memref_slice %dma_start3A_150[%add3A_124, %dma_start3A_151] : memref<10000x16xf32, #tpu.memory_space<hbm>> -> memref<125x16xf32, #tpu.memory_space<hbm>>
      tpu.enqueue_dma source(%arg21 : memref<125x16xf32, #tpu.memory_space<vmem>>) target(%dma_start3A_152 : memref<125x16xf32, #tpu.memory_space<hbm>>) target_semaphore(%run_scoped3A : memref<!tpu.dma_semaphore, #tpu.memory_space<semaphore_mem>>)
      %dma_wait3A_153 = arith.constant 0 : i32
      %dma_wait3A_154 = arith.constant 0 : i32
      %dma_wait3A_155 = tpu.memref_slice %arg6[%arg0, %dma_wait3A_153, %dma_wait3A_154] : memref<2x10000x16xf32, #tpu.memory_space<hbm>> -> memref<1x10000x16xf32, #tpu.memory_space<hbm>>
      %dma_wait3A_156 = tpu.memref_squeeze %dma_wait3A_155 : memref<1x10000x16xf32, #tpu.memory_space<hbm>> -> memref<10000x16xf32, #tpu.memory_space<hbm>>
      %dma_wait3A_157 = arith.constant 0 : i32
      %dma_wait3A_158 = tpu.memref_slice %dma_wait3A_156[%add3A_124, %dma_wait3A_157] : memref<10000x16xf32, #tpu.memory_space<hbm>> -> memref<125x16xf32, #tpu.memory_space<hbm>>
      %dma_wait3A_159 = arith.constant 0 : i32
      %dma_wait3A_160 = arith.constant 0 : i32
      %dma_wait3A_161 = tpu.memref_slice %arg6[%arg0, %dma_wait3A_159, %dma_wait3A_160] : memref<2x10000x16xf32, #tpu.memory_space<hbm>> -> memref<1x10000x16xf32, #tpu.memory_space<hbm>>
      %dma_wait3A_162 = tpu.memref_squeeze %dma_wait3A_161 : memref<1x10000x16xf32, #tpu.memory_space<hbm>> -> memref<10000x16xf32, #tpu.memory_space<hbm>>
      %dma_wait3A_163 = arith.constant 0 : i32
      %dma_wait3A_164 = tpu.memref_slice %dma_wait3A_162[%add3A_124, %dma_wait3A_163] : memref<10000x16xf32, #tpu.memory_space<hbm>> -> memref<125x16xf32, #tpu.memory_space<hbm>>
      tpu.wait_dma2 semaphore(%run_scoped3A : memref<!tpu.dma_semaphore, #tpu.memory_space<semaphore_mem>>) src(%arg21 : memref<125x16xf32, #tpu.memory_space<vmem>>) dst(%dma_wait3A_164 : memref<125x16xf32, #tpu.memory_space<hbm>>)
      tpu.yield
    }) : () -> ()
    %mul3A_125 = arith.constant 625 : i32
    %mul3A_126 = arith.muli %arg1, %mul3A_125 : i32
    %add3A_127 = arith.constant 125 : i32
    %add3A_128 = arith.addi %mul3A_126, %add3A_127 : i32
    "tpu.region"() ({
      %run_scoped3A = tpu.sem_alloc : memref<!tpu.dma_semaphore, #tpu.memory_space<semaphore_mem>>
      %dma_start3A_141 = arith.constant 0 : i32
      %dma_start3A_142 = tpu.memref_slice %arg22[%add3A_128, %dma_start3A_141] : memref<10000x16xf32, #tpu.memory_space<vmem_shared>> -> memref<125x16xf32, #tpu.memory_space<vmem_shared>>
      %dma_start3A_143 = arith.constant 0 : i32
      %dma_start3A_144 = tpu.memref_slice %arg22[%add3A_128, %dma_start3A_143] : memref<10000x16xf32, #tpu.memory_space<vmem_shared>> -> memref<125x16xf32, #tpu.memory_space<vmem_shared>>
      tpu.enqueue_dma source(%dma_start3A_144 : memref<125x16xf32, #tpu.memory_space<vmem_shared>>) target(%arg21 : memref<125x16xf32, #tpu.memory_space<vmem>>) target_semaphore(%run_scoped3A : memref<!tpu.dma_semaphore, #tpu.memory_space<semaphore_mem>>)
      %dma_wait3A_145 = arith.constant 0 : i32
      %dma_wait3A_146 = tpu.memref_slice %arg22[%add3A_128, %dma_wait3A_145] : memref<10000x16xf32, #tpu.memory_space<vmem_shared>> -> memref<125x16xf32, #tpu.memory_space<vmem_shared>>
      %dma_wait3A_147 = arith.constant 0 : i32
      %dma_wait3A_148 = tpu.memref_slice %arg22[%add3A_128, %dma_wait3A_147] : memref<10000x16xf32, #tpu.memory_space<vmem_shared>> -> memref<125x16xf32, #tpu.memory_space<vmem_shared>>
      tpu.wait_dma2 semaphore(%run_scoped3A : memref<!tpu.dma_semaphore, #tpu.memory_space<semaphore_mem>>) src(%dma_wait3A_148 : memref<125x16xf32, #tpu.memory_space<vmem_shared>>) dst(%arg21 : memref<125x16xf32, #tpu.memory_space<vmem>>)
      tpu.yield
    }) : () -> ()
    "tpu.region"() ({
      %run_scoped3A = tpu.sem_alloc : memref<!tpu.dma_semaphore, #tpu.memory_space<semaphore_mem>>
      %dma_start3A_141 = arith.constant 0 : i32
      %dma_start3A_142 = arith.constant 0 : i32
      %dma_start3A_143 = tpu.memref_slice %arg6[%arg0, %dma_start3A_141, %dma_start3A_142] : memref<2x10000x16xf32, #tpu.memory_space<hbm>> -> memref<1x10000x16xf32, #tpu.memory_space<hbm>>
      %dma_start3A_144 = tpu.memref_squeeze %dma_start3A_143 : memref<1x10000x16xf32, #tpu.memory_space<hbm>> -> memref<10000x16xf32, #tpu.memory_space<hbm>>
      %dma_start3A_145 = arith.constant 0 : i32
      %dma_start3A_146 = tpu.memref_slice %dma_start3A_144[%add3A_128, %dma_start3A_145] : memref<10000x16xf32, #tpu.memory_space<hbm>> -> memref<125x16xf32, #tpu.memory_space<hbm>>
      %dma_start3A_147 = arith.constant 0 : i32
      %dma_start3A_148 = arith.constant 0 : i32
      %dma_start3A_149 = tpu.memref_slice %arg6[%arg0, %dma_start3A_147, %dma_start3A_148] : memref<2x10000x16xf32, #tpu.memory_space<hbm>> -> memref<1x10000x16xf32, #tpu.memory_space<hbm>>
      %dma_start3A_150 = tpu.memref_squeeze %dma_start3A_149 : memref<1x10000x16xf32, #tpu.memory_space<hbm>> -> memref<10000x16xf32, #tpu.memory_space<hbm>>
      %dma_start3A_151 = arith.constant 0 : i32
      %dma_start3A_152 = tpu.memref_slice %dma_start3A_150[%add3A_128, %dma_start3A_151] : memref<10000x16xf32, #tpu.memory_space<hbm>> -> memref<125x16xf32, #tpu.memory_space<hbm>>
      tpu.enqueue_dma source(%arg21 : memref<125x16xf32, #tpu.memory_space<vmem>>) target(%dma_start3A_152 : memref<125x16xf32, #tpu.memory_space<hbm>>) target_semaphore(%run_scoped3A : memref<!tpu.dma_semaphore, #tpu.memory_space<semaphore_mem>>)
      %dma_wait3A_153 = arith.constant 0 : i32
      %dma_wait3A_154 = arith.constant 0 : i32
      %dma_wait3A_155 = tpu.memref_slice %arg6[%arg0, %dma_wait3A_153, %dma_wait3A_154] : memref<2x10000x16xf32, #tpu.memory_space<hbm>> -> memref<1x10000x16xf32, #tpu.memory_space<hbm>>
      %dma_wait3A_156 = tpu.memref_squeeze %dma_wait3A_155 : memref<1x10000x16xf32, #tpu.memory_space<hbm>> -> memref<10000x16xf32, #tpu.memory_space<hbm>>
      %dma_wait3A_157 = arith.constant 0 : i32
      %dma_wait3A_158 = tpu.memref_slice %dma_wait3A_156[%add3A_128, %dma_wait3A_157] : memref<10000x16xf32, #tpu.memory_space<hbm>> -> memref<125x16xf32, #tpu.memory_space<hbm>>
      %dma_wait3A_159 = arith.constant 0 : i32
      %dma_wait3A_160 = arith.constant 0 : i32
      %dma_wait3A_161 = tpu.memref_slice %arg6[%arg0, %dma_wait3A_159, %dma_wait3A_160] : memref<2x10000x16xf32, #tpu.memory_space<hbm>> -> memref<1x10000x16xf32, #tpu.memory_space<hbm>>
      %dma_wait3A_162 = tpu.memref_squeeze %dma_wait3A_161 : memref<1x10000x16xf32, #tpu.memory_space<hbm>> -> memref<10000x16xf32, #tpu.memory_space<hbm>>
      %dma_wait3A_163 = arith.constant 0 : i32
      %dma_wait3A_164 = tpu.memref_slice %dma_wait3A_162[%add3A_128, %dma_wait3A_163] : memref<10000x16xf32, #tpu.memory_space<hbm>> -> memref<125x16xf32, #tpu.memory_space<hbm>>
      tpu.wait_dma2 semaphore(%run_scoped3A : memref<!tpu.dma_semaphore, #tpu.memory_space<semaphore_mem>>) src(%arg21 : memref<125x16xf32, #tpu.memory_space<vmem>>) dst(%dma_wait3A_164 : memref<125x16xf32, #tpu.memory_space<hbm>>)
      tpu.yield
    }) : () -> ()
    %mul3A_129 = arith.constant 625 : i32
    %mul3A_130 = arith.muli %arg1, %mul3A_129 : i32
    %add3A_131 = arith.constant 250 : i32
    %add3A_132 = arith.addi %mul3A_130, %add3A_131 : i32
    "tpu.region"() ({
      %run_scoped3A = tpu.sem_alloc : memref<!tpu.dma_semaphore, #tpu.memory_space<semaphore_mem>>
      %dma_start3A_141 = arith.constant 0 : i32
      %dma_start3A_142 = tpu.memref_slice %arg22[%add3A_132, %dma_start3A_141] : memref<10000x16xf32, #tpu.memory_space<vmem_shared>> -> memref<125x16xf32, #tpu.memory_space<vmem_shared>>
      %dma_start3A_143 = arith.constant 0 : i32
      %dma_start3A_144 = tpu.memref_slice %arg22[%add3A_132, %dma_start3A_143] : memref<10000x16xf32, #tpu.memory_space<vmem_shared>> -> memref<125x16xf32, #tpu.memory_space<vmem_shared>>
      tpu.enqueue_dma source(%dma_start3A_144 : memref<125x16xf32, #tpu.memory_space<vmem_shared>>) target(%arg21 : memref<125x16xf32, #tpu.memory_space<vmem>>) target_semaphore(%run_scoped3A : memref<!tpu.dma_semaphore, #tpu.memory_space<semaphore_mem>>)
      %dma_wait3A_145 = arith.constant 0 : i32
      %dma_wait3A_146 = tpu.memref_slice %arg22[%add3A_132, %dma_wait3A_145] : memref<10000x16xf32, #tpu.memory_space<vmem_shared>> -> memref<125x16xf32, #tpu.memory_space<vmem_shared>>
      %dma_wait3A_147 = arith.constant 0 : i32
      %dma_wait3A_148 = tpu.memref_slice %arg22[%add3A_132, %dma_wait3A_147] : memref<10000x16xf32, #tpu.memory_space<vmem_shared>> -> memref<125x16xf32, #tpu.memory_space<vmem_shared>>
      tpu.wait_dma2 semaphore(%run_scoped3A : memref<!tpu.dma_semaphore, #tpu.memory_space<semaphore_mem>>) src(%dma_wait3A_148 : memref<125x16xf32, #tpu.memory_space<vmem_shared>>) dst(%arg21 : memref<125x16xf32, #tpu.memory_space<vmem>>)
      tpu.yield
    }) : () -> ()
    "tpu.region"() ({
      %run_scoped3A = tpu.sem_alloc : memref<!tpu.dma_semaphore, #tpu.memory_space<semaphore_mem>>
      %dma_start3A_141 = arith.constant 0 : i32
      %dma_start3A_142 = arith.constant 0 : i32
      %dma_start3A_143 = tpu.memref_slice %arg6[%arg0, %dma_start3A_141, %dma_start3A_142] : memref<2x10000x16xf32, #tpu.memory_space<hbm>> -> memref<1x10000x16xf32, #tpu.memory_space<hbm>>
      %dma_start3A_144 = tpu.memref_squeeze %dma_start3A_143 : memref<1x10000x16xf32, #tpu.memory_space<hbm>> -> memref<10000x16xf32, #tpu.memory_space<hbm>>
      %dma_start3A_145 = arith.constant 0 : i32
      %dma_start3A_146 = tpu.memref_slice %dma_start3A_144[%add3A_132, %dma_start3A_145] : memref<10000x16xf32, #tpu.memory_space<hbm>> -> memref<125x16xf32, #tpu.memory_space<hbm>>
      %dma_start3A_147 = arith.constant 0 : i32
      %dma_start3A_148 = arith.constant 0 : i32
      %dma_start3A_149 = tpu.memref_slice %arg6[%arg0, %dma_start3A_147, %dma_start3A_148] : memref<2x10000x16xf32, #tpu.memory_space<hbm>> -> memref<1x10000x16xf32, #tpu.memory_space<hbm>>
      %dma_start3A_150 = tpu.memref_squeeze %dma_start3A_149 : memref<1x10000x16xf32, #tpu.memory_space<hbm>> -> memref<10000x16xf32, #tpu.memory_space<hbm>>
      %dma_start3A_151 = arith.constant 0 : i32
      %dma_start3A_152 = tpu.memref_slice %dma_start3A_150[%add3A_132, %dma_start3A_151] : memref<10000x16xf32, #tpu.memory_space<hbm>> -> memref<125x16xf32, #tpu.memory_space<hbm>>
      tpu.enqueue_dma source(%arg21 : memref<125x16xf32, #tpu.memory_space<vmem>>) target(%dma_start3A_152 : memref<125x16xf32, #tpu.memory_space<hbm>>) target_semaphore(%run_scoped3A : memref<!tpu.dma_semaphore, #tpu.memory_space<semaphore_mem>>)
      %dma_wait3A_153 = arith.constant 0 : i32
      %dma_wait3A_154 = arith.constant 0 : i32
      %dma_wait3A_155 = tpu.memref_slice %arg6[%arg0, %dma_wait3A_153, %dma_wait3A_154] : memref<2x10000x16xf32, #tpu.memory_space<hbm>> -> memref<1x10000x16xf32, #tpu.memory_space<hbm>>
      %dma_wait3A_156 = tpu.memref_squeeze %dma_wait3A_155 : memref<1x10000x16xf32, #tpu.memory_space<hbm>> -> memref<10000x16xf32, #tpu.memory_space<hbm>>
      %dma_wait3A_157 = arith.constant 0 : i32
      %dma_wait3A_158 = tpu.memref_slice %dma_wait3A_156[%add3A_132, %dma_wait3A_157] : memref<10000x16xf32, #tpu.memory_space<hbm>> -> memref<125x16xf32, #tpu.memory_space<hbm>>
      %dma_wait3A_159 = arith.constant 0 : i32
      %dma_wait3A_160 = arith.constant 0 : i32
      %dma_wait3A_161 = tpu.memref_slice %arg6[%arg0, %dma_wait3A_159, %dma_wait3A_160] : memref<2x10000x16xf32, #tpu.memory_space<hbm>> -> memref<1x10000x16xf32, #tpu.memory_space<hbm>>
      %dma_wait3A_162 = tpu.memref_squeeze %dma_wait3A_161 : memref<1x10000x16xf32, #tpu.memory_space<hbm>> -> memref<10000x16xf32, #tpu.memory_space<hbm>>
      %dma_wait3A_163 = arith.constant 0 : i32
      %dma_wait3A_164 = tpu.memref_slice %dma_wait3A_162[%add3A_132, %dma_wait3A_163] : memref<10000x16xf32, #tpu.memory_space<hbm>> -> memref<125x16xf32, #tpu.memory_space<hbm>>
      tpu.wait_dma2 semaphore(%run_scoped3A : memref<!tpu.dma_semaphore, #tpu.memory_space<semaphore_mem>>) src(%arg21 : memref<125x16xf32, #tpu.memory_space<vmem>>) dst(%dma_wait3A_164 : memref<125x16xf32, #tpu.memory_space<hbm>>)
      tpu.yield
    }) : () -> ()
    %mul3A_133 = arith.constant 625 : i32
    %mul3A_134 = arith.muli %arg1, %mul3A_133 : i32
    %add3A_135 = arith.constant 375 : i32
    %add3A_136 = arith.addi %mul3A_134, %add3A_135 : i32
    "tpu.region"() ({
      %run_scoped3A = tpu.sem_alloc : memref<!tpu.dma_semaphore, #tpu.memory_space<semaphore_mem>>
      %dma_start3A_141 = arith.constant 0 : i32
      %dma_start3A_142 = tpu.memref_slice %arg22[%add3A_136, %dma_start3A_141] : memref<10000x16xf32, #tpu.memory_space<vmem_shared>> -> memref<125x16xf32, #tpu.memory_space<vmem_shared>>
      %dma_start3A_143 = arith.constant 0 : i32
      %dma_start3A_144 = tpu.memref_slice %arg22[%add3A_136, %dma_start3A_143] : memref<10000x16xf32, #tpu.memory_space<vmem_shared>> -> memref<125x16xf32, #tpu.memory_space<vmem_shared>>
      tpu.enqueue_dma source(%dma_start3A_144 : memref<125x16xf32, #tpu.memory_space<vmem_shared>>) target(%arg21 : memref<125x16xf32, #tpu.memory_space<vmem>>) target_semaphore(%run_scoped3A : memref<!tpu.dma_semaphore, #tpu.memory_space<semaphore_mem>>)
      %dma_wait3A_145 = arith.constant 0 : i32
      %dma_wait3A_146 = tpu.memref_slice %arg22[%add3A_136, %dma_wait3A_145] : memref<10000x16xf32, #tpu.memory_space<vmem_shared>> -> memref<125x16xf32, #tpu.memory_space<vmem_shared>>
      %dma_wait3A_147 = arith.constant 0 : i32
      %dma_wait3A_148 = tpu.memref_slice %arg22[%add3A_136, %dma_wait3A_147] : memref<10000x16xf32, #tpu.memory_space<vmem_shared>> -> memref<125x16xf32, #tpu.memory_space<vmem_shared>>
      tpu.wait_dma2 semaphore(%run_scoped3A : memref<!tpu.dma_semaphore, #tpu.memory_space<semaphore_mem>>) src(%dma_wait3A_148 : memref<125x16xf32, #tpu.memory_space<vmem_shared>>) dst(%arg21 : memref<125x16xf32, #tpu.memory_space<vmem>>)
      tpu.yield
    }) : () -> ()
    "tpu.region"() ({
      %run_scoped3A = tpu.sem_alloc : memref<!tpu.dma_semaphore, #tpu.memory_space<semaphore_mem>>
      %dma_start3A_141 = arith.constant 0 : i32
      %dma_start3A_142 = arith.constant 0 : i32
      %dma_start3A_143 = tpu.memref_slice %arg6[%arg0, %dma_start3A_141, %dma_start3A_142] : memref<2x10000x16xf32, #tpu.memory_space<hbm>> -> memref<1x10000x16xf32, #tpu.memory_space<hbm>>
      %dma_start3A_144 = tpu.memref_squeeze %dma_start3A_143 : memref<1x10000x16xf32, #tpu.memory_space<hbm>> -> memref<10000x16xf32, #tpu.memory_space<hbm>>
      %dma_start3A_145 = arith.constant 0 : i32
      %dma_start3A_146 = tpu.memref_slice %dma_start3A_144[%add3A_136, %dma_start3A_145] : memref<10000x16xf32, #tpu.memory_space<hbm>> -> memref<125x16xf32, #tpu.memory_space<hbm>>
      %dma_start3A_147 = arith.constant 0 : i32
      %dma_start3A_148 = arith.constant 0 : i32
      %dma_start3A_149 = tpu.memref_slice %arg6[%arg0, %dma_start3A_147, %dma_start3A_148] : memref<2x10000x16xf32, #tpu.memory_space<hbm>> -> memref<1x10000x16xf32, #tpu.memory_space<hbm>>
      %dma_start3A_150 = tpu.memref_squeeze %dma_start3A_149 : memref<1x10000x16xf32, #tpu.memory_space<hbm>> -> memref<10000x16xf32, #tpu.memory_space<hbm>>
      %dma_start3A_151 = arith.constant 0 : i32
      %dma_start3A_152 = tpu.memref_slice %dma_start3A_150[%add3A_136, %dma_start3A_151] : memref<10000x16xf32, #tpu.memory_space<hbm>> -> memref<125x16xf32, #tpu.memory_space<hbm>>
      tpu.enqueue_dma source(%arg21 : memref<125x16xf32, #tpu.memory_space<vmem>>) target(%dma_start3A_152 : memref<125x16xf32, #tpu.memory_space<hbm>>) target_semaphore(%run_scoped3A : memref<!tpu.dma_semaphore, #tpu.memory_space<semaphore_mem>>)
      %dma_wait3A_153 = arith.constant 0 : i32
      %dma_wait3A_154 = arith.constant 0 : i32
      %dma_wait3A_155 = tpu.memref_slice %arg6[%arg0, %dma_wait3A_153, %dma_wait3A_154] : memref<2x10000x16xf32, #tpu.memory_space<hbm>> -> memref<1x10000x16xf32, #tpu.memory_space<hbm>>
      %dma_wait3A_156 = tpu.memref_squeeze %dma_wait3A_155 : memref<1x10000x16xf32, #tpu.memory_space<hbm>> -> memref<10000x16xf32, #tpu.memory_space<hbm>>
      %dma_wait3A_157 = arith.constant 0 : i32
      %dma_wait3A_158 = tpu.memref_slice %dma_wait3A_156[%add3A_136, %dma_wait3A_157] : memref<10000x16xf32, #tpu.memory_space<hbm>> -> memref<125x16xf32, #tpu.memory_space<hbm>>
      %dma_wait3A_159 = arith.constant 0 : i32
      %dma_wait3A_160 = arith.constant 0 : i32
      %dma_wait3A_161 = tpu.memref_slice %arg6[%arg0, %dma_wait3A_159, %dma_wait3A_160] : memref<2x10000x16xf32, #tpu.memory_space<hbm>> -> memref<1x10000x16xf32, #tpu.memory_space<hbm>>
      %dma_wait3A_162 = tpu.memref_squeeze %dma_wait3A_161 : memref<1x10000x16xf32, #tpu.memory_space<hbm>> -> memref<10000x16xf32, #tpu.memory_space<hbm>>
      %dma_wait3A_163 = arith.constant 0 : i32
      %dma_wait3A_164 = tpu.memref_slice %dma_wait3A_162[%add3A_136, %dma_wait3A_163] : memref<10000x16xf32, #tpu.memory_space<hbm>> -> memref<125x16xf32, #tpu.memory_space<hbm>>
      tpu.wait_dma2 semaphore(%run_scoped3A : memref<!tpu.dma_semaphore, #tpu.memory_space<semaphore_mem>>) src(%arg21 : memref<125x16xf32, #tpu.memory_space<vmem>>) dst(%dma_wait3A_164 : memref<125x16xf32, #tpu.memory_space<hbm>>)
      tpu.yield
    }) : () -> ()
    %mul3A_137 = arith.constant 625 : i32
    %mul3A_138 = arith.muli %arg1, %mul3A_137 : i32
    %add3A_139 = arith.constant 500 : i32
    %add3A_140 = arith.addi %mul3A_138, %add3A_139 : i32
    "tpu.region"() ({
      %run_scoped3A = tpu.sem_alloc : memref<!tpu.dma_semaphore, #tpu.memory_space<semaphore_mem>>
      %dma_start3A_141 = arith.constant 0 : i32
      %dma_start3A_142 = tpu.memref_slice %arg22[%add3A_140, %dma_start3A_141] : memref<10000x16xf32, #tpu.memory_space<vmem_shared>> -> memref<125x16xf32, #tpu.memory_space<vmem_shared>>
      %dma_start3A_143 = arith.constant 0 : i32
      %dma_start3A_144 = tpu.memref_slice %arg22[%add3A_140, %dma_start3A_143] : memref<10000x16xf32, #tpu.memory_space<vmem_shared>> -> memref<125x16xf32, #tpu.memory_space<vmem_shared>>
      tpu.enqueue_dma source(%dma_start3A_144 : memref<125x16xf32, #tpu.memory_space<vmem_shared>>) target(%arg21 : memref<125x16xf32, #tpu.memory_space<vmem>>) target_semaphore(%run_scoped3A : memref<!tpu.dma_semaphore, #tpu.memory_space<semaphore_mem>>)
      %dma_wait3A_145 = arith.constant 0 : i32
      %dma_wait3A_146 = tpu.memref_slice %arg22[%add3A_140, %dma_wait3A_145] : memref<10000x16xf32, #tpu.memory_space<vmem_shared>> -> memref<125x16xf32, #tpu.memory_space<vmem_shared>>
      %dma_wait3A_147 = arith.constant 0 : i32
      %dma_wait3A_148 = tpu.memref_slice %arg22[%add3A_140, %dma_wait3A_147] : memref<10000x16xf32, #tpu.memory_space<vmem_shared>> -> memref<125x16xf32, #tpu.memory_space<vmem_shared>>
      tpu.wait_dma2 semaphore(%run_scoped3A : memref<!tpu.dma_semaphore, #tpu.memory_space<semaphore_mem>>) src(%dma_wait3A_148 : memref<125x16xf32, #tpu.memory_space<vmem_shared>>) dst(%arg21 : memref<125x16xf32, #tpu.memory_space<vmem>>)
      tpu.yield
    }) : () -> ()
    "tpu.region"() ({
      %run_scoped3A = tpu.sem_alloc : memref<!tpu.dma_semaphore, #tpu.memory_space<semaphore_mem>>
      %dma_start3A_141 = arith.constant 0 : i32
      %dma_start3A_142 = arith.constant 0 : i32
      %dma_start3A_143 = tpu.memref_slice %arg6[%arg0, %dma_start3A_141, %dma_start3A_142] : memref<2x10000x16xf32, #tpu.memory_space<hbm>> -> memref<1x10000x16xf32, #tpu.memory_space<hbm>>
      %dma_start3A_144 = tpu.memref_squeeze %dma_start3A_143 : memref<1x10000x16xf32, #tpu.memory_space<hbm>> -> memref<10000x16xf32, #tpu.memory_space<hbm>>
      %dma_start3A_145 = arith.constant 0 : i32
      %dma_start3A_146 = tpu.memref_slice %dma_start3A_144[%add3A_140, %dma_start3A_145] : memref<10000x16xf32, #tpu.memory_space<hbm>> -> memref<125x16xf32, #tpu.memory_space<hbm>>
      %dma_start3A_147 = arith.constant 0 : i32
      %dma_start3A_148 = arith.constant 0 : i32
      %dma_start3A_149 = tpu.memref_slice %arg6[%arg0, %dma_start3A_147, %dma_start3A_148] : memref<2x10000x16xf32, #tpu.memory_space<hbm>> -> memref<1x10000x16xf32, #tpu.memory_space<hbm>>
      %dma_start3A_150 = tpu.memref_squeeze %dma_start3A_149 : memref<1x10000x16xf32, #tpu.memory_space<hbm>> -> memref<10000x16xf32, #tpu.memory_space<hbm>>
      %dma_start3A_151 = arith.constant 0 : i32
      %dma_start3A_152 = tpu.memref_slice %dma_start3A_150[%add3A_140, %dma_start3A_151] : memref<10000x16xf32, #tpu.memory_space<hbm>> -> memref<125x16xf32, #tpu.memory_space<hbm>>
      tpu.enqueue_dma source(%arg21 : memref<125x16xf32, #tpu.memory_space<vmem>>) target(%dma_start3A_152 : memref<125x16xf32, #tpu.memory_space<hbm>>) target_semaphore(%run_scoped3A : memref<!tpu.dma_semaphore, #tpu.memory_space<semaphore_mem>>)
      %dma_wait3A_153 = arith.constant 0 : i32
      %dma_wait3A_154 = arith.constant 0 : i32
      %dma_wait3A_155 = tpu.memref_slice %arg6[%arg0, %dma_wait3A_153, %dma_wait3A_154] : memref<2x10000x16xf32, #tpu.memory_space<hbm>> -> memref<1x10000x16xf32, #tpu.memory_space<hbm>>
      %dma_wait3A_156 = tpu.memref_squeeze %dma_wait3A_155 : memref<1x10000x16xf32, #tpu.memory_space<hbm>> -> memref<10000x16xf32, #tpu.memory_space<hbm>>
      %dma_wait3A_157 = arith.constant 0 : i32
      %dma_wait3A_158 = tpu.memref_slice %dma_wait3A_156[%add3A_140, %dma_wait3A_157] : memref<10000x16xf32, #tpu.memory_space<hbm>> -> memref<125x16xf32, #tpu.memory_space<hbm>>
      %dma_wait3A_159 = arith.constant 0 : i32
      %dma_wait3A_160 = arith.constant 0 : i32
      %dma_wait3A_161 = tpu.memref_slice %arg6[%arg0, %dma_wait3A_159, %dma_wait3A_160] : memref<2x10000x16xf32, #tpu.memory_space<hbm>> -> memref<1x10000x16xf32, #tpu.memory_space<hbm>>
      %dma_wait3A_162 = tpu.memref_squeeze %dma_wait3A_161 : memref<1x10000x16xf32, #tpu.memory_space<hbm>> -> memref<10000x16xf32, #tpu.memory_space<hbm>>
      %dma_wait3A_163 = arith.constant 0 : i32
      %dma_wait3A_164 = tpu.memref_slice %dma_wait3A_162[%add3A_140, %dma_wait3A_163] : memref<10000x16xf32, #tpu.memory_space<hbm>> -> memref<125x16xf32, #tpu.memory_space<hbm>>
      tpu.wait_dma2 semaphore(%run_scoped3A : memref<!tpu.dma_semaphore, #tpu.memory_space<semaphore_mem>>) src(%arg21 : memref<125x16xf32, #tpu.memory_space<vmem>>) dst(%dma_wait3A_164 : memref<125x16xf32, #tpu.memory_space<hbm>>)
      tpu.yield
    }) : () -> ()
    return
  }
}

module attributes {stable_mosaic.version = 14 : i64} {
  func.func @_mm_tables_body(%arg0: i32, %arg1: memref<2000x128xf32, #tpu.memory_space<vmem>>, %arg2: memref<128x88xf32, #tpu.memory_space<vmem>>, %arg3: memref<2000x72xf32, #tpu.memory_space<vmem>>, %arg4: memref<2000x16xf32, #tpu.memory_space<vmem>>) attributes {dimension_semantics = [#tpu.dimension_semantics<arbitrary>], iteration_bounds = array<i64: 5>, scalar_prefetch = 0 : i64, scratch_operands = 0 : i64, tpu.core_type = #tpu.core_type<tc>, window_params = [{transform_indices = @transform_0, window_bounds = array<i64: 2000, 128>}, {pipeline_mode = #tpu.pipeline_mode<synchronous>, transform_indices = @transform_1, window_bounds = array<i64: 128, 88>}, {transform_indices = @transform_2, window_bounds = array<i64: 2000, 72>}, {transform_indices = @transform_3, window_bounds = array<i64: 2000, 16>}]} {
    %get3A = arith.constant 0 : index
    %get3A_0 = arith.constant 0 : index
    %get3A_1 = vector.load %arg1[%get3A, %get3A_0] : memref<2000x128xf32, #tpu.memory_space<vmem>>, vector<2000x128xf32>
    %get3A_2 = arith.constant 0 : index
    %get3A_3 = arith.constant 0 : index
    %get3A_4 = vector.load %arg2[%get3A_2, %get3A_3] : memref<128x88xf32, #tpu.memory_space<vmem>>, vector<128x88xf32>
    %dot_general3A = arith.constant dense<0.000000e+00> : vector<2000x88xf32>
    %dot_general3A_5 = tpu.matmul %get3A_1, %get3A_4, %dot_general3A {dimension_numbers = #tpu.dot_dimension_numbers<[1], [0], [0], [1], [0, 0, 1, 1], [], []>, transpose_lhs_hint = false} : vector<2000x128xf32>, vector<128x88xf32>, vector<2000x88xf32> -> vector<2000x88xf32>
    %slice3A = vector.extract_strided_slice %dot_general3A_5 {offsets = [0, 0], sizes = [2000, 72], strides = [1, 1]} : vector<2000x88xf32> to vector<2000x72xf32>
    %swap3A = arith.constant 0 : index
    %swap3A_6 = arith.constant 0 : index
    %swap3A_7 = vector.load %arg3[%swap3A, %swap3A_6] : memref<2000x72xf32, #tpu.memory_space<vmem>>, vector<2000x72xf32>
    tpu.vector_store %arg3[%swap3A, %swap3A_6], %slice3A {strides = array<i32>} : memref<2000x72xf32, #tpu.memory_space<vmem>>, vector<2000x72xf32>,
    %slice3A_8 = vector.extract_strided_slice %dot_general3A_5 {offsets = [0, 72], sizes = [2000, 16], strides = [1, 1]} : vector<2000x88xf32> to vector<2000x16xf32>
    %swap3A_9 = arith.constant 0 : index
    %swap3A_10 = arith.constant 0 : index
    %swap3A_11 = vector.load %arg4[%swap3A_9, %swap3A_10] : memref<2000x16xf32, #tpu.memory_space<vmem>>, vector<2000x16xf32>
    tpu.vector_store %arg4[%swap3A_9, %swap3A_10], %slice3A_8 {strides = array<i32>} : memref<2000x16xf32, #tpu.memory_space<vmem>>, vector<2000x16xf32>,
    return
  }
  func.func @transform_0(%arg0: i32) -> (i32, i32) {
    %c0_i32 = arith.constant 0 : i32
    %c0_i32_0 = arith.constant 0 : i32
    return %arg0, %c0_i32 : i32, i32
  }
  func.func @transform_1(%arg0: i32) -> (i32, i32) {
    %c0_i32 = arith.constant 0 : i32
    %c0_i32_0 = arith.constant 0 : i32
    %c0_i32_1 = arith.constant 0 : i32
    return %c0_i32, %c0_i32_0 : i32, i32
  }
  func.func @transform_2(%arg0: i32) -> (i32, i32) {
    %c0_i32 = arith.constant 0 : i32
    %c0_i32_0 = arith.constant 0 : i32
    return %arg0, %c0_i32 : i32, i32
  }
  func.func @transform_3(%arg0: i32) -> (i32, i32) {
    %c0_i32 = arith.constant 0 : i32
    %c0_i32_0 = arith.constant 0 : i32
    return %arg0, %c0_i32 : i32, i32
  }
}

module attributes {stable_mosaic.version = 14 : i64} {
  func.func @_layer1_finish_body(%arg0: i32, %arg1: memref<2x2000x72xf32, #tpu.memory_space<vmem>>, %arg2: memref<2000x72xf32, #tpu.memory_space<vmem>>, %arg3: memref<2000x16xf32, #tpu.memory_space<vmem>>, %arg4: memref<64x9xf32, #tpu.memory_space<vmem>>, %arg5: memref<1x64xf32, #tpu.memory_space<vmem>>, %arg6: memref<8x64xf32, #tpu.memory_space<vmem>>, %arg7: memref<2000x16xf32, #tpu.memory_space<vmem>>, %arg8: memref<2000x16xf32, #tpu.memory_space<vmem>>) attributes {dimension_semantics = [#tpu.dimension_semantics<arbitrary>], iteration_bounds = array<i64: 5>, scalar_prefetch = 0 : i64, scratch_operands = 0 : i64, tpu.core_type = #tpu.core_type<tc>, window_params = [{transform_indices = @transform_0, window_bounds = array<i64: 2, 2000, 72>}, {transform_indices = @transform_1, window_bounds = array<i64: 2000, 72>}, {transform_indices = @transform_2, window_bounds = array<i64: 2000, 16>}, {pipeline_mode = #tpu.pipeline_mode<synchronous>, transform_indices = @transform_3, window_bounds = array<i64: 64, 9>}, {pipeline_mode = #tpu.pipeline_mode<synchronous>, transform_indices = @transform_4, window_bounds = array<i64: 1, 64>}, {pipeline_mode = #tpu.pipeline_mode<synchronous>, transform_indices = @transform_5, window_bounds = array<i64: 8, 64>}, {transform_indices = @transform_6, window_bounds = array<i64: 2000, 16>}, {transform_indices = @transform_7, window_bounds = array<i64: 2000, 16>}]} {
    %get3A = arith.constant 0 : index
    %get3A_0 = arith.constant 0 : index
    %get3A_1 = arith.constant 0 : index
    %get3A_2 = vector.load %arg1[%get3A, %get3A_0, %get3A_1] : memref<2x2000x72xf32, #tpu.memory_space<vmem>>, vector<1x2000x72xf32>
    %get3A_3 = vector.shape_cast %get3A_2 : vector<1x2000x72xf32> to vector<2000x72xf32>
    %get3A_4 = arith.constant 1 : index
    %get3A_5 = arith.constant 0 : index
    %get3A_6 = arith.constant 0 : index
    %get3A_7 = vector.load %arg1[%get3A_4, %get3A_5, %get3A_6] : memref<2x2000x72xf32, #tpu.memory_space<vmem>>, vector<1x2000x72xf32>
    %get3A_8 = vector.shape_cast %get3A_7 : vector<1x2000x72xf32> to vector<2000x72xf32>
    %add3A = arith.addf %get3A_3, %get3A_8 : vector<2000x72xf32>
    %get3A_9 = arith.constant 0 : index
    %get3A_10 = arith.constant 0 : index
    %get3A_11 = vector.load %arg2[%get3A_9, %get3A_10] : memref<2000x72xf32, #tpu.memory_space<vmem>>, vector<2000x8xf32>
    %get3A_12 = arith.constant 0 : index
    %get3A_13 = arith.constant 8 : index
    %get3A_14 = vector.load %arg2[%get3A_12, %get3A_13] : memref<2000x72xf32, #tpu.memory_space<vmem>>, vector<2000x64xf32>
    %get3A_15 = arith.constant 0 : index
    %get3A_16 = arith.constant 0 : index
    %get3A_17 = vector.load %arg3[%get3A_15, %get3A_16] : memref<2000x16xf32, #tpu.memory_space<vmem>>, vector<2000x8xf32>
    %add3A_18 = arith.addf %get3A_11, %get3A_17 : vector<2000x8xf32>
    %mul3A = arith.constant 2.000000e-01 : f32
    %mul3A_19 = vector.broadcast %mul3A : f32 to vector<2000x8xf32>
    %mul3A_20 = arith.mulf %mul3A_19, %add3A_18 : vector<2000x8xf32>
    %max3A = arith.maximumf %add3A_18, %mul3A_20 : vector<2000x8xf32>
    %exp3A = math.exp %max3A : vector<2000x8xf32>
    %slice3A = vector.extract_strided_slice %add3A {offsets = [0, 0], sizes = [2000, 8], strides = [1, 1]} : vector<2000x72xf32> to vector<2000x8xf32>
    %add3A_21 = arith.addf %slice3A, %exp3A : vector<2000x8xf32>
    %get3A_22 = arith.constant 0 : index
    %get3A_23 = arith.constant 0 : index
    %get3A_24 = vector.load %arg6[%get3A_22, %get3A_23] : memref<8x64xf32, #tpu.memory_space<vmem>>, vector<8x64xf32>
    %dot_general3A = arith.constant dense<0.000000e+00> : vector<2000x64xf32>
    %dot_general3A_25 = tpu.matmul %exp3A, %get3A_24, %dot_general3A {dimension_numbers = #tpu.dot_dimension_numbers<[1], [0], [0], [1], [0, 0, 1, 1], [], []>, transpose_lhs_hint = false} : vector<2000x8xf32>, vector<8x64xf32>, vector<2000x64xf32> -> vector<2000x64xf32>
    %dot_general3A_26 = arith.constant dense<0.000000e+00> : vector<2000x64xf32>
    %dot_general3A_27 = tpu.matmul %add3A_21, %get3A_24, %dot_general3A_26 {dimension_numbers = #tpu.dot_dimension_numbers<[1], [0], [0], [1], [0, 0, 1, 1], [], []>, transpose_lhs_hint = false} : vector<2000x8xf32>, vector<8x64xf32>, vector<2000x64xf32> -> vector<2000x64xf32>
    %slice3A_28 = vector.extract_strided_slice %add3A {offsets = [0, 8], sizes = [2000, 64], strides = [1, 1]} : vector<2000x72xf32> to vector<2000x64xf32>
    %mul3A_29 = arith.mulf %get3A_14, %dot_general3A_25 : vector<2000x64xf32>
    %add3A_30 = arith.addf %slice3A_28, %mul3A_29 : vector<2000x64xf32>
    %add3A_31 = arith.constant 1.000000e-16 : f32
    %add3A_32 = vector.broadcast %add3A_31 : f32 to vector<2000x64xf32>
    %add3A_33 = arith.addf %dot_general3A_27, %add3A_32 : vector<2000x64xf32>
    %div3A = arith.divf %add3A_30, %add3A_33 : vector<2000x64xf32>
    %get3A_34 = arith.constant 0 : index
    %get3A_35 = arith.constant 0 : index
    %get3A_36 = vector.load %arg5[%get3A_34, %get3A_35] : memref<1x64xf32, #tpu.memory_space<vmem>>, vector<1x64xf32>
    %add3A_37 = vector.broadcast %get3A_36 : vector<1x64xf32> to vector<2000x64xf32>
    %add3A_38 = arith.addf %div3A, %add3A_37 : vector<2000x64xf32>
    %gt3A = arith.constant 0.000000e+00 : f32
    %gt3A_39 = vector.broadcast %gt3A : f32 to vector<2000x64xf32>
    %gt3A_40 = arith.cmpf ogt, %add3A_38, %gt3A_39 : vector<2000x64xf32>
    %exp3A_41 = math.exp %add3A_38 : vector<2000x64xf32>
    %sub3A = arith.constant 1.000000e+00 : f32
    %sub3A_42 = vector.broadcast %sub3A : f32 to vector<2000x64xf32>
    %sub3A_43 = arith.subf %exp3A_41, %sub3A_42 : vector<2000x64xf32>
    %select_n3A = arith.select %gt3A_40, %add3A_38, %sub3A_43 : vector<2000x64xi1>, vector<2000x64xf32>
    %get3A_44 = arith.constant 0 : index
    %get3A_45 = arith.constant 0 : index
    %get3A_46 = vector.load %arg4[%get3A_44, %get3A_45] : memref<64x9xf32, #tpu.memory_space<vmem>>, vector<64x9xf32>
    %dot_general3A_47 = arith.constant dense<0.000000e+00> : vector<2000x9xf32>
    %dot_general3A_48 = tpu.matmul %select_n3A, %get3A_46, %dot_general3A_47 {dimension_numbers = #tpu.dot_dimension_numbers<[1], [0], [0], [1], [0, 0, 1, 1], [], []>, transpose_lhs_hint = false} : vector<2000x64xf32>, vector<64x9xf32>, vector<2000x9xf32> -> vector<2000x9xf32>
    %slice3A_49 = vector.extract_strided_slice %dot_general3A_48 {offsets = [0, 0], sizes = [2000, 7], strides = [1, 1]} : vector<2000x9xf32> to vector<2000x7xf32>
    %slice3A_50 = vector.extract_strided_slice %dot_general3A_48 {offsets = [0, 7], sizes = [2000, 1], strides = [1, 1]} : vector<2000x9xf32> to vector<2000x1xf32>
    %slice3A_51 = vector.extract_strided_slice %dot_general3A_48 {offsets = [0, 8], sizes = [2000, 1], strides = [1, 1]} : vector<2000x9xf32> to vector<2000x1xf32>
    %broadcast_in_dim3A = arith.constant 1.000000e+00 : f32
    %broadcast_in_dim3A_52 = vector.broadcast %broadcast_in_dim3A : f32 to vector<2000x1xf32>
    %broadcast_in_dim3A_53 = arith.constant 0.000000e+00 : f32
    %broadcast_in_dim3A_54 = vector.broadcast %broadcast_in_dim3A_53 : f32 to vector<2000x7xf32>
    %concatenate3A = tpu.concatenate %broadcast_in_dim3A_52, %slice3A_49, %slice3A_50, %broadcast_in_dim3A_54 in 1 : vector<2000x1xf32>, vector<2000x7xf32>, vector<2000x1xf32>, vector<2000x7xf32> -> vector<2000x16xf32>
    %swap3A = arith.constant 0 : index
    %swap3A_55 = arith.constant 0 : index
    %swap3A_56 = vector.load %arg7[%swap3A, %swap3A_55] : memref<2000x16xf32, #tpu.memory_space<vmem>>, vector<2000x16xf32>
    tpu.vector_store %arg7[%swap3A, %swap3A_55], %concatenate3A {strides = array<i32>} : memref<2000x16xf32, #tpu.memory_space<vmem>>, vector<2000x16xf32>,
    %broadcast_in_dim3A_57 = arith.constant 1.000000e+00 : f32
    %broadcast_in_dim3A_58 = vector.broadcast %broadcast_in_dim3A_57 : f32 to vector<1x16xf32>
    %mul3A_59 = vector.broadcast %slice3A_51 : vector<2000x1xf32> to vector<2000x16xf32>
    %mul3A_60 = vector.broadcast %broadcast_in_dim3A_58 : vector<1x16xf32> to vector<2000x16xf32>
    %mul3A_61 = arith.mulf %mul3A_59, %mul3A_60 : vector<2000x16xf32>
    %swap3A_62 = arith.constant 0 : index
    %swap3A_63 = arith.constant 0 : index
    %swap3A_64 = vector.load %arg8[%swap3A_62, %swap3A_63] : memref<2000x16xf32, #tpu.memory_space<vmem>>, vector<2000x16xf32>
    tpu.vector_store %arg8[%swap3A_62, %swap3A_63], %mul3A_61 {strides = array<i32>} : memref<2000x16xf32, #tpu.memory_space<vmem>>, vector<2000x16xf32>,
    return
  }
  func.func @transform_0(%arg0: i32) -> (i32, i32, i32) {
    %c0_i32 = arith.constant 0 : i32
    %c0_i32_0 = arith.constant 0 : i32
    %c0_i32_1 = arith.constant 0 : i32
    return %c0_i32, %arg0, %c0_i32_0 : i32, i32, i32
  }
  func.func @transform_1(%arg0: i32) -> (i32, i32) {
    %c0_i32 = arith.constant 0 : i32
    %c0_i32_0 = arith.constant 0 : i32
    return %arg0, %c0_i32 : i32, i32
  }
  func.func @transform_2(%arg0: i32) -> (i32, i32) {
    %c0_i32 = arith.constant 0 : i32
    %c0_i32_0 = arith.constant 0 : i32
    return %arg0, %c0_i32 : i32, i32
  }
  func.func @transform_3(%arg0: i32) -> (i32, i32) {
    %c0_i32 = arith.constant 0 : i32
    %c0_i32_0 = arith.constant 0 : i32
    %c0_i32_1 = arith.constant 0 : i32
    return %c0_i32, %c0_i32_0 : i32, i32
  }
  func.func @transform_4(%arg0: i32) -> (i32, i32) {
    %c0_i32 = arith.constant 0 : i32
    %c0_i32_0 = arith.constant 0 : i32
    %c0_i32_1 = arith.constant 0 : i32
    return %c0_i32, %c0_i32_0 : i32, i32
  }
  func.func @transform_5(%arg0: i32) -> (i32, i32) {
    %c0_i32 = arith.constant 0 : i32
    %c0_i32_0 = arith.constant 0 : i32
    %c0_i32_1 = arith.constant 0 : i32
    return %c0_i32, %c0_i32_0 : i32, i32
  }
  func.func @transform_6(%arg0: i32) -> (i32, i32) {
    %c0_i32 = arith.constant 0 : i32
    %c0_i32_0 = arith.constant 0 : i32
    return %arg0, %c0_i32 : i32, i32
  }
  func.func @transform_7(%arg0: i32) -> (i32, i32) {
    %c0_i32 = arith.constant 0 : i32
    %c0_i32_0 = arith.constant 0 : i32
    return %arg0, %c0_i32 : i32, i32
  }
}

module attributes {stable_mosaic.version = 14 : i64} {
  func.func @_final_body(%arg0: i32, %arg1: memref<2x2000x16xf32, #tpu.memory_space<vmem>>, %arg2: memref<2000x16xf32, #tpu.memory_space<vmem>>, %arg3: memref<2000x16xf32, #tpu.memory_space<vmem>>, %arg4: memref<1x7xf32, #tpu.memory_space<vmem>>, %arg5: memref<2000x7xf32, #tpu.memory_space<vmem>>) attributes {dimension_semantics = [#tpu.dimension_semantics<arbitrary>], iteration_bounds = array<i64: 5>, scalar_prefetch = 0 : i64, scratch_operands = 0 : i64, tpu.core_type = #tpu.core_type<tc>, window_params = [{transform_indices = @transform_0, window_bounds = array<i64: 2, 2000, 16>}, {transform_indices = @transform_1, window_bounds = array<i64: 2000, 16>}, {transform_indices = @transform_2, window_bounds = array<i64: 2000, 16>}, {pipeline_mode = #tpu.pipeline_mode<synchronous>, transform_indices = @transform_3, window_bounds = array<i64: 1, 7>}, {transform_indices = @transform_4, window_bounds = array<i64: 2000, 7>}]} {
    %get3A = arith.constant 0 : index
    %get3A_0 = arith.constant 0 : index
    %get3A_1 = arith.constant 0 : index
    %get3A_2 = vector.load %arg1[%get3A, %get3A_0, %get3A_1] : memref<2x2000x16xf32, #tpu.memory_space<vmem>>, vector<1x2000x16xf32>
    %get3A_3 = vector.shape_cast %get3A_2 : vector<1x2000x16xf32> to vector<2000x16xf32>
    %get3A_4 = arith.constant 1 : index
    %get3A_5 = arith.constant 0 : index
    %get3A_6 = arith.constant 0 : index
    %get3A_7 = vector.load %arg1[%get3A_4, %get3A_5, %get3A_6] : memref<2x2000x16xf32, #tpu.memory_space<vmem>>, vector<1x2000x16xf32>
    %get3A_8 = vector.shape_cast %get3A_7 : vector<1x2000x16xf32> to vector<2000x16xf32>
    %add3A = arith.addf %get3A_3, %get3A_8 : vector<2000x16xf32>
    %get3A_9 = arith.constant 0 : index
    %get3A_10 = arith.constant 8 : index
    %get3A_11 = vector.load %arg2[%get3A_9, %get3A_10] : memref<2000x16xf32, #tpu.memory_space<vmem>>, vector<2000x1xf32>
    %get3A_12 = arith.constant 0 : index
    %get3A_13 = arith.constant 0 : index
    %get3A_14 = vector.load %arg3[%get3A_12, %get3A_13] : memref<2000x16xf32, #tpu.memory_space<vmem>>, vector<2000x1xf32>
    %add3A_15 = arith.addf %get3A_11, %get3A_14 : vector<2000x1xf32>
    %mul3A = arith.constant 2.000000e-01 : f32
    %mul3A_16 = vector.broadcast %mul3A : f32 to vector<2000x1xf32>
    %mul3A_17 = arith.mulf %mul3A_16, %add3A_15 : vector<2000x1xf32>
    %max3A = arith.maximumf %add3A_15, %mul3A_17 : vector<2000x1xf32>
    %exp3A = math.exp %max3A : vector<2000x1xf32>
    %get3A_18 = arith.constant 0 : index
    %get3A_19 = arith.constant 0 : index
    %get3A_20 = vector.load %arg2[%get3A_18, %get3A_19] : memref<2000x16xf32, #tpu.memory_space<vmem>>, vector<2000x16xf32>
    %mul3A_21 = vector.broadcast %exp3A : vector<2000x1xf32> to vector<2000x16xf32>
    %mul3A_22 = arith.mulf %mul3A_21, %get3A_20 : vector<2000x16xf32>
    %add3A_23 = arith.addf %add3A, %mul3A_22 : vector<2000x16xf32>
    %slice3A = vector.extract_strided_slice %add3A_23 {offsets = [0, 0], sizes = [2000, 1], strides = [1, 1]} : vector<2000x16xf32> to vector<2000x1xf32>
    %slice3A_24 = vector.extract_strided_slice %add3A_23 {offsets = [0, 1], sizes = [2000, 7], strides = [1, 1]} : vector<2000x16xf32> to vector<2000x7xf32>
    %add3A_25 = arith.constant 1.000000e-16 : f32
    %add3A_26 = vector.broadcast %add3A_25 : f32 to vector<2000x1xf32>
    %add3A_27 = arith.addf %slice3A, %add3A_26 : vector<2000x1xf32>
    %div3A = vector.broadcast %add3A_27 : vector<2000x1xf32> to vector<2000x7xf32>
    %div3A_28 = arith.divf %slice3A_24, %div3A : vector<2000x7xf32>
    %get3A_29 = arith.constant 0 : index
    %get3A_30 = arith.constant 0 : index
    %get3A_31 = vector.load %arg4[%get3A_29, %get3A_30] : memref<1x7xf32, #tpu.memory_space<vmem>>, vector<1x7xf32>
    %add3A_32 = vector.broadcast %get3A_31 : vector<1x7xf32> to vector<2000x7xf32>
    %add3A_33 = arith.addf %div3A_28, %add3A_32 : vector<2000x7xf32>
    %reduce_max3A = arith.constant dense<0xFF800000> : vector<2000xf32>
    %reduce_max3A_34 = vector.multi_reduction <maximumf>, %add3A_33, %reduce_max3A [1] : vector<2000x7xf32> to vector<2000xf32>
    %broadcast_in_dim3A = vector.shape_cast %reduce_max3A_34 : vector<2000xf32> to vector<2000x1xf32>
    %sub3A = vector.broadcast %broadcast_in_dim3A : vector<2000x1xf32> to vector<2000x7xf32>
    %sub3A_35 = arith.subf %add3A_33, %sub3A : vector<2000x7xf32>
    %exp3A_36 = math.exp %sub3A_35 : vector<2000x7xf32>
    %reduce_sum3A = arith.constant dense<0.000000e+00> : vector<2000xf32>
    %reduce_sum3A_37 = vector.multi_reduction <add>, %exp3A_36, %reduce_sum3A [1] : vector<2000x7xf32> to vector<2000xf32>
    %broadcast_in_dim3A_38 = vector.shape_cast %reduce_sum3A_37 : vector<2000xf32> to vector<2000x1xf32>
    %log3A = math.log %broadcast_in_dim3A_38 : vector<2000x1xf32>
    %add3A_39 = arith.addf %log3A, %broadcast_in_dim3A : vector<2000x1xf32>
    %sub3A_40 = vector.broadcast %add3A_39 : vector<2000x1xf32> to vector<2000x7xf32>
    %sub3A_41 = arith.subf %add3A_33, %sub3A_40 : vector<2000x7xf32>
    %swap3A = arith.constant 0 : index
    %swap3A_42 = arith.constant 0 : index
    %swap3A_43 = vector.load %arg5[%swap3A, %swap3A_42] : memref<2000x7xf32, #tpu.memory_space<vmem>>, vector<2000x7xf32>
    tpu.vector_store %arg5[%swap3A, %swap3A_42], %sub3A_41 {strides = array<i32>} : memref<2000x7xf32, #tpu.memory_space<vmem>>, vector<2000x7xf32>,
    return
  }
  func.func @transform_0(%arg0: i32) -> (i32, i32, i32) {
    %c0_i32 = arith.constant 0 : i32
    %c0_i32_0 = arith.constant 0 : i32
    %c0_i32_1 = arith.constant 0 : i32
    return %c0_i32, %arg0, %c0_i32_0 : i32, i32, i32
  }
  func.func @transform_1(%arg0: i32) -> (i32, i32) {
    %c0_i32 = arith.constant 0 : i32
    %c0_i32_0 = arith.constant 0 : i32
    return %arg0, %c0_i32 : i32, i32
  }
  func.func @transform_2(%arg0: i32) -> (i32, i32) {
    %c0_i32 = arith.constant 0 : i32
    %c0_i32_0 = arith.constant 0 : i32
    return %arg0, %c0_i32 : i32, i32
  }
  func.func @transform_3(%arg0: i32) -> (i32, i32) {
    %c0_i32 = arith.constant 0 : i32
    %c0_i32_0 = arith.constant 0 : i32
    %c0_i32_1 = arith.constant 0 : i32
    return %c0_i32, %c0_i32_0 : i32, i32
  }
  func.func @transform_4(%arg0: i32) -> (i32, i32) {
    %c0_i32 = arith.constant 0 : i32
    %c0_i32_0 = arith.constant 0 : i32
    return %arg0, %c0_i32 : i32, i32
  }
}

</mosaic_0001>

<sc_bundles>
// kernel: kernel.10.cloned.1.call-start
scs
__scs_entry_jumppad:
0x0: {  	(pc) =	sbr.rel $0x88, $3  }
0x1: {  	(tag) =	ssettag $0x0;
	lr =	simm.s32 $0x1  }
0x2: {  	[smem:$0x3F97] =	sst lr;
	_ =	strace $0xD0000000  }
0x3: {  	_ = 	snop  }
0x4: {  	_ = 	snop  }
0x5: {  	_ = 	snop  }
0x6: {  	_ = 	snop  }
0x7: {  	_ = 	snop  }
__scs_overlays_trampoline_lowered:
0x8: {  	[smem:$0x3FA6] =	sst s0  }
0x9: {  	[smem:$0x3FA7] =	sst s1  }
0xa: {  	[smem:$0x3FA8] =	sst s2  }
0xb: {  	[smem:$0x3FA9] =	sst s3  }
0xc: {  	[smem:$0x3FAA] =	sst s4  }
0xd: {  	[smem:$0x3FAB] =	sst s5  }
0xe: {  	[smem:$0x3FAC] =	sst s6  }
0xf: {  	[smem:$0x3FAD] =	sst s7  }
0x10: {  	[smem:$0x3FAE] =	sst s8  }
0x11: {  	[smem:$0x3FAF] =	sst s9;
	s0 =	simm.s32 @!p0 $0x0  }
0x12: {  	s1 =	sld [smem:$0x3F95];
	s0 =	simm.s32 @p0 $0x1  }
0x13: {  	[smem:$0x3FB0] =	sst s0;
	s0 =	simm.s32 @!p1 $0x0  }
0x14: {  	s2 =	sld [smem:$0x3F94];
	s0 =	simm.s32 @p1 $0x1  }
0x15: {  	[smem:$0x3FB1] =	sst s0;
	s0 =	simm.s32 @!p2 $0x0  }
0x16: {  	s3 =	sld [smem:$0x3FDB];
	s0 =	simm.s32 @p2 $0x1  }
0x17: {  	s4 =	simm.s32 $0x1BF5;
	[smem:$0x3FB3] =	sst s0  }
0x18: {  	s0 =	sld [smem:$0x3F96];
	_ =	swait.ge [sflag:s4], $0x0  }
0x19: {  	s7 =	sld [smem:$0x3F97]  }
0x1a: {  	s8 =	sadd.s32 $0xFFFFE003, lr  }
0x1b: {  	s9 =	sadd.s32 $0xFFFFFEF7, lr;
	s5 =	simm.s32 $0xFFFFFFFF;
	p2 =	slt.u32 s8, $0xFFFFF086  }
0x1c: {  	p1 =	slt.u32 s9, $0xF7A;
	s5 =	simm.s32 @!p2 $0x0  }
0x1d: {  	s5 =	simm.s32 @p1 $0x1;
	p0 =	seq.s32 s7, s2  }
0x1e: {  	s7 =	smul.u32 @!p0 $0xF7A, s2;
	p2 =	seq.s32 @!p0 s5, $0x0  }
0x1f: {  	s9 =	smul.u32 $0xF7A, s1;
	s8 =	simm.s32 @!p0 $0x1BF5;
	p2 =	por !p2, p0  }
0x20: {  	[sflag:s8] =	ssyncset.s32 @!p0 $0xFFFFF086;
	s6 =	sadd.s32 @!p0 s3, s7;
	s7 =	simm.s32 @!p0 $0x108  }
0x21: {  	s3 =	sadd.s32 s3, s9;
	s6 =	sadd.s32 @!p0 $0x88, s6;
	s7 =	simm.s32 @p2 $0x1082  }
0x22: {  	[simem:s7], [sflag:s8] =	dma.local @!p0 [hbm:s6], $0xF7A  }
0x23: {  	s9 =	sor.u32 $0xD0000000, s2;
	s6 =	simm.s32 $0x108;
	_ =	swait.ge @!p0 [sflag:s8], $0x0  }
0x24: {  	s3 =	sadd.s32 $0x88, s3;
	s6 =	simm.s32 @!p1 $0x1082;
	[sflag:s4] =	ssyncset.s32 $0xFFFFF086  }
0x25: {  	[simem:s6], [sflag:s4] =	dma.local [hbm:s3], $0xF7A  }
0x26: {  	[smem:$0x3F97] =	sst s1;
	(tag) =	ssettag s2;
	_ =	strace s9  }
0x27: {  	s1 =	sld [smem:$0x3FA7]  }
0x28: {  	s2 =	sld [smem:$0x3FA8]  }
0x29: {  	s4 =	sld [smem:$0x3FAA]  }
0x2a: {  	p0 =	seq.s32 s5, $0x0;
	s5 =	sld [smem:$0x3FAB]  }
0x2b: {  	s6 =	sld [smem:$0x3FAC]  }
0x2c: {  	s7 =	sld [smem:$0x3FAD]  }
0x2d: {  	s3 =	simm.s32 $0x108;
	s8 =	sld [smem:$0x3FAE]  }
0x2e: {  	s3 =	simm.s32 @!p0 $0x1082;
	s9 =	sld [smem:$0x3FAF]  }
0x2f: {  	lr =	sadd.s32 s0, s3;
	s0 =	sld [smem:$0x3FA6]  }
0x30: {  	s3 =	sld [smem:$0x3FA9]  }
0x31: {  	[smem:$0x3FB2] =	sst s10  }
0x32: {  	s10 =	sld [smem:$0x3FB0];
	_ =	sdelay $0x3  }
0x33: {  	p0 =	seq.s32 s10, $0x1;
	s10 =	sld [smem:$0x3FB2];
	_ =	sdelay $0x3  }
0x34: {  	[smem:$0x3FB2] =	sst s10  }
0x35: {  	s10 =	sld [smem:$0x3FB1];
	_ =	sdelay $0x3  }
0x36: {  	p1 =	seq.s32 s10, $0x1;
	s10 =	sld [smem:$0x3FB2];
	_ =	sdelay $0x3  }
0x37: {  	[smem:$0x3FB2] =	sst s10  }
0x38: {  	s10 =	sld [smem:$0x3FB3]  }
0x39: {  	_ = 	snop;
	(pc) =	sbr.ind lr, $3  }
0x3a: {  	_ = 	snop  }
0x3b: {  	_ = 	snop  }
0x3c: {  	p2 =	seq.s32 s10, $0x1;
	s10 =	sld [smem:$0x3FB2]  }
0x3d: {  	_ =	shalt  }
0x3e: {  	_ =	shalt  }
0x3f: {  	_ =	shalt  }
0x40: {  	_ =	shalt  }
0x41: {  	_ =	shalt  }
0x42: {  	_ =	shalt  }
0x43: {  	_ =	shalt  }
0x44: {  	_ =	shalt  }
0x45: {  	_ =	shalt  }
0x46: {  	_ =	shalt  }
0x47: {  	_ =	shalt  }
0x48: {  	_ =	shalt  }
0x49: {  	_ =	shalt  }
0x4a: {  	_ =	shalt  }
0x4b: {  	_ =	shalt  }
0x4c: {  	_ =	shalt  }
0x4d: {  	_ =	shalt  }
0x4e: {  	_ =	shalt  }
0x4f: {  	_ =	shalt  }
0x50: {  	_ =	shalt  }
0x51: {  	_ =	shalt  }
0x52: {  	_ =	shalt  }
0x53: {  	_ =	shalt  }
0x54: {  	_ =	shalt  }
0x55: {  	_ =	shalt  }
0x56: {  	_ =	shalt  }
0x57: {  	_ =	shalt  }
0x58: {  	_ =	shalt  }
0x59: {  	_ =	shalt  }
0x5a: {  	_ =	shalt  }
0x5b: {  	_ =	shalt  }
0x5c: {  	_ =	shalt  }
0x5d: {  	_ =	shalt  }
0x5e: {  	_ =	shalt  }
0x5f: {  	_ =	shalt  }
0x60: {  	_ =	shalt  }
0x61: {  	_ =	shalt  }
0x62: {  	_ =	shalt  }
0x63: {  	_ =	shalt  }
0x64: {  	_ =	shalt  }
0x65: {  	_ =	shalt  }
0x66: {  	_ =	shalt  }
0x67: {  	_ =	shalt  }
0x68: {  	_ =	shalt  }
0x69: {  	_ =	shalt  }
0x6a: {  	_ =	shalt  }
0x6b: {  	_ =	shalt  }
0x6c: {  	_ =	shalt  }
0x6d: {  	_ =	shalt  }
0x6e: {  	_ =	shalt  }
0x6f: {  	_ =	shalt  }
0x70: {  	_ =	shalt  }
0x71: {  	_ =	shalt  }
0x72: {  	_ =	shalt  }
0x73: {  	_ =	shalt  }
0x74: {  	_ =	shalt  }
0x75: {  	_ =	shalt  }
0x76: {  	_ =	shalt  }
0x77: {  	_ =	shalt  }
0x78: {  	_ =	shalt  }
0x79: {  	_ =	shalt  }
0x7a: {  	_ =	shalt  }
0x7b: {  	_ =	shalt  }
0x7c: {  	_ =	shalt  }
0x7d: {  	_ =	shalt  }
0x7e: {  	_ =	shalt  }
0x7f: {  	_ =	shalt  }
0x80: {  	_ =	shalt  }
0x81: {  	_ =	shalt  }
0x82: {  	_ =	shalt  }
0x83: {  	_ =	shalt  }
0x84: {  	_ =	shalt  }
0x85: {  	_ =	shalt  }
0x86: {  	_ =	shalt  }
0x87: {  	_ =	shalt  }
.Lfunc_end0:
.L_simem_size_0:
called_computation.1_lowered:
.L_overlay_start_0:
0x88: {  	s2 =	sld [smem:$0x3FD9]  }
0x89: {  	s3 =	sld [smem:$0x3FFE];
	_ =	sdelay $0x1  }
0x8a: {  	s1 =	srdreg.scid  }
0x8b: {  	s0 =	sand.u32 $0x1, s1  }
0x8c: {  	s16 =	sshll.u32 s0, $0xA;
	s2 =	sadd.s32 s3, s2  }
0x8d: {  	s2 =	sadd.s32 s2, s16  }
0x8e: {  	[smem:$0x3FBE] =	sst s2  }
0x8f: {  	_ = 	snop  }
0x90: {  	(tm) =	ssettm $0x1  }
0x91: {  	s17 =	sld [smem:$0x3FFB];
	_ =	sdelay $0x3  }
0x92: {  	_ =	strace s17  }
0x93: {  	s2 =	sld [smem:$0x3FFC];
	_ =	sdelay $0x3  }
0x94: {  	_ =	strace s2  }
0x95: {  	s2 =	sld [smem:$0x3FFD];
	_ =	sdelay $0x3  }
0x96: {  	_ =	strace s2  }
0x97: {  	_ =	strace $0x8FFFFFFF  }
0x98: {  	s18 =	sld [smem:$0x3FDB];
	_ =	sdelay $0x1  }
0x99: {  	s19 =	simm.s32 $_scs_section_size  }
0x9a: {  	s4 =	simm.s32 $_size__tile_overlayer_lowered;
	s5 =	simm.s32 $_tile_overlayer_lowered  }
0x9b: {  	s22 =	simm.s32 $0x1BFF;
	s21 =	sshll.u32 s5, $0x1;
	s2 =	sadd.s32 s19, s18  }
0x9c: {  	s6 =	simm.s32 $0x0;
	s20 =	sshll.u32 s4, $0x1;
	s4 =	sadd.s32 s21, s2  }
0x9d: {  	[timem:s6], [sflag:s22] =	dma.local [hbm:s4], s20  }
0x9e: {  	_ =	swait.ge [sflag:s22], s20  }
0x9f: {  	s3 =	ssub.s32 $0x0, s20;
	[sflag:s22] =	ssyncset.done $0x0  }
0xa0: {  	[sflag:s22] =	ssyncadd.s32 s3;
	_ =	sdelay $0x1  }
0xa1: {  	s23 =	simm.s32 $0x1B8B  }
0xa2: {  	_ =	swait.ge [sflag:s23], $0x1  }
0xa3: {  	[sflag:s23] =	ssyncset.done $0x0  }
0xa4: {  	s25 =	simm.s32 $0x1B8E;
	s24 =	sld [smem:$0x3FFE];
	[sflag:s23] =	ssyncadd.s32 $0xFFFFFFFF  }
0xa5: {  	s26 =	simm.s32 $execute0_lowered;
	[smem:$0x3FD2] =	sst s25  }
0xa6: {  	s4 =	sshll.u32 s26, $0x1;
	_ =	strace $0x80000049;
	[dreg:$0x1] =	wrdreg $0xFFFFFFFF  }
0xa7: {  	s28 =	simm.s32 $_size_execute0_lowered;
	s2 =	sadd.s32 s2, s4;
	[dreg:$0x0] =	wrdreg $0x0  }
0xa8: {  	s4 =	sshll.u32 s28, $0x1;
	[dreg:$0x2] =	wrdreg s2  }
0xa9: {  	[dreg:$0x3] =	wrdreg s4  }
0xaa: {  	[dreg:$0x4] =	wrdreg $0xC0  }
0xab: {  	_ =	task [dreg:s6], $0x5FFFF  }
0xac: {  	[dreg:$0x1] =	wrdreg $0xFFFFFFFF  }
0xad: {  	[dreg:$0x0] =	wrdreg $0x60  }
0xae: {  	[dreg:$0x2] =	wrdreg s24  }
0xaf: {  	[dreg:$0x3] =	wrdreg $0xB5900  }
0xb0: {  	[dreg:$0x4] =	wrdreg $0x9  }
0xb1: {  	_ =	task.clear_ibuf [dreg:s6], $0x5FFFF;
	_ =	strace $0x90000049  }
0xb2: {  	s29 =	simm.s32 $0x9;
	_ =	strace $0x8000004B  }
0xb3: {  	_ =	swait.ge [sflag:s29], $0x1  }
0xb4: {  	[sflag:s29] =	ssyncadd.s32 $0xFFFFFFFF  }
0xb5: {  	_ =	strace $0x9000004B  }
0xb6: {  	_ =	sfence  }
0xb7: {  	s30 =	sld [smem:$0x0];
	_ =	sdelay $0x2  }
0xb8: {  	s31 =	sshll.u32 s1, $0xD;
	s1 =	sshrl.u32 s1, $0x2  }
0xb9: {  	s3 =	sand.u32 $0x4000, s31;
	s1 =	sadd.s32 s1, s30  }
0xba: {  	s0 =	sor.u32 s3, s0;
	s1 =	sshll.u32 s1, $0x11  }
0xbb: {  	s0 =	sor.u32 s1, s0  }
0xbc: {  	s0 =	sadd.s32 $0x8F2B, s0  }
0xbd: {  	[sflag:s0] =	ssyncadd.remote.s32 $0x1  }
0xbe: {  	_ =	sfence.sel $0xFFFF  }
0xbf: {  	[dreg:$0x0] =	wrdreg $0xFFFFFFFF;
	(pc) =	sbr.abs _section_cstart, $3  }
0xc0: {  	[dreg:$0x1] =	wrdreg $0xFFFFFFFF  }
0xc1: {  	_ =	task.clear_ibuf [dreg:s6], $0x2FFFF;
	_ =	strace $0x9FFFFFFF  }
0xc2: {  	(tm) =	ssettm $0x7FFFFFFF  }
0xc3: {  	_ =	shalt  }
tec
execute0_lowered:
.L_overlay_start_1:
0x0: {  	(tag) =	ssettag $0x1  }
0x1: {  	s0 =	rddreg [dreg:$0x0];
	s1 =	srdreg.scid  }
0x2: {  	s5 =	stileid.u32;
	s2 =	rddreg [dreg:$0x1]  }
0x3: {  	s4 =	simm.s32 $0x0;
	s23 =	simm.s32 $0xD;
	s17 =	simm.s32 $0x7D  }
0x4: {  	s18 =	simm.s32 $0x5000;
	s31 =	simm.s32 $0x5FA0;
	s30 =	simm.s32 $0x1  }
0x5: {  	s28 =	simm.s32 $0x6;
	s1 =	sand.u32 $0x1, s1;
	s3 =	sshll.u32 s5, $0x1  }
0x6: {  	[smem:$0x7FF] =	sst s4;
	s4 =	sadd.s32 $0x3D400, s0;
	s7 =	smul.u32 $0x2710, s5  }
0x7: {  	s5 =	sadd.s32 $0x42400, s0;
	s3 =	sor.u32 s1, s3;
	s6 =	smul.u32 $0x4E20, s1  }
0x8: {  	_ =	strace $0x8000004A;
	s1 =	ssub.s32 $0x2, s1;
	s3 =	smul.u32 $0x500, s3  }
0x9: {  	s8 =	sshrl.u32 s1, $0x1;
	s26 =	sadd.s32 $0x7D0, s7;
	s13 =	sadd.s32 s7, s2  }
0xa: {  	s29 =	sadd.s32 $0xFA0, s7;
	s9 =	sadd.s32 $0x1770, s7;
	s10 =	sadd.s32 $0x1F40, s7  }
0xb: {  	s12 =	sshrl.u32 s7, $0x3;
	s1 =	ssub.s32 s1, s8;
	s14 =	sadd.s32 s26, s2  }
0xc: {  	s15 =	sadd.s32 s29, s2;
	s16 =	sadd.s32 s9, s2;
	[dreg:$0x3] =	wrdreg s13  }
0xd: {  	s22 =	sadd.s32 s10, s2;
	s19 =	sshrl.u32 s29, $0x3;
	[dreg:$0x4] =	wrdreg s14  }
0xe: {  	s20 =	sshrl.u32 s9, $0x3;
	s21 =	sshrl.u32 s10, $0x3;
	[dreg:$0x5] =	wrdreg s15  }
0xf: {  	s10 =	simm.s32 $0xADC0;
	s3 =	sadd.s32 s3, s0;
	[dreg:$0x6] =	wrdreg s16  }
0x10: {  	s0 =	sadd.s32 s6, s0;
	s1 =	smax.u32 s1, $0x1;
	[dreg:$0x7] =	wrdreg s22  }
0x11: {  	s6 =	sshrl.u32 s26, $0x3;
	s11 =	sadd.s32 $0x2200, s3;
	[dreg:$0xa] =	wrdreg s1  }
0x12: {  	s3 =	sadd.s32 $0xC200, s3;
	s0 =	sadd.s32 $0x47400, s0;
	[dreg:$0x8] =	wrdreg s11  }
0x13: {  	s1 =	simm.s32 $0x5;
	[dreg:$0x9] =	wrdreg s3;
	s24 =	sadd.s32 s12, s0  }
0x14: {  	s25 =	sadd.s32 s6, s0;
	s26 =	sadd.s32 s19, s0;
	s29 =	sadd.s32 s20, s0  }
.Ltmp0:
0x15: {  	s0 =	sadd.s32 s21, s0;
	[dreg:$0xb] =	wrdreg s24;
	(pc) =	sbr.rel .LBB2_1-.Ltmp0, $4  }
0x16: {  	s19 =	simm.s32 $0x2;
	s11 =	simm.s32 $0x3;
	[dreg:$0xc] =	wrdreg s25  }
0x17: {  	s12 =	simm.s32 $0x7;
	s20 =	simm.s32 $0x4;
	[dreg:$0xd] =	wrdreg s26  }
0x18: {  	s21 =	simm.s32 $0x8;
	s3 =	simm.s32 $0x0;
	[dreg:$0xe] =	wrdreg s29  }
0x19: {  	v0 =	vimm.f32 $0.0e+00;
	[dreg:$0xf] =	wrdreg s0;
	s26 =	simm.s32 $0x57D0;
	s25 =	simm.s32 $0x6770  }
.LBB2_14:
0x1a: {  	s0 =	simm.s32 $0x9  }
0x1b: {  	_ =	swait.ge [sflag:s0], $0x7D0  }
0x1c: {  	[sflag:s0] =	ssyncset.done $0x0  }
0x1d: {  	s22 =	simm.s32 $0xA;
	[sflag:s0] =	ssyncadd.s32 $0xFFFFF830  }
0x1e: {  	_ =	swait.ge [sflag:s22], $0x7D0  }
0x1f: {  	[sflag:s22] =	ssyncset.done $0x0  }
0x20: {  	s23 =	simm.s32 $0xB;
	[sflag:s22] =	ssyncadd.s32 $0xFFFFF830  }
0x21: {  	_ =	swait.ge [sflag:s23], $0x7D0  }
0x22: {  	[sflag:s23] =	ssyncset.done $0x0  }
0x23: {  	s24 =	simm.s32 $0xC;
	[sflag:s23] =	ssyncadd.s32 $0xFFFFF830  }
0x24: {  	_ =	swait.ge [sflag:s24], $0x7D0  }
0x25: {  	[sflag:s24] =	ssyncset.done $0x0  }
0x26: {  	[sflag:s24] =	ssyncadd.s32 $0xFFFFF830  }
0x27: {  	[bflag:$0x0] =	sbarrier.arrive $0xFFFF  }
0x28: {  	s10 =	simm.s32 $0xADC0;
	s23 =	simm.s32 $0xD;
	s13 =	rddreg [dreg:$0x3]  }
0x29: {  	[tilespmem:s10], [sflag:$0xD] =	stream.linear.gather [spmem:s13], $0x7D0, $0x38;
	[tilespmem:$0xDCA0] =	vst v63  }
0x2a: {  	_ =	swait.ge [sflag:s23], $0x7D0  }
0x2b: {  	[sflag:s23] =	ssyncset.done $0x0  }
0x2c: {  	s29 =	simm.s32 $0x0;
	s3 =	rddreg [dreg:$0xb];
	[sflag:s23] =	ssyncadd.s32 $0xFFFFF830  }
0x2d: {  	[hbm4b:s3+s29] =	stream.linear.scatter [tilespmem:s10], [sflag:$0xD], $0x7D0, $0x38;
	[tilespmem:$0xDCA0] =	vst v63  }
0x2e: {  	_ =	swait.ge [sflag:s23], $0x7D0  }
0x2f: {  	[sflag:s23] =	ssyncset.done $0x0  }
0x30: {  	s14 =	rddreg [dreg:$0x4];
	[sflag:s23] =	ssyncadd.s32 $0xFFFFF830  }
0x31: {  	[tilespmem:s10], [sflag:$0xD] =	stream.linear.gather [spmem:s14], $0x7D0, $0x38;
	[tilespmem:$0xDCA0] =	vst v63  }
0x32: {  	_ =	swait.ge [sflag:s23], $0x7D0  }
0x33: {  	[sflag:s23] =	ssyncset.done $0x0  }
0x34: {  	s6 =	rddreg [dreg:$0xc];
	[sflag:s23] =	ssyncadd.s32 $0xFFFFF830  }
0x35: {  	[hbm4b:s6+s29] =	stream.linear.scatter [tilespmem:s10], [sflag:$0xD], $0x7D0, $0x38;
	[tilespmem:$0xDCA0] =	vst v63  }
0x36: {  	_ =	swait.ge [sflag:s23], $0x7D0  }
0x37: {  	[sflag:s23] =	ssyncset.done $0x0  }
0x38: {  	s15 =	rddreg [dreg:$0x5];
	[sflag:s23] =	ssyncadd.s32 $0xFFFFF830  }
0x39: {  	[tilespmem:s10], [sflag:$0xD] =	stream.linear.gather [spmem:s15], $0x7D0, $0x38;
	[tilespmem:$0xDCA0] =	vst v63  }
0x3a: {  	_ =	swait.ge [sflag:s23], $0x7D0  }
0x3b: {  	[sflag:s23] =	ssyncset.done $0x0  }
0x3c: {  	s7 =	rddreg [dreg:$0xd];
	[sflag:s23] =	ssyncadd.s32 $0xFFFFF830  }
0x3d: {  	[hbm4b:s7+s29] =	stream.linear.scatter [tilespmem:s10], [sflag:$0xD], $0x7D0, $0x38;
	[tilespmem:$0xDCA0] =	vst v63  }
0x3e: {  	_ =	swait.ge [sflag:s23], $0x7D0  }
0x3f: {  	[sflag:s23] =	ssyncset.done $0x0  }
0x40: {  	s16 =	rddreg [dreg:$0x6];
	[sflag:s23] =	ssyncadd.s32 $0xFFFFF830  }
0x41: {  	[tilespmem:s10], [sflag:$0xD] =	stream.linear.gather [spmem:s16], $0x7D0, $0x38;
	[tilespmem:$0xDCA0] =	vst v63  }
0x42: {  	_ =	swait.ge [sflag:s23], $0x7D0  }
0x43: {  	[sflag:s23] =	ssyncset.done $0x0  }
0x44: {  	s8 =	rddreg [dreg:$0xe];
	[sflag:s23] =	ssyncadd.s32 $0xFFFFF830  }
0x45: {  	[hbm4b:s8+s29] =	stream.linear.scatter [tilespmem:s10], [sflag:$0xD], $0x7D0, $0x38;
	[tilespmem:$0xDCA0] =	vst v63  }
0x46: {  	_ =	swait.ge [sflag:s23], $0x7D0  }
0x47: {  	[sflag:s23] =	ssyncset.done $0x0  }
0x48: {  	s22 =	rddreg [dreg:$0x7];
	[sflag:s23] =	ssyncadd.s32 $0xFFFFF830  }
0x49: {  	[tilespmem:s10], [sflag:$0xD] =	stream.linear.gather [spmem:s22], $0x7D0, $0x38;
	[tilespmem:$0xDCA0] =	vst v63  }
0x4a: {  	_ =	swait.ge [sflag:s23], $0x7D0  }
0x4b: {  	[sflag:s23] =	ssyncset.done $0x0  }
0x4c: {  	s9 =	rddreg [dreg:$0xf];
	[sflag:s23] =	ssyncadd.s32 $0xFFFFF830  }
0x4d: {  	[hbm4b:s9+s29] =	stream.linear.scatter [tilespmem:s10], [sflag:$0xD], $0x7D0, $0x38;
	[tilespmem:$0xDCA0] =	vst v63  }
0x4e: {  	_ =	swait.ge [sflag:s23], $0x7D0  }
0x4f: {  	s24 =	rddreg [dreg:$0x10]  }
0x50: {  	s29 =	rddreg [dreg:$0xa];
	s3 =	sadd.s32 $0x1, s24  }
0x51: {  	p0 =	sne.s32 s3, s29  }
.Ltmp1:
0x52: {  	_ = 	snop;
	(pc) =	sbr.rel @!p0 .LBB2_15-.Ltmp1, $3  }
0x53: {  	_ =	sdelay $0x1  }
0x54: {  	[sflag:s23] =	ssyncset.done $0x0  }
0x55: {  	[sflag:s23] =	ssyncadd.s32 $0xFFFFF830  }
.LBB2_1:
0x56: {  	[dreg:$0x10] =	wrdreg s3;
	s0 =	simm.s32 $0x40;
	s3 =	simm.s32 $0x0  }
.LBB2_2:
0x57: {  	p0 =	sne.s32 s0, $0x1F00;
	[tilespmem:s3+$0xADC0] =	vst v0;
	s3 =	smov.u32 s0;
	s0 =	sadd.s32 $0x40, s0  }
.Ltmp2:
0x58: {  	(pc) =	sbr.rel @p0 .LBB2_2-.Ltmp2, $2  }
0x59: {  	_ =	sdelay $0x2  }
0x5a: {  	s3 =	sshra.s32 s3, $0x2  }
0x5b: {  	[tilespmem:s3+$0xADC0] =	vst v0  }
0x5c: {  	[spmem:s13] =	stream.linear.scatter [tilespmem:s10], [sflag:$0xD], $0x7D0, $0x38;
	[tilespmem:$0xDCA0] =	vst v63  }
0x5d: {  	_ =	swait.ge [sflag:s23], $0x7D0  }
0x5e: {  	[sflag:s23] =	ssyncset.done $0x0  }
0x5f: {  	[sflag:s23] =	ssyncadd.s32 $0xFFFFF830  }
0x60: {  	[spmem:s14] =	stream.linear.scatter [tilespmem:s10], [sflag:$0xD], $0x7D0, $0x38;
	[tilespmem:$0xDCA0] =	vst v63  }
0x61: {  	_ =	swait.ge [sflag:s23], $0x7D0  }
0x62: {  	[sflag:s23] =	ssyncset.done $0x0  }
0x63: {  	[sflag:s23] =	ssyncadd.s32 $0xFFFFF830  }
0x64: {  	[spmem:s15] =	stream.linear.scatter [tilespmem:s10], [sflag:$0xD], $0x7D0, $0x38;
	[tilespmem:$0xDCA0] =	vst v63  }
0x65: {  	_ =	swait.ge [sflag:s23], $0x7D0  }
0x66: {  	[sflag:s23] =	ssyncset.done $0x0  }
0x67: {  	[sflag:s23] =	ssyncadd.s32 $0xFFFFF830  }
0x68: {  	[spmem:s16] =	stream.linear.scatter [tilespmem:s10], [sflag:$0xD], $0x7D0, $0x38;
	[tilespmem:$0xDCA0] =	vst v63  }
0x69: {  	_ =	swait.ge [sflag:s23], $0x7D0  }
0x6a: {  	[sflag:s23] =	ssyncset.done $0x0  }
0x6b: {  	[sflag:s23] =	ssyncadd.s32 $0xFFFFF830  }
0x6c: {  	[spmem:s22] =	stream.linear.scatter [tilespmem:s10], [sflag:$0xD], $0x7D0, $0x38;
	[tilespmem:$0xDCA0] =	vst v63  }
0x6d: {  	_ =	swait.ge [sflag:s23], $0x7D0  }
0x6e: {  	[sflag:s23] =	ssyncset.done $0x0  }
0x6f: {  	[sflag:s23] =	ssyncadd.s32 $0xFFFFF830  }
0x70: {  	[bflag:$0x0] =	sbarrier.arrive $0xFFFF  }
0x71: {  	s24 =	simm.s32 $0x0;
	s0 =	rddreg [dreg:$0x8]  }
0x72: {  	[tilespmem:s24], [sflag:$0xD] =	stream.linear.gather [hbm4b:s0+s24], $0x2800, $0x38;
	[tilespmem:$0xDCA0] =	vst v63  }
0x73: {  	_ =	swait.ge [sflag:s23], $0x2800  }
0x74: {  	[sflag:s23] =	ssyncset.done $0x0  }
0x75: {  	s7 =	simm.s32 $0x2800;
	s6 =	rddreg [dreg:$0x9];
	[sflag:s23] =	ssyncadd.s32 $0xFFFFD800  }
0x76: {  	[tilespmem:s7], [sflag:$0xD] =	stream.linear.gather [hbm4b:s6+s24], $0x2800, $0x38;
	[tilespmem:$0xDCA0] =	vst v63  }
0x77: {  	_ =	swait.ge [sflag:s23], $0x2800  }
0x78: {  	[sflag:s23] =	ssyncset.done $0x0  }
0x79: {  	[sflag:s23] =	ssyncadd.s32 $0xFFFFD800  }
0x7a: {  	[tilespmem:s18], [sflag:$0x1] =	stream.indirect.gather [hbm4b:s4+s17], $0x10, s24, s17, $0xb8;
	[tilespmem:$0xDCA0] =	vst v63  }
0x7b: {  	s8 =	simm.s32 $0x6F40  }
0x7c: {  	[tilespmem:s8], [sflag:$0x5] =	stream.indirect.gather [hbm4b:s5+s17], $0x10, s7, s17, $0xb8;
	[tilespmem:$0xDCA0] =	vst v63  }
0x7d: {  	s9 =	simm.s32 $0x80  }
0x7e: {  	[tilespmem:s26], [sflag:$0x2] =	stream.indirect.gather [hbm4b:s4+s17], $0x10, s9, s17, $0xb8;
	[tilespmem:$0xDCA0] =	vst v63  }
0x7f: {  	s13 =	simm.s32 $0x7710;
	s10 =	simm.s32 $0x2880  }
0x80: {  	[tilespmem:s13], [sflag:$0x6] =	stream.indirect.gather [hbm4b:s5+s17], $0x10, s10, s17, $0xb8;
	[tilespmem:$0xDCA0] =	vst v63  }
0x81: {  	s14 =	simm.s32 $0x100  }
0x82: {  	[tilespmem:s31], [sflag:$0x3] =	stream.indirect.gather [hbm4b:s4+s17], $0x10, s14, s17, $0xb8;
	[tilespmem:$0xDCA0] =	vst v63  }
0x83: {  	s15 =	simm.s32 $0x2900;
	s16 =	simm.s32 $0x7EE0  }
0x84: {  	[tilespmem:s16], [sflag:$0x7] =	stream.indirect.gather [hbm4b:s5+s17], $0x10, s15, s17, $0xb8;
	[tilespmem:$0xDCA0] =	vst v63  }
0x85: {  	s22 =	simm.s32 $0x180  }
0x86: {  	[tilespmem:s25], [sflag:$0x4] =	stream.indirect.gather [hbm4b:s4+s17], $0x10, s22, s17, $0xb8;
	[tilespmem:$0xDCA0] =	vst v63  }
0x87: {  	s29 =	simm.s32 $0x86B0;
	s23 =	simm.s32 $0x2980  }
0x88: {  	[tilespmem:s29], [sflag:$0x8] =	stream.indirect.gather [hbm4b:s5+s17], $0x10, s23, s17, $0xb8;
	[tilespmem:$0xDCA0] =	vst v63  }
.LBB2_4:
0x89: {  	_ =	swait.ge [sflag:s30], $0x7D0  }
0x8a: {  	s0 =	simm.s32 $0x40;
	[sflag:s30] =	ssyncset.done $0x0  }
0x8b: {  	s3 =	simm.s32 $0x0;
	v1 =	vmov s0;
	[sflag:s30] =	ssyncadd.s32 $0xFFFFF830  }
0x8c: {  	s7 =	simm.s32 $0x30;
	v2 =	vmov s3;
	v1 =	vor.u32 $0x8, v1;
	_ =	swait.ge [sflag:s1], $0x7D0  }
0x8d: {  	p0 =	seq.s32 s24, $0x0;
	s8 =	simm.s32 $0x20;
	v3 =	vmov s7;
	v2 =	vor.u32 $0x8, v2;
	v1 =	vbroadcast v1, $0x0;
	[sflag:s1] =	ssyncset.done $0x0  }
0x8e: {  	s0 =	simm.s32 @!p0 $0x9;
	v4 =	vmov s8;
	v3 =	vor.u32 $0x8, v3;
	v2 =	vbroadcast v2, $0x0;
	[sflag:s1] =	ssyncadd.s32 $0xFFFFF830  }
0x8f: {  	s6 =	simm.s32 $0x10;
	v4 =	vor.u32 $0x8, v4;
	v6 =	vbroadcast v3, $0x0;
	_ =	swait.ge @!p0 [sflag:s0], $0x7D0  }
0x90: {  	v5 =	vmov s6;
	v4 =	vbroadcast v4, $0x0;
	[sflag:s0] =	ssyncset.done @!p0 $0x0  }
0x91: {  	s6 =	simm.s32 $0x5020;
	v3 =	vor.u32 $0x8, v5;
	[sflag:s0] =	ssyncadd.s32 @!p0 $0xFFFFF830  }
0x92: {  	v5 =	vbroadcast v3, $0x0;
	v3 =	vld [tilespmem:s6+$0xFFFFFFF0]  }
0x93: {  	v7 =	vld.idx.msk [tilespmem:v1+s18+$0x0], $0xffff  }
0x94: {  	s10 =	simm.s32 $0x50;
	v2 =	vld.idx.msk [tilespmem:v2+s18+$0x0], $0xffff  }
0x95: {  	s14 =	simm.s32 $0x80;
	v8 =	vmov s10;
	v6 =	vld.idx.msk [tilespmem:v6+s18+$0x0], $0xffff  }
0x96: {  	s13 =	simm.s32 $0x6F60;
	s15 =	simm.s32 $0x60;
	v10 =	vmov s14;
	v8 =	vor.u32 $0x8, v8;
	v4 =	vld.idx.msk [tilespmem:v4+s18+$0x0], $0xffff  }
0x97: {  	s9 =	simm.s32 $0x90;
	v13 =	vmov s15;
	v10 =	vor.u32 $0x8, v10;
	v8 =	vbroadcast v8, $0x0;
	v9 =	vld [tilespmem:s13+$0x0]  }
0x98: {  	v13 =	vor.u32 $0x8, v13;
	v10 =	vbroadcast v10, $0x0;
	v1 =	vmov s9;
	v12 =	vld [tilespmem:s13+$0x20]  }
0x99: {  	v13 =	vbroadcast v13, $0x0;
	v15 =	vld [tilespmem:s13+$0xFFFFFFF0];
	v1 =	vor.u32 $0x8, v1  }
0x9a: {  	v5 =	vld.idx.msk [tilespmem:v5+s18+$0x0], $0xffff;
	v11 =	vbroadcast v1, $0x0  }
0x9b: {  	s7 =	simm.s32 $0x70;
	v16 =	vld [tilespmem:s13+$0xFFFFFFE0]  }
0x9c: {  	v17 =	vld [tilespmem:s13+$0x10];
	v1 =	vmov s7  }
0x9d: {  	v8 =	vld.idx.msk [tilespmem:v8+s18+$0x0], $0xffff;
	v14 =	vor.u32 $0x8, v1  }
0x9e: {  	s23 =	simm.s32 $0xD0;
	v10 =	vld.idx.msk [tilespmem:v10+s18+$0x0], $0xffff;
	v14 =	vbroadcast v14, $0x0;
	v4 =	vadd.f32 v9, v4  }
0x9f: {  	v21 =	vmov s23;
	v13 =	vld.idx.msk [tilespmem:v13+s18+$0x0], $0xffff;
	v7 =	vadd.f32 v12, v7;
	v5 =	vadd.f32 v15, v5  }
0xa0: {  	v21 =	vor.u32 $0x8, v21;
	v9 =	vld.idx.msk [tilespmem:v11+s18+$0x0], $0xffff;
	v11 =	vmul.f32 $2.000000030e-01, v4  }
0xa1: {  	s16 =	simm.s32 $0x6FB0;
	s9 =	simm.s32 $0xE0;
	v19 =	vld [tilespmem:s6+$0x20];
	v15 =	vadd.f32 v16, v2;
	v12 =	vmul.f32 $2.000000030e-01, v7;
	v2 =	vmul.f32 $2.000000030e-01, v5  }
0xa2: {  	v21 =	vbroadcast v21, $0x0;
	v23 =	vld [tilespmem:s16+$0x10];
	v18 =	vmov s9;
	v4 =	vmax.f32 v4, v11  }
0xa3: {  	v24 =	vld [tilespmem:s16+$0xFFFFFFE0];
	v7 =	vmax.f32 v7, v12;
	v5 =	vmax.f32 v5, v2;
	v4 =	vmul.f32 $1.442695020e+00, v4  }
0xa4: {  	v11 =	vld.idx.msk [tilespmem:v14+s18+$0x0], $0xffff;
	v7 =	vmul.f32 $1.442695020e+00, v7;
	v20 =	vmul.f32 $1.442695020e+00, v5;
	v5 =	vor.u32 $0x8, v18  }
0xa5: {  	s8 =	simm.s32 $0xA0;
	v6 =	vadd.f32 v17, v6;
	v22 =	vbroadcast v5, $0x0;
	v5 =	vld [tilespmem:s16+$0x20];
	(erf) = vpow2.f32 v4  }
0xa6: {  	s22 =	simm.s32 $0xB0;
	v16 =	vmov s8;
	v12 =	vmul.f32 $2.000000030e-01, v15;
	v4 =	vld [tilespmem:s16+$0x0];
	(erf) = vpow2.f32 v7  }
0xa7: {  	s10 =	simm.s32 $0xC0;
	v17 =	vmov s22;
	v16 =	vor.u32 $0x8, v16;
	v14 =	vmul.f32 $2.000000030e-01, v6;
	v18 =	vld [tilespmem:s16+$0xFFFFFFF0]  }
0xa8: {  	v26 =	vld [tilespmem:s6+$0x0];
	s7 =	simm.s32 $0x5070;
	v16 =	vbroadcast v16, $0x0;
	v12 =	vmax.f32 v15, v12;
	v7 =	vmov s10  }
0xa9: {  	s3 =	simm.s32 $0x50C0;
	v1 =	vld [tilespmem:s7+$0xFFFFFFF0];
	v6 =	vmax.f32 v6, v14;
	v27 =	vmul.f32 $1.442695020e+00, v12;
	v7 =	vor.u32 $0x8, v7  }
0xaa: {  	v2 =	vld [tilespmem:s3+$0xFFFFFFF0];
	v12 =	vadd.f32 v24, v8;
	v6 =	vmul.f32 $1.442695020e+00, v6;
	v25 =	vbroadcast v7, $0x0  }
0xab: {  	v8 =	vld.idx.msk [tilespmem:v21+s18+$0x0], $0xffff;
	v15 =	vadd.f32 v5, v9;
	v11 =	vadd.f32 v4, v11;
	v4 =	vor.u32 $0x8, v17  }
0xac: {  	(erf) = vpow2.f32 v20;
	v18 =	vadd.f32 v18, v13;
	v5 =	vld [tilespmem:s6+$0x10];
	v14 =	vbroadcast v4, $0x0  }
0xad: {  	v7 =	vld.idx.msk [tilespmem:v22+s18+$0x0], $0xffff;
	v17 =	vmul.f32 $2.000000030e-01, v15;
	v13 =	vmul.f32 $2.000000030e-01, v11  }
0xae: {  	v10 =	vadd.f32 v23, v10;
	v9 =	vpop (erf);
	(erf) = vpow2.f32 v6;
	v6 =	vld.idx.msk [tilespmem:v16+s18+$0x0], $0xffff;
	v16 =	vmul.f32 $2.000000030e-01, v18  }
0xaf: {  	s29 =	simm.s32 $0xF;
	s14 =	simm.s32 $0x7000;
	s9 =	simm.s32 $0x8EA0;
	v4 =	vld [tilespmem:s6+$0xFFFFFFE0];
	v63 =	vmax.f32 v11, v13;
	v20 =	vpop (erf);
	v11 =	vmul.f32 v9, v26;
	(erf) = vpow2.f32 v27  }
0xb0: {  	s8 =	simm.s32 $0x8EF0;
	s10 =	simm.s32 $0x50C0;
	s6 =	sshll.u32 s24, $0x9;
	v13 =	vld.idx.msk [tilespmem:v25+s18+$0x0], $0xffff;
	v9 =	vmul.f32 v20, v19;
	v16 =	vmax.f32 v18, v16;
	v18 =	vmul.f32 $1.442695020e+00, v63  }
.LBB2_5:
0xb1: {  	s23 =	smov.u32 s29  }
0xb2: {  	s0 =	sshll.u32 s29, $0x4;
	v19 =	vld.idx.msk [tilespmem:v14+s18+$0x0], $0xffff;
	s3 =	sadd.s32 $0x50, s3;
	v14 =	vmul.f32 $2.000000030e-01, v12;
	v20 =	vmul.f32 $2.000000030e-01, v10;
	v15 =	vmax.f32 v15, v17;
	s23 =	sadd.s32 $0x5, s29  }
0xb3: {  	v17 =	vmov s0;
	s16 =	sadd.s32 $0x10, s0;
	s13 =	sadd.s32 $0x20, s0;
	s22 =	sadd.s32 $0x30, s0;
	v15 =	vmul.f32 $1.442695020e+00, v15;
	v21 =	vld [tilespmem:s3+$0xFFFFFFF0];
	(erf) = vpow2.f32 v18  }
0xb4: {  	p1 =	slt.u32 s29, $0x78;
	v16 =	vmul.f32 $1.442695020e+00, v16;
	s0 =	sadd.s32 $0x40, s0;
	v18 =	vmov s16;
	v22 =	vmov s13;
	v23 =	vld [tilespmem:s14+$0x0]  }
0xb5: {  	v17 =	vor.u32 $0x8, v17;
	v24 =	vmov s0;
	v25 =	vld [tilespmem:s7+$0x20];
	(erf) = vpow2.f32 v15  }
0xb6: {  	v12 =	vmax.f32 v12, v14;
	v15 =	vor.u32 $0x8, v22;
	v22 =	vor.u32 $0x8, v24;
	v24 =	vld [tilespmem:s14+$0xFFFFFFF0];
	[tilespmem:s9+$0x0] =	vst v11;
	v11 =	vpop (erf)  }
0xb7: {  	v14 =	vmov s22;
	v22 =	vbroadcast v22, $0x0;
	v26 =	vld [tilespmem:s14+$0x20];
	v11 =	vmul.f32 v11, v3;
	[tilespmem:s9+$0x20] =	vst v9;
	v9 =	vpop (erf)  }
0xb8: {  	v29 =	vmax.f32 v10, v20;
	v17 =	vbroadcast v17, $0x0;
	v14 =	vor.u32 $0x8, v14;
	v3 =	vmovc v1;
	v1 =	vmovc v2;
	v27 =	vld [tilespmem:s14+$0x10]  }
0xb9: {  	v20 =	vbroadcast v14, $0x0;
	v5 =	vmul.f32 v9, v5;
	v2 =	vmovc v21;
	v28 =	vld [tilespmem:s14+$0xFFFFFFE0];
	v13 =	vadd.f32 v23, v13;
	[tilespmem:s9+$0xFFFFFFF0] =	vst v11  }
0xba: {  	v9 =	vor.u32 $0x8, v18;
	v18 =	vbroadcast v15, $0x0;
	v21 =	vmul.f32 $1.442695020e+00, v29;
	v11 =	vld [tilespmem:s7+$0x0];
	v10 =	vpop (erf)  }
0xbb: {  	v14 =	vbroadcast v9, $0x0;
	v19 =	vadd.f32 v24, v19;
	v24 =	vmul.f32 v10, v4;
	v4 =	vld [tilespmem:s7+$0xFFFFFFE0];
	[tilespmem:s9+$0x10] =	vst v5  }
.Ltmp3:
0xbc: {  	v23 =	vmul.f32 $1.442695020e+00, v12;
	v15 =	vadd.f32 v26, v7;
	v5 =	vld [tilespmem:s7+$0x10];
	(erf) = vpow2.f32 v16;
	v16 =	vpop (erf);
	s7 =	smov.u32 s10;
	s10 =	smov.u32 s3;
	(pc) =	sbr.rel @p1 .LBB2_5-.Ltmp3, $4  }
0xbd: {  	s14 =	sadd.s32 $0x50, s14;
	v7 =	vld.idx.msk [tilespmem:v22+s18+$0x0], $0xffff;
	v22 =	vmul.f32 $2.000000030e-01, v13;
	v10 =	vadd.f32 v27, v8;
	(erf) = vpow2.f32 v21;
	[tilespmem:s9+$0xFFFFFFE0] =	vst v24;
	s9 =	smov.u32 s8  }
0xbe: {  	v21 =	vmul.f32 $2.000000030e-01, v19;
	v12 =	vadd.f32 v28, v6;
	v6 =	vld.idx.msk [tilespmem:v17+s18+$0x0], $0xffff;
	v17 =	vmul.f32 $2.000000030e-01, v15;
	v9 =	vpop (erf)  }
0xbf: {  	v8 =	vld.idx.msk [tilespmem:v20+s18+$0x0], $0xffff;
	v20 =	vmax.f32 v13, v22;
	v11 =	vmul.f32 v16, v11;
	v9 =	vmul.f32 v9, v25  }
0xc0: {  	s29 =	smov.u32 s23;
	s8 =	sadd.s32 $0x50, s8;
	v16 =	vmax.f32 v19, v21;
	v13 =	vld.idx.msk [tilespmem:v18+s18+$0x0], $0xffff;
	v18 =	vmul.f32 $1.442695020e+00, v20;
	(erf) = vpow2.f32 v23  }
0xc1: {  	_ =	sdelay $0x3  }
0xc2: {  	v14 =	vld.idx.msk [tilespmem:v14+s18+$0x0], $0xffff  }
0xc3: {  	v19 =	vld [tilespmem:s14+$0x0]  }
0xc4: {  	v20 =	vld [tilespmem:s14+$0xFFFFFFF0]  }
0xc5: {  	v21 =	vmul.f32 $2.000000030e-01, v12;
	v15 =	vmax.f32 v15, v17;
	v17 =	vld [tilespmem:s14+$0x20]  }
0xc6: {  	v22 =	vmul.f32 $2.000000030e-01, v10;
	v23 =	vld [tilespmem:s14+$0x10];
	v15 =	vmul.f32 $1.442695020e+00, v15  }
0xc7: {  	v16 =	vmul.f32 $1.442695020e+00, v16;
	(erf) = vpow2.f32 v18;
	v18 =	vld [tilespmem:s14+$0xFFFFFFE0]  }
0xc8: {  	v10 =	vmax.f32 v10, v22;
	v12 =	vmax.f32 v12, v21;
	(erf) = vpow2.f32 v15  }
0xc9: {  	v10 =	vmul.f32 $1.442695020e+00, v10;
	v12 =	vmul.f32 $1.442695020e+00, v12;
	v13 =	vadd.f32 v19, v13  }
0xca: {  	v15 =	vpop (erf);
	v14 =	vadd.f32 v20, v14;
	v7 =	vadd.f32 v17, v7;
	(erf) = vpow2.f32 v16  }
0xcb: {  	v8 =	vadd.f32 v23, v8;
	v3 =	vmul.f32 v15, v3;
	v15 =	vmul.f32 $2.000000030e-01, v13  }
0xcc: {  	(erf) = vpow2.f32 v10;
	v6 =	vadd.f32 v18, v6;
	v10 =	vmul.f32 $2.000000030e-01, v7  }
0xcd: {  	(erf) = vpow2.f32 v12;
	v13 =	vmax.f32 v13, v15;
	v15 =	vmul.f32 $2.000000030e-01, v14  }
0xce: {  	v12 =	vmul.f32 $2.000000030e-01, v8;
	v7 =	vmax.f32 v7, v10;
	v13 =	vmul.f32 $1.442695020e+00, v13  }
0xcf: {  	v7 =	vmul.f32 $1.442695020e+00, v7;
	v10 =	vmax.f32 v14, v15;
	v14 =	vmul.f32 $2.000000030e-01, v6  }
0xd0: {  	v8 =	vmax.f32 v8, v12;
	(erf) = vpow2.f32 v13  }
0xd1: {  	v12 =	vld [tilespmem:s7+$0x20];
	(erf) = vpow2.f32 v7;
	v6 =	vmax.f32 v6, v14;
	v7 =	vmul.f32 $1.442695020e+00, v8  }
0xd2: {  	v15 =	vld [tilespmem:s7+$0x0];
	v10 =	vmul.f32 $1.442695020e+00, v10;
	v6 =	vmul.f32 $1.442695020e+00, v6  }
0xd3: {  	v8 =	vpop (erf)  }
0xd4: {  	[tilespmem:s9+$0x20] =	vst v9;
	v9 =	vld [tilespmem:s7+$0x10];
	(erf) = vpow2.f32 v10;
	v5 =	vmul.f32 v8, v5;
	v8 =	vpop (erf)  }
0xd5: {  	[tilespmem:s9+$0xFFFFFFF0] =	vst v3;
	(erf) = vpow2.f32 v7;
	v4 =	vmul.f32 v8, v4;
	v7 =	vpop (erf)  }
0xd6: {  	[tilespmem:s9+$0x10] =	vst v5;
	(erf) = vpow2.f32 v6;
	v6 =	vpop (erf)  }
0xd7: {  	v3 =	vld [tilespmem:s7+$0xFFFFFFE0];
	[tilespmem:s9+$0xFFFFFFE0] =	vst v4;
	v5 =	vmul.f32 v7, v15;
	v8 =	vpop (erf);
	v4 =	vmul.f32 v6, v12  }
0xd8: {  	v7 =	vld [tilespmem:s10+$0x0];
	v10 =	vpop (erf)  }
0xd9: {  	v6 =	vld [tilespmem:s10+$0x20];
	[tilespmem:s8+$0x20] =	vst v4;
	v4 =	vmul.f32 v10, v9  }
0xda: {  	[tilespmem:s9+$0x0] =	vst v11;
	v1 =	vmul.f32 v8, v1  }
0xdb: {  	[tilespmem:s8+$0x0] =	vst v5;
	v8 =	vld [tilespmem:s10+$0x10];
	v5 =	vpop (erf)  }
0xdc: {  	[tilespmem:s8+$0xFFFFFFF0] =	vst v1;
	v1 =	vld [tilespmem:s10+$0xFFFFFFE0];
	v3 =	vmul.f32 v5, v3;
	v5 =	vpop (erf)  }
0xdd: {  	[tilespmem:s8+$0x10] =	vst v4;
	v5 =	vmul.f32 v5, v7;
	v4 =	vpop (erf)  }
0xde: {  	s0 =	sadd.s32 $0x50, s8;
	[tilespmem:s8+$0xFFFFFFE0] =	vst v3;
	v3 =	vmul.f32 v4, v6;
	v4 =	vpop (erf)  }
0xdf: {  	[tilespmem:s0+$0x0] =	vst v5;
	v2 =	vmul.f32 v4, v2;
	v4 =	vpop (erf)  }
0xe0: {  	[tilespmem:s0+$0x20] =	vst v3;
	v3 =	vmul.f32 v4, v8;
	v4 =	vpop (erf)  }
0xe1: {  	[tilespmem:s0+$0xFFFFFFF0] =	vst v2;
	v1 =	vmul.f32 v4, v1  }
0xe2: {  	s7 =	sand.u32 $0x3FFFFE00, s6;
	[tilespmem:s0+$0x10] =	vst v3  }
0xe3: {  	s3 =	simm.s32 $0x8E80;
	p1 =	seq.s32 s24, $0x13;
	s8 =	sadd.s32 $0x2800, s7;
	[tilespmem:s0+$0xFFFFFFE0] =	vst v1  }
0xe4: {  	[spmem:s2] =	stream.indirect.scatter.add.f32 [tilespmem:s3], [sflag:$0x9], $0x10, s8, s17, $0xb8;
	[tilespmem:$0xDCA0] =	vst v63  }
0xe5: {  	s0 =	sadd.s32 @!p1 $0x200, s6;
	s3 =	simm.s32 @!p1 $0x7D;
	s8 =	simm.s32 @!p1 $0x5000  }
0xe6: {  	[tilespmem:s8], [sflag:$0x1] =	stream.indirect.gather @!p1 [hbm4b:s4+s3], $0x10, s0, s3, $0xb8;
	[tilespmem:$0xDCA0] =	vst v63  }
0xe7: {  	s0 =	sadd.s32 @!p1 $0x2A00, s6;
	s8 =	simm.s32 @!p1 $0x6F40  }
0xe8: {  	[tilespmem:s8], [sflag:$0x5] =	stream.indirect.gather @!p1 [hbm4b:s5+s3], $0x10, s0, s3, $0xb8;
	[tilespmem:$0xDCA0] =	vst v63  }
0xe9: {  	_ =	swait.ge [sflag:s19], $0x7D0  }
0xea: {  	s9 =	simm.s32 $0x40;
	[sflag:s19] =	ssyncset.done $0x0  }
0xeb: {  	s10 =	simm.s32 $0x0;
	v1 =	vmov s9;
	[sflag:s19] =	ssyncadd.s32 $0xFFFFF830  }
0xec: {  	s13 =	simm.s32 $0x30;
	v2 =	vmov s10;
	v1 =	vor.u32 $0x8, v1;
	_ =	swait.ge [sflag:s28], $0x7D0  }
0xed: {  	s14 =	simm.s32 $0x20;
	v2 =	vor.u32 $0x8, v2;
	v3 =	vmov s13;
	v1 =	vbroadcast v1, $0x0;
	[sflag:s28] =	ssyncset.done $0x0  }
0xee: {  	s15 =	simm.s32 $0x10;
	v4 =	vmov s14;
	v2 =	vbroadcast v2, $0x0;
	v3 =	vor.u32 $0x8, v3;
	s0 =	simm.s32 @!p0 $0xA;
	[sflag:s28] =	ssyncadd.s32 $0xFFFFF830  }
0xef: {  	v5 =	vmov s15;
	v4 =	vor.u32 $0x8, v4;
	v6 =	vbroadcast v3, $0x0;
	_ =	swait.ge @!p0 [sflag:s0], $0x7D0  }
0xf0: {  	v4 =	vbroadcast v4, $0x0;
	v3 =	vor.u32 $0x8, v5;
	[sflag:s0] =	ssyncset.done @!p0 $0x0  }
0xf1: {  	v5 =	vbroadcast v3, $0x0;
	s3 =	simm.s32 $0x57F0;
	[sflag:s0] =	ssyncadd.s32 @!p0 $0xFFFFF830  }
0xf2: {  	v3 =	vld [tilespmem:s3+$0xFFFFFFF0]  }
0xf3: {  	v7 =	vld.idx.msk [tilespmem:v1+s26+$0x0], $0xffff  }
0xf4: {  	s22 =	simm.s32 $0x50;
	v2 =	vld.idx.msk [tilespmem:v2+s26+$0x0], $0xffff  }
0xf5: {  	v8 =	vmov s22;
	s9 =	simm.s32 $0x80;
	v6 =	vld.idx.msk [tilespmem:v6+s26+$0x0], $0xffff  }
0xf6: {  	v8 =	vor.u32 $0x8, v8;
	s13 =	simm.s32 $0x60;
	v10 =	vmov s9;
	v4 =	vld.idx.msk [tilespmem:v4+s26+$0x0], $0xffff  }
0xf7: {  	s16 =	simm.s32 $0x90;
	s23 =	simm.s32 $0x7730;
	v8 =	vbroadcast v8, $0x0;
	v13 =	vmov s13;
	v10 =	vor.u32 $0x8, v10;
	v5 =	vld.idx.msk [tilespmem:v5+s26+$0x0], $0xffff  }
0xf8: {  	v13 =	vor.u32 $0x8, v13;
	v10 =	vbroadcast v10, $0x0;
	v1 =	vmov s16;
	v9 =	vld [tilespmem:s23+$0x0]  }
0xf9: {  	v13 =	vbroadcast v13, $0x0;
	v12 =	vld [tilespmem:s23+$0x20];
	v1 =	vor.u32 $0x8, v1  }
0xfa: {  	v15 =	vld [tilespmem:s23+$0xFFFFFFF0];
	v11 =	vbroadcast v1, $0x0  }
0xfb: {  	s10 =	simm.s32 $0x70;
	v16 =	vld [tilespmem:s23+$0xFFFFFFE0]  }
0xfc: {  	v17 =	vld [tilespmem:s23+$0x10];
	v1 =	vmov s10  }
0xfd: {  	v8 =	vld.idx.msk [tilespmem:v8+s26+$0x0], $0xffff;
	v14 =	vor.u32 $0x8, v1  }
0xfe: {  	s22 =	simm.s32 $0xD0;
	v10 =	vld.idx.msk [tilespmem:v10+s26+$0x0], $0xffff;
	v14 =	vbroadcast v14, $0x0;
	v4 =	vadd.f32 v9, v4  }
0xff: {  	v60 =	vmov s22;
	v13 =	vld.idx.msk [tilespmem:v13+s26+$0x0], $0xffff;
	v7 =	vadd.f32 v12, v7;
	v5 =	vadd.f32 v15, v5  }
0x100: {  	v21 =	vor.u32 $0x8, v60;
	v9 =	vld.idx.msk [tilespmem:v11+s26+$0x0], $0xffff;
	v11 =	vmul.f32 $2.000000030e-01, v4  }
0x101: {  	s0 =	simm.s32 $0x7780;
	s16 =	simm.s32 $0xE0;
	v19 =	vld [tilespmem:s3+$0x20];
	v15 =	vadd.f32 v16, v2;
	v12 =	vmul.f32 $2.000000030e-01, v7;
	v2 =	vmul.f32 $2.000000030e-01, v5  }
0x102: {  	v21 =	vbroadcast v21, $0x0;
	v62 =	vld [tilespmem:s0+$0x10];
	v18 =	vmov s16;
	v4 =	vmax.f32 v4, v11  }
0x103: {  	v24 =	vld [tilespmem:s0+$0xFFFFFFE0];
	v7 =	vmax.f32 v7, v12;
	v5 =	vmax.f32 v5, v2;
	v4 =	vmul.f32 $1.442695020e+00, v4  }
0x104: {  	v11 =	vld.idx.msk [tilespmem:v14+s26+$0x0], $0xffff;
	v7 =	vmul.f32 $1.442695020e+00, v7;
	v20 =	vmul.f32 $1.442695020e+00, v5;
	v5 =	vor.u32 $0x8, v18  }
0x105: {  	s14 =	simm.s32 $0xA0;
	v6 =	vadd.f32 v17, v6;
	v61 =	vbroadcast v5, $0x0;
	v5 =	vld [tilespmem:s0+$0x20];
	(erf) = vpow2.f32 v4  }
0x106: {  	s15 =	simm.s32 $0xB0;
	v16 =	vmov s14;
	v12 =	vmul.f32 $2.000000030e-01, v15;
	v4 =	vld [tilespmem:s0+$0x0];
	(erf) = vpow2.f32 v7  }
0x107: {  	s13 =	simm.s32 $0xC0;
	v17 =	vmov s15;
	v16 =	vor.u32 $0x8, v16;
	v14 =	vmul.f32 $2.000000030e-01, v6;
	v18 =	vld [tilespmem:s0+$0xFFFFFFF0]  }
0x108: {  	s8 =	simm.s32 $0x5840;
	v26 =	vld [tilespmem:s3+$0x0];
	v16 =	vbroadcast v16, $0x0;
	v12 =	vmax.f32 v15, v12;
	v7 =	vmov s13  }
0x109: {  	s23 =	simm.s32 $0x5890;
	v1 =	vld [tilespmem:s8+$0xFFFFFFF0];
	v6 =	vmax.f32 v6, v14;
	v27 =	vmul.f32 $1.442695020e+00, v12;
	v7 =	vor.u32 $0x8, v7  }
0x10a: {  	v2 =	vld [tilespmem:s23+$0xFFFFFFF0];
	v12 =	vadd.f32 v24, v8;
	v6 =	vmul.f32 $1.442695020e+00, v6;
	v25 =	vbroadcast v7, $0x0  }
0x10b: {  	v8 =	vld.idx.msk [tilespmem:v21+s26+$0x0], $0xffff;
	v15 =	vadd.f32 v5, v9;
	v11 =	vadd.f32 v4, v11;
	v4 =	vor.u32 $0x8, v17  }
0x10c: {  	v18 =	vadd.f32 v18, v13;
	(erf) = vpow2.f32 v20;
	v5 =	vld [tilespmem:s3+$0x10];
	v14 =	vbroadcast v4, $0x0  }
0x10d: {  	v7 =	vld.idx.msk [tilespmem:v61+s26+$0x0], $0xffff;
	v17 =	vmul.f32 $2.000000030e-01, v15;
	v13 =	vmul.f32 $2.000000030e-01, v11  }
0x10e: {  	v10 =	vadd.f32 v62, v10;
	v9 =	vpop (erf);
	(erf) = vpow2.f32 v6;
	v6 =	vld.idx.msk [tilespmem:v16+s26+$0x0], $0xffff;
	v16 =	vmul.f32 $2.000000030e-01, v18  }
0x10f: {  	s29 =	simm.s32 $0xF;
	s9 =	simm.s32 $0x96C0;
	v4 =	vld [tilespmem:s3+$0xFFFFFFE0];
	v63 =	vmax.f32 v11, v13;
	v20 =	vpop (erf);
	v11 =	vmul.f32 v9, v26;
	(erf) = vpow2.f32 v27  }
0x110: {  	s10 =	simm.s32 $0x9670;
	s14 =	simm.s32 $0x77D0;
	s3 =	simm.s32 $0x5890;
	v13 =	vld.idx.msk [tilespmem:v25+s26+$0x0], $0xffff;
	v9 =	vmul.f32 v20, v19;
	v16 =	vmax.f32 v18, v16;
	v18 =	vmul.f32 $1.442695020e+00, v63  }
.LBB2_7:
0x111: {  	s0 =	smov.u32 s29  }
0x112: {  	s13 =	sshll.u32 s29, $0x4;
	v19 =	vld.idx.msk [tilespmem:v14+s26+$0x0], $0xffff;
	s23 =	sadd.s32 $0x50, s23;
	v14 =	vmul.f32 $2.000000030e-01, v12;
	v20 =	vmul.f32 $2.000000030e-01, v10;
	v15 =	vmax.f32 v15, v17;
	s0 =	sadd.s32 $0x5, s29  }
0x113: {  	v17 =	vmov s13;
	s16 =	sadd.s32 $0x10, s13;
	s22 =	sadd.s32 $0x20, s13;
	s15 =	sadd.s32 $0x30, s13;
	v15 =	vmul.f32 $1.442695020e+00, v15;
	v21 =	vld [tilespmem:s23+$0xFFFFFFF0];
	(erf) = vpow2.f32 v18  }
0x114: {  	p2 =	slt.u32 s29, $0x78;
	v16 =	vmul.f32 $1.442695020e+00, v16;
	s13 =	sadd.s32 $0x40, s13;
	v18 =	vmov s16;
	v22 =	vmov s22;
	v23 =	vld [tilespmem:s14+$0x0]  }
0x115: {  	v17 =	vor.u32 $0x8, v17;
	v24 =	vmov s13;
	v25 =	vld [tilespmem:s8+$0x20];
	(erf) = vpow2.f32 v15  }
0x116: {  	v12 =	vmax.f32 v12, v14;
	v15 =	vor.u32 $0x8, v22;
	v22 =	vor.u32 $0x8, v24;
	v24 =	vld [tilespmem:s14+$0xFFFFFFF0];
	[tilespmem:s10+$0x0] =	vst v11;
	v11 =	vpop (erf)  }
0x117: {  	v14 =	vmov s15;
	v22 =	vbroadcast v22, $0x0;
	v26 =	vld [tilespmem:s14+$0x20];
	v11 =	vmul.f32 v11, v3;
	[tilespmem:s10+$0x20] =	vst v9;
	v9 =	vpop (erf)  }
0x118: {  	v29 =	vmax.f32 v10, v20;
	v17 =	vbroadcast v17, $0x0;
	v14 =	vor.u32 $0x8, v14;
	v3 =	vmovc v1;
	v1 =	vmovc v2;
	v27 =	vld [tilespmem:s14+$0x10]  }
0x119: {  	v20 =	vbroadcast v14, $0x0;
	v5 =	vmul.f32 v9, v5;
	v2 =	vmovc v21;
	v28 =	vld [tilespmem:s14+$0xFFFFFFE0];
	v13 =	vadd.f32 v23, v13;
	[tilespmem:s10+$0xFFFFFFF0] =	vst v11  }
0x11a: {  	v9 =	vor.u32 $0x8, v18;
	v18 =	vbroadcast v15, $0x0;
	v21 =	vmul.f32 $1.442695020e+00, v29;
	v11 =	vld [tilespmem:s8+$0x0];
	v10 =	vpop (erf)  }
0x11b: {  	v14 =	vbroadcast v9, $0x0;
	v19 =	vadd.f32 v24, v19;
	v24 =	vmul.f32 v10, v4;
	v4 =	vld [tilespmem:s8+$0xFFFFFFE0];
	[tilespmem:s10+$0x10] =	vst v5  }
.Ltmp4:
0x11c: {  	v23 =	vmul.f32 $1.442695020e+00, v12;
	v15 =	vadd.f32 v26, v7;
	v5 =	vld [tilespmem:s8+$0x10];
	(erf) = vpow2.f32 v16;
	v16 =	vpop (erf);
	s8 =	smov.u32 s3;
	s3 =	smov.u32 s23;
	(pc) =	sbr.rel @p2 .LBB2_7-.Ltmp4, $4  }
0x11d: {  	s14 =	sadd.s32 $0x50, s14;
	v7 =	vld.idx.msk [tilespmem:v22+s26+$0x0], $0xffff;
	v22 =	vmul.f32 $2.000000030e-01, v13;
	v10 =	vadd.f32 v27, v8;
	(erf) = vpow2.f32 v21;
	[tilespmem:s10+$0xFFFFFFE0] =	vst v24;
	s10 =	smov.u32 s9  }
0x11e: {  	v21 =	vmul.f32 $2.000000030e-01, v19;
	v12 =	vadd.f32 v28, v6;
	v6 =	vld.idx.msk [tilespmem:v17+s26+$0x0], $0xffff;
	v17 =	vmul.f32 $2.000000030e-01, v15;
	v9 =	vpop (erf)  }
0x11f: {  	v8 =	vld.idx.msk [tilespmem:v20+s26+$0x0], $0xffff;
	v20 =	vmax.f32 v13, v22;
	v11 =	vmul.f32 v16, v11;
	v9 =	vmul.f32 v9, v25  }
0x120: {  	s29 =	smov.u32 s0;
	s9 =	sadd.s32 $0x50, s9;
	v16 =	vmax.f32 v19, v21;
	v13 =	vld.idx.msk [tilespmem:v18+s26+$0x0], $0xffff;
	v18 =	vmul.f32 $1.442695020e+00, v20;
	(erf) = vpow2.f32 v23  }
0x121: {  	_ =	sdelay $0x3  }
0x122: {  	v14 =	vld.idx.msk [tilespmem:v14+s26+$0x0], $0xffff  }
0x123: {  	v19 =	vld [tilespmem:s14+$0x0]  }
0x124: {  	v20 =	vld [tilespmem:s14+$0xFFFFFFF0]  }
0x125: {  	v21 =	vmul.f32 $2.000000030e-01, v12;
	v15 =	vmax.f32 v15, v17;
	v17 =	vld [tilespmem:s14+$0x20]  }
0x126: {  	v22 =	vmul.f32 $2.000000030e-01, v10;
	v23 =	vld [tilespmem:s14+$0x10];
	v15 =	vmul.f32 $1.442695020e+00, v15  }
0x127: {  	v16 =	vmul.f32 $1.442695020e+00, v16;
	(erf) = vpow2.f32 v18;
	v18 =	vld [tilespmem:s14+$0xFFFFFFE0]  }
0x128: {  	v10 =	vmax.f32 v10, v22;
	v12 =	vmax.f32 v12, v21;
	(erf) = vpow2.f32 v15  }
0x129: {  	v10 =	vmul.f32 $1.442695020e+00, v10;
	v12 =	vmul.f32 $1.442695020e+00, v12;
	v13 =	vadd.f32 v19, v13  }
0x12a: {  	v15 =	vpop (erf);
	v14 =	vadd.f32 v20, v14;
	v7 =	vadd.f32 v17, v7;
	(erf) = vpow2.f32 v16  }
0x12b: {  	v8 =	vadd.f32 v23, v8;
	v3 =	vmul.f32 v15, v3;
	v15 =	vmul.f32 $2.000000030e-01, v13  }
0x12c: {  	(erf) = vpow2.f32 v10;
	v6 =	vadd.f32 v18, v6;
	v10 =	vmul.f32 $2.000000030e-01, v7  }
0x12d: {  	(erf) = vpow2.f32 v12;
	v13 =	vmax.f32 v13, v15;
	v15 =	vmul.f32 $2.000000030e-01, v14  }
0x12e: {  	v12 =	vmul.f32 $2.000000030e-01, v8;
	v7 =	vmax.f32 v7, v10;
	v13 =	vmul.f32 $1.442695020e+00, v13  }
0x12f: {  	v7 =	vmul.f32 $1.442695020e+00, v7;
	v10 =	vmax.f32 v14, v15;
	v14 =	vmul.f32 $2.000000030e-01, v6  }
0x130: {  	v8 =	vmax.f32 v8, v12;
	(erf) = vpow2.f32 v13  }
0x131: {  	v12 =	vld [tilespmem:s8+$0x20];
	(erf) = vpow2.f32 v7;
	v6 =	vmax.f32 v6, v14;
	v7 =	vmul.f32 $1.442695020e+00, v8  }
0x132: {  	v15 =	vld [tilespmem:s8+$0x0];
	v10 =	vmul.f32 $1.442695020e+00, v10;
	v6 =	vmul.f32 $1.442695020e+00, v6  }
0x133: {  	v8 =	vpop (erf)  }
0x134: {  	[tilespmem:s10+$0x20] =	vst v9;
	v9 =	vld [tilespmem:s8+$0x10];
	(erf) = vpow2.f32 v10;
	v5 =	vmul.f32 v8, v5;
	v8 =	vpop (erf)  }
0x135: {  	[tilespmem:s10+$0xFFFFFFF0] =	vst v3;
	(erf) = vpow2.f32 v7;
	v4 =	vmul.f32 v8, v4;
	v7 =	vpop (erf)  }
0x136: {  	[tilespmem:s10+$0x10] =	vst v5;
	(erf) = vpow2.f32 v6;
	v6 =	vpop (erf)  }
0x137: {  	v3 =	vld [tilespmem:s8+$0xFFFFFFE0];
	[tilespmem:s10+$0xFFFFFFE0] =	vst v4;
	v5 =	vmul.f32 v7, v15;
	v8 =	vpop (erf);
	v4 =	vmul.f32 v6, v12  }
0x138: {  	v7 =	vld [tilespmem:s3+$0x0];
	v10 =	vpop (erf)  }
0x139: {  	v6 =	vld [tilespmem:s3+$0x20];
	[tilespmem:s9+$0x20] =	vst v4;
	v4 =	vmul.f32 v10, v9  }
0x13a: {  	[tilespmem:s10+$0x0] =	vst v11;
	v1 =	vmul.f32 v8, v1  }
0x13b: {  	[tilespmem:s9+$0x0] =	vst v5;
	v8 =	vld [tilespmem:s3+$0x10];
	v5 =	vpop (erf)  }
0x13c: {  	[tilespmem:s9+$0xFFFFFFF0] =	vst v1;
	v1 =	vld [tilespmem:s3+$0xFFFFFFE0];
	v3 =	vmul.f32 v5, v3;
	v5 =	vpop (erf)  }
0x13d: {  	[tilespmem:s9+$0x10] =	vst v4;
	v5 =	vmul.f32 v5, v7;
	v4 =	vpop (erf)  }
0x13e: {  	s0 =	sadd.s32 $0x50, s9;
	[tilespmem:s9+$0xFFFFFFE0] =	vst v3;
	v3 =	vmul.f32 v4, v6;
	v4 =	vpop (erf)  }
0x13f: {  	[tilespmem:s0+$0x0] =	vst v5;
	v2 =	vmul.f32 v4, v2;
	v4 =	vpop (erf)  }
0x140: {  	[tilespmem:s0+$0x20] =	vst v3;
	v3 =	vmul.f32 v4, v8;
	v4 =	vpop (erf)  }
0x141: {  	[tilespmem:s0+$0xFFFFFFF0] =	vst v2;
	v1 =	vmul.f32 v4, v1  }
0x142: {  	[tilespmem:s0+$0x10] =	vst v3  }
0x143: {  	s8 =	sadd.s32 $0x2880, s7;
	s9 =	simm.s32 $0x9650;
	[tilespmem:s0+$0xFFFFFFE0] =	vst v1  }
0x144: {  	[spmem:s2] =	stream.indirect.scatter.add.f32 [tilespmem:s9], [sflag:$0xA], $0x10, s8, s17, $0xb8;
	[tilespmem:$0xDCA0] =	vst v63  }
0x145: {  	s3 =	simm.s32 @!p1 $0x7D;
	s0 =	sadd.s32 @!p1 $0x280, s6;
	s8 =	simm.s32 @!p1 $0x57D0  }
0x146: {  	[tilespmem:s8], [sflag:$0x2] =	stream.indirect.gather @!p1 [hbm4b:s4+s3], $0x10, s0, s3, $0xb8;
	[tilespmem:$0xDCA0] =	vst v63  }
0x147: {  	s0 =	sadd.s32 @!p1 $0x2A80, s6;
	s8 =	simm.s32 @!p1 $0x7710  }
0x148: {  	[tilespmem:s8], [sflag:$0x6] =	stream.indirect.gather @!p1 [hbm4b:s5+s3], $0x10, s0, s3, $0xb8;
	[tilespmem:$0xDCA0] =	vst v63  }
0x149: {  	_ =	swait.ge [sflag:s11], $0x7D0  }
0x14a: {  	s10 =	simm.s32 $0x40;
	[sflag:s11] =	ssyncset.done $0x0  }
0x14b: {  	s13 =	simm.s32 $0x0;
	v1 =	vmov s10;
	[sflag:s11] =	ssyncadd.s32 $0xFFFFF830  }
0x14c: {  	s14 =	simm.s32 $0x30;
	v2 =	vmov s13;
	v1 =	vor.u32 $0x8, v1;
	_ =	swait.ge [sflag:s12], $0x7D0  }
0x14d: {  	s15 =	simm.s32 $0x20;
	v2 =	vor.u32 $0x8, v2;
	v3 =	vmov s14;
	v1 =	vbroadcast v1, $0x0;
	[sflag:s12] =	ssyncset.done $0x0  }
0x14e: {  	s16 =	simm.s32 $0x10;
	v4 =	vmov s15;
	v2 =	vbroadcast v2, $0x0;
	v3 =	vor.u32 $0x8, v3;
	s0 =	simm.s32 @!p0 $0xB;
	[sflag:s12] =	ssyncadd.s32 $0xFFFFF830  }
0x14f: {  	v5 =	vmov s16;
	v4 =	vor.u32 $0x8, v4;
	v6 =	vbroadcast v3, $0x0;
	_ =	swait.ge @!p0 [sflag:s0], $0x7D0  }
0x150: {  	v4 =	vbroadcast v4, $0x0;
	v3 =	vor.u32 $0x8, v5;
	[sflag:s0] =	ssyncset.done @!p0 $0x0  }
0x151: {  	v5 =	vbroadcast v3, $0x0;
	s3 =	simm.s32 $0x5FC0;
	[sflag:s0] =	ssyncadd.s32 @!p0 $0xFFFFF830  }
0x152: {  	v3 =	vld [tilespmem:s3+$0xFFFFFFF0]  }
0x153: {  	v7 =	vld.idx.msk [tilespmem:v1+s31+$0x0], $0xffff  }
0x154: {  	s23 =	simm.s32 $0x50;
	v2 =	vld.idx.msk [tilespmem:v2+s31+$0x0], $0xffff  }
0x155: {  	v8 =	vmov s23;
	s9 =	simm.s32 $0x80;
	v6 =	vld.idx.msk [tilespmem:v6+s31+$0x0], $0xffff  }
0x156: {  	v8 =	vor.u32 $0x8, v8;
	s13 =	simm.s32 $0x60;
	v10 =	vmov s9;
	v4 =	vld.idx.msk [tilespmem:v4+s31+$0x0], $0xffff  }
0x157: {  	s22 =	simm.s32 $0x90;
	s29 =	simm.s32 $0x7F00;
	v8 =	vbroadcast v8, $0x0;
	v13 =	vmov s13;
	v10 =	vor.u32 $0x8, v10;
	v5 =	vld.idx.msk [tilespmem:v5+s31+$0x0], $0xffff  }
0x158: {  	v13 =	vor.u32 $0x8, v13;
	v10 =	vbroadcast v10, $0x0;
	v1 =	vmov s22;
	v9 =	vld [tilespmem:s29+$0x0]  }
0x159: {  	v13 =	vbroadcast v13, $0x0;
	v12 =	vld [tilespmem:s29+$0x20];
	v1 =	vor.u32 $0x8, v1  }
0x15a: {  	v15 =	vld [tilespmem:s29+$0xFFFFFFF0];
	v11 =	vbroadcast v1, $0x0  }
0x15b: {  	s10 =	simm.s32 $0x70;
	v16 =	vld [tilespmem:s29+$0xFFFFFFE0]  }
0x15c: {  	v17 =	vld [tilespmem:s29+$0x10];
	v1 =	vmov s10  }
0x15d: {  	v8 =	vld.idx.msk [tilespmem:v8+s31+$0x0], $0xffff;
	v14 =	vor.u32 $0x8, v1  }
0x15e: {  	v10 =	vld.idx.msk [tilespmem:v10+s31+$0x0], $0xffff;
	s29 =	simm.s32 $0xD0;
	v14 =	vbroadcast v14, $0x0;
	v4 =	vadd.f32 v9, v4  }
0x15f: {  	v13 =	vld.idx.msk [tilespmem:v13+s31+$0x0], $0xffff;
	v60 =	vmov s29;
	v7 =	vadd.f32 v12, v7;
	v5 =	vadd.f32 v15, v5  }
0x160: {  	v21 =	vor.u32 $0x8, v60;
	v9 =	vld.idx.msk [tilespmem:v11+s31+$0x0], $0xffff;
	v11 =	vmul.f32 $2.000000030e-01, v4  }
0x161: {  	s14 =	simm.s32 $0x7F50;
	s22 =	simm.s32 $0xE0;
	v19 =	vld [tilespmem:s3+$0x20];
	v15 =	vadd.f32 v16, v2;
	v12 =	vmul.f32 $2.000000030e-01, v7;
	v2 =	vmul.f32 $2.000000030e-01, v5  }
0x162: {  	v62 =	vld [tilespmem:s14+$0x10];
	v18 =	vmov s22;
	v21 =	vbroadcast v21, $0x0;
	v4 =	vmax.f32 v4, v11  }
0x163: {  	v24 =	vld [tilespmem:s14+$0xFFFFFFE0];
	v7 =	vmax.f32 v7, v12;
	v5 =	vmax.f32 v5, v2;
	v4 =	vmul.f32 $1.442695020e+00, v4  }
0x164: {  	v11 =	vld.idx.msk [tilespmem:v14+s31+$0x0], $0xffff;
	v7 =	vmul.f32 $1.442695020e+00, v7;
	v20 =	vmul.f32 $1.442695020e+00, v5;
	v5 =	vor.u32 $0x8, v18  }
0x165: {  	s15 =	simm.s32 $0xA0;
	v6 =	vadd.f32 v17, v6;
	v61 =	vbroadcast v5, $0x0;
	v5 =	vld [tilespmem:s14+$0x20];
	(erf) = vpow2.f32 v4  }
0x166: {  	s16 =	simm.s32 $0xB0;
	v16 =	vmov s15;
	v12 =	vmul.f32 $2.000000030e-01, v15;
	v4 =	vld [tilespmem:s14+$0x0];
	(erf) = vpow2.f32 v7  }
0x167: {  	s13 =	simm.s32 $0xC0;
	v17 =	vmov s16;
	v16 =	vor.u32 $0x8, v16;
	v14 =	vmul.f32 $2.000000030e-01, v6;
	v18 =	vld [tilespmem:s14+$0xFFFFFFF0]  }
0x168: {  	s8 =	simm.s32 $0x6010;
	v26 =	vld [tilespmem:s3+$0x0];
	v16 =	vbroadcast v16, $0x0;
	v12 =	vmax.f32 v15, v12;
	v7 =	vmov s13  }
0x169: {  	s23 =	simm.s32 $0x6060;
	v1 =	vld [tilespmem:s8+$0xFFFFFFF0];
	v6 =	vmax.f32 v6, v14;
	v27 =	vmul.f32 $1.442695020e+00, v12;
	v7 =	vor.u32 $0x8, v7  }
0x16a: {  	v2 =	vld [tilespmem:s23+$0xFFFFFFF0];
	v12 =	vadd.f32 v24, v8;
	v6 =	vmul.f32 $1.442695020e+00, v6;
	v25 =	vbroadcast v7, $0x0  }
0x16b: {  	v8 =	vld.idx.msk [tilespmem:v21+s31+$0x0], $0xffff;
	v15 =	vadd.f32 v5, v9;
	v11 =	vadd.f32 v4, v11;
	v4 =	vor.u32 $0x8, v17  }
0x16c: {  	v18 =	vadd.f32 v18, v13;
	(erf) = vpow2.f32 v20;
	v5 =	vld [tilespmem:s3+$0x10];
	v14 =	vbroadcast v4, $0x0  }
0x16d: {  	v7 =	vld.idx.msk [tilespmem:v61+s31+$0x0], $0xffff;
	v17 =	vmul.f32 $2.000000030e-01, v15;
	v13 =	vmul.f32 $2.000000030e-01, v11  }
0x16e: {  	v10 =	vadd.f32 v62, v10;
	v9 =	vpop (erf);
	(erf) = vpow2.f32 v6;
	v6 =	vld.idx.msk [tilespmem:v16+s31+$0x0], $0xffff;
	v16 =	vmul.f32 $2.000000030e-01, v18  }
0x16f: {  	s9 =	simm.s32 $0x9E90;
	s0 =	simm.s32 $0xF;
	v4 =	vld [tilespmem:s3+$0xFFFFFFE0];
	v63 =	vmax.f32 v11, v13;
	v20 =	vpop (erf);
	v11 =	vmul.f32 v9, v26;
	(erf) = vpow2.f32 v27  }
0x170: {  	s10 =	simm.s32 $0x9E40;
	s14 =	simm.s32 $0x7FA0;
	s3 =	simm.s32 $0x6060;
	v13 =	vld.idx.msk [tilespmem:v25+s31+$0x0], $0xffff;
	v9 =	vmul.f32 v20, v19;
	v16 =	vmax.f32 v18, v16;
	v18 =	vmul.f32 $1.442695020e+00, v63  }
.LBB2_9:
0x171: {  	s13 =	sshll.u32 s0, $0x4  }
0x172: {  	v19 =	vld.idx.msk [tilespmem:v14+s31+$0x0], $0xffff;
	s23 =	sadd.s32 $0x50, s23;
	v14 =	vmul.f32 $2.000000030e-01, v12;
	v20 =	vmul.f32 $2.000000030e-01, v10;
	v15 =	vmax.f32 v15, v17;
	s15 =	smov.u32 s0;
	s29 =	sadd.s32 $0x5, s0  }
0x173: {  	v17 =	vmov s13;
	v21 =	vld [tilespmem:s23+$0xFFFFFFF0];
	s15 =	sadd.s32 $0x10, s13;
	s16 =	sadd.s32 $0x20, s13;
	s22 =	sadd.s32 $0x30, s13;
	v15 =	vmul.f32 $1.442695020e+00, v15;
	(erf) = vpow2.f32 v18  }
0x174: {  	p2 =	slt.u32 s0, $0x78;
	v16 =	vmul.f32 $1.442695020e+00, v16;
	s13 =	sadd.s32 $0x40, s13;
	v18 =	vmov s15;
	v22 =	vmov s16;
	v23 =	vld [tilespmem:s14+$0x0]  }
0x175: {  	v17 =	vor.u32 $0x8, v17;
	v24 =	vmov s13;
	v25 =	vld [tilespmem:s8+$0x20];
	(erf) = vpow2.f32 v15  }
0x176: {  	v12 =	vmax.f32 v12, v14;
	v15 =	vor.u32 $0x8, v22;
	v22 =	vor.u32 $0x8, v24;
	v24 =	vld [tilespmem:s14+$0xFFFFFFF0];
	[tilespmem:s10+$0x0] =	vst v11;
	v11 =	vpop (erf)  }
0x177: {  	v14 =	vmov s22;
	v22 =	vbroadcast v22, $0x0;
	v26 =	vld [tilespmem:s14+$0x20];
	v11 =	vmul.f32 v11, v3;
	[tilespmem:s10+$0x20] =	vst v9;
	v9 =	vpop (erf)  }
0x178: {  	v29 =	vmax.f32 v10, v20;
	v17 =	vbroadcast v17, $0x0;
	v14 =	vor.u32 $0x8, v14;
	v3 =	vmovc v1;
	v1 =	vmovc v2;
	v27 =	vld [tilespmem:s14+$0x10]  }
0x179: {  	v20 =	vbroadcast v14, $0x0;
	v5 =	vmul.f32 v9, v5;
	v2 =	vmovc v21;
	v28 =	vld [tilespmem:s14+$0xFFFFFFE0];
	v13 =	vadd.f32 v23, v13;
	[tilespmem:s10+$0xFFFFFFF0] =	vst v11  }
0x17a: {  	v9 =	vor.u32 $0x8, v18;
	v18 =	vbroadcast v15, $0x0;
	v21 =	vmul.f32 $1.442695020e+00, v29;
	v11 =	vld [tilespmem:s8+$0x0];
	v10 =	vpop (erf)  }
0x17b: {  	v14 =	vbroadcast v9, $0x0;
	v19 =	vadd.f32 v24, v19;
	v24 =	vmul.f32 v10, v4;
	v4 =	vld [tilespmem:s8+$0xFFFFFFE0];
	[tilespmem:s10+$0x10] =	vst v5  }
.Ltmp5:
0x17c: {  	v23 =	vmul.f32 $1.442695020e+00, v12;
	v15 =	vadd.f32 v26, v7;
	v5 =	vld [tilespmem:s8+$0x10];
	(erf) = vpow2.f32 v16;
	v16 =	vpop (erf);
	s8 =	smov.u32 s3;
	s3 =	smov.u32 s23;
	(pc) =	sbr.rel @p2 .LBB2_9-.Ltmp5, $4  }
0x17d: {  	s14 =	sadd.s32 $0x50, s14;
	v7 =	vld.idx.msk [tilespmem:v22+s31+$0x0], $0xffff;
	v22 =	vmul.f32 $2.000000030e-01, v13;
	v10 =	vadd.f32 v27, v8;
	(erf) = vpow2.f32 v21;
	[tilespmem:s10+$0xFFFFFFE0] =	vst v24;
	s10 =	smov.u32 s9  }
0x17e: {  	v21 =	vmul.f32 $2.000000030e-01, v19;
	v12 =	vadd.f32 v28, v6;
	v6 =	vld.idx.msk [tilespmem:v17+s31+$0x0], $0xffff;
	v17 =	vmul.f32 $2.000000030e-01, v15;
	v9 =	vpop (erf)  }
0x17f: {  	v8 =	vld.idx.msk [tilespmem:v20+s31+$0x0], $0xffff;
	v20 =	vmax.f32 v13, v22;
	v11 =	vmul.f32 v16, v11;
	v9 =	vmul.f32 v9, v25  }
0x180: {  	s0 =	smov.u32 s29;
	s9 =	sadd.s32 $0x50, s9;
	v16 =	vmax.f32 v19, v21;
	v13 =	vld.idx.msk [tilespmem:v18+s31+$0x0], $0xffff;
	v18 =	vmul.f32 $1.442695020e+00, v20;
	(erf) = vpow2.f32 v23  }
0x181: {  	_ =	sdelay $0x3  }
0x182: {  	v14 =	vld.idx.msk [tilespmem:v14+s31+$0x0], $0xffff  }
0x183: {  	v19 =	vld [tilespmem:s14+$0x0]  }
0x184: {  	v20 =	vld [tilespmem:s14+$0xFFFFFFF0]  }
0x185: {  	v21 =	vmul.f32 $2.000000030e-01, v12;
	v15 =	vmax.f32 v15, v17;
	v17 =	vld [tilespmem:s14+$0x20]  }
0x186: {  	v22 =	vmul.f32 $2.000000030e-01, v10;
	v23 =	vld [tilespmem:s14+$0x10];
	v15 =	vmul.f32 $1.442695020e+00, v15  }
0x187: {  	v16 =	vmul.f32 $1.442695020e+00, v16;
	(erf) = vpow2.f32 v18;
	v18 =	vld [tilespmem:s14+$0xFFFFFFE0]  }
0x188: {  	v10 =	vmax.f32 v10, v22;
	v12 =	vmax.f32 v12, v21;
	(erf) = vpow2.f32 v15  }
0x189: {  	v10 =	vmul.f32 $1.442695020e+00, v10;
	v12 =	vmul.f32 $1.442695020e+00, v12;
	v13 =	vadd.f32 v19, v13  }
0x18a: {  	v15 =	vpop (erf);
	v14 =	vadd.f32 v20, v14;
	v7 =	vadd.f32 v17, v7;
	(erf) = vpow2.f32 v16  }
0x18b: {  	v8 =	vadd.f32 v23, v8;
	v3 =	vmul.f32 v15, v3;
	v15 =	vmul.f32 $2.000000030e-01, v13  }
0x18c: {  	(erf) = vpow2.f32 v10;
	v6 =	vadd.f32 v18, v6;
	v10 =	vmul.f32 $2.000000030e-01, v7  }
0x18d: {  	(erf) = vpow2.f32 v12;
	v13 =	vmax.f32 v13, v15;
	v15 =	vmul.f32 $2.000000030e-01, v14  }
0x18e: {  	v12 =	vmul.f32 $2.000000030e-01, v8;
	v7 =	vmax.f32 v7, v10;
	v13 =	vmul.f32 $1.442695020e+00, v13  }
0x18f: {  	v7 =	vmul.f32 $1.442695020e+00, v7;
	v10 =	vmax.f32 v14, v15;
	v14 =	vmul.f32 $2.000000030e-01, v6  }
0x190: {  	v8 =	vmax.f32 v8, v12;
	(erf) = vpow2.f32 v13  }
0x191: {  	v12 =	vld [tilespmem:s8+$0x20];
	(erf) = vpow2.f32 v7;
	v6 =	vmax.f32 v6, v14;
	v7 =	vmul.f32 $1.442695020e+00, v8  }
0x192: {  	v15 =	vld [tilespmem:s8+$0x0];
	v10 =	vmul.f32 $1.442695020e+00, v10;
	v6 =	vmul.f32 $1.442695020e+00, v6  }
0x193: {  	v8 =	vpop (erf)  }
0x194: {  	[tilespmem:s10+$0x20] =	vst v9;
	v9 =	vld [tilespmem:s8+$0x10];
	(erf) = vpow2.f32 v10;
	v5 =	vmul.f32 v8, v5;
	v8 =	vpop (erf)  }
0x195: {  	[tilespmem:s10+$0xFFFFFFF0] =	vst v3;
	(erf) = vpow2.f32 v7;
	v4 =	vmul.f32 v8, v4;
	v7 =	vpop (erf)  }
0x196: {  	[tilespmem:s10+$0x10] =	vst v5;
	(erf) = vpow2.f32 v6;
	v6 =	vpop (erf)  }
0x197: {  	v3 =	vld [tilespmem:s8+$0xFFFFFFE0];
	[tilespmem:s10+$0xFFFFFFE0] =	vst v4;
	v5 =	vmul.f32 v7, v15;
	v8 =	vpop (erf);
	v4 =	vmul.f32 v6, v12  }
0x198: {  	v7 =	vld [tilespmem:s3+$0x0];
	v10 =	vpop (erf)  }
0x199: {  	v6 =	vld [tilespmem:s3+$0x20];
	[tilespmem:s9+$0x20] =	vst v4;
	v4 =	vmul.f32 v10, v9  }
0x19a: {  	[tilespmem:s10+$0x0] =	vst v11;
	v1 =	vmul.f32 v8, v1  }
0x19b: {  	[tilespmem:s9+$0x0] =	vst v5;
	v8 =	vld [tilespmem:s3+$0x10];
	v5 =	vpop (erf)  }
0x19c: {  	[tilespmem:s9+$0xFFFFFFF0] =	vst v1;
	v1 =	vld [tilespmem:s3+$0xFFFFFFE0];
	v3 =	vmul.f32 v5, v3;
	v5 =	vpop (erf)  }
0x19d: {  	[tilespmem:s9+$0x10] =	vst v4;
	v5 =	vmul.f32 v5, v7;
	v4 =	vpop (erf)  }
0x19e: {  	s0 =	sadd.s32 $0x50, s9;
	[tilespmem:s9+$0xFFFFFFE0] =	vst v3;
	v3 =	vmul.f32 v4, v6;
	v4 =	vpop (erf)  }
0x19f: {  	[tilespmem:s0+$0x0] =	vst v5;
	v2 =	vmul.f32 v4, v2;
	v4 =	vpop (erf)  }
0x1a0: {  	[tilespmem:s0+$0x20] =	vst v3;
	v3 =	vmul.f32 v4, v8;
	v4 =	vpop (erf)  }
0x1a1: {  	[tilespmem:s0+$0xFFFFFFF0] =	vst v2;
	v1 =	vmul.f32 v4, v1  }
0x1a2: {  	[tilespmem:s0+$0x10] =	vst v3  }
0x1a3: {  	s8 =	sadd.s32 $0x2900, s7;
	s9 =	simm.s32 $0x9E20;
	[tilespmem:s0+$0xFFFFFFE0] =	vst v1  }
0x1a4: {  	[spmem:s2] =	stream.indirect.scatter.add.f32 [tilespmem:s9], [sflag:$0xB], $0x10, s8, s17, $0xb8;
	[tilespmem:$0xDCA0] =	vst v63  }
0x1a5: {  	s3 =	simm.s32 @!p1 $0x7D;
	s0 =	sadd.s32 @!p1 $0x300, s6;
	s8 =	simm.s32 @!p1 $0x5FA0  }
0x1a6: {  	[tilespmem:s8], [sflag:$0x3] =	stream.indirect.gather @!p1 [hbm4b:s4+s3], $0x10, s0, s3, $0xb8;
	[tilespmem:$0xDCA0] =	vst v63  }
0x1a7: {  	s0 =	sadd.s32 @!p1 $0x2B00, s6;
	s8 =	simm.s32 @!p1 $0x7EE0  }
0x1a8: {  	[tilespmem:s8], [sflag:$0x7] =	stream.indirect.gather @!p1 [hbm4b:s5+s3], $0x10, s0, s3, $0xb8;
	[tilespmem:$0xDCA0] =	vst v63  }
0x1a9: {  	_ =	swait.ge [sflag:s20], $0x7D0  }
0x1aa: {  	s10 =	simm.s32 $0x40;
	[sflag:s20] =	ssyncset.done $0x0  }
0x1ab: {  	s13 =	simm.s32 $0x0;
	v1 =	vmov s10;
	[sflag:s20] =	ssyncadd.s32 $0xFFFFF830  }
0x1ac: {  	s14 =	simm.s32 $0x30;
	v2 =	vmov s13;
	v1 =	vor.u32 $0x8, v1;
	_ =	swait.ge [sflag:s21], $0x7D0  }
0x1ad: {  	s15 =	simm.s32 $0x20;
	v2 =	vor.u32 $0x8, v2;
	v3 =	vmov s14;
	v1 =	vbroadcast v1, $0x0;
	[sflag:s21] =	ssyncset.done $0x0  }
0x1ae: {  	s16 =	simm.s32 $0x10;
	v4 =	vmov s15;
	v2 =	vbroadcast v2, $0x0;
	v3 =	vor.u32 $0x8, v3;
	s0 =	simm.s32 @!p0 $0xC;
	[sflag:s21] =	ssyncadd.s32 $0xFFFFF830  }
0x1af: {  	v5 =	vmov s16;
	v4 =	vor.u32 $0x8, v4;
	v6 =	vbroadcast v3, $0x0;
	_ =	swait.ge @!p0 [sflag:s0], $0x7D0  }
0x1b0: {  	v4 =	vbroadcast v4, $0x0;
	v3 =	vor.u32 $0x8, v5;
	[sflag:s0] =	ssyncset.done @!p0 $0x0  }
0x1b1: {  	v5 =	vbroadcast v3, $0x0;
	s3 =	simm.s32 $0x6790;
	[sflag:s0] =	ssyncadd.s32 @!p0 $0xFFFFF830  }
0x1b2: {  	v3 =	vld [tilespmem:s3+$0xFFFFFFF0]  }
0x1b3: {  	v7 =	vld.idx.msk [tilespmem:v1+s25+$0x0], $0xffff  }
0x1b4: {  	s23 =	simm.s32 $0x50;
	v2 =	vld.idx.msk [tilespmem:v2+s25+$0x0], $0xffff  }
0x1b5: {  	v8 =	vmov s23;
	s9 =	simm.s32 $0x80;
	v6 =	vld.idx.msk [tilespmem:v6+s25+$0x0], $0xffff  }
0x1b6: {  	v8 =	vor.u32 $0x8, v8;
	s13 =	simm.s32 $0x60;
	v10 =	vmov s9;
	v4 =	vld.idx.msk [tilespmem:v4+s25+$0x0], $0xffff  }
0x1b7: {  	s22 =	simm.s32 $0x90;
	s29 =	simm.s32 $0x86D0;
	v8 =	vbroadcast v8, $0x0;
	v13 =	vmov s13;
	v10 =	vor.u32 $0x8, v10;
	v5 =	vld.idx.msk [tilespmem:v5+s25+$0x0], $0xffff  }
0x1b8: {  	v13 =	vor.u32 $0x8, v13;
	v10 =	vbroadcast v10, $0x0;
	v1 =	vmov s22;
	v9 =	vld [tilespmem:s29+$0x0]  }
0x1b9: {  	v13 =	vbroadcast v13, $0x0;
	v12 =	vld [tilespmem:s29+$0x20];
	v1 =	vor.u32 $0x8, v1  }
0x1ba: {  	v15 =	vld [tilespmem:s29+$0xFFFFFFF0];
	v11 =	vbroadcast v1, $0x0  }
0x1bb: {  	s10 =	simm.s32 $0x70;
	v16 =	vld [tilespmem:s29+$0xFFFFFFE0]  }
0x1bc: {  	v17 =	vld [tilespmem:s29+$0x10];
	v1 =	vmov s10  }
0x1bd: {  	v8 =	vld.idx.msk [tilespmem:v8+s25+$0x0], $0xffff;
	v14 =	vor.u32 $0x8, v1  }
0x1be: {  	v10 =	vld.idx.msk [tilespmem:v10+s25+$0x0], $0xffff;
	s29 =	simm.s32 $0xD0;
	v14 =	vbroadcast v14, $0x0;
	v4 =	vadd.f32 v9, v4  }
0x1bf: {  	v13 =	vld.idx.msk [tilespmem:v13+s25+$0x0], $0xffff;
	v60 =	vmov s29;
	v7 =	vadd.f32 v12, v7;
	v5 =	vadd.f32 v15, v5  }
0x1c0: {  	v21 =	vor.u32 $0x8, v60;
	v9 =	vld.idx.msk [tilespmem:v11+s25+$0x0], $0xffff;
	v11 =	vmul.f32 $2.000000030e-01, v4  }
0x1c1: {  	s14 =	simm.s32 $0x8720;
	s22 =	simm.s32 $0xE0;
	v19 =	vld [tilespmem:s3+$0x20];
	v15 =	vadd.f32 v16, v2;
	v12 =	vmul.f32 $2.000000030e-01, v7;
	v2 =	vmul.f32 $2.000000030e-01, v5  }
0x1c2: {  	v62 =	vld [tilespmem:s14+$0x10];
	v18 =	vmov s22;
	v21 =	vbroadcast v21, $0x0;
	v4 =	vmax.f32 v4, v11  }
0x1c3: {  	v24 =	vld [tilespmem:s14+$0xFFFFFFE0];
	v7 =	vmax.f32 v7, v12;
	v5 =	vmax.f32 v5, v2;
	v4 =	vmul.f32 $1.442695020e+00, v4  }
0x1c4: {  	v11 =	vld.idx.msk [tilespmem:v14+s25+$0x0], $0xffff;
	v7 =	vmul.f32 $1.442695020e+00, v7;
	v20 =	vmul.f32 $1.442695020e+00, v5;
	v5 =	vor.u32 $0x8, v18  }
0x1c5: {  	s15 =	simm.s32 $0xA0;
	v6 =	vadd.f32 v17, v6;
	v61 =	vbroadcast v5, $0x0;
	v5 =	vld [tilespmem:s14+$0x20];
	(erf) = vpow2.f32 v4  }
0x1c6: {  	s16 =	simm.s32 $0xB0;
	v16 =	vmov s15;
	v12 =	vmul.f32 $2.000000030e-01, v15;
	v4 =	vld [tilespmem:s14+$0x0];
	(erf) = vpow2.f32 v7  }
0x1c7: {  	s13 =	simm.s32 $0xC0;
	v17 =	vmov s16;
	v16 =	vor.u32 $0x8, v16;
	v14 =	vmul.f32 $2.000000030e-01, v6;
	v18 =	vld [tilespmem:s14+$0xFFFFFFF0]  }
0x1c8: {  	s8 =	simm.s32 $0x67E0;
	v26 =	vld [tilespmem:s3+$0x0];
	v16 =	vbroadcast v16, $0x0;
	v12 =	vmax.f32 v15, v12;
	v7 =	vmov s13  }
0x1c9: {  	s23 =	simm.s32 $0x6830;
	v1 =	vld [tilespmem:s8+$0xFFFFFFF0];
	v6 =	vmax.f32 v6, v14;
	v27 =	vmul.f32 $1.442695020e+00, v12;
	v7 =	vor.u32 $0x8, v7  }
0x1ca: {  	v2 =	vld [tilespmem:s23+$0xFFFFFFF0];
	v12 =	vadd.f32 v24, v8;
	v6 =	vmul.f32 $1.442695020e+00, v6;
	v25 =	vbroadcast v7, $0x0  }
0x1cb: {  	v8 =	vld.idx.msk [tilespmem:v21+s25+$0x0], $0xffff;
	v15 =	vadd.f32 v5, v9;
	v11 =	vadd.f32 v4, v11;
	v4 =	vor.u32 $0x8, v17  }
0x1cc: {  	v18 =	vadd.f32 v18, v13;
	(erf) = vpow2.f32 v20;
	v5 =	vld [tilespmem:s3+$0x10];
	v14 =	vbroadcast v4, $0x0  }
0x1cd: {  	v7 =	vld.idx.msk [tilespmem:v61+s25+$0x0], $0xffff;
	v17 =	vmul.f32 $2.000000030e-01, v15;
	v13 =	vmul.f32 $2.000000030e-01, v11  }
0x1ce: {  	v10 =	vadd.f32 v62, v10;
	v9 =	vpop (erf);
	(erf) = vpow2.f32 v6;
	v6 =	vld.idx.msk [tilespmem:v16+s25+$0x0], $0xffff;
	v16 =	vmul.f32 $2.000000030e-01, v18  }
0x1cf: {  	s9 =	simm.s32 $0xA660;
	s0 =	simm.s32 $0xF;
	v4 =	vld [tilespmem:s3+$0xFFFFFFE0];
	v63 =	vmax.f32 v11, v13;
	v20 =	vpop (erf);
	v11 =	vmul.f32 v9, v26;
	(erf) = vpow2.f32 v27  }
0x1d0: {  	s10 =	simm.s32 $0xA610;
	s14 =	simm.s32 $0x8770;
	s3 =	simm.s32 $0x6830;
	v13 =	vld.idx.msk [tilespmem:v25+s25+$0x0], $0xffff;
	v9 =	vmul.f32 v20, v19;
	v16 =	vmax.f32 v18, v16;
	v18 =	vmul.f32 $1.442695020e+00, v63  }
.LBB2_11:
0x1d1: {  	s13 =	sshll.u32 s0, $0x4  }
0x1d2: {  	v19 =	vld.idx.msk [tilespmem:v14+s25+$0x0], $0xffff;
	s23 =	sadd.s32 $0x50, s23;
	v14 =	vmul.f32 $2.000000030e-01, v12;
	v20 =	vmul.f32 $2.000000030e-01, v10;
	v15 =	vmax.f32 v15, v17;
	s15 =	smov.u32 s0;
	s29 =	sadd.s32 $0x5, s0  }
0x1d3: {  	v17 =	vmov s13;
	v21 =	vld [tilespmem:s23+$0xFFFFFFF0];
	s15 =	sadd.s32 $0x10, s13;
	s16 =	sadd.s32 $0x20, s13;
	s22 =	sadd.s32 $0x30, s13;
	v15 =	vmul.f32 $1.442695020e+00, v15;
	(erf) = vpow2.f32 v18  }
0x1d4: {  	p0 =	slt.u32 s0, $0x78;
	v16 =	vmul.f32 $1.442695020e+00, v16;
	s13 =	sadd.s32 $0x40, s13;
	v18 =	vmov s15;
	v22 =	vmov s16;
	v23 =	vld [tilespmem:s14+$0x0]  }
0x1d5: {  	v17 =	vor.u32 $0x8, v17;
	v24 =	vmov s13;
	v25 =	vld [tilespmem:s8+$0x20];
	(erf) = vpow2.f32 v15  }
0x1d6: {  	v12 =	vmax.f32 v12, v14;
	v15 =	vor.u32 $0x8, v22;
	v22 =	vor.u32 $0x8, v24;
	v24 =	vld [tilespmem:s14+$0xFFFFFFF0];
	[tilespmem:s10+$0x0] =	vst v11;
	v11 =	vpop (erf)  }
0x1d7: {  	v14 =	vmov s22;
	v22 =	vbroadcast v22, $0x0;
	v26 =	vld [tilespmem:s14+$0x20];
	v11 =	vmul.f32 v11, v3;
	[tilespmem:s10+$0x20] =	vst v9;
	v9 =	vpop (erf)  }
0x1d8: {  	v29 =	vmax.f32 v10, v20;
	v17 =	vbroadcast v17, $0x0;
	v14 =	vor.u32 $0x8, v14;
	v3 =	vmovc v1;
	v1 =	vmovc v2;
	v27 =	vld [tilespmem:s14+$0x10]  }
0x1d9: {  	v20 =	vbroadcast v14, $0x0;
	v5 =	vmul.f32 v9, v5;
	v2 =	vmovc v21;
	v28 =	vld [tilespmem:s14+$0xFFFFFFE0];
	v13 =	vadd.f32 v23, v13;
	[tilespmem:s10+$0xFFFFFFF0] =	vst v11  }
0x1da: {  	v9 =	vor.u32 $0x8, v18;
	v18 =	vbroadcast v15, $0x0;
	v21 =	vmul.f32 $1.442695020e+00, v29;
	v11 =	vld [tilespmem:s8+$0x0];
	v10 =	vpop (erf)  }
0x1db: {  	v14 =	vbroadcast v9, $0x0;
	v19 =	vadd.f32 v24, v19;
	v24 =	vmul.f32 v10, v4;
	v4 =	vld [tilespmem:s8+$0xFFFFFFE0];
	[tilespmem:s10+$0x10] =	vst v5  }
.Ltmp6:
0x1dc: {  	v23 =	vmul.f32 $1.442695020e+00, v12;
	v15 =	vadd.f32 v26, v7;
	v5 =	vld [tilespmem:s8+$0x10];
	(erf) = vpow2.f32 v16;
	v16 =	vpop (erf);
	s8 =	smov.u32 s3;
	s3 =	smov.u32 s23;
	(pc) =	sbr.rel @p0 .LBB2_11-.Ltmp6, $4  }
0x1dd: {  	s14 =	sadd.s32 $0x50, s14;
	v7 =	vld.idx.msk [tilespmem:v22+s25+$0x0], $0xffff;
	v22 =	vmul.f32 $2.000000030e-01, v13;
	v10 =	vadd.f32 v27, v8;
	(erf) = vpow2.f32 v21;
	[tilespmem:s10+$0xFFFFFFE0] =	vst v24;
	s10 =	smov.u32 s9  }
0x1de: {  	v21 =	vmul.f32 $2.000000030e-01, v19;
	v12 =	vadd.f32 v28, v6;
	v6 =	vld.idx.msk [tilespmem:v17+s25+$0x0], $0xffff;
	v17 =	vmul.f32 $2.000000030e-01, v15;
	v9 =	vpop (erf)  }
0x1df: {  	v8 =	vld.idx.msk [tilespmem:v20+s25+$0x0], $0xffff;
	v20 =	vmax.f32 v13, v22;
	v11 =	vmul.f32 v16, v11;
	v9 =	vmul.f32 v9, v25  }
0x1e0: {  	s0 =	smov.u32 s29;
	s9 =	sadd.s32 $0x50, s9;
	v16 =	vmax.f32 v19, v21;
	v13 =	vld.idx.msk [tilespmem:v18+s25+$0x0], $0xffff;
	v18 =	vmul.f32 $1.442695020e+00, v20;
	(erf) = vpow2.f32 v23  }
0x1e1: {  	_ =	sdelay $0x3  }
0x1e2: {  	v14 =	vld.idx.msk [tilespmem:v14+s25+$0x0], $0xffff  }
0x1e3: {  	v19 =	vld [tilespmem:s14+$0x0]  }
0x1e4: {  	v31 =	vld [tilespmem:s14+$0xFFFFFFF0]  }
0x1e5: {  	v15 =	vmax.f32 v15, v17;
	v20 =	vld [tilespmem:s14+$0x20];
	v21 =	vmul.f32 $2.000000030e-01, v10  }
0x1e6: {  	v32 =	vld [tilespmem:s14+$0x10];
	v33 =	vmul.f32 $2.000000030e-01, v12;
	v15 =	vmul.f32 $1.442695020e+00, v15  }
0x1e7: {  	v16 =	vmul.f32 $1.442695020e+00, v16;
	v35 =	vld [tilespmem:s14+$0xFFFFFFE0];
	(erf) = vpow2.f32 v18  }
0x1e8: {  	v10 =	vmax.f32 v10, v21;
	v12 =	vmax.f32 v12, v33;
	(erf) = vpow2.f32 v15  }
0x1e9: {  	v10 =	vmul.f32 $1.442695020e+00, v10;
	v12 =	vmul.f32 $1.442695020e+00, v12;
	v34 =	vpop (erf);
	v13 =	vadd.f32 v19, v13  }
0x1ea: {  	(erf) = vpow2.f32 v16;
	v3 =	vmul.f32 v34, v3;
	v7 =	vadd.f32 v20, v7  }
0x1eb: {  	v14 =	vadd.f32 v31, v14;
	v8 =	vadd.f32 v32, v8;
	v36 =	vmul.f32 $2.000000030e-01, v13  }
0x1ec: {  	(erf) = vpow2.f32 v10;
	v6 =	vadd.f32 v35, v6;
	v37 =	vmul.f32 $2.000000030e-01, v7  }
0x1ed: {  	(erf) = vpow2.f32 v12;
	v38 =	vmul.f32 $2.000000030e-01, v14;
	v13 =	vmax.f32 v13, v36  }
0x1ee: {  	v39 =	vmul.f32 $2.000000030e-01, v8;
	v7 =	vmax.f32 v7, v37;
	v13 =	vmul.f32 $1.442695020e+00, v13  }
0x1ef: {  	v41 =	vmul.f32 $2.000000030e-01, v6;
	v40 =	vmax.f32 v14, v38;
	v7 =	vmul.f32 $1.442695020e+00, v7  }
0x1f0: {  	v42 =	vld [tilespmem:s8+$0x0];
	v8 =	vmax.f32 v8, v39;
	v10 =	vmul.f32 $1.442695020e+00, v40;
	(erf) = vpow2.f32 v13  }
0x1f1: {  	v43 =	vld [tilespmem:s8+$0x20];
	v6 =	vmax.f32 v6, v41;
	v44 =	vmul.f32 $1.442695020e+00, v8;
	(erf) = vpow2.f32 v7  }
0x1f2: {  	[tilespmem:s10+$0x0] =	vst v11;
	v45 =	vpop (erf);
	v6 =	vmul.f32 $1.442695020e+00, v6;
	(erf) = vpow2.f32 v10  }
0x1f3: {  	[tilespmem:s10+$0x20] =	vst v9;
	v47 =	vld [tilespmem:s8+$0x10];
	v5 =	vmul.f32 v45, v5;
	v46 =	vpop (erf);
	(erf) = vpow2.f32 v44  }
0x1f4: {  	[tilespmem:s10+$0xFFFFFFF0] =	vst v3;
	v3 =	vld [tilespmem:s8+$0xFFFFFFE0];
	v4 =	vmul.f32 v46, v4;
	v48 =	vpop (erf);
	(erf) = vpow2.f32 v6  }
0x1f5: {  	v51 =	vld [tilespmem:s3+$0x0];
	[tilespmem:s10+$0x10] =	vst v5;
	v50 =	vmul.f32 v48, v42;
	v49 =	vpop (erf)  }
0x1f6: {  	v54 =	vld [tilespmem:s3+$0x20];
	[tilespmem:s10+$0xFFFFFFE0] =	vst v4;
	v52 =	vpop (erf);
	v53 =	vmul.f32 v49, v43  }
0x1f7: {  	[tilespmem:s9+$0x0] =	vst v50;
	v55 =	vpop (erf);
	v1 =	vmul.f32 v52, v1  }
0x1f8: {  	v58 =	vld [tilespmem:s3+$0x10];
	v56 =	vpop (erf);
	[tilespmem:s9+$0x20] =	vst v53;
	v57 =	vmul.f32 v55, v47  }
0x1f9: {  	[tilespmem:s9+$0xFFFFFFF0] =	vst v1;
	v1 =	vld [tilespmem:s3+$0xFFFFFFE0];
	v3 =	vmul.f32 v56, v3;
	v59 =	vpop (erf)  }
0x1fa: {  	[tilespmem:s9+$0x10] =	vst v57;
	v60 =	vpop (erf);
	v5 =	vmul.f32 v59, v51  }
0x1fb: {  	s0 =	sadd.s32 $0x50, s9;
	[tilespmem:s9+$0xFFFFFFE0] =	vst v3;
	v3 =	vmul.f32 v60, v54;
	v61 =	vpop (erf)  }
0x1fc: {  	[tilespmem:s0+$0x0] =	vst v5;
	v2 =	vmul.f32 v61, v2;
	v62 =	vpop (erf)  }
.Ltmp7:
0x1fd: {  	[tilespmem:s0+$0x20] =	vst v3;
	v3 =	vmul.f32 v62, v58;
	v63 =	vpop (erf);
	(pc) =	sbr.rel @p1 .LBB2_14-.Ltmp7, $4  }
0x1fe: {  	[tilespmem:s0+$0xFFFFFFF0] =	vst v2;
	v1 =	vmul.f32 v63, v1  }
0x1ff: {  	[tilespmem:s0+$0x10] =	vst v3  }
0x200: {  	s23 =	sadd.s32 $0x2980, s7;
	s29 =	simm.s32 $0xA5F0;
	[tilespmem:s0+$0xFFFFFFE0] =	vst v1  }
0x201: {  	[spmem:s2] =	stream.indirect.scatter.add.f32 [tilespmem:s29], [sflag:$0xC], $0x10, s23, s17, $0xb8;
	[tilespmem:$0xDCA0] =	vst v63  }
.Ltmp8:
0x202: {  	(pc) =	sbr.rel .LBB2_4-.Ltmp8, $4  }
0x203: {  	s0 =	sadd.s32 $0x380, s6  }
0x204: {  	[tilespmem:s25], [sflag:$0x4] =	stream.indirect.gather [hbm4b:s4+s17], $0x10, s0, s17, $0xb8;
	[tilespmem:$0xDCA0] =	vst v63  }
0x205: {  	s29 =	sadd.s32 $0x2B80, s6;
	s3 =	simm.s32 $0x86B0;
	s24 =	sadd.s32 $0x1, s24  }
0x206: {  	[tilespmem:s3], [sflag:$0x8] =	stream.indirect.gather [hbm4b:s5+s17], $0x10, s29, s17, $0xb8;
	[tilespmem:$0xDCA0] =	vst v63  }
.LBB2_15:
0x207: {  	_ =	sfence.sel $0x180000  }
0x208: {  	[bflag:$0x0] =	sbarrier.arrive $0xFFFF  }
0x209: {  	_ =	strace $0x9000004A  }
0x20a: {  	s0 =	stileid.u32;
	[bflag:$0x2] =	sbarrier.arrive $0xFFFF  }
0x20b: {  	p0 =	sne.s32 s0, $0x0;
	s0 =	rddreg [dreg:$0x2]  }
0x20c: {  	s0 =	sadd.s32 @!p0 $0x100000, s0  }
0x20d: {  	[sflag:s0] =	ssyncadd.tile.s32 @!p0 $0x1;
	_ =	shalt  }
.Lfunc_end2:
_tile_overlayer_lowered:
.L_overlay_start_2:
0x20e: {  	(tag) =	ssettag $0x2  }
0x20f: {  	s0 =	rddreg [dreg:$0x0];
	s2 =	stileid.u32  }
0x210: {  	s1 =	rddreg [dreg:$0x1];
	p0 =	sne.s32 s2, $0x0  }
0x211: {  	s3 =	rddreg [dreg:$0x2];
	[bflag:$0x3] =	sbarrier.arrive $0xFFFF;
	s2 =	simm.s32 @!p0 $0x1C0D  }
0x212: {  	[timem:s3], [sflag:s2] =	dma.local @!p0 [hbm:s0], s1  }
0x213: {  	s0 =	simm.s32 @!p0 $0xD  }
0x214: {  	_ =	swait.ge @!p0 [sflag:s0], s1  }
0x215: {  	s1 =	ssub.s32 @!p0 $0x0, s1;
	[sflag:s0] =	ssyncset.done @!p0 $0x0  }
0x216: {  	[sflag:s0] =	ssyncadd.s32 @!p0 s1  }
0x217: {  	[bflag:$0x3] =	sbarrier.arrive $0xFFFF  }
0x218: {  	_ =	shalt  }

// kernel: kernel.7.cloned.1.call-start
scs
__scs_entry_jumppad:
0x0: {  	(pc) =	sbr.rel $0x88, $3  }
0x1: {  	(tag) =	ssettag $0x0;
	lr =	simm.s32 $0x1  }
0x2: {  	[smem:$0x3F97] =	sst lr;
	_ =	strace $0xD0000000  }
0x3: {  	_ = 	snop  }
0x4: {  	_ = 	snop  }
0x5: {  	_ = 	snop  }
0x6: {  	_ = 	snop  }
0x7: {  	_ = 	snop  }
__scs_overlays_trampoline_lowered:
0x8: {  	[smem:$0x3FA6] =	sst s0  }
0x9: {  	[smem:$0x3FA7] =	sst s1  }
0xa: {  	[smem:$0x3FA8] =	sst s2  }
0xb: {  	[smem:$0x3FA9] =	sst s3  }
0xc: {  	[smem:$0x3FAA] =	sst s4  }
0xd: {  	[smem:$0x3FAB] =	sst s5  }
0xe: {  	[smem:$0x3FAC] =	sst s6  }
0xf: {  	[smem:$0x3FAD] =	sst s7  }
0x10: {  	[smem:$0x3FAE] =	sst s8  }
0x11: {  	[smem:$0x3FAF] =	sst s9;
	s0 =	simm.s32 @!p0 $0x0  }
0x12: {  	s1 =	sld [smem:$0x3F95];
	s0 =	simm.s32 @p0 $0x1  }
0x13: {  	[smem:$0x3FB0] =	sst s0;
	s0 =	simm.s32 @!p1 $0x0  }
0x14: {  	s2 =	sld [smem:$0x3F94];
	s0 =	simm.s32 @p1 $0x1  }
0x15: {  	[smem:$0x3FB1] =	sst s0;
	s0 =	simm.s32 @!p2 $0x0  }
0x16: {  	s3 =	sld [smem:$0x3FDB];
	s0 =	simm.s32 @p2 $0x1  }
0x17: {  	s4 =	simm.s32 $0x1BF5;
	[smem:$0x3FB3] =	sst s0  }
0x18: {  	s0 =	sld [smem:$0x3F96];
	_ =	swait.ge [sflag:s4], $0x0  }
0x19: {  	s7 =	sld [smem:$0x3F97]  }
0x1a: {  	s8 =	sadd.s32 $0xFFFFE003, lr  }
0x1b: {  	s9 =	sadd.s32 $0xFFFFFEF7, lr;
	s5 =	simm.s32 $0xFFFFFFFF;
	p2 =	slt.u32 s8, $0xFFFFF086  }
0x1c: {  	p1 =	slt.u32 s9, $0xF7A;
	s5 =	simm.s32 @!p2 $0x0  }
0x1d: {  	s5 =	simm.s32 @p1 $0x1;
	p0 =	seq.s32 s7, s2  }
0x1e: {  	s7 =	smul.u32 @!p0 $0xF7A, s2;
	p2 =	seq.s32 @!p0 s5, $0x0  }
0x1f: {  	s9 =	smul.u32 $0xF7A, s1;
	s8 =	simm.s32 @!p0 $0x1BF5;
	p2 =	por !p2, p0  }
0x20: {  	[sflag:s8] =	ssyncset.s32 @!p0 $0xFFFFF086;
	s6 =	sadd.s32 @!p0 s3, s7;
	s7 =	simm.s32 @!p0 $0x108  }
0x21: {  	s3 =	sadd.s32 s3, s9;
	s6 =	sadd.s32 @!p0 $0x88, s6;
	s7 =	simm.s32 @p2 $0x1082  }
0x22: {  	[simem:s7], [sflag:s8] =	dma.local @!p0 [hbm:s6], $0xF7A  }
0x23: {  	s9 =	sor.u32 $0xD0000000, s2;
	s6 =	simm.s32 $0x108;
	_ =	swait.ge @!p0 [sflag:s8], $0x0  }
0x24: {  	s3 =	sadd.s32 $0x88, s3;
	s6 =	simm.s32 @!p1 $0x1082;
	[sflag:s4] =	ssyncset.s32 $0xFFFFF086  }
0x25: {  	[simem:s6], [sflag:s4] =	dma.local [hbm:s3], $0xF7A  }
0x26: {  	[smem:$0x3F97] =	sst s1;
	(tag) =	ssettag s2;
	_ =	strace s9  }
0x27: {  	s1 =	sld [smem:$0x3FA7]  }
0x28: {  	s2 =	sld [smem:$0x3FA8]  }
0x29: {  	s4 =	sld [smem:$0x3FAA]  }
0x2a: {  	p0 =	seq.s32 s5, $0x0;
	s5 =	sld [smem:$0x3FAB]  }
0x2b: {  	s6 =	sld [smem:$0x3FAC]  }
0x2c: {  	s7 =	sld [smem:$0x3FAD]  }
0x2d: {  	s3 =	simm.s32 $0x108;
	s8 =	sld [smem:$0x3FAE]  }
0x2e: {  	s3 =	simm.s32 @!p0 $0x1082;
	s9 =	sld [smem:$0x3FAF]  }
0x2f: {  	lr =	sadd.s32 s0, s3;
	s0 =	sld [smem:$0x3FA6]  }
0x30: {  	s3 =	sld [smem:$0x3FA9]  }
0x31: {  	[smem:$0x3FB2] =	sst s10  }
0x32: {  	s10 =	sld [smem:$0x3FB0];
	_ =	sdelay $0x3  }
0x33: {  	p0 =	seq.s32 s10, $0x1;
	s10 =	sld [smem:$0x3FB2];
	_ =	sdelay $0x3  }
0x34: {  	[smem:$0x3FB2] =	sst s10  }
0x35: {  	s10 =	sld [smem:$0x3FB1];
	_ =	sdelay $0x3  }
0x36: {  	p1 =	seq.s32 s10, $0x1;
	s10 =	sld [smem:$0x3FB2];
	_ =	sdelay $0x3  }
0x37: {  	[smem:$0x3FB2] =	sst s10  }
0x38: {  	s10 =	sld [smem:$0x3FB3]  }
0x39: {  	_ = 	snop;
	(pc) =	sbr.ind lr, $3  }
0x3a: {  	_ = 	snop  }
0x3b: {  	_ = 	snop  }
0x3c: {  	p2 =	seq.s32 s10, $0x1;
	s10 =	sld [smem:$0x3FB2]  }
0x3d: {  	_ =	shalt  }
0x3e: {  	_ =	shalt  }
0x3f: {  	_ =	shalt  }
0x40: {  	_ =	shalt  }
0x41: {  	_ =	shalt  }
0x42: {  	_ =	shalt  }
0x43: {  	_ =	shalt  }
0x44: {  	_ =	shalt  }
0x45: {  	_ =	shalt  }
0x46: {  	_ =	shalt  }
0x47: {  	_ =	shalt  }
0x48: {  	_ =	shalt  }
0x49: {  	_ =	shalt  }
0x4a: {  	_ =	shalt  }
0x4b: {  	_ =	shalt  }
0x4c: {  	_ =	shalt  }
0x4d: {  	_ =	shalt  }
0x4e: {  	_ =	shalt  }
0x4f: {  	_ =	shalt  }
0x50: {  	_ =	shalt  }
0x51: {  	_ =	shalt  }
0x52: {  	_ =	shalt  }
0x53: {  	_ =	shalt  }
0x54: {  	_ =	shalt  }
0x55: {  	_ =	shalt  }
0x56: {  	_ =	shalt  }
0x57: {  	_ =	shalt  }
0x58: {  	_ =	shalt  }
0x59: {  	_ =	shalt  }
0x5a: {  	_ =	shalt  }
0x5b: {  	_ =	shalt  }
0x5c: {  	_ =	shalt  }
0x5d: {  	_ =	shalt  }
0x5e: {  	_ =	shalt  }
0x5f: {  	_ =	shalt  }
0x60: {  	_ =	shalt  }
0x61: {  	_ =	shalt  }
0x62: {  	_ =	shalt  }
0x63: {  	_ =	shalt  }
0x64: {  	_ =	shalt  }
0x65: {  	_ =	shalt  }
0x66: {  	_ =	shalt  }
0x67: {  	_ =	shalt  }
0x68: {  	_ =	shalt  }
0x69: {  	_ =	shalt  }
0x6a: {  	_ =	shalt  }
0x6b: {  	_ =	shalt  }
0x6c: {  	_ =	shalt  }
0x6d: {  	_ =	shalt  }
0x6e: {  	_ =	shalt  }
0x6f: {  	_ =	shalt  }
0x70: {  	_ =	shalt  }
0x71: {  	_ =	shalt  }
0x72: {  	_ =	shalt  }
0x73: {  	_ =	shalt  }
0x74: {  	_ =	shalt  }
0x75: {  	_ =	shalt  }
0x76: {  	_ =	shalt  }
0x77: {  	_ =	shalt  }
0x78: {  	_ =	shalt  }
0x79: {  	_ =	shalt  }
0x7a: {  	_ =	shalt  }
0x7b: {  	_ =	shalt  }
0x7c: {  	_ =	shalt  }
0x7d: {  	_ =	shalt  }
0x7e: {  	_ =	shalt  }
0x7f: {  	_ =	shalt  }
0x80: {  	_ =	shalt  }
0x81: {  	_ =	shalt  }
0x82: {  	_ =	shalt  }
0x83: {  	_ =	shalt  }
0x84: {  	_ =	shalt  }
0x85: {  	_ =	shalt  }
0x86: {  	_ =	shalt  }
0x87: {  	_ =	shalt  }
.Lfunc_end0:
.L_simem_size_0:
called_computation_lowered:
.L_overlay_start_0:
0x88: {  	s2 =	sld [smem:$0x3FD9]  }
0x89: {  	s3 =	sld [smem:$0x3FFE];
	_ =	sdelay $0x1  }
0x8a: {  	s1 =	srdreg.scid  }
0x8b: {  	s0 =	sand.u32 $0x1, s1  }
0x8c: {  	s16 =	sshll.u32 s0, $0xA;
	s2 =	sadd.s32 s3, s2  }
0x8d: {  	s2 =	sadd.s32 s2, s16  }
0x8e: {  	[smem:$0x3FBE] =	sst s2  }
0x8f: {  	_ = 	snop  }
0x90: {  	(tm) =	ssettm $0x1  }
0x91: {  	s17 =	sld [smem:$0x3FFB];
	_ =	sdelay $0x3  }
0x92: {  	_ =	strace s17  }
0x93: {  	s2 =	sld [smem:$0x3FFC];
	_ =	sdelay $0x3  }
0x94: {  	_ =	strace s2  }
0x95: {  	s2 =	sld [smem:$0x3FFD];
	_ =	sdelay $0x3  }
0x96: {  	_ =	strace s2  }
0x97: {  	_ =	strace $0x8FFFFFFF  }
0x98: {  	s18 =	sld [smem:$0x3FDB];
	_ =	sdelay $0x1  }
0x99: {  	s19 =	simm.s32 $_scs_section_size  }
0x9a: {  	s4 =	simm.s32 $_size__tile_overlayer_lowered;
	s5 =	simm.s32 $_tile_overlayer_lowered  }
0x9b: {  	s22 =	simm.s32 $0x1BFF;
	s21 =	sshll.u32 s5, $0x1;
	s2 =	sadd.s32 s19, s18  }
0x9c: {  	s6 =	simm.s32 $0x0;
	s20 =	sshll.u32 s4, $0x1;
	s4 =	sadd.s32 s21, s2  }
0x9d: {  	[timem:s6], [sflag:s22] =	dma.local [hbm:s4], s20  }
0x9e: {  	_ =	swait.ge [sflag:s22], s20  }
0x9f: {  	s3 =	ssub.s32 $0x0, s20;
	[sflag:s22] =	ssyncset.done $0x0  }
0xa0: {  	[sflag:s22] =	ssyncadd.s32 s3;
	_ =	sdelay $0x1  }
0xa1: {  	s23 =	simm.s32 $0x1B8B  }
0xa2: {  	_ =	swait.ge [sflag:s23], $0x1  }
0xa3: {  	[sflag:s23] =	ssyncset.done $0x0  }
0xa4: {  	s25 =	simm.s32 $0x1B8E;
	s24 =	sld [smem:$0x3FFE];
	[sflag:s23] =	ssyncadd.s32 $0xFFFFFFFF  }
0xa5: {  	s26 =	simm.s32 $execute0_lowered;
	[smem:$0x3FD2] =	sst s25  }
0xa6: {  	s4 =	sshll.u32 s26, $0x1;
	_ =	strace $0x80000046;
	[dreg:$0x1] =	wrdreg $0xFFFFFFFF  }
0xa7: {  	s28 =	simm.s32 $_size_execute0_lowered;
	s2 =	sadd.s32 s2, s4;
	[dreg:$0x0] =	wrdreg $0x0  }
0xa8: {  	s4 =	sshll.u32 s28, $0x1;
	[dreg:$0x2] =	wrdreg s2  }
0xa9: {  	[dreg:$0x3] =	wrdreg s4  }
0xaa: {  	[dreg:$0x4] =	wrdreg $0xC0  }
0xab: {  	_ =	task [dreg:s6], $0x5FFFF  }
0xac: {  	[dreg:$0x1] =	wrdreg $0xFFFFFFFF  }
0xad: {  	[dreg:$0x0] =	wrdreg $0x60  }
0xae: {  	[dreg:$0x2] =	wrdreg s24  }
0xaf: {  	[dreg:$0x3] =	wrdreg $0x10F680  }
0xb0: {  	[dreg:$0x4] =	wrdreg $0x9  }
0xb1: {  	_ =	task.clear_ibuf [dreg:s6], $0x5FFFF;
	_ =	strace $0x90000046  }
0xb2: {  	s29 =	simm.s32 $0x9;
	_ =	strace $0x80000048  }
0xb3: {  	_ =	swait.ge [sflag:s29], $0x1  }
0xb4: {  	[sflag:s29] =	ssyncadd.s32 $0xFFFFFFFF  }
0xb5: {  	_ =	strace $0x90000048  }
0xb6: {  	_ =	sfence  }
0xb7: {  	s30 =	sld [smem:$0x0];
	_ =	sdelay $0x2  }
0xb8: {  	s31 =	sshll.u32 s1, $0xD;
	s1 =	sshrl.u32 s1, $0x2  }
0xb9: {  	s3 =	sand.u32 $0x4000, s31;
	s1 =	sadd.s32 s1, s30  }
0xba: {  	s0 =	sor.u32 s3, s0;
	s1 =	sshll.u32 s1, $0x11  }
0xbb: {  	s0 =	sor.u32 s1, s0  }
0xbc: {  	s0 =	sadd.s32 $0x8F2B, s0  }
0xbd: {  	[sflag:s0] =	ssyncadd.remote.s32 $0x1  }
0xbe: {  	_ =	sfence.sel $0xFFFF  }
0xbf: {  	[dreg:$0x0] =	wrdreg $0xFFFFFFFF;
	(pc) =	sbr.abs _section_cstart, $3  }
0xc0: {  	[dreg:$0x1] =	wrdreg $0xFFFFFFFF  }
0xc1: {  	_ =	task.clear_ibuf [dreg:s6], $0x2FFFF;
	_ =	strace $0x9FFFFFFF  }
0xc2: {  	(tm) =	ssettm $0x7FFFFFFF  }
0xc3: {  	_ =	shalt  }
tec
execute0_lowered:
.L_overlay_start_1:
0x0: {  	(tag) =	ssettag $0x1  }
0x1: {  	s0 =	srdreg.scid  }
0x2: {  	s5 =	stileid.u32;
	s1 =	rddreg [dreg:$0x0]  }
0x3: {  	s2 =	rddreg [dreg:$0x1];
	s14 =	simm.s32 $0xEC40;
	s15 =	simm.s32 $0x7  }
0x4: {  	s17 =	simm.s32 $0x7D;
	s29 =	simm.s32 $0x9E20;
	s30 =	simm.s32 $0x1  }
0x5: {  	s31 =	simm.s32 $0x3;
	s0 =	sand.u32 $0x1, s0;
	s3 =	sshll.u32 s5, $0x1  }
0x6: {  	s8 =	smul.u32 $0xAFC8, s5;
	s5 =	sadd.s32 $0x16200, s1;
	s4 =	sor.u32 s0, s3  }
0x7: {  	s3 =	simm.s32 $0x0;
	s7 =	smul.u32 $0x15F90, s0;
	s0 =	ssub.s32 $0x2, s0  }
0x8: {  	s6 =	smul.u32 $0x500, s4;
	[smem:$0x7FF] =	sst s3;
	s4 =	sadd.s32 $0x1B200, s1  }
0x9: {  	s26 =	sshrl.u32 s0, $0x1;
	s11 =	sadd.s32 $0x2328, s8;
	s9 =	sadd.s32 s8, s2  }
0xa: {  	s28 =	sadd.s32 $0x4650, s8;
	s12 =	sadd.s32 $0x6978, s8;
	s13 =	sadd.s32 $0x8CA0, s8  }
0xb: {  	_ =	strace $0x80000047;
	s0 =	ssub.s32 s0, s26;
	s20 =	sadd.s32 s11, s2  }
0xc: {  	s21 =	sadd.s32 s28, s2;
	s22 =	sadd.s32 s12, s2;
	[dreg:$0x3] =	wrdreg s20  }
0xd: {  	s23 =	sadd.s32 s13, s2;
	s11 =	sshrl.u32 s11, $0x3;
	[dreg:$0x4] =	wrdreg s21  }
0xe: {  	s16 =	sshrl.u32 s12, $0x3;
	s18 =	sshrl.u32 s13, $0x3;
	[dreg:$0x5] =	wrdreg s22  }
0xf: {  	s6 =	sadd.s32 s6, s1;
	s0 =	smax.u32 s0, $0x1;
	[dreg:$0x6] =	wrdreg s23  }
0x10: {  	s1 =	sadd.s32 s7, s1;
	s10 =	sadd.s32 $0x2200, s6;
	[dreg:$0x9] =	wrdreg s0  }
0x11: {  	s7 =	sshrl.u32 s28, $0x3;
	s6 =	sadd.s32 $0xC200, s6;
	[dreg:$0x7] =	wrdreg s10  }
0x12: {  	s1 =	sadd.s32 $0x31200, s1;
	s0 =	simm.s32 $0x2;
	[dreg:$0x8] =	wrdreg s6  }
0x13: {  	s10 =	sshrl.u32 s8, $0x3;
	s24 =	sadd.s32 s11, s1;
	s25 =	sadd.s32 s7, s1  }
.Ltmp0:
0x14: {  	s26 =	sadd.s32 s16, s1;
	[dreg:$0xb] =	wrdreg s24;
	(pc) =	sbr.rel .LBB2_1-.Ltmp0, $4  }
0x15: {  	s28 =	sadd.s32 s18, s1;
	s18 =	simm.s32 $0x4;
	[dreg:$0xc] =	wrdreg s25  }
0x16: {  	v1 =	vlaneseq.u32;
	s16 =	simm.s32 $0x0;
	s11 =	simm.s32 $0x0;
	[dreg:$0xd] =	wrdreg s26  }
0x17: {  	v0 =	vimm.f32 $0.0e+00;
	v1 =	vshrl.u32 v1, $0x3;
	s19 =	sadd.s32 s10, s1;
	[dreg:$0xe] =	wrdreg s28;
	s26 =	simm.s32 $0x7328  }
0x18: {  	v2 =	vor.u32 $0x2, v1;
	v3 =	vor.u32 $0x4, v1;
	v4 =	vor.u32 $0x6, v1;
	s1 =	simm.s32 $0xA5F0;
	[dreg:$0xa] =	wrdreg s19;
	s19 =	simm.s32 $0xC918  }
.LBB2_10:
0x19: {  	s6 =	simm.s32 $0x5  }
0x1a: {  	_ =	swait.ge [sflag:s6], $0x2328  }
0x1b: {  	[sflag:s6] =	ssyncset.done $0x0  }
0x1c: {  	s20 =	simm.s32 $0x6;
	[sflag:s6] =	ssyncadd.s32 $0xFFFFDCD8  }
0x1d: {  	_ =	swait.ge [sflag:s20], $0x2328  }
0x1e: {  	[sflag:s20] =	ssyncset.done $0x0  }
0x1f: {  	[sflag:s20] =	ssyncadd.s32 $0xFFFFDCD8  }
0x20: {  	[bflag:$0x0] =	sbarrier.arrive $0xFFFF  }
0x21: {  	[tilespmem:s14], [sflag:$0x7] =	stream.linear.gather [spmem:s10], $0x2328, $0x38;
	[tilespmem:$0x1BF30] =	vst v63  }
0x22: {  	_ =	swait.ge [sflag:s15], $0x2328  }
0x23: {  	[sflag:s15] =	ssyncset.done $0x0  }
0x24: {  	s21 =	rddreg [dreg:$0xa];
	[sflag:s15] =	ssyncadd.s32 $0xFFFFDCD8  }
0x25: {  	[hbm4b:s21+s3] =	stream.linear.scatter [tilespmem:s14], [sflag:$0x7], $0x2328, $0x38;
	[tilespmem:$0x1BF30] =	vst v63  }
0x26: {  	_ =	swait.ge [sflag:s15], $0x2328  }
0x27: {  	[sflag:s15] =	ssyncset.done $0x0  }
0x28: {  	s20 =	rddreg [dreg:$0x3];
	[sflag:s15] =	ssyncadd.s32 $0xFFFFDCD8  }
0x29: {  	[tilespmem:s14], [sflag:$0x7] =	stream.linear.gather [spmem:s20], $0x2328, $0x38;
	[tilespmem:$0x1BF30] =	vst v63  }
0x2a: {  	_ =	swait.ge [sflag:s15], $0x2328  }
0x2b: {  	[sflag:s15] =	ssyncset.done $0x0  }
0x2c: {  	s22 =	rddreg [dreg:$0xb];
	[sflag:s15] =	ssyncadd.s32 $0xFFFFDCD8  }
0x2d: {  	[hbm4b:s22+s3] =	stream.linear.scatter [tilespmem:s14], [sflag:$0x7], $0x2328, $0x38;
	[tilespmem:$0x1BF30] =	vst v63  }
0x2e: {  	_ =	swait.ge [sflag:s15], $0x2328  }
0x2f: {  	[sflag:s15] =	ssyncset.done $0x0  }
0x30: {  	s21 =	rddreg [dreg:$0x4];
	[sflag:s15] =	ssyncadd.s32 $0xFFFFDCD8  }
0x31: {  	[tilespmem:s14], [sflag:$0x7] =	stream.linear.gather [spmem:s21], $0x2328, $0x38;
	[tilespmem:$0x1BF30] =	vst v63  }
0x32: {  	_ =	swait.ge [sflag:s15], $0x2328  }
0x33: {  	[sflag:s15] =	ssyncset.done $0x0  }
0x34: {  	s23 =	rddreg [dreg:$0xc];
	[sflag:s15] =	ssyncadd.s32 $0xFFFFDCD8  }
0x35: {  	[hbm4b:s23+s3] =	stream.linear.scatter [tilespmem:s14], [sflag:$0x7], $0x2328, $0x38;
	[tilespmem:$0x1BF30] =	vst v63  }
0x36: {  	_ =	swait.ge [sflag:s15], $0x2328  }
0x37: {  	[sflag:s15] =	ssyncset.done $0x0  }
0x38: {  	s22 =	rddreg [dreg:$0x5];
	[sflag:s15] =	ssyncadd.s32 $0xFFFFDCD8  }
0x39: {  	[tilespmem:s14], [sflag:$0x7] =	stream.linear.gather [spmem:s22], $0x2328, $0x38;
	[tilespmem:$0x1BF30] =	vst v63  }
0x3a: {  	_ =	swait.ge [sflag:s15], $0x2328  }
0x3b: {  	[sflag:s15] =	ssyncset.done $0x0  }
0x3c: {  	s24 =	rddreg [dreg:$0xd];
	[sflag:s15] =	ssyncadd.s32 $0xFFFFDCD8  }
0x3d: {  	[hbm4b:s24+s3] =	stream.linear.scatter [tilespmem:s14], [sflag:$0x7], $0x2328, $0x38;
	[tilespmem:$0x1BF30] =	vst v63  }
0x3e: {  	_ =	swait.ge [sflag:s15], $0x2328  }
0x3f: {  	[sflag:s15] =	ssyncset.done $0x0  }
0x40: {  	s23 =	rddreg [dreg:$0x6];
	[sflag:s15] =	ssyncadd.s32 $0xFFFFDCD8  }
0x41: {  	[tilespmem:s14], [sflag:$0x7] =	stream.linear.gather [spmem:s23], $0x2328, $0x38;
	[tilespmem:$0x1BF30] =	vst v63  }
0x42: {  	_ =	swait.ge [sflag:s15], $0x2328  }
0x43: {  	[sflag:s15] =	ssyncset.done $0x0  }
0x44: {  	s25 =	rddreg [dreg:$0xe];
	[sflag:s15] =	ssyncadd.s32 $0xFFFFDCD8  }
0x45: {  	[hbm4b:s25+s3] =	stream.linear.scatter [tilespmem:s14], [sflag:$0x7], $0x2328, $0x38;
	[tilespmem:$0x1BF30] =	vst v63  }
0x46: {  	_ =	swait.ge [sflag:s15], $0x2328  }
0x47: {  	s16 =	sadd.s32 $0x1, s16;
	s28 =	rddreg [dreg:$0x9]  }
0x48: {  	p0 =	sne.s32 s16, s28  }
.Ltmp1:
0x49: {  	_ = 	snop;
	(pc) =	sbr.rel @!p0 .LBB2_11-.Ltmp1, $3  }
0x4a: {  	_ =	sdelay $0x1  }
0x4b: {  	[sflag:s15] =	ssyncset.done $0x0  }
0x4c: {  	s9 =	smov.u32 s10;
	[sflag:s15] =	ssyncadd.s32 $0xFFFFDCD8  }
.LBB2_1:
0x4d: {  	s6 =	simm.s32 $0x0  }
0x4e: {  	s7 =	simm.s32 $0x120;
	[tilespmem:s6+$0xEC60] =	vst v0  }
.LBB2_2:
0x4f: {  	p0 =	sne.s32 s7, $0x8B80;
	[tilespmem:s6+$0xEC50] =	vst v0;
	s8 =	smov.u32 s7;
	s7 =	sadd.s32 $0x120, s7  }
.Ltmp2:
0x50: {  	[tilespmem:s6+$0xEC70] =	vst v0;
	(pc) =	sbr.rel @p0 .LBB2_2-.Ltmp2, $4  }
0x51: {  	[tilespmem:s6+$0xEC78] =	vst v0  }
0x52: {  	[tilespmem:s6+$0xEC40] =	vst v0  }
0x53: {  	s6 =	sshra.s32 s8, $0x2  }
0x54: {  	[tilespmem:s6+$0xEC60] =	vst v0  }
0x55: {  	[tilespmem:s6+$0xEC50] =	vst v0  }
0x56: {  	[tilespmem:s6+$0xEC70] =	vst v0  }
0x57: {  	[tilespmem:s6+$0xEC40] =	vst v0  }
0x58: {  	[tilespmem:s6+$0xEC78] =	vst v0  }
0x59: {  	[spmem:s9] =	stream.linear.scatter [tilespmem:s14], [sflag:$0x7], $0x2328, $0x38;
	[tilespmem:$0x1BF30] =	vst v63  }
0x5a: {  	_ =	swait.ge [sflag:s15], $0x2328  }
0x5b: {  	[sflag:s15] =	ssyncset.done $0x0  }
0x5c: {  	[sflag:s15] =	ssyncadd.s32 $0xFFFFDCD8  }
0x5d: {  	[spmem:s20] =	stream.linear.scatter [tilespmem:s14], [sflag:$0x7], $0x2328, $0x38;
	[tilespmem:$0x1BF30] =	vst v63  }
0x5e: {  	_ =	swait.ge [sflag:s15], $0x2328  }
0x5f: {  	[sflag:s15] =	ssyncset.done $0x0  }
0x60: {  	[sflag:s15] =	ssyncadd.s32 $0xFFFFDCD8  }
0x61: {  	[spmem:s21] =	stream.linear.scatter [tilespmem:s14], [sflag:$0x7], $0x2328, $0x38;
	[tilespmem:$0x1BF30] =	vst v63  }
0x62: {  	_ =	swait.ge [sflag:s15], $0x2328  }
0x63: {  	[sflag:s15] =	ssyncset.done $0x0  }
0x64: {  	[sflag:s15] =	ssyncadd.s32 $0xFFFFDCD8  }
0x65: {  	[spmem:s22] =	stream.linear.scatter [tilespmem:s14], [sflag:$0x7], $0x2328, $0x38;
	[tilespmem:$0x1BF30] =	vst v63  }
0x66: {  	_ =	swait.ge [sflag:s15], $0x2328  }
0x67: {  	[sflag:s15] =	ssyncset.done $0x0  }
0x68: {  	[sflag:s15] =	ssyncadd.s32 $0xFFFFDCD8  }
0x69: {  	[spmem:s23] =	stream.linear.scatter [tilespmem:s14], [sflag:$0x7], $0x2328, $0x38;
	[tilespmem:$0x1BF30] =	vst v63  }
0x6a: {  	_ =	swait.ge [sflag:s15], $0x2328  }
0x6b: {  	[sflag:s15] =	ssyncset.done $0x0  }
0x6c: {  	[sflag:s15] =	ssyncadd.s32 $0xFFFFDCD8  }
0x6d: {  	[bflag:$0x0] =	sbarrier.arrive $0xFFFF  }
0x6e: {  	s21 =	rddreg [dreg:$0x7]  }
0x6f: {  	[tilespmem:s11], [sflag:$0x7] =	stream.linear.gather [hbm4b:s21+s11], $0x2800, $0x38;
	[tilespmem:$0x1BF30] =	vst v63  }
0x70: {  	_ =	swait.ge [sflag:s15], $0x2800  }
0x71: {  	[sflag:s15] =	ssyncset.done $0x0  }
0x72: {  	s7 =	simm.s32 $0x2800;
	s22 =	rddreg [dreg:$0x8];
	[sflag:s15] =	ssyncadd.s32 $0xFFFFD800  }
0x73: {  	[tilespmem:s7], [sflag:$0x7] =	stream.linear.gather [hbm4b:s22+s11], $0x2800, $0x38;
	[tilespmem:$0x1BF30] =	vst v63  }
0x74: {  	_ =	swait.ge [sflag:s15], $0x2800  }
0x75: {  	[sflag:s15] =	ssyncset.done $0x0  }
0x76: {  	s23 =	simm.s32 $0x5000;
	[sflag:s15] =	ssyncadd.s32 $0xFFFFD800  }
0x77: {  	[tilespmem:s23], [sflag:$0x1] =	stream.indirect.gather [hbm4b:s4+s17], $0x48, s11, s17, $0xb8;
	[tilespmem:$0x1BF30] =	vst v63  }
0x78: {  	s24 =	simm.s32 $0x9650  }
0x79: {  	[tilespmem:s24], [sflag:$0x3] =	stream.indirect.gather [hbm4b:s5+s17], $0x10, s7, s17, $0xb8;
	[tilespmem:$0x1BF30] =	vst v63  }
0x7a: {  	s25 =	simm.s32 $0x80  }
0x7b: {  	[tilespmem:s26], [sflag:$0x2] =	stream.indirect.gather [hbm4b:s4+s17], $0x48, s25, s17, $0xb8;
	[tilespmem:$0x1BF30] =	vst v63  }
0x7c: {  	s10 =	smov.u32 s9;
	s28 =	simm.s32 $0x2880;
	s12 =	simm.s32 $0x0  }
0x7d: {  	[tilespmem:s29], [sflag:$0x4] =	stream.indirect.gather [hbm4b:s5+s17], $0x10, s28, s17, $0xb8;
	[tilespmem:$0x1BF30] =	vst v63  }
.LBB2_4:
0x7e: {  	_ =	swait.ge [sflag:s30], $0x2328  }
0x7f: {  	[sflag:s30] =	ssyncset.done $0x0  }
0x80: {  	[sflag:s30] =	ssyncadd.s32 $0xFFFFDCD8  }
0x81: {  	_ =	swait.ge [sflag:s31], $0x7D0  }
0x82: {  	p0 =	seq.s32 s12, $0x0;
	[sflag:s31] =	ssyncset.done $0x0  }
0x83: {  	s6 =	simm.s32 @!p0 $0x5;
	[sflag:s31] =	ssyncadd.s32 $0xFFFFF830  }
0x84: {  	_ =	swait.ge @!p0 [sflag:s6], $0x2328  }
0x85: {  	[sflag:s6] =	ssyncset.done @!p0 $0x0  }
0x86: {  	s22 =	simm.s32 $0x50B8;
	[sflag:s6] =	ssyncadd.s32 @!p0 $0xFFFFDCD8  }
0x87: {  	s21 =	simm.s32 $0x9670;
	v5 =	vld [tilespmem:s22+$0x68]  }
0x88: {  	v6 =	vld [tilespmem:s21+$0x20];
	_ =	sdelay $0x3  }
0x89: {  	v8 =	vld [tilespmem:s22+$0xFFFFFF90]  }
0x8a: {  	v9 =	vld [tilespmem:s21+$0xFFFFFFF0];
	v5 =	vadd.f32 v6, v5  }
0x8b: {  	v10 =	vld [tilespmem:s21+$0x0]  }
0x8c: {  	v6 =	vld [tilespmem:s22+$0xFFFFFFD8];
	v11 =	vmul.f32 $2.000000030e-01, v5  }
0x8d: {  	v7 =	vld [tilespmem:s21+$0xFFFFFFE0]  }
0x8e: {  	v12 =	vld [tilespmem:s22+$0x20];
	v5 =	vmax.f32 v5, v11  }
0x8f: {  	v13 =	vld [tilespmem:s21+$0x10];
	v5 =	vmul.f32 $1.442695020e+00, v5  }
0x90: {  	s23 =	simm.s32 $0x4;
	v8 =	vadd.f32 v9, v8;
	v11 =	vld [tilespmem:s22+$0xFFFFFF48]  }
0x91: {  	v9 =	vmov s23;
	v6 =	vadd.f32 v10, v6;
	(erf) = vpow2.f32 v5  }
0x92: {  	v9 =	vmul.u32 $0x48, v9;
	v5 =	vmul.f32 $2.000000030e-01, v8  }
0x93: {  	v10 =	vmul.f32 $2.000000030e-01, v6  }
0x94: {  	v12 =	vadd.f32 v13, v12;
	v9 =	vbroadcast v9, $0x0;
	v5 =	vmax.f32 v8, v5  }
0x95: {  	s24 =	simm.s32 $0x1;
	v7 =	vadd.f32 v7, v11;
	v6 =	vmax.f32 v6, v10;
	v5 =	vmul.f32 $1.442695020e+00, v5  }
0x96: {  	v8 =	vmov s24;
	v10 =	vmul.f32 $2.000000030e-01, v12;
	v6 =	vmul.f32 $1.442695020e+00, v6  }
0x97: {  	v11 =	vmul.f32 $2.000000030e-01, v7;
	(erf) = vpow2.f32 v5;
	v5 =	vor.u32 v1, v9  }
0x98: {  	v8 =	vmul.u32 $0x48, v8;
	v10 =	vmax.f32 v12, v10  }
0x99: {  	s25 =	simm.s32 $0x2;
	v10 =	vmul.f32 $1.442695020e+00, v10;
	v7 =	vmax.f32 v7, v11;
	(erf) = vpow2.f32 v6  }
0x9a: {  	s20 =	simm.s32 $0xA6A8;
	v6 =	vmov s25;
	v7 =	vmul.f32 $1.442695020e+00, v7;
	v12 =	vpop (erf)  }
0x9b: {  	v11 =	vbroadcast v8, $0x0;
	v6 =	vmul.u32 $0x48, v6;
	(erf) = vpow2.f32 v10;
	[tilespmem:s20+$0x68] =	vst v12  }
0x9c: {  	(erf) = vpow2.f32 v7;
	v7 =	vld.idx.msk [tilespmem:v5+s1+$0x0], $0xffff  }
0x9d: {  	v8 =	vor.u32 v1, v11;
	v5 =	vbroadcast v6, $0x0;
	v6 =	vmov s11;
	v10 =	vld [tilespmem:s22+$0x70]  }
0x9e: {  	v6 =	vmul.u32 $0x48, v6  }
0x9f: {  	s7 =	simm.s32 $0x3;
	v12 =	vor.u32 v1, v5  }
0xa0: {  	s8 =	simm.s32 $0x96C0;
	v13 =	vmov s7;
	v14 =	vpop (erf);
	v15 =	vbroadcast v6, $0x0;
	v6 =	vor.u32 v2, v9  }
0xa1: {  	v23 =	vld [tilespmem:s8+$0xFFFFFFF0];
	v13 =	vmul.u32 $0x48, v13;
	[tilespmem:s20+$0xFFFFFF90] =	vst v14  }
0xa2: {  	v14 =	vpop (erf);
	v8 =	vld.idx.msk [tilespmem:v8+s1+$0x0], $0xffff;
	v16 =	vor.u32 v1, v15;
	v10 =	vmul.f32 v10, v7  }
0xa3: {  	v7 =	vbroadcast v13, $0x0;
	v13 =	vld [tilespmem:s22+$0xFFFFFF98];
	[tilespmem:s20+$0xFFFFFFD8] =	vst v14  }
0xa4: {  	v14 =	vpop (erf);
	v12 =	vld.idx.msk [tilespmem:v12+s1+$0x0], $0xffff;
	[tilespmem:s20+$0x70] =	vst v10  }
0xa5: {  	v17 =	vpop (erf);
	v6 =	vld.idx.msk [tilespmem:v6+s1+$0x0], $0xffff  }
0xa6: {  	[tilespmem:s20+$0xFFFFFF48] =	vst v17;
	v17 =	vld [tilespmem:s22+$0x80]  }
0xa7: {  	v18 =	vor.u32 v2, v11;
	v16 =	vld.idx.msk [tilespmem:v16+s1+$0x0], $0xffff  }
0xa8: {  	v10 =	vor.u32 v1, v7;
	v19 =	vld [tilespmem:s22+$0xFFFFFF50]  }
0xa9: {  	s21 =	simm.s32 $0x5220;
	v8 =	vmul.f32 v13, v8;
	v13 =	vld [tilespmem:s22+$0xFFFFFFE0]  }
0xaa: {  	v22 =	vld [tilespmem:s21+$0xFFFFFF90]  }
0xab: {  	v24 =	vld [tilespmem:s21+$0xFFFFFFD8];
	[tilespmem:s20+$0xFFFFFF98] =	vst v8  }
0xac: {  	[tilespmem:s20+$0x20] =	vst v14;
	v6 =	vmul.f32 v17, v6;
	v17 =	vld.idx.msk [tilespmem:v18+s1+$0x0], $0xffff;
	v18 =	vor.u32 v2, v5  }
0xad: {  	v10 =	vld.idx.msk [tilespmem:v10+s1+$0x0], $0xffff;
	v16 =	vmul.f32 v19, v16  }
0xae: {  	v14 =	vor.u32 v3, v9;
	v8 =	vld [tilespmem:s22+$0x28];
	[tilespmem:s20+$0x80] =	vst v6;
	v6 =	vmul.f32 v13, v12  }
0xaf: {  	v21 =	vld [tilespmem:s22+$0xFFFFFFA8];
	[tilespmem:s20+$0xFFFFFF50] =	vst v16  }
0xb0: {  	v20 =	vor.u32 v2, v15;
	v16 =	vld [tilespmem:s21+$0x68];
	[tilespmem:s20+$0xFFFFFFE0] =	vst v6  }
0xb1: {  	v6 =	vld.idx.msk [tilespmem:v18+s1+$0x0], $0xffff  }
0xb2: {  	v18 =	vld [tilespmem:s8+$0x20]  }
0xb3: {  	v12 =	vld.idx.msk [tilespmem:v14+s1+$0x0], $0xffff  }
0xb4: {  	v13 =	vld [tilespmem:s22+$0x90]  }
0xb5: {  	v14 =	vld.idx.msk [tilespmem:v20+s1+$0x0], $0xffff  }
0xb6: {  	v19 =	vld [tilespmem:s22+$0xFFFFFF60]  }
0xb7: {  	s13 =	simm.s32 $0x9;
	v26 =	vld [tilespmem:s21+$0x20];
	v16 =	vadd.f32 v18, v16  }
0xb8: {  	v54 =	vmov s13;
	v20 =	vld [tilespmem:s22+$0xFFFFFFF0]  }
0xb9: {  	v25 =	vor.u32 v2, v7;
	v8 =	vmul.f32 v8, v10;
	v18 =	vld [tilespmem:s8+$0x0];
	v27 =	vmul.f32 $2.000000030e-01, v16  }
0xba: {  	v9 =	vor.u32 v4, v9;
	v10 =	vmul.f32 v21, v17;
	v17 =	vld [tilespmem:s8+$0x10];
	v12 =	vmul.f32 v13, v12  }
0xbb: {  	s9 =	simm.s32 $0x6;
	v13 =	vmul.f32 v19, v14;
	v19 =	vadd.f32 v23, v22;
	v23 =	vld [tilespmem:s21+$0xFFFFFF48];
	v14 =	vmax.f32 v16, v27  }
0xbc: {  	v21 =	vor.u32 v3, v11;
	v22 =	vmov s9;
	v16 =	vld [tilespmem:s8+$0xFFFFFFE0];
	v14 =	vmul.f32 $1.442695020e+00, v14  }
0xbd: {  	[tilespmem:s20+$0x28] =	vst v8;
	v6 =	vmul.f32 v20, v6;
	v20 =	vor.u32 v3, v15;
	v8 =	vmul.f32 $2.000000030e-01, v19  }
0xbe: {  	[tilespmem:s20+$0x90] =	vst v12;
	v12 =	vor.u32 v3, v5;
	v18 =	vadd.f32 v18, v24;
	(erf) = vpow2.f32 v14  }
0xbf: {  	v17 =	vadd.f32 v17, v26;
	v22 =	vmul.u32 $0x48, v22;
	v55 =	vld.idx.msk [tilespmem:v9+s1+$0x0], $0xffff;
	[tilespmem:s20+$0xFFFFFF60] =	vst v13;
	v8 =	vmax.f32 v19, v8  }
0xc0: {  	v13 =	vld [tilespmem:s22+$0x38];
	v19 =	vmul.u32 $0x48, v54;
	v8 =	vmul.f32 $1.442695020e+00, v8;
	v9 =	vmul.f32 $2.000000030e-01, v18  }
0xc1: {  	v26 =	vmul.f32 $2.000000030e-01, v17;
	[tilespmem:s20+$0xFFFFFFF0] =	vst v6;
	v6 =	vbroadcast v22, $0x0;
	v22 =	vld [tilespmem:s22+$0xFFFFFF70];
	v16 =	vadd.f32 v16, v23  }
0xc2: {  	v14 =	vld.idx.msk [tilespmem:v25+s1+$0x0], $0xffff;
	(erf) = vpow2.f32 v8;
	v9 =	vmax.f32 v18, v9;
	v18 =	vbroadcast v19, $0x0  }
0xc3: {  	s23 =	simm.s32 $0x7;
	[tilespmem:s20+$0xFFFFFFA8] =	vst v10;
	v15 =	vor.u32 v4, v15;
	v10 =	vld.idx.msk [tilespmem:v20+s1+$0x0], $0xffff;
	v9 =	vmul.f32 $1.442695020e+00, v9;
	v8 =	vmul.f32 $2.000000030e-01, v16  }
0xc4: {  	v17 =	vmax.f32 v17, v26;
	v19 =	vld.idx.msk [tilespmem:v21+s1+$0x0], $0xffff;
	v21 =	vmov s23;
	v20 =	vor.u32 v1, v18  }
0xc5: {  	s24 =	simm.s32 $0x8;
	v56 =	vld [tilespmem:s22+$0xA0];
	v17 =	vmul.f32 $1.442695020e+00, v17;
	(erf) = vpow2.f32 v9;
	v8 =	vmax.f32 v16, v8  }
0xc6: {  	v23 =	vld.idx.msk [tilespmem:v12+s1+$0x0], $0xffff;
	v12 =	vor.u32 v3, v7;
	v9 =	vmov s24;
	v8 =	vmul.f32 $1.442695020e+00, v8  }
0xc7: {  	v57 =	vld [tilespmem:s22+$0x0];
	s23 =	simm.s32 $0xA810;
	v13 =	vmul.f32 v13, v14;
	(erf) = vpow2.f32 v17;
	v17 =	vmul.u32 $0x48, v21;
	v21 =	vpop (erf)  }
0xc8: {  	v16 =	vld [tilespmem:s22+$0xFFFFFFB8];
	v14 =	vmul.u32 $0x48, v9;
	(erf) = vpow2.f32 v8;
	v8 =	vmul.f32 v22, v10;
	[tilespmem:s23+$0x68] =	vst v21  }
0xc9: {  	s25 =	simm.s32 $0x5;
	v9 =	vbroadcast v17, $0x0;
	v21 =	vor.u32 v1, v6;
	v17 =	vld.idx.msk [tilespmem:v20+s1+$0x0], $0xffff  }
0xca: {  	[tilespmem:s20+$0x38] =	vst v13;
	v13 =	vmov s25;
	v10 =	vbroadcast v14, $0x0;
	v14 =	vld [tilespmem:s21+$0x70]  }
0xcb: {  	v13 =	vmul.u32 $0x48, v13;
	v28 =	vld [tilespmem:s22+$0x48];
	v20 =	vor.u32 v1, v9  }
0xcc: {  	v22 =	vld.idx.msk [tilespmem:v12+s1+$0x0], $0xffff;
	[tilespmem:s20+$0xFFFFFF70] =	vst v8;
	v8 =	vpop (erf)  }
0xcd: {  	v12 =	vbroadcast v13, $0x0;
	v13 =	vor.u32 v2, v18;
	[tilespmem:s23+$0xFFFFFF90] =	vst v8;
	v8 =	vld.idx.msk [tilespmem:v15+s1+$0x0], $0xffff  }
0xce: {  	v15 =	vld.idx.msk [tilespmem:v21+s1+$0x0], $0xffff;
	v21 =	vpop (erf)  }
0xcf: {  	v11 =	vor.u32 v4, v11;
	v30 =	vld [tilespmem:s21+$0xFFFFFF98];
	[tilespmem:s23+$0xFFFFFFD8] =	vst v21;
	v14 =	vmul.f32 v14, v17  }
0xd0: {  	v29 =	vor.u32 v1, v12;
	v20 =	vld.idx.msk [tilespmem:v20+s1+$0x0], $0xffff  }
0xd1: {  	v16 =	vmul.f32 v16, v19;
	v61 =	vld [tilespmem:s21+$0xFFFFFFE0];
	[tilespmem:s23+$0x70] =	vst v14  }
0xd2: {  	v58 =	vor.u32 v1, v10;
	v17 =	vpop (erf);
	v13 =	vld.idx.msk [tilespmem:v13+s1+$0x0], $0xffff  }
0xd3: {  	[tilespmem:s20+$0xFFFFFFB8] =	vst v16;
	v21 =	vld [tilespmem:s21+$0x80];
	v14 =	vpop (erf)  }
0xd4: {  	v11 =	vld.idx.msk [tilespmem:v11+s1+$0x0], $0xffff;
	[tilespmem:s23+$0xFFFFFF48] =	vst v14  }
0xd5: {  	v16 =	vor.u32 v2, v9;
	v59 =	vld.idx.msk [tilespmem:v29+s1+$0x0], $0xffff  }
0xd6: {  	v31 =	vor.u32 v3, v18;
	[tilespmem:s23+$0x20] =	vst v17;
	v15 =	vmul.f32 v30, v15;
	v60 =	vld [tilespmem:s21+$0xFFFFFF50]  }
0xd7: {  	v17 =	vld.idx.msk [tilespmem:v58+s1+$0x0], $0xffff;
	v20 =	vmul.f32 v61, v20  }
0xd8: {  	v14 =	vor.u32 v2, v6;
	[tilespmem:s23+$0xFFFFFF98] =	vst v15;
	v15 =	vld [tilespmem:s21+$0x28];
	v13 =	vmul.f32 v21, v13  }
0xd9: {  	v19 =	vor.u32 v2, v12;
	v21 =	vld [tilespmem:s21+$0xFFFFFFA8];
	[tilespmem:s23+$0xFFFFFFE0] =	vst v20  }
0xda: {  	v16 =	vld.idx.msk [tilespmem:v16+s1+$0x0], $0xffff;
	[tilespmem:s23+$0x80] =	vst v13  }
0xdb: {  	v27 =	vmul.f32 v60, v59;
	v62 =	vld.idx.msk [tilespmem:v31+s1+$0x0], $0xffff  }
0xdc: {  	v20 =	vmul.f32 v28, v22;
	v63 =	vld [tilespmem:s21+$0x90]  }
0xdd: {  	v14 =	vld.idx.msk [tilespmem:v14+s1+$0x0], $0xffff;
	v13 =	vor.u32 v2, v10;
	v15 =	vmul.f32 v15, v17;
	[tilespmem:s23+$0xFFFFFF50] =	vst v27  }
0xde: {  	s24 =	simm.s32 $0x5388;
	[tilespmem:s20+$0x48] =	vst v20;
	v17 =	vld.idx.msk [tilespmem:v19+s1+$0x0], $0xffff;
	v19 =	vmul.f32 v56, v55  }
0xdf: {  	v20 =	vld [tilespmem:s24+$0x68];
	[tilespmem:s23+$0x28] =	vst v15;
	v15 =	vmul.f32 v57, v23;
	v23 =	vor.u32 v4, v18  }
0xe0: {  	[tilespmem:s20+$0xA0] =	vst v19;
	v19 =	vld [tilespmem:s21+$0xFFFFFF60]  }
0xe1: {  	v18 =	vld [tilespmem:s21+$0xFFFFFFF0];
	[tilespmem:s20+$0x0] =	vst v15;
	v15 =	vmul.f32 v63, v62  }
0xe2: {  	s6 =	simm.s32 $0x9710;
	v13 =	vld.idx.msk [tilespmem:v13+s1+$0x0], $0xffff;
	v14 =	vmul.f32 v21, v14  }
0xe3: {  	s28 =	simm.s32 $0xA;
	v21 =	vld [tilespmem:s6+$0x20];
	[tilespmem:s23+$0x90] =	vst v15  }
0xe4: {  	s13 =	sshll.u32 s12, $0x8;
	s7 =	simm.s32 $0xF;
	s25 =	simm.s32 $0xA810;
	[tilespmem:s23+$0xFFFFFFA8] =	vst v14;
	v14 =	vld.idx.msk [tilespmem:v23+s1+$0x0], $0xffff  }
.LBB2_5:
0xe5: {  	p1 =	slt.u32 s7, $0x78;
	v15 =	vmul.f32 v19, v17;
	v17 =	vld [tilespmem:s21+$0xA0]  }
0xe6: {  	v19 =	vld [tilespmem:s6+$0xFFFFFFE0];
	v16 =	vmul.f32 v18, v16  }
0xe7: {  	v18 =	vld [tilespmem:s24+$0xFFFFFF90];
	[tilespmem:s23+$0xFFFFFF60] =	vst v15  }
0xe8: {  	v15 =	vld [tilespmem:s6+$0xFFFFFFF0];
	[tilespmem:s23+$0xFFFFFFF0] =	vst v16  }
0xe9: {  	v20 =	vadd.f32 v21, v20;
	v16 =	vld [tilespmem:s24+$0xFFFFFFD8]  }
0xea: {  	v22 =	vor.u32 v3, v12;
	v21 =	vld [tilespmem:s6+$0x0];
	v14 =	vmul.f32 v17, v14  }
0xeb: {  	s8 =	sadd.s32 $0x1, s28;
	v24 =	vor.u32 v3, v6;
	v23 =	vmul.f32 $2.000000030e-01, v20;
	v17 =	vld [tilespmem:s24+$0x20]  }
0xec: {  	v27 =	vor.u32 v3, v9;
	v25 =	vmov s8;
	v26 =	vld [tilespmem:s6+$0x10];
	[tilespmem:s23+$0xA0] =	vst v14  }
0xed: {  	s8 =	sadd.s32 $0x2, s28;
	v20 =	vmax.f32 v20, v23;
	v14 =	vld [tilespmem:s24+$0xFFFFFF48];
	v18 =	vadd.f32 v15, v18;
	v15 =	vmul.u32 $0x48, v25  }
0xee: {  	v23 =	vmov s8;
	v20 =	vmul.f32 $1.442695020e+00, v20;
	v25 =	vld [tilespmem:s21+$0x38]  }
0xef: {  	v28 =	vmul.f32 $2.000000030e-01, v18;
	v15 =	vbroadcast v15, $0x0;
	v16 =	vadd.f32 v21, v16;
	v21 =	vld.idx.msk [tilespmem:v22+s1+$0x0], $0xffff  }
0xf0: {  	s8 =	sadd.s32 $0x4, s28;
	v22 =	vor.u32 v4, v5;
	v5 =	vmovc v9;
	(erf) = vpow2.f32 v20;
	v20 =	vld.idx.msk [tilespmem:v24+s1+$0x0], $0xffff;
	v24 =	vor.u32 v4, v7  }
0xf1: {  	v7 =	vmovc v10;
	v9 =	vmul.f32 $2.000000030e-01, v16;
	v17 =	vadd.f32 v26, v17;
	v26 =	vmov s8;
	v27 =	vld.idx.msk [tilespmem:v27+s1+$0x0], $0xffff  }
0xf2: {  	v10 =	vadd.f32 v19, v14;
	v14 =	vmax.f32 v18, v28;
	v18 =	vmul.u32 $0x48, v26;
	v19 =	vld [tilespmem:s21+$0xFFFFFF70]  }
0xf3: {  	s8 =	sadd.s32 $0x3, s28;
	v26 =	vmul.f32 $1.442695020e+00, v14;
	v9 =	vmax.f32 v16, v9;
	v16 =	vmul.f32 $2.000000030e-01, v17;
	v28 =	vld [tilespmem:s21+$0xFFFFFFB8]  }
0xf4: {  	v30 =	vmov s8;
	v29 =	vmul.f32 $2.000000030e-01, v10;
	v14 =	vbroadcast v18, $0x0;
	v18 =	vld [tilespmem:s21+$0x0]  }
0xf5: {  	v9 =	vmul.f32 $1.442695020e+00, v9;
	v16 =	vmax.f32 v17, v16;
	(erf) = vpow2.f32 v26;
	v17 =	vld.idx.msk [tilespmem:v22+s1+$0x0], $0xffff  }
0xf6: {  	v10 =	vmax.f32 v10, v29;
	v16 =	vmul.f32 $1.442695020e+00, v16;
	v22 =	vor.u32 v1, v14;
	v24 =	vld.idx.msk [tilespmem:v24+s1+$0x0], $0xffff  }
0xf7: {  	v23 =	vmul.u32 $0x48, v23;
	v10 =	vmul.f32 $1.442695020e+00, v10;
	(erf) = vpow2.f32 v9;
	v26 =	vld [tilespmem:s22+$0xFFFFFF80]  }
0xf8: {  	v13 =	vmul.f32 v25, v13;
	(erf) = vpow2.f32 v16;
	v16 =	vor.u32 v3, v7;
	v25 =	vld [tilespmem:s22+$0xFFFFFFC8]  }
0xf9: {  	s23 =	sadd.s32 $0x168, s23;
	v29 =	vmul.u32 $0x48, v30;
	v19 =	vmul.f32 v19, v21;
	(erf) = vpow2.f32 v10;
	v9 =	vpop (erf);
	v21 =	vld [tilespmem:s22+$0x10]  }
0xfa: {  	v30 =	vor.u32 v4, v12;
	v12 =	vmul.f32 v28, v20;
	v18 =	vmul.f32 v18, v27;
	[tilespmem:s23+$0x68] =	vst v9;
	v20 =	vld [tilespmem:s22+$0x58];
	s22 =	smov.u32 s21;
	s21 =	smov.u32 s24  }
0xfb: {  	v27 =	vor.u32 v1, v15;
	v9 =	vbroadcast v23, $0x0;
	v22 =	vld.idx.msk [tilespmem:v22+s1+$0x0], $0xffff;
	[tilespmem:s25+$0x38] =	vst v13  }
0xfc: {  	v10 =	vbroadcast v29, $0x0;
	v13 =	vmov s28;
	s28 =	smov.u32 s7;
	v23 =	vld [tilespmem:s24+$0x70];
	[tilespmem:s25+$0xFFFFFF70] =	vst v19;
	v19 =	vmul.f32 v26, v8  }
0xfd: {  	v8 =	vmul.u32 $0x48, v13;
	v13 =	vor.u32 v1, v9;
	[tilespmem:s25+$0xFFFFFFB8] =	vst v12;
	v16 =	vld.idx.msk [tilespmem:v16+s1+$0x0], $0xffff;
	v11 =	vmul.f32 v25, v11  }
0xfe: {  	v25 =	vor.u32 v1, v10;
	v26 =	vpop (erf);
	[tilespmem:s25+$0x0] =	vst v18;
	v18 =	vld [tilespmem:s22+$0x48];
	v17 =	vmul.f32 v21, v17  }
0xff: {  	v12 =	vbroadcast v8, $0x0;
	v21 =	vor.u32 v2, v14;
	[tilespmem:s23+$0xFFFFFF90] =	vst v26;
	v8 =	vld.idx.msk [tilespmem:v30+s1+$0x0], $0xffff;
	v20 =	vmul.f32 v20, v24  }
0x100: {  	v24 =	vld.idx.msk [tilespmem:v27+s1+$0x0], $0xffff;
	v26 =	vpop (erf);
	[tilespmem:s20+$0xFFFFFF80] =	vst v19  }
0x101: {  	v19 =	vor.u32 v1, v12;
	v27 =	vld [tilespmem:s24+$0xFFFFFF98];
	[tilespmem:s23+$0xFFFFFFD8] =	vst v26;
	v22 =	vmul.f32 v23, v22;
	v23 =	vpop (erf)  }
0x102: {  	v13 =	vld.idx.msk [tilespmem:v13+s1+$0x0], $0xffff;
	[tilespmem:s23+$0x20] =	vst v23;
	v23 =	vpop (erf)  }
0x103: {  	v25 =	vld.idx.msk [tilespmem:v25+s1+$0x0], $0xffff;
	[tilespmem:s23+$0x70] =	vst v22;
	v16 =	vmul.f32 v18, v16  }
0x104: {  	[tilespmem:s23+$0xFFFFFF48] =	vst v23;
	v18 =	vld.idx.msk [tilespmem:v21+s1+$0x0], $0xffff  }
0x105: {  	v21 =	vor.u32 v2, v15;
	v22 =	vld [tilespmem:s24+$0x80];
	[tilespmem:s25+$0x48] =	vst v16  }
0x106: {  	v16 =	vld.idx.msk [tilespmem:v19+s1+$0x0], $0xffff;
	v19 =	vmul.f32 v27, v24;
	[tilespmem:s20+$0xFFFFFFC8] =	vst v11  }
0x107: {  	v23 =	vor.u32 v4, v6;
	v6 =	vmov v15;
	v11 =	vld [tilespmem:s24+$0xFFFFFF50];
	[tilespmem:s20+$0x10] =	vst v17  }
0x108: {  	v17 =	vor.u32 v3, v14;
	[tilespmem:s23+$0xFFFFFF98] =	vst v19;
	v15 =	vld [tilespmem:s24+$0xFFFFFFE0]  }
0x109: {  	v19 =	vld [tilespmem:s24+$0x28];
	[tilespmem:s20+$0x58] =	vst v20;
	s20 =	smov.u32 s25;
	s25 =	smov.u32 s23  }
0x10a: {  	v20 =	vor.u32 v2, v12;
	v21 =	vld.idx.msk [tilespmem:v21+s1+$0x0], $0xffff;
	v18 =	vmul.f32 v22, v18  }
0x10b: {  	v24 =	vor.u32 v2, v9;
	v22 =	vld [tilespmem:s24+$0xFFFFFFA8]  }
0x10c: {  	v26 =	vor.u32 v2, v10;
	v16 =	vmul.f32 v11, v16;
	[tilespmem:s23+$0x80] =	vst v18;
	v11 =	vld.idx.msk [tilespmem:v23+s1+$0x0], $0xffff  }
0x10d: {  	v13 =	vmul.f32 v15, v13;
	v15 =	vld.idx.msk [tilespmem:v17+s1+$0x0], $0xffff  }
0x10e: {  	[tilespmem:s23+$0xFFFFFF50] =	vst v16;
	v18 =	vmul.f32 v19, v25;
	v23 =	vld [tilespmem:s24+$0x90]  }
0x10f: {  	v17 =	vld.idx.msk [tilespmem:v20+s1+$0x0], $0xffff;
	[tilespmem:s23+$0xFFFFFFE0] =	vst v13  }
0x110: {  	v20 =	vmul.f32 v22, v21;
	v16 =	vld.idx.msk [tilespmem:v24+s1+$0x0], $0xffff;
	[tilespmem:s23+$0x28] =	vst v18  }
0x111: {  	v14 =	vor.u32 v4, v14;
	v13 =	vld.idx.msk [tilespmem:v26+s1+$0x0], $0xffff  }
.Ltmp3:
0x112: {  	v19 =	vld [tilespmem:s24+$0xFFFFFF60];
	[tilespmem:s23+$0xFFFFFFA8] =	vst v20;
	(pc) =	sbr.rel @p1 .LBB2_5-.Ltmp3, $4  }
0x113: {  	s24 =	sadd.s32 $0x168, s24;
	v18 =	vld [tilespmem:s21+$0xFFFFFFF0];
	v15 =	vmul.f32 v23, v15  }
0x114: {  	s6 =	sadd.s32 $0x50, s6;
	v20 =	vld [tilespmem:s24+$0x68]  }
0x115: {  	v21 =	vld [tilespmem:s6+$0x20];
	[tilespmem:s23+$0x90] =	vst v15  }
0x116: {  	s7 =	sadd.s32 $0x5, s7;
	v14 =	vld.idx.msk [tilespmem:v14+s1+$0x0], $0xffff  }
0x117: {  	v15 =	vld [tilespmem:s21+$0xA0]  }
0x118: {  	v22 =	vld [tilespmem:s6+$0xFFFFFFE0]  }
0x119: {  	v23 =	vld [tilespmem:s24+$0xFFFFFF90]  }
0x11a: {  	v24 =	vld [tilespmem:s24+$0xFFFFFFD8]  }
0x11b: {  	v26 =	vld [tilespmem:s6+$0x0]  }
0x11c: {  	v28 =	vld [tilespmem:s24+$0x20]  }
0x11d: {  	v60 =	vor.u32 v3, v9;
	v20 =	vadd.f32 v21, v20;
	v21 =	vld [tilespmem:s6+$0xFFFFFFF0]  }
0x11e: {  	v17 =	vmul.f32 v19, v17;
	v19 =	vld [tilespmem:s6+$0x10]  }
0x11f: {  	v29 =	vor.u32 v3, v6;
	v30 =	vld [tilespmem:s24+$0xFFFFFF48];
	v16 =	vmul.f32 v18, v16  }
0x120: {  	s9 =	sadd.s32 $0x4, s28;
	v63 =	vld [tilespmem:s21+$0xFFFFFFB8];
	[tilespmem:s23+$0xFFFFFF60] =	vst v17;
	v25 =	vmul.f32 $2.000000030e-01, v20  }
0x121: {  	v5 =	vor.u32 v4, v5;
	v7 =	vor.u32 v4, v7;
	v45 =	vld [tilespmem:s22+$0x10];
	v17 =	vmov s9;
	[tilespmem:s23+$0xFFFFFFF0] =	vst v16  }
0x122: {  	v61 =	vmul.u32 $0x48, v17;
	v17 =	vld.idx.msk [tilespmem:v60+s1+$0x0], $0xffff;
	v20 =	vmax.f32 v20, v25;
	v18 =	vadd.f32 v21, v23  }
0x123: {  	v27 =	vor.u32 v3, v12;
	v20 =	vmul.f32 $1.442695020e+00, v20;
	v21 =	vld [tilespmem:s21+$0x38]  }
0x124: {  	v23 =	vld.idx.msk [tilespmem:v29+s1+$0x0], $0xffff;
	v16 =	vmul.f32 $2.000000030e-01, v18  }
0x125: {  	v6 =	vor.u32 v4, v6;
	v24 =	vadd.f32 v26, v24;
	v29 =	vld [tilespmem:s21+$0x0];
	(erf) = vpow2.f32 v20  }
0x126: {  	v62 =	vbroadcast v61, $0x0;
	v22 =	vadd.f32 v22, v30;
	v5 =	vld.idx.msk [tilespmem:v5+s1+$0x0], $0xffff;
	v16 =	vmax.f32 v18, v16  }
0x127: {  	v9 =	vor.u32 v4, v9;
	v7 =	vld.idx.msk [tilespmem:v7+s1+$0x0], $0xffff;
	v26 =	vmul.f32 $2.000000030e-01, v24;
	v16 =	vmul.f32 $1.442695020e+00, v16  }
0x128: {  	s7 =	sadd.s32 $0x1, s28;
	v19 =	vadd.f32 v19, v28;
	v40 =	vmul.f32 $2.000000030e-01, v22;
	v20 =	vld.idx.msk [tilespmem:v27+s1+$0x0], $0xffff;
	v13 =	vmul.f32 v21, v13  }
0x129: {  	v18 =	vld [tilespmem:s21+$0xFFFFFF70];
	v23 =	vmul.f32 v63, v23;
	(erf) = vpow2.f32 v16;
	v16 =	vmov s7  }
0x12a: {  	v17 =	vmul.f32 v29, v17;
	[tilespmem:s25+$0x38] =	vst v13;
	v41 =	vmul.u32 $0x48, v16;
	v16 =	vmax.f32 v22, v40;
	v22 =	vld [tilespmem:s22+$0xFFFFFF80]  }
0x12b: {  	v28 =	vmul.f32 $2.000000030e-01, v19;
	v39 =	vor.u32 v1, v62;
	[tilespmem:s25+$0xFFFFFFB8] =	vst v23;
	v34 =	vld [tilespmem:s21+$0x48]  }
0x12c: {  	v14 =	vmul.f32 v15, v14;
	v24 =	vmax.f32 v24, v26;
	[tilespmem:s25+$0x0] =	vst v17;
	v6 =	vld.idx.msk [tilespmem:v6+s1+$0x0], $0xffff  }
0x12d: {  	v19 =	vmax.f32 v19, v28;
	v24 =	vmul.f32 $1.442695020e+00, v24;
	v9 =	vld.idx.msk [tilespmem:v9+s1+$0x0], $0xffff  }
0x12e: {  	s8 =	sadd.s32 $0x168, s23;
	v43 =	vor.u32 v3, v10;
	[tilespmem:s23+$0xA0] =	vst v14;
	v19 =	vmul.f32 $1.442695020e+00, v19;
	v14 =	vld [tilespmem:s21+$0xFFFFFFC8];
	v42 =	vpop (erf)  }
0x12f: {  	v12 =	vor.u32 v4, v12;
	v31 =	vmul.f32 $1.442695020e+00, v16;
	v16 =	vld [tilespmem:s22+$0xFFFFFFC8];
	(erf) = vpow2.f32 v24;
	[tilespmem:s8+$0x68] =	vst v42  }
0x130: {  	s7 =	sadd.s32 $0x2, s28;
	v28 =	vbroadcast v41, $0x0;
	(erf) = vpow2.f32 v19;
	v19 =	vld.idx.msk [tilespmem:v39+s1+$0x0], $0xffff  }
0x131: {  	v44 =	vmov s7;
	v18 =	vmul.f32 v18, v20;
	(erf) = vpow2.f32 v31;
	v21 =	vld [tilespmem:s24+$0x70]  }
0x132: {  	v32 =	vmov s28;
	v26 =	vmul.u32 $0x48, v44;
	v20 =	vld [tilespmem:s22+$0x58];
	v46 =	vor.u32 v1, v28  }
0x133: {  	v13 =	vmul.u32 $0x48, v32;
	v24 =	vld.idx.msk [tilespmem:v43+s1+$0x0], $0xffff;
	[tilespmem:s25+$0xFFFFFF70] =	vst v18;
	v8 =	vmul.f32 v22, v8  }
0x134: {  	s9 =	sadd.s32 $0x3, s28;
	v33 =	vor.u32 v2, v62;
	v26 =	vbroadcast v26, $0x0;
	v12 =	vld.idx.msk [tilespmem:v12+s1+$0x0], $0xffff  }
0x135: {  	v47 =	vmov s9;
	v13 =	vbroadcast v13, $0x0;
	v22 =	vld [tilespmem:s21+$0xFFFFFF80];
	[tilespmem:s20+$0xFFFFFF80] =	vst v8;
	v18 =	vpop (erf)  }
0x136: {  	v32 =	vmul.u32 $0x48, v47;
	v35 =	vor.u32 v1, v26;
	v8 =	vld [tilespmem:s21+$0x10];
	[tilespmem:s8+$0xFFFFFF90] =	vst v18;
	v18 =	vmul.f32 v21, v19  }
0x137: {  	v48 =	vor.u32 v1, v13;
	v21 =	vld.idx.msk [tilespmem:v46+s1+$0x0], $0xffff  }
0x138: {  	v19 =	vbroadcast v32, $0x0;
	v36 =	vld [tilespmem:s24+$0xFFFFFF98];
	v49 =	vpop (erf);
	[tilespmem:s8+$0x70] =	vst v18  }
0x139: {  	v37 =	vpop (erf);
	v33 =	vld.idx.msk [tilespmem:v33+s1+$0x0], $0xffff  }
0x13a: {  	v18 =	vor.u32 v1, v19;
	[tilespmem:s8+$0xFFFFFFD8] =	vst v49;
	v38 =	vld [tilespmem:s24+$0x80];
	v50 =	vpop (erf)  }
0x13b: {  	v35 =	vld.idx.msk [tilespmem:v35+s1+$0x0], $0xffff;
	[tilespmem:s8+$0xFFFFFF48] =	vst v50  }
0x13c: {  	v51 =	vor.u32 v2, v28;
	v31 =	vld.idx.msk [tilespmem:v48+s1+$0x0], $0xffff  }
0x13d: {  	v52 =	vld [tilespmem:s24+$0xFFFFFF50]  }
0x13e: {  	v39 =	vor.u32 v3, v62;
	[tilespmem:s8+$0x20] =	vst v37;
	v53 =	vld [tilespmem:s24+$0xFFFFFFE0];
	v21 =	vmul.f32 v36, v21  }
0x13f: {  	v18 =	vld.idx.msk [tilespmem:v18+s1+$0x0], $0xffff  }
0x140: {  	v54 =	vor.u32 v2, v13;
	[tilespmem:s8+$0xFFFFFF98] =	vst v21;
	v21 =	vld [tilespmem:s24+$0x28];
	v33 =	vmul.f32 v38, v33  }
0x141: {  	v32 =	vld.idx.msk [tilespmem:v51+s1+$0x0], $0xffff  }
0x142: {  	v10 =	vor.u32 v4, v10;
	v58 =	vld [tilespmem:s24+$0xFFFFFFA8];
	[tilespmem:s8+$0x80] =	vst v33;
	v31 =	vmul.f32 v52, v31  }
0x143: {  	v55 =	vor.u32 v2, v26;
	v56 =	vld.idx.msk [tilespmem:v39+s1+$0x0], $0xffff  }
0x144: {  	v24 =	vmul.f32 v34, v24;
	v57 =	vld [tilespmem:s24+$0x90];
	[tilespmem:s8+$0xFFFFFF50] =	vst v31  }
0x145: {  	v59 =	vor.u32 v2, v19;
	v35 =	vmul.f32 v53, v35;
	v38 =	vld.idx.msk [tilespmem:v54+s1+$0x0], $0xffff  }
0x146: {  	[tilespmem:s25+$0x48] =	vst v24;
	v60 =	vld [tilespmem:s24+$0xFFFFFF60]  }
0x147: {  	v10 =	vld.idx.msk [tilespmem:v10+s1+$0x0], $0xffff;
	[tilespmem:s8+$0xFFFFFFE0] =	vst v35;
	v18 =	vmul.f32 v21, v18  }
0x148: {  	v25 =	vor.u32 v4, v62;
	v21 =	vld.idx.msk [tilespmem:v55+s1+$0x0], $0xffff;
	v32 =	vmul.f32 v58, v32  }
0x149: {  	v61 =	vld [tilespmem:s24+$0xFFFFFFF0];
	[tilespmem:s8+$0x28] =	vst v18;
	v18 =	vor.u32 v3, v13;
	v23 =	vmul.f32 v57, v56  }
0x14a: {  	v31 =	vld.idx.msk [tilespmem:v59+s1+$0x0], $0xffff;
	[tilespmem:s8+$0xFFFFFFA8] =	vst v32  }
0x14b: {  	v41 =	vld [tilespmem:s24+$0xFFFFFFB8];
	[tilespmem:s8+$0x90] =	vst v23;
	v23 =	vor.u32 v3, v28;
	v27 =	vmul.f32 v60, v38  }
0x14c: {  	v38 =	vld [tilespmem:s24+$0x38]  }
0x14d: {  	v62 =	vor.u32 v3, v26;
	v25 =	vld.idx.msk [tilespmem:v25+s1+$0x0], $0xffff;
	[tilespmem:s8+$0xFFFFFF60] =	vst v27  }
0x14e: {  	v21 =	vmul.f32 v61, v21;
	v18 =	vld.idx.msk [tilespmem:v18+s1+$0x0], $0xffff  }
0x14f: {  	v40 =	vor.u32 v3, v19;
	v39 =	vld [tilespmem:s24+$0xFFFFFF70]  }
0x150: {  	[tilespmem:s8+$0xFFFFFFF0] =	vst v21;
	v21 =	vld.idx.msk [tilespmem:v23+s1+$0x0], $0xffff  }
0x151: {  	v42 =	vld [tilespmem:s24+$0x0];
	v17 =	vmul.f32 v38, v31  }
0x152: {  	v13 =	vor.u32 v4, v13;
	v23 =	vld.idx.msk [tilespmem:v62+s1+$0x0], $0xffff  }
0x153: {  	v5 =	vmul.f32 v45, v5;
	v43 =	vor.u32 v4, v28;
	v63 =	vld [tilespmem:s24+$0xA0];
	[tilespmem:s8+$0x38] =	vst v17  }
0x154: {  	v17 =	vld.idx.msk [tilespmem:v40+s1+$0x0], $0xffff;
	v18 =	vmul.f32 v39, v18  }
0x155: {  	[tilespmem:s20+$0x10] =	vst v5;
	v15 =	vld [tilespmem:s24+$0x48];
	v21 =	vmul.f32 v41, v21  }
0x156: {  	v26 =	vor.u32 v4, v26;
	v7 =	vmul.f32 v20, v7;
	v44 =	vld [tilespmem:s21+$0x58];
	[tilespmem:s8+$0xFFFFFF70] =	vst v18  }
0x157: {  	v11 =	vmul.f32 v16, v11;
	v23 =	vmul.f32 v42, v23;
	[tilespmem:s8+$0xFFFFFFB8] =	vst v21;
	v13 =	vld.idx.msk [tilespmem:v13+s1+$0x0], $0xffff  }
0x158: {  	[tilespmem:s20+$0x58] =	vst v7;
	v19 =	vor.u32 v4, v19;
	v5 =	vmul.f32 v63, v25;
	v16 =	vld.idx.msk [tilespmem:v43+s1+$0x0], $0xffff  }
0x159: {  	v7 =	vmul.f32 v22, v12;
	[tilespmem:s8+$0x0] =	vst v23;
	v12 =	vld [tilespmem:s24+$0xFFFFFFC8]  }
0x15a: {  	[tilespmem:s8+$0xA0] =	vst v5;
	v5 =	vmul.f32 v14, v6;
	v6 =	vld [tilespmem:s24+$0x10];
	v15 =	vmul.f32 v15, v17  }
0x15b: {  	v17 =	vld [tilespmem:s24+$0xFFFFFF80]  }
0x15c: {  	[tilespmem:s8+$0x48] =	vst v15;
	v15 =	vld.idx.msk [tilespmem:v26+s1+$0x0], $0xffff  }
0x15d: {  	[tilespmem:s20+$0xFFFFFFC8] =	vst v11;
	v8 =	vmul.f32 v8, v9;
	v11 =	vld.idx.msk [tilespmem:v19+s1+$0x0], $0xffff  }
0x15e: {  	[tilespmem:s25+$0xFFFFFF80] =	vst v7;
	v9 =	vmul.f32 v44, v10;
	v7 =	vld [tilespmem:s24+$0x58]  }
0x15f: {  	[tilespmem:s25+$0x10] =	vst v8  }
0x160: {  	[tilespmem:s25+$0x58] =	vst v9;
	v8 =	vmul.f32 v12, v16  }
0x161: {  	[tilespmem:s25+$0xFFFFFFC8] =	vst v5;
	v5 =	vmul.f32 v17, v13  }
0x162: {  	[tilespmem:s8+$0xFFFFFFC8] =	vst v8;
	v6 =	vmul.f32 v6, v15  }
0x163: {  	[tilespmem:s8+$0xFFFFFF80] =	vst v5;
	v5 =	vmul.f32 v7, v11  }
0x164: {  	s20 =	sand.u32 $0x3FFFFF00, s13;
	[tilespmem:s8+$0x10] =	vst v6  }
0x165: {  	p1 =	seq.s32 s12, $0x27;
	s24 =	sadd.s32 $0x2800, s20;
	[tilespmem:s8+$0x58] =	vst v5  }
0x166: {  	[spmem:s2] =	stream.indirect.scatter.add.f32 [tilespmem:s1], [sflag:$0x5], $0x48, s24, s17, $0xb8;
	[tilespmem:$0x1BF30] =	vst v63  }
0x167: {  	s6 =	sadd.s32 @!p1 $0x100, s13;
	s7 =	simm.s32 @!p1 $0x7D;
	s8 =	simm.s32 @!p1 $0x5000  }
0x168: {  	[tilespmem:s8], [sflag:$0x1] =	stream.indirect.gather @!p1 [hbm4b:s4+s7], $0x48, s6, s7, $0xb8;
	[tilespmem:$0x1BF30] =	vst v63  }
0x169: {  	s6 =	sadd.s32 @!p1 $0x2900, s13;
	s8 =	simm.s32 @!p1 $0x9650  }
0x16a: {  	[tilespmem:s8], [sflag:$0x3] =	stream.indirect.gather @!p1 [hbm4b:s5+s7], $0x10, s6, s7, $0xb8;
	[tilespmem:$0x1BF30] =	vst v63  }
0x16b: {  	_ =	swait.ge [sflag:s0], $0x2328  }
0x16c: {  	[sflag:s0] =	ssyncset.done $0x0  }
0x16d: {  	[sflag:s0] =	ssyncadd.s32 $0xFFFFDCD8  }
0x16e: {  	_ =	swait.ge [sflag:s18], $0x7D0  }
0x16f: {  	[sflag:s18] =	ssyncset.done $0x0  }
0x170: {  	s6 =	simm.s32 @!p0 $0x6;
	[sflag:s18] =	ssyncadd.s32 $0xFFFFF830  }
0x171: {  	_ =	swait.ge @!p0 [sflag:s6], $0x2328  }
0x172: {  	[sflag:s6] =	ssyncset.done @!p0 $0x0  }
0x173: {  	s23 =	simm.s32 $0x73E0;
	[sflag:s6] =	ssyncadd.s32 @!p0 $0xFFFFDCD8  }
0x174: {  	s25 =	simm.s32 $0x9E40;
	v5 =	vld [tilespmem:s23+$0x68]  }
0x175: {  	v6 =	vld [tilespmem:s25+$0x20];
	_ =	sdelay $0x3  }
0x176: {  	v8 =	vld [tilespmem:s23+$0xFFFFFF90]  }
0x177: {  	v9 =	vld [tilespmem:s25+$0xFFFFFFF0];
	v5 =	vadd.f32 v6, v5  }
0x178: {  	v10 =	vld [tilespmem:s25+$0x0]  }
0x179: {  	v6 =	vld [tilespmem:s23+$0xFFFFFFD8];
	v11 =	vmul.f32 $2.000000030e-01, v5  }
0x17a: {  	v7 =	vld [tilespmem:s25+$0xFFFFFFE0]  }
0x17b: {  	v12 =	vld [tilespmem:s23+$0x20];
	v5 =	vmax.f32 v5, v11  }
0x17c: {  	v13 =	vld [tilespmem:s25+$0x10];
	v5 =	vmul.f32 $1.442695020e+00, v5  }
0x17d: {  	s7 =	simm.s32 $0x4;
	v8 =	vadd.f32 v9, v8;
	v11 =	vld [tilespmem:s23+$0xFFFFFF48]  }
0x17e: {  	v9 =	vmov s7;
	v6 =	vadd.f32 v10, v6;
	(erf) = vpow2.f32 v5  }
0x17f: {  	v9 =	vmul.u32 $0x48, v9;
	v5 =	vmul.f32 $2.000000030e-01, v8  }
0x180: {  	v10 =	vmul.f32 $2.000000030e-01, v6  }
0x181: {  	v12 =	vadd.f32 v13, v12;
	v9 =	vbroadcast v9, $0x0;
	v5 =	vmax.f32 v8, v5  }
0x182: {  	s8 =	simm.s32 $0x1;
	v7 =	vadd.f32 v7, v11;
	v6 =	vmax.f32 v6, v10;
	v5 =	vmul.f32 $1.442695020e+00, v5  }
0x183: {  	v8 =	vmov s8;
	v10 =	vmul.f32 $2.000000030e-01, v12;
	v6 =	vmul.f32 $1.442695020e+00, v6  }
0x184: {  	v11 =	vmul.f32 $2.000000030e-01, v7;
	(erf) = vpow2.f32 v5;
	v5 =	vor.u32 v1, v9  }
0x185: {  	v8 =	vmul.u32 $0x48, v8;
	v10 =	vmax.f32 v12, v10  }
0x186: {  	s9 =	simm.s32 $0x2;
	v10 =	vmul.f32 $1.442695020e+00, v10;
	v7 =	vmax.f32 v7, v11;
	(erf) = vpow2.f32 v6  }
0x187: {  	s21 =	simm.s32 $0xC9D0;
	v6 =	vmov s9;
	v7 =	vmul.f32 $1.442695020e+00, v7;
	v12 =	vpop (erf)  }
0x188: {  	v11 =	vbroadcast v8, $0x0;
	v6 =	vmul.u32 $0x48, v6;
	(erf) = vpow2.f32 v10;
	[tilespmem:s21+$0x68] =	vst v12  }
0x189: {  	s22 =	simm.s32 $0x0;
	(erf) = vpow2.f32 v7;
	v7 =	vld.idx.msk [tilespmem:v5+s19+$0x0], $0xffff  }
0x18a: {  	v8 =	vor.u32 v1, v11;
	v5 =	vbroadcast v6, $0x0;
	v6 =	vmov s22;
	v10 =	vld [tilespmem:s23+$0x70]  }
0x18b: {  	v6 =	vmul.u32 $0x48, v6  }
0x18c: {  	s24 =	simm.s32 $0x3;
	s25 =	simm.s32 $0x9E90;
	v12 =	vor.u32 v1, v5  }
0x18d: {  	v23 =	vld [tilespmem:s25+$0xFFFFFFF0];
	v13 =	vmov s24;
	s22 =	simm.s32 $0x7548;
	v14 =	vpop (erf);
	v15 =	vbroadcast v6, $0x0;
	v6 =	vor.u32 v2, v9  }
0x18e: {  	v13 =	vmul.u32 $0x48, v13;
	v22 =	vld [tilespmem:s22+$0xFFFFFF90];
	[tilespmem:s21+$0xFFFFFF90] =	vst v14  }
0x18f: {  	v14 =	vpop (erf);
	v8 =	vld.idx.msk [tilespmem:v8+s19+$0x0], $0xffff;
	v10 =	vmul.f32 v10, v7  }
0x190: {  	v16 =	vor.u32 v1, v15;
	v7 =	vbroadcast v13, $0x0;
	v13 =	vld [tilespmem:s23+$0xFFFFFF98];
	[tilespmem:s21+$0xFFFFFFD8] =	vst v14  }
0x191: {  	v14 =	vpop (erf);
	v12 =	vld.idx.msk [tilespmem:v12+s19+$0x0], $0xffff;
	[tilespmem:s21+$0x70] =	vst v10  }
0x192: {  	v17 =	vpop (erf);
	v6 =	vld.idx.msk [tilespmem:v6+s19+$0x0], $0xffff  }
0x193: {  	v10 =	vor.u32 v1, v7;
	[tilespmem:s21+$0xFFFFFF48] =	vst v17;
	v17 =	vld [tilespmem:s23+$0x80]  }
0x194: {  	v18 =	vor.u32 v2, v11;
	v19 =	vld [tilespmem:s23+$0xFFFFFF50]  }
0x195: {  	v16 =	vld.idx.msk [tilespmem:v16+s19+$0x0], $0xffff  }
0x196: {  	v8 =	vmul.f32 v13, v8;
	v13 =	vld [tilespmem:s23+$0xFFFFFFE0]  }
0x197: {  	v47 =	vld [tilespmem:s22+$0x20];
	[tilespmem:s21+$0x20] =	vst v14;
	v14 =	vor.u32 v3, v9  }
0x198: {  	v10 =	vld.idx.msk [tilespmem:v10+s19+$0x0], $0xffff;
	[tilespmem:s21+$0xFFFFFF98] =	vst v8  }
0x199: {  	v6 =	vmul.f32 v17, v6;
	v17 =	vld.idx.msk [tilespmem:v18+s19+$0x0], $0xffff;
	v18 =	vor.u32 v2, v5  }
0x19a: {  	v8 =	vld [tilespmem:s23+$0x28];
	v16 =	vmul.f32 v19, v16  }
0x19b: {  	v21 =	vld [tilespmem:s23+$0xFFFFFFA8];
	[tilespmem:s21+$0x80] =	vst v6;
	v6 =	vmul.f32 v13, v12  }
0x19c: {  	v20 =	vor.u32 v2, v15;
	v12 =	vld.idx.msk [tilespmem:v14+s19+$0x0], $0xffff;
	[tilespmem:s21+$0xFFFFFF50] =	vst v16  }
0x19d: {  	[tilespmem:s21+$0xFFFFFFE0] =	vst v6;
	v16 =	vld [tilespmem:s22+$0x68]  }
0x19e: {  	v6 =	vld.idx.msk [tilespmem:v18+s19+$0x0], $0xffff  }
0x19f: {  	v18 =	vld [tilespmem:s25+$0x20]  }
0x1a0: {  	v13 =	vld [tilespmem:s23+$0x90]  }
0x1a1: {  	v14 =	vld.idx.msk [tilespmem:v20+s19+$0x0], $0xffff  }
0x1a2: {  	v19 =	vld [tilespmem:s23+$0xFFFFFF60]  }
0x1a3: {  	v20 =	vld [tilespmem:s23+$0xFFFFFFF0]  }
0x1a4: {  	v8 =	vmul.f32 v8, v10;
	v10 =	vmul.f32 v21, v17;
	v17 =	vld [tilespmem:s25+$0x10];
	v16 =	vadd.f32 v18, v16  }
0x1a5: {  	s8 =	simm.s32 $0x9;
	v45 =	vld [tilespmem:s22+$0xFFFFFFD8]  }
0x1a6: {  	v49 =	vmov s8;
	v9 =	vor.u32 v4, v9;
	v18 =	vld [tilespmem:s25+$0x0];
	v48 =	vmul.f32 $2.000000030e-01, v16  }
0x1a7: {  	v46 =	vor.u32 v2, v7;
	v12 =	vmul.f32 v13, v12;
	v13 =	vmul.f32 v19, v14  }
0x1a8: {  	s7 =	simm.s32 $0x6;
	v6 =	vmul.f32 v20, v6;
	v19 =	vadd.f32 v23, v22;
	v14 =	vmax.f32 v16, v48  }
0x1a9: {  	v22 =	vmov s7;
	v23 =	vld [tilespmem:s22+$0xFFFFFF48];
	v17 =	vadd.f32 v17, v47;
	v14 =	vmul.f32 $1.442695020e+00, v14  }
0x1aa: {  	[tilespmem:s21+$0x28] =	vst v8;
	v20 =	vor.u32 v3, v15;
	v22 =	vmul.u32 $0x48, v22;
	v8 =	vmul.f32 $2.000000030e-01, v19;
	v16 =	vld [tilespmem:s25+$0xFFFFFFE0]  }
0x1ab: {  	[tilespmem:s21+$0x90] =	vst v12;
	v26 =	vmul.f32 $2.000000030e-01, v17;
	v18 =	vadd.f32 v18, v45;
	(erf) = vpow2.f32 v14  }
0x1ac: {  	v21 =	vor.u32 v3, v11;
	v50 =	vld.idx.msk [tilespmem:v9+s19+$0x0], $0xffff;
	[tilespmem:s21+$0xFFFFFFF0] =	vst v6;
	v6 =	vbroadcast v22, $0x0;
	v8 =	vmax.f32 v19, v8  }
0x1ad: {  	[tilespmem:s21+$0xFFFFFF60] =	vst v13;
	v13 =	vld [tilespmem:s23+$0x38];
	v19 =	vmul.u32 $0x48, v49;
	v17 =	vmax.f32 v17, v26;
	v9 =	vmul.f32 $2.000000030e-01, v18  }
0x1ae: {  	v12 =	vor.u32 v3, v5;
	v22 =	vld [tilespmem:s23+$0xFFFFFF70];
	v8 =	vmul.f32 $1.442695020e+00, v8;
	v17 =	vmul.f32 $1.442695020e+00, v17  }
0x1af: {  	[tilespmem:s21+$0xFFFFFFA8] =	vst v10;
	v10 =	vld.idx.msk [tilespmem:v20+s19+$0x0], $0xffff;
	v16 =	vadd.f32 v16, v23;
	v9 =	vmax.f32 v18, v9;
	v18 =	vbroadcast v19, $0x0  }
0x1b0: {  	s9 =	simm.s32 $0x7;
	v14 =	vld.idx.msk [tilespmem:v46+s19+$0x0], $0xffff;
	(erf) = vpow2.f32 v8;
	v9 =	vmul.f32 $1.442695020e+00, v9  }
0x1b1: {  	v19 =	vld.idx.msk [tilespmem:v21+s19+$0x0], $0xffff;
	v21 =	vmov s9;
	v8 =	vmul.f32 $2.000000030e-01, v16;
	v20 =	vor.u32 v1, v18  }
0x1b2: {  	(erf) = vpow2.f32 v9  }
0x1b3: {  	s24 =	simm.s32 $0x8;
	v51 =	vld [tilespmem:s23+$0xA0];
	v8 =	vmax.f32 v16, v8;
	(erf) = vpow2.f32 v17;
	v17 =	vmul.u32 $0x48, v21  }
0x1b4: {  	v23 =	vld.idx.msk [tilespmem:v12+s19+$0x0], $0xffff;
	v12 =	vor.u32 v3, v7;
	v9 =	vmov s24;
	s24 =	simm.s32 $0xCB38;
	v8 =	vmul.f32 $1.442695020e+00, v8;
	v21 =	vpop (erf)  }
0x1b5: {  	v52 =	vld [tilespmem:s23+$0x0];
	v13 =	vmul.f32 v13, v14;
	v14 =	vmul.u32 $0x48, v9;
	v9 =	vbroadcast v17, $0x0;
	[tilespmem:s24+$0x68] =	vst v21  }
0x1b6: {  	v15 =	vor.u32 v4, v15;
	(erf) = vpow2.f32 v8;
	v8 =	vmul.f32 v22, v10;
	v17 =	vld.idx.msk [tilespmem:v20+s19+$0x0], $0xffff  }
0x1b7: {  	s25 =	simm.s32 $0x5;
	v10 =	vbroadcast v14, $0x0;
	v21 =	vor.u32 v1, v6;
	v14 =	vld [tilespmem:s22+$0x70]  }
0x1b8: {  	v16 =	vld [tilespmem:s23+$0xFFFFFFB8];
	[tilespmem:s21+$0x38] =	vst v13;
	v13 =	vmov s25  }
0x1b9: {  	v13 =	vmul.u32 $0x48, v13;
	v54 =	vld [tilespmem:s23+$0x48];
	v20 =	vor.u32 v1, v9  }
0x1ba: {  	v22 =	vld.idx.msk [tilespmem:v12+s19+$0x0], $0xffff;
	[tilespmem:s21+$0xFFFFFF70] =	vst v8;
	v8 =	vpop (erf)  }
0x1bb: {  	v12 =	vbroadcast v13, $0x0;
	v13 =	vor.u32 v2, v18;
	[tilespmem:s24+$0xFFFFFF90] =	vst v8;
	v8 =	vld.idx.msk [tilespmem:v15+s19+$0x0], $0xffff  }
0x1bc: {  	v15 =	vld.idx.msk [tilespmem:v21+s19+$0x0], $0xffff;
	v21 =	vpop (erf);
	v14 =	vmul.f32 v14, v17  }
0x1bd: {  	v55 =	vor.u32 v1, v12;
	v56 =	vld [tilespmem:s22+$0xFFFFFF98];
	[tilespmem:s24+$0xFFFFFFD8] =	vst v21  }
0x1be: {  	v20 =	vld.idx.msk [tilespmem:v20+s19+$0x0], $0xffff  }
0x1bf: {  	v53 =	vor.u32 v1, v10;
	v17 =	vpop (erf);
	v59 =	vld [tilespmem:s22+$0xFFFFFFE0];
	[tilespmem:s24+$0x70] =	vst v14  }
0x1c0: {  	v13 =	vld.idx.msk [tilespmem:v13+s19+$0x0], $0xffff;
	v14 =	vpop (erf)  }
0x1c1: {  	v11 =	vor.u32 v4, v11;
	v21 =	vld [tilespmem:s22+$0x80];
	[tilespmem:s24+$0xFFFFFF48] =	vst v14  }
0x1c2: {  	v16 =	vmul.f32 v16, v19;
	v14 =	vor.u32 v2, v6;
	v57 =	vld.idx.msk [tilespmem:v55+s19+$0x0], $0xffff  }
0x1c3: {  	[tilespmem:s24+$0x20] =	vst v17;
	v15 =	vmul.f32 v56, v15;
	v58 =	vld [tilespmem:s22+$0xFFFFFF50]  }
0x1c4: {  	v60 =	vor.u32 v3, v18;
	[tilespmem:s21+$0xFFFFFFB8] =	vst v16;
	v17 =	vld.idx.msk [tilespmem:v53+s19+$0x0], $0xffff  }
0x1c5: {  	[tilespmem:s24+$0xFFFFFF98] =	vst v15;
	v15 =	vld [tilespmem:s22+$0x28]  }
0x1c6: {  	v19 =	vor.u32 v2, v12;
	v11 =	vld.idx.msk [tilespmem:v11+s19+$0x0], $0xffff;
	v13 =	vmul.f32 v21, v13  }
0x1c7: {  	v61 =	vld.idx.msk [tilespmem:v14+s19+$0x0], $0xffff;
	v14 =	vor.u32 v2, v9  }
0x1c8: {  	v21 =	vld [tilespmem:s22+$0xFFFFFFA8];
	[tilespmem:s24+$0x80] =	vst v13;
	v13 =	vor.u32 v2, v10;
	v16 =	vmul.f32 v58, v57  }
0x1c9: {  	v20 =	vmul.f32 v59, v20;
	v62 =	vld.idx.msk [tilespmem:v60+s19+$0x0], $0xffff  }
0x1ca: {  	v15 =	vmul.f32 v15, v17;
	v63 =	vld [tilespmem:s22+$0x90];
	[tilespmem:s24+$0xFFFFFF50] =	vst v16  }
0x1cb: {  	[tilespmem:s24+$0xFFFFFFE0] =	vst v20;
	v17 =	vld.idx.msk [tilespmem:v19+s19+$0x0], $0xffff  }
0x1cc: {  	[tilespmem:s24+$0x28] =	vst v15;
	v19 =	vmul.f32 v51, v50;
	v16 =	vld.idx.msk [tilespmem:v14+s19+$0x0], $0xffff  }
0x1cd: {  	v15 =	vmul.f32 v52, v23;
	v14 =	vld.idx.msk [tilespmem:v13+s19+$0x0], $0xffff;
	v13 =	vor.u32 v4, v18  }
0x1ce: {  	v20 =	vmul.f32 v54, v22;
	[tilespmem:s21+$0xA0] =	vst v19;
	v19 =	vld [tilespmem:s22+$0xFFFFFF60]  }
0x1cf: {  	s25 =	simm.s32 $0x76B0;
	[tilespmem:s21+$0x0] =	vst v15;
	v18 =	vld [tilespmem:s22+$0xFFFFFFF0];
	v15 =	vmul.f32 v63, v62  }
0x1d0: {  	s7 =	simm.s32 $0x9EE0;
	[tilespmem:s21+$0x48] =	vst v20;
	v20 =	vld [tilespmem:s25+$0x68];
	v22 =	vmul.f32 v21, v61  }
0x1d1: {  	v21 =	vld [tilespmem:s7+$0x20];
	[tilespmem:s24+$0x90] =	vst v15  }
0x1d2: {  	s28 =	simm.s32 $0xCB38;
	s6 =	simm.s32 $0xA;
	s8 =	simm.s32 $0xF;
	[tilespmem:s24+$0xFFFFFFA8] =	vst v22;
	v13 =	vld.idx.msk [tilespmem:v13+s19+$0x0], $0xffff  }
.LBB2_7:
0x1d3: {  	p0 =	slt.u32 s8, $0x78;
	v15 =	vmul.f32 v19, v17;
	v17 =	vld [tilespmem:s22+$0xA0]  }
0x1d4: {  	v19 =	vld [tilespmem:s7+$0xFFFFFFE0];
	v16 =	vmul.f32 v18, v16  }
0x1d5: {  	v18 =	vld [tilespmem:s25+$0xFFFFFF90];
	[tilespmem:s24+$0xFFFFFF60] =	vst v15  }
0x1d6: {  	v15 =	vld [tilespmem:s7+$0xFFFFFFF0];
	[tilespmem:s24+$0xFFFFFFF0] =	vst v16  }
0x1d7: {  	v20 =	vadd.f32 v21, v20;
	v16 =	vld [tilespmem:s25+$0xFFFFFFD8]  }
0x1d8: {  	v22 =	vor.u32 v3, v12;
	v21 =	vld [tilespmem:s7+$0x0];
	v13 =	vmul.f32 v17, v13  }
0x1d9: {  	s9 =	sadd.s32 $0x1, s6;
	v24 =	vor.u32 v3, v6;
	v23 =	vmul.f32 $2.000000030e-01, v20;
	v17 =	vld [tilespmem:s25+$0x20]  }
0x1da: {  	v27 =	vor.u32 v3, v9;
	v25 =	vmov s9;
	v26 =	vld [tilespmem:s7+$0x10];
	[tilespmem:s24+$0xA0] =	vst v13  }
0x1db: {  	s9 =	sadd.s32 $0x2, s6;
	v20 =	vmax.f32 v20, v23;
	v13 =	vld [tilespmem:s25+$0xFFFFFF48];
	v18 =	vadd.f32 v15, v18;
	v15 =	vmul.u32 $0x48, v25  }
0x1dc: {  	v23 =	vmov s9;
	v20 =	vmul.f32 $1.442695020e+00, v20;
	v25 =	vld [tilespmem:s22+$0x38]  }
0x1dd: {  	v28 =	vmul.f32 $2.000000030e-01, v18;
	v15 =	vbroadcast v15, $0x0;
	v16 =	vadd.f32 v21, v16;
	v21 =	vld.idx.msk [tilespmem:v22+s19+$0x0], $0xffff  }
0x1de: {  	s9 =	sadd.s32 $0x4, s6;
	v22 =	vor.u32 v4, v5;
	v5 =	vmovc v9;
	(erf) = vpow2.f32 v20;
	v20 =	vld.idx.msk [tilespmem:v24+s19+$0x0], $0xffff;
	v24 =	vor.u32 v4, v7  }
0x1df: {  	v7 =	vmovc v10;
	v9 =	vmul.f32 $2.000000030e-01, v16;
	v17 =	vadd.f32 v26, v17;
	v26 =	vmov s9;
	v27 =	vld.idx.msk [tilespmem:v27+s19+$0x0], $0xffff  }
0x1e0: {  	v10 =	vadd.f32 v19, v13;
	v13 =	vmax.f32 v18, v28;
	v18 =	vmul.u32 $0x48, v26;
	v19 =	vld [tilespmem:s22+$0xFFFFFF70]  }
0x1e1: {  	s9 =	sadd.s32 $0x3, s6;
	v26 =	vmul.f32 $1.442695020e+00, v13;
	v9 =	vmax.f32 v16, v9;
	v16 =	vmul.f32 $2.000000030e-01, v17;
	v28 =	vld [tilespmem:s22+$0xFFFFFFB8]  }
0x1e2: {  	v30 =	vmov s9;
	v29 =	vmul.f32 $2.000000030e-01, v10;
	v13 =	vbroadcast v18, $0x0;
	v18 =	vld [tilespmem:s22+$0x0]  }
0x1e3: {  	v9 =	vmul.f32 $1.442695020e+00, v9;
	v16 =	vmax.f32 v17, v16;
	(erf) = vpow2.f32 v26;
	v17 =	vld.idx.msk [tilespmem:v22+s19+$0x0], $0xffff  }
0x1e4: {  	v10 =	vmax.f32 v10, v29;
	v16 =	vmul.f32 $1.442695020e+00, v16;
	v22 =	vor.u32 v1, v13;
	v24 =	vld.idx.msk [tilespmem:v24+s19+$0x0], $0xffff  }
0x1e5: {  	v23 =	vmul.u32 $0x48, v23;
	v10 =	vmul.f32 $1.442695020e+00, v10;
	(erf) = vpow2.f32 v9;
	v26 =	vld [tilespmem:s23+$0xFFFFFF80]  }
0x1e6: {  	v14 =	vmul.f32 v25, v14;
	(erf) = vpow2.f32 v16;
	v16 =	vor.u32 v3, v7;
	v25 =	vld [tilespmem:s23+$0xFFFFFFC8]  }
0x1e7: {  	s24 =	sadd.s32 $0x168, s24;
	v29 =	vmul.u32 $0x48, v30;
	v19 =	vmul.f32 v19, v21;
	(erf) = vpow2.f32 v10;
	v9 =	vpop (erf);
	v21 =	vld [tilespmem:s23+$0x10]  }
0x1e8: {  	v30 =	vor.u32 v4, v12;
	v12 =	vmul.f32 v28, v20;
	v18 =	vmul.f32 v18, v27;
	[tilespmem:s24+$0x68] =	vst v9;
	v20 =	vld [tilespmem:s23+$0x58];
	s23 =	smov.u32 s22;
	s22 =	smov.u32 s25  }
0x1e9: {  	v27 =	vor.u32 v1, v15;
	v9 =	vbroadcast v23, $0x0;
	v22 =	vld.idx.msk [tilespmem:v22+s19+$0x0], $0xffff;
	[tilespmem:s28+$0x38] =	vst v14  }
0x1ea: {  	v10 =	vbroadcast v29, $0x0;
	v14 =	vmov s6;
	s6 =	smov.u32 s8;
	v23 =	vld [tilespmem:s25+$0x70];
	[tilespmem:s28+$0xFFFFFF70] =	vst v19;
	v19 =	vmul.f32 v26, v8  }
0x1eb: {  	v8 =	vmul.u32 $0x48, v14;
	v14 =	vor.u32 v1, v9;
	[tilespmem:s28+$0xFFFFFFB8] =	vst v12;
	v16 =	vld.idx.msk [tilespmem:v16+s19+$0x0], $0xffff;
	v11 =	vmul.f32 v25, v11  }
0x1ec: {  	v25 =	vor.u32 v1, v10;
	v26 =	vpop (erf);
	[tilespmem:s28+$0x0] =	vst v18;
	v18 =	vld [tilespmem:s23+$0x48];
	v17 =	vmul.f32 v21, v17  }
0x1ed: {  	v12 =	vbroadcast v8, $0x0;
	v21 =	vor.u32 v2, v13;
	[tilespmem:s24+$0xFFFFFF90] =	vst v26;
	v8 =	vld.idx.msk [tilespmem:v30+s19+$0x0], $0xffff;
	v20 =	vmul.f32 v20, v24  }
0x1ee: {  	v24 =	vld.idx.msk [tilespmem:v27+s19+$0x0], $0xffff;
	v26 =	vpop (erf);
	[tilespmem:s21+$0xFFFFFF80] =	vst v19  }
0x1ef: {  	v19 =	vor.u32 v1, v12;
	v27 =	vld [tilespmem:s25+$0xFFFFFF98];
	[tilespmem:s24+$0xFFFFFFD8] =	vst v26;
	v22 =	vmul.f32 v23, v22;
	v23 =	vpop (erf)  }
0x1f0: {  	v14 =	vld.idx.msk [tilespmem:v14+s19+$0x0], $0xffff;
	[tilespmem:s24+$0x20] =	vst v23;
	v23 =	vpop (erf)  }
0x1f1: {  	v25 =	vld.idx.msk [tilespmem:v25+s19+$0x0], $0xffff;
	[tilespmem:s24+$0x70] =	vst v22;
	v16 =	vmul.f32 v18, v16  }
0x1f2: {  	[tilespmem:s24+$0xFFFFFF48] =	vst v23;
	v18 =	vld.idx.msk [tilespmem:v21+s19+$0x0], $0xffff  }
0x1f3: {  	v21 =	vor.u32 v2, v15;
	v22 =	vld [tilespmem:s25+$0x80];
	[tilespmem:s28+$0x48] =	vst v16  }
0x1f4: {  	v16 =	vld.idx.msk [tilespmem:v19+s19+$0x0], $0xffff;
	v19 =	vmul.f32 v27, v24;
	[tilespmem:s21+$0xFFFFFFC8] =	vst v11  }
0x1f5: {  	v23 =	vor.u32 v4, v6;
	v6 =	vmov v15;
	v11 =	vld [tilespmem:s25+$0xFFFFFF50];
	[tilespmem:s21+$0x10] =	vst v17  }
0x1f6: {  	v17 =	vor.u32 v3, v13;
	[tilespmem:s24+$0xFFFFFF98] =	vst v19;
	v15 =	vld [tilespmem:s25+$0xFFFFFFE0]  }
0x1f7: {  	v19 =	vld [tilespmem:s25+$0x28];
	[tilespmem:s21+$0x58] =	vst v20;
	s21 =	smov.u32 s28;
	s28 =	smov.u32 s24  }
0x1f8: {  	v20 =	vor.u32 v2, v12;
	v21 =	vld.idx.msk [tilespmem:v21+s19+$0x0], $0xffff;
	v18 =	vmul.f32 v22, v18  }
0x1f9: {  	v24 =	vor.u32 v2, v9;
	v22 =	vld [tilespmem:s25+$0xFFFFFFA8]  }
0x1fa: {  	v26 =	vor.u32 v2, v10;
	v16 =	vmul.f32 v11, v16;
	[tilespmem:s24+$0x80] =	vst v18;
	v11 =	vld.idx.msk [tilespmem:v23+s19+$0x0], $0xffff  }
0x1fb: {  	v14 =	vmul.f32 v15, v14;
	v15 =	vld.idx.msk [tilespmem:v17+s19+$0x0], $0xffff  }
0x1fc: {  	[tilespmem:s24+$0xFFFFFF50] =	vst v16;
	v18 =	vmul.f32 v19, v25;
	v23 =	vld [tilespmem:s25+$0x90]  }
0x1fd: {  	v17 =	vld.idx.msk [tilespmem:v20+s19+$0x0], $0xffff;
	[tilespmem:s24+$0xFFFFFFE0] =	vst v14  }
0x1fe: {  	v20 =	vmul.f32 v22, v21;
	v16 =	vld.idx.msk [tilespmem:v24+s19+$0x0], $0xffff;
	[tilespmem:s24+$0x28] =	vst v18  }
0x1ff: {  	v13 =	vor.u32 v4, v13;
	v14 =	vld.idx.msk [tilespmem:v26+s19+$0x0], $0xffff  }
.Ltmp4:
0x200: {  	v19 =	vld [tilespmem:s25+$0xFFFFFF60];
	[tilespmem:s24+$0xFFFFFFA8] =	vst v20;
	(pc) =	sbr.rel @p0 .LBB2_7-.Ltmp4, $4  }
0x201: {  	s25 =	sadd.s32 $0x168, s25;
	v18 =	vld [tilespmem:s22+$0xFFFFFFF0];
	v15 =	vmul.f32 v23, v15  }
0x202: {  	s7 =	sadd.s32 $0x50, s7;
	v20 =	vld [tilespmem:s25+$0x68]  }
0x203: {  	v21 =	vld [tilespmem:s7+$0x20];
	[tilespmem:s24+$0x90] =	vst v15  }
0x204: {  	s8 =	sadd.s32 $0x5, s8;
	v13 =	vld.idx.msk [tilespmem:v13+s19+$0x0], $0xffff  }
0x205: {  	v15 =	vld [tilespmem:s22+$0xA0]  }
0x206: {  	v22 =	vld [tilespmem:s7+$0xFFFFFFE0]  }
0x207: {  	v23 =	vld [tilespmem:s25+$0xFFFFFF90]  }
0x208: {  	v37 =	vld [tilespmem:s7+$0xFFFFFFF0]  }
0x209: {  	v24 =	vld [tilespmem:s25+$0xFFFFFFD8];
	v20 =	vadd.f32 v21, v20  }
0x20a: {  	v26 =	vld [tilespmem:s7+$0x0]  }
0x20b: {  	v27 =	vor.u32 v3, v12;
	v28 =	vld [tilespmem:s25+$0x20];
	v25 =	vmul.f32 $2.000000030e-01, v20  }
0x20c: {  	v29 =	vor.u32 v3, v6;
	v17 =	vmul.f32 v19, v17;
	v38 =	vld [tilespmem:s7+$0x10]  }
0x20d: {  	v39 =	vor.u32 v3, v9;
	v30 =	vld [tilespmem:s25+$0xFFFFFF48];
	v40 =	vadd.f32 v37, v23;
	v20 =	vmax.f32 v20, v25  }
0x20e: {  	v41 =	vld [tilespmem:s22+$0x38];
	[tilespmem:s24+$0xFFFFFF60] =	vst v17;
	v20 =	vmul.f32 $1.442695020e+00, v20  }
0x20f: {  	v16 =	vmul.f32 v18, v16;
	v46 =	vld [tilespmem:s22+$0xFFFFFF70];
	v44 =	vmul.f32 $2.000000030e-01, v40  }
0x210: {  	s9 =	sadd.s32 $0x4, s6;
	v5 =	vor.u32 v4, v5;
	v42 =	vld.idx.msk [tilespmem:v27+s19+$0x0], $0xffff;
	(erf) = vpow2.f32 v20  }
0x211: {  	v7 =	vor.u32 v4, v7;
	v43 =	vmov s9;
	[tilespmem:s24+$0xFFFFFFF0] =	vst v16;
	v23 =	vld.idx.msk [tilespmem:v29+s19+$0x0], $0xffff;
	v16 =	vmax.f32 v40, v44  }
0x212: {  	s8 =	sadd.s32 $0x1, s6;
	v45 =	vmul.u32 $0x48, v43;
	v17 =	vld.idx.msk [tilespmem:v39+s19+$0x0], $0xffff;
	v16 =	vmul.f32 $1.442695020e+00, v16  }
0x213: {  	v49 =	vmov s8;
	v24 =	vadd.f32 v26, v24;
	v27 =	vld [tilespmem:s22+$0xFFFFFFB8]  }
0x214: {  	v19 =	vadd.f32 v38, v28;
	v29 =	vld [tilespmem:s22+$0x0];
	v25 =	vbroadcast v45, $0x0;
	(erf) = vpow2.f32 v16  }
0x215: {  	v50 =	vmul.u32 $0x48, v49;
	v22 =	vadd.f32 v22, v30;
	v5 =	vld.idx.msk [tilespmem:v5+s19+$0x0], $0xffff;
	v14 =	vmul.f32 v41, v14  }
0x216: {  	v7 =	vld.idx.msk [tilespmem:v7+s19+$0x0], $0xffff;
	v26 =	vmul.f32 $2.000000030e-01, v24;
	v28 =	vmul.f32 $2.000000030e-01, v19;
	v47 =	vor.u32 v1, v25  }
0x217: {  	v30 =	vld [tilespmem:s23+$0x10];
	v48 =	vmul.f32 $2.000000030e-01, v22;
	[tilespmem:s28+$0x38] =	vst v14  }
0x218: {  	v34 =	vld [tilespmem:s22+$0x48];
	v24 =	vmax.f32 v24, v26;
	v19 =	vmax.f32 v19, v28;
	v28 =	vbroadcast v50, $0x0  }
0x219: {  	s7 =	sadd.s32 $0x168, s24;
	v56 =	vor.u32 v4, v12;
	v51 =	vmax.f32 v22, v48;
	v22 =	vld [tilespmem:s23+$0xFFFFFF80];
	v24 =	vmul.f32 $1.442695020e+00, v24;
	v52 =	vpop (erf)  }
0x21a: {  	v53 =	vor.u32 v3, v10;
	v20 =	vld [tilespmem:s23+$0x58];
	v58 =	vor.u32 v1, v28;
	[tilespmem:s7+$0x68] =	vst v52  }
0x21b: {  	v32 =	vmov s6;
	s8 =	sadd.s32 $0x2, s6;
	v18 =	vmul.f32 v46, v42;
	(erf) = vpow2.f32 v24;
	v55 =	vld.idx.msk [tilespmem:v47+s19+$0x0], $0xffff  }
0x21c: {  	v6 =	vor.u32 v4, v6;
	v54 =	vmov s8;
	v41 =	vor.u32 v4, v9;
	v57 =	vld [tilespmem:s25+$0x70]  }
0x21d: {  	s9 =	sadd.s32 $0x3, s6;
	v26 =	vmul.u32 $0x48, v54;
	v19 =	vmul.f32 $1.442695020e+00, v19;
	v31 =	vmul.f32 $1.442695020e+00, v51;
	v16 =	vld [tilespmem:s23+$0xFFFFFFC8];
	[tilespmem:s28+$0xFFFFFF70] =	vst v18;
	v61 =	vpop (erf)  }
0x21e: {  	v60 =	vmov s9;
	v23 =	vmul.f32 v27, v23;
	v17 =	vmul.f32 v29, v17;
	v12 =	vld.idx.msk [tilespmem:v56+s19+$0x0], $0xffff;
	[tilespmem:s7+$0xFFFFFF90] =	vst v61  }
0x21f: {  	v33 =	vor.u32 v2, v25;
	v26 =	vbroadcast v26, $0x0;
	(erf) = vpow2.f32 v19;
	v63 =	vld.idx.msk [tilespmem:v58+s19+$0x0], $0xffff  }
0x220: {  	v59 =	vmul.u32 $0x48, v32;
	v32 =	vmul.u32 $0x48, v60;
	[tilespmem:s28+$0xFFFFFFB8] =	vst v23;
	v36 =	vld [tilespmem:s25+$0xFFFFFF98]  }
0x221: {  	[tilespmem:s28+$0x0] =	vst v17;
	v35 =	vor.u32 v1, v26;
	v6 =	vld.idx.msk [tilespmem:v6+s19+$0x0], $0xffff;
	(erf) = vpow2.f32 v31;
	v62 =	vmul.f32 v57, v55  }
0x222: {  	v9 =	vld.idx.msk [tilespmem:v41+s19+$0x0], $0xffff  }
0x223: {  	v46 =	vor.u32 v2, v28;
	v24 =	vld.idx.msk [tilespmem:v53+s19+$0x0], $0xffff;
	v19 =	vbroadcast v32, $0x0;
	[tilespmem:s7+$0x70] =	vst v62  }
0x224: {  	v43 =	vpop (erf);
	v33 =	vld.idx.msk [tilespmem:v33+s19+$0x0], $0xffff  }
0x225: {  	v14 =	vbroadcast v59, $0x0;
	v44 =	vor.u32 v1, v19;
	v21 =	vmul.f32 v36, v63;
	[tilespmem:s7+$0xFFFFFFD8] =	vst v43;
	v38 =	vld [tilespmem:s25+$0x80]  }
0x226: {  	v35 =	vld.idx.msk [tilespmem:v35+s19+$0x0], $0xffff  }
0x227: {  	v42 =	vor.u32 v1, v14;
	v48 =	vld [tilespmem:s25+$0xFFFFFFE0];
	[tilespmem:s7+$0xFFFFFF98] =	vst v21  }
0x228: {  	v37 =	vpop (erf);
	v32 =	vld.idx.msk [tilespmem:v46+s19+$0x0], $0xffff  }
0x229: {  	[tilespmem:s7+$0x20] =	vst v37;
	v54 =	vld [tilespmem:s25+$0xFFFFFFA8]  }
0x22a: {  	v39 =	vor.u32 v3, v25;
	v45 =	vpop (erf);
	v18 =	vld.idx.msk [tilespmem:v44+s19+$0x0], $0xffff  }
0x22b: {  	[tilespmem:s7+$0xFFFFFF48] =	vst v45;
	v49 =	vld [tilespmem:s25+$0x28]  }
0x22c: {  	v31 =	vld.idx.msk [tilespmem:v42+s19+$0x0], $0xffff;
	v42 =	vor.u32 v4, v10;
	v33 =	vmul.f32 v38, v33  }
0x22d: {  	v51 =	vor.u32 v2, v26;
	v47 =	vld [tilespmem:s25+$0xFFFFFF50]  }
0x22e: {  	v24 =	vmul.f32 v34, v24;
	[tilespmem:s7+$0x80] =	vst v33;
	v32 =	vmul.f32 v54, v32;
	v54 =	vld [tilespmem:s22+$0x10]  }
0x22f: {  	v55 =	vor.u32 v2, v19;
	v35 =	vmul.f32 v48, v35;
	v52 =	vld.idx.msk [tilespmem:v39+s19+$0x0], $0xffff  }
0x230: {  	[tilespmem:s28+$0x48] =	vst v24;
	v53 =	vld [tilespmem:s25+$0x90]  }
0x231: {  	v61 =	vor.u32 v3, v28;
	v18 =	vmul.f32 v49, v18;
	[tilespmem:s7+$0xFFFFFFE0] =	vst v35;
	v10 =	vld.idx.msk [tilespmem:v42+s19+$0x0], $0xffff  }
0x232: {  	v50 =	vor.u32 v2, v14;
	v31 =	vmul.f32 v47, v31;
	v57 =	vld.idx.msk [tilespmem:v51+s19+$0x0], $0xffff  }
0x233: {  	v59 =	vld [tilespmem:s25+$0xFFFFFFF0];
	[tilespmem:s7+$0x28] =	vst v18  }
0x234: {  	[tilespmem:s7+$0xFFFFFF50] =	vst v31;
	v31 =	vld.idx.msk [tilespmem:v55+s19+$0x0], $0xffff  }
0x235: {  	[tilespmem:s7+$0xFFFFFFA8] =	vst v32;
	v39 =	vld [tilespmem:s25+$0x38]  }
0x236: {  	v40 =	vld.idx.msk [tilespmem:v61+s19+$0x0], $0xffff  }
0x237: {  	v25 =	vor.u32 v4, v25;
	v38 =	vld.idx.msk [tilespmem:v50+s19+$0x0], $0xffff  }
0x238: {  	v56 =	vld [tilespmem:s25+$0xFFFFFF60]  }
0x239: {  	v62 =	vor.u32 v3, v26;
	v46 =	vld [tilespmem:s25+$0xFFFFFFB8];
	v58 =	vmul.f32 v53, v52  }
0x23a: {  	v55 =	vld [tilespmem:s22+$0x58]  }
0x23b: {  	v60 =	vor.u32 v3, v14;
	v53 =	vld [tilespmem:s22+$0xFFFFFFC8];
	v21 =	vmul.f32 v59, v57;
	[tilespmem:s7+$0x90] =	vst v58  }
0x23c: {  	v25 =	vld.idx.msk [tilespmem:v25+s19+$0x0], $0xffff  }
0x23d: {  	v45 =	vor.u32 v3, v19;
	v27 =	vmul.f32 v56, v38;
	v63 =	vld [tilespmem:s25+$0xA0];
	[tilespmem:s7+$0xFFFFFFF0] =	vst v21  }
0x23e: {  	v43 =	vld.idx.msk [tilespmem:v62+s19+$0x0], $0xffff  }
0x23f: {  	v47 =	vmul.f32 v39, v31;
	v48 =	vld [tilespmem:s25+$0x0];
	[tilespmem:s7+$0xFFFFFF60] =	vst v27  }
0x240: {  	v13 =	vmul.f32 v15, v13;
	v51 =	vor.u32 v4, v28;
	v18 =	vld.idx.msk [tilespmem:v60+s19+$0x0], $0xffff  }
0x241: {  	v5 =	vmul.f32 v30, v5;
	[tilespmem:s7+$0x38] =	vst v47;
	v44 =	vld [tilespmem:s25+$0xFFFFFF70]  }
0x242: {  	[tilespmem:s24+$0xA0] =	vst v13;
	v26 =	vor.u32 v4, v26;
	v21 =	vmul.f32 v46, v40;
	v17 =	vld.idx.msk [tilespmem:v45+s19+$0x0], $0xffff  }
0x243: {  	[tilespmem:s21+$0x10] =	vst v5;
	v8 =	vmul.f32 v22, v8;
	v49 =	vld [tilespmem:s25+$0x48]  }
0x244: {  	v14 =	vor.u32 v4, v14;
	v50 =	vld [tilespmem:s22+$0xFFFFFF80];
	[tilespmem:s7+$0xFFFFFFB8] =	vst v21;
	v23 =	vmul.f32 v48, v43  }
0x245: {  	[tilespmem:s21+$0xFFFFFF80] =	vst v8;
	v57 =	vld.idx.msk [tilespmem:v51+s19+$0x0], $0xffff;
	v5 =	vmul.f32 v63, v25  }
0x246: {  	v19 =	vor.u32 v4, v19;
	v61 =	vld [tilespmem:s25+$0xFFFFFFC8];
	v52 =	vmul.f32 v44, v18;
	[tilespmem:s7+$0x0] =	vst v23  }
0x247: {  	v7 =	vmul.f32 v20, v7;
	[tilespmem:s7+$0xA0] =	vst v5;
	v58 =	vld.idx.msk [tilespmem:v26+s19+$0x0], $0xffff  }
0x248: {  	v56 =	vmul.f32 v49, v17;
	v5 =	vmul.f32 v53, v6;
	v6 =	vld [tilespmem:s25+$0x10];
	[tilespmem:s7+$0xFFFFFF70] =	vst v52  }
0x249: {  	v11 =	vmul.f32 v16, v11;
	[tilespmem:s21+$0x58] =	vst v7;
	v13 =	vld.idx.msk [tilespmem:v14+s19+$0x0], $0xffff  }
0x24a: {  	v7 =	vmul.f32 v50, v12;
	[tilespmem:s7+$0x48] =	vst v56;
	v60 =	vld [tilespmem:s25+$0xFFFFFF80]  }
0x24b: {  	[tilespmem:s21+$0xFFFFFFC8] =	vst v11;
	v8 =	vmul.f32 v54, v9;
	v59 =	vld.idx.msk [tilespmem:v19+s19+$0x0], $0xffff  }
0x24c: {  	v62 =	vmul.f32 v55, v10;
	[tilespmem:s28+$0xFFFFFF80] =	vst v7;
	v7 =	vld [tilespmem:s25+$0x58]  }
0x24d: {  	[tilespmem:s28+$0x10] =	vst v8  }
0x24e: {  	[tilespmem:s28+$0x58] =	vst v62;
	v63 =	vmul.f32 v61, v57  }
0x24f: {  	[tilespmem:s28+$0xFFFFFFC8] =	vst v5;
	v5 =	vmul.f32 v60, v13  }
.Ltmp5:
0x250: {  	[tilespmem:s7+$0xFFFFFFC8] =	vst v63;
	v6 =	vmul.f32 v6, v58;
	(pc) =	sbr.rel @p1 .LBB2_10-.Ltmp5, $4  }
0x251: {  	[tilespmem:s7+$0xFFFFFF80] =	vst v5;
	v5 =	vmul.f32 v7, v59  }
0x252: {  	[tilespmem:s7+$0x10] =	vst v6  }
0x253: {  	s28 =	sadd.s32 $0x2880, s20;
	[tilespmem:s7+$0x58] =	vst v5  }
0x254: {  	[spmem:s2] =	stream.indirect.scatter.add.f32 [tilespmem:s19], [sflag:$0x6], $0x48, s28, s17, $0xb8;
	[tilespmem:$0x1BF30] =	vst v63  }
.Ltmp6:
0x255: {  	(pc) =	sbr.rel .LBB2_4-.Ltmp6, $4  }
0x256: {  	s6 =	sadd.s32 $0x180, s13  }
0x257: {  	[tilespmem:s26], [sflag:$0x2] =	stream.indirect.gather [hbm4b:s4+s17], $0x48, s6, s17, $0xb8;
	[tilespmem:$0x1BF30] =	vst v63  }
0x258: {  	s28 =	sadd.s32 $0x2980, s13;
	s12 =	sadd.s32 $0x1, s12  }
0x259: {  	[tilespmem:s29], [sflag:$0x4] =	stream.indirect.gather [hbm4b:s5+s17], $0x10, s28, s17, $0xb8;
	[tilespmem:$0x1BF30] =	vst v63  }
.LBB2_11:
0x25a: {  	_ =	sfence.sel $0x180000  }
0x25b: {  	[bflag:$0x0] =	sbarrier.arrive $0xFFFF  }
0x25c: {  	_ =	strace $0x90000047  }
0x25d: {  	s0 =	stileid.u32;
	[bflag:$0x2] =	sbarrier.arrive $0xFFFF  }
0x25e: {  	p0 =	sne.s32 s0, $0x0;
	s0 =	rddreg [dreg:$0x2]  }
0x25f: {  	s0 =	sadd.s32 @!p0 $0x100000, s0  }
0x260: {  	[sflag:s0] =	ssyncadd.tile.s32 @!p0 $0x1;
	_ =	shalt  }
.Lfunc_end2:
_tile_overlayer_lowered:
.L_overlay_start_2:
0x261: {  	(tag) =	ssettag $0x2  }
0x262: {  	s0 =	rddreg [dreg:$0x0];
	s2 =	stileid.u32  }
0x263: {  	s1 =	rddreg [dreg:$0x1];
	p0 =	sne.s32 s2, $0x0  }
0x264: {  	s3 =	rddreg [dreg:$0x2];
	[bflag:$0x3] =	sbarrier.arrive $0xFFFF;
	s2 =	simm.s32 @!p0 $0x1C07  }
0x265: {  	[timem:s3], [sflag:s2] =	dma.local @!p0 [hbm:s0], s1  }
0x266: {  	s0 =	simm.s32 @!p0 $0x7  }
0x267: {  	_ =	swait.ge @!p0 [sflag:s0], s1  }
0x268: {  	s1 =	ssub.s32 @!p0 $0x0, s1;
	[sflag:s0] =	ssyncset.done @!p0 $0x0  }
0x269: {  	[sflag:s0] =	ssyncadd.s32 @!p0 s1  }
0x26a: {  	[bflag:$0x3] =	sbarrier.arrive $0xFFFF  }
0x26b: {  	_ =	shalt  }

</sc_bundles>
